<compile_context>
chip_gen: v7x
topology: tpu7x:2x2x1
jax: 0.10.2.dev20260603
libtpu: 0.0.44.dev20260713+nightly
codegen_flags: <defaults>
</compile_context>

<pallas_src>
import functools

import jax
import jax.numpy as jnp
from jax import lax
from jax.experimental import pallas as pl
from jax.experimental.pallas import tpu as pltpu
from jax.experimental.pallas import tpu_sc as plsc

VOCAB = 205
D = 16
CHUNK = 2048
NB = 2
NC, NS = 2, 16
NW = NC * NS
UNROLL = 4
SLOT = CHUNK * D


def _build(B):
    assert B % (NW * CHUNK) == 0
    per_w = B // NW
    nchunks = per_w // CHUNK
    assert nchunks % NB == 0
    nrounds = nchunks // NB
    assert nrounds >= 3
    half = (B // 128) * 1024

    mesh = plsc.VectorSubcoreMesh(core_axis_name="c", subcore_axis_name="s")

    @functools.partial(
        pl.kernel,
        out_type=jax.ShapeDtypeStruct((B * D,), jnp.float32),
        mesh=mesh,
        scratch_types=(
            [pltpu.VMEM((NB * CHUNK,), jnp.int32),
             pltpu.VMEM((NB * SLOT,), jnp.float32),
             pltpu.VMEM((VOCAB * D,), jnp.float32)]
            + [pltpu.SemaphoreType.DMA] * NB
            + [pltpu.SemaphoreType.DMA] * NB
        ),
        compiler_params=pltpu.CompilerParams(
            use_tc_tiling_on_sc=False, needs_layout_passes=False),
    )
    def k(x_hbm, table_hbm, out_hbm, idx_v, rows_v, tbl_v, *sems):
        sem_i = sems[:NB]
        sem_w = sems[NB:]
        wid = lax.axis_index("s") * NC + lax.axis_index("c")
        j0 = wid * per_w

        pltpu.sync_copy(table_hbm, tbl_v)

        lane = lax.iota(jnp.int32, 16)
        dvs = [(lane + kk) & 15 for kk in range(16)]
        svecs = [((dv >> 3) * (SLOT // 2) + (dv & 7) * 128 + lane) for dv in dvs]

        def idx_load(g, b):
            return pltpu.make_async_copy(
                x_hbm.at[pl.ds(j0 + g * CHUNK, CHUNK)],
                idx_v.at[pl.ds(b * CHUNK, CHUNK)], sem_i[b])

        def write(g, b, t):
            dst = t * half + (j0 + g * CHUNK) * 8
            return pltpu.make_async_copy(
                rows_v.at[pl.ds(b * SLOT + t * (SLOT // 2), SLOT // 2)],
                out_hbm.at[pl.ds(dst, SLOT // 2)], sem_w[b])

        def compute(b):
            @plsc.parallel_loop(0, CHUNK // 16, unroll=UNROLL)
            def body(p):
                iv = idx_v[pl.ds(b * CHUNK + p * 16, 16)] * D
                sbase = b * SLOT + (p >> 3) * 1024 + (p & 7) * 16
                for kk in range(16):
                    vals = plsc.load_gather(tbl_v, [iv + dvs[kk]])
                    plsc.store_scatter(rows_v, [svecs[kk] + sbase], vals)

        for b in range(NB):
            idx_load(b, b).start()

        for b in range(NB):
            idx_load(b, b).wait()
            compute(b)
            write(b, b, 0).start()
            write(b, b, 1).start()
            idx_load(b + NB, b).start()

        def round_body(r, _):
            for b in range(NB):
                g = r * NB + b
                idx_load(g, b).wait()
                write(g - NB, b, 0).wait()
                write(g - NB, b, 1).wait()
                compute(b)
                write(g, b, 0).start()
                write(g, b, 1).start()
                idx_load(g + NB, b).start()
            return 0

        lax.fori_loop(1, nrounds - 1, round_body, 0)

        r = nrounds - 1
        for b in range(NB):
            g = r * NB + b
            idx_load(g, b).wait()
            write(g - NB, b, 0).wait()
            write(g - NB, b, 1).wait()
            compute(b)
            write(g, b, 0).start()
            write(g, b, 1).start()
        for b in range(NB):
            write(r * NB + b, b, 0).wait()
            write(r * NB + b, b, 1).wait()

    return k


def kernel(x, embed_site):
    B = x.size
    flat = _build(B)(x.reshape(B).astype(jnp.int32), embed_site.reshape(-1))
    return flat.reshape(2, B // 128, 8, 128).transpose(1, 3, 0, 2).reshape(B, D)

# --- scband reference (transcript-rebuilt; emitter-appended) ---
"""Pipeline reference for scband-build-model-49881750176094 (READ-ONLY COPY).

The authoritative reference and input builder live on the scoring server;
editing this copy changes nothing except your own understanding.
"""

import jax, jax.numpy as jnp
import numpy as np

SITE_EMBED_DIM = 16
VOCAB = 205

def setup_inputs(seed: int = 0) -> dict:
    key = jax.random.key(seed)
    k1, k2 = jax.random.split(key)
    x = jax.random.randint(k1, (16384, 200), 0, VOCAB, dtype=jnp.int64)
    # nn.Embedding default init: N(0, 1)
    embed_site = jax.random.normal(k2, (VOCAB, SITE_EMBED_DIM), dtype=jnp.float32)
    return {"x": x, "embed_site": embed_site}

def reference(x, embed_site):
    out = jnp.take(embed_site, x, axis=0)
    out = out.reshape(-1, SITE_EMBED_DIM)
    return out

if __name__ == "__main__":
    import jax
    _d = setup_inputs()
    print(jax.jit(kernel)(*tuple(_d.values())))

</pallas_src>

<mosaic_0001>
#map = affine_map<(d0, d1) -> (0)>
module attributes {stable_mosaic.version = 14 : i64} {
  func.func @k(%arg0: i32, %arg1: i32, %arg2: memref<3276800xi32, #tpu.memory_space<hbm>>, %arg3: memref<3280xf32, #tpu.memory_space<hbm>>, %arg4: memref<52428800xf32, #tpu.memory_space<hbm>>, %arg5: memref<4096xi32, #tpu.memory_space<vmem>>, %arg6: memref<65536xf32, #tpu.memory_space<vmem>>, %arg7: memref<3280xf32, #tpu.memory_space<vmem>>, %arg8: memref<!tpu.dma_semaphore, #tpu.memory_space<semaphore_mem>>, %arg9: memref<!tpu.dma_semaphore, #tpu.memory_space<semaphore_mem>>, %arg10: memref<!tpu.dma_semaphore, #tpu.memory_space<semaphore_mem>>, %arg11: memref<!tpu.dma_semaphore, #tpu.memory_space<semaphore_mem>>) attributes {dimension_semantics = [#tpu.dimension_semantics<core_parallel>, #tpu.dimension_semantics<subcore_parallel>], iteration_bounds = array<i64: 2, 16>, scalar_prefetch = 0 : i64, scratch_operands = 7 : i64, tpu.core_type = #tpu.core_type<sc_vector_subcore>, window_params = [{transform_indices = #map}, {transform_indices = #map}, {transform_indices = #map}]} {
    %mul3A = arith.constant 2 : i32
    %mul3A_0 = arith.muli %arg1, %mul3A : i32
    %add3A = arith.addi %mul3A_0, %arg0 : i32
    %mul3A_1 = arith.constant 102400 : i32
    %mul3A_2 = arith.muli %add3A, %mul3A_1 : i32
    "tpu.region"() ({
      %run_scoped3A = tpu.sem_alloc : memref<!tpu.dma_semaphore, #tpu.memory_space<semaphore_mem>>
      tpu.enqueue_dma source(%arg3 : memref<3280xf32, #tpu.memory_space<hbm>>) target(%arg7 : memref<3280xf32, #tpu.memory_space<vmem>>) target_semaphore(%run_scoped3A : memref<!tpu.dma_semaphore, #tpu.memory_space<semaphore_mem>>)
      tpu.wait_dma2 semaphore(%run_scoped3A : memref<!tpu.dma_semaphore, #tpu.memory_space<semaphore_mem>>) src(%arg3 : memref<3280xf32, #tpu.memory_space<hbm>>) dst(%arg7 : memref<3280xf32, #tpu.memory_space<vmem>>)
      tpu.yield
    }) : () -> ()
    %iota3A = tpu.iota {dimensions = array<i32: 0>} : vector<16xi32>
    %add3A_3 = arith.constant 0 : i32
    %add3A_4 = vector.broadcast %add3A_3 : i32 to vector<16xi32>
    %add3A_5 = arith.addi %iota3A, %add3A_4 : vector<16xi32>
    %and3A = arith.constant 15 : i32
    %and3A_6 = vector.broadcast %and3A : i32 to vector<16xi32>
    %and3A_7 = arith.andi %add3A_5, %and3A_6 : vector<16xi32>
    %add3A_8 = arith.constant 1 : i32
    %add3A_9 = vector.broadcast %add3A_8 : i32 to vector<16xi32>
    %add3A_10 = arith.addi %iota3A, %add3A_9 : vector<16xi32>
    %and3A_11 = arith.constant 15 : i32
    %and3A_12 = vector.broadcast %and3A_11 : i32 to vector<16xi32>
    %and3A_13 = arith.andi %add3A_10, %and3A_12 : vector<16xi32>
    %add3A_14 = arith.constant 2 : i32
    %add3A_15 = vector.broadcast %add3A_14 : i32 to vector<16xi32>
    %add3A_16 = arith.addi %iota3A, %add3A_15 : vector<16xi32>
    %and3A_17 = arith.constant 15 : i32
    %and3A_18 = vector.broadcast %and3A_17 : i32 to vector<16xi32>
    %and3A_19 = arith.andi %add3A_16, %and3A_18 : vector<16xi32>
    %add3A_20 = arith.constant 3 : i32
    %add3A_21 = vector.broadcast %add3A_20 : i32 to vector<16xi32>
    %add3A_22 = arith.addi %iota3A, %add3A_21 : vector<16xi32>
    %and3A_23 = arith.constant 15 : i32
    %and3A_24 = vector.broadcast %and3A_23 : i32 to vector<16xi32>
    %and3A_25 = arith.andi %add3A_22, %and3A_24 : vector<16xi32>
    %add3A_26 = arith.constant 4 : i32
    %add3A_27 = vector.broadcast %add3A_26 : i32 to vector<16xi32>
    %add3A_28 = arith.addi %iota3A, %add3A_27 : vector<16xi32>
    %and3A_29 = arith.constant 15 : i32
    %and3A_30 = vector.broadcast %and3A_29 : i32 to vector<16xi32>
    %and3A_31 = arith.andi %add3A_28, %and3A_30 : vector<16xi32>
    %add3A_32 = arith.constant 5 : i32
    %add3A_33 = vector.broadcast %add3A_32 : i32 to vector<16xi32>
    %add3A_34 = arith.addi %iota3A, %add3A_33 : vector<16xi32>
    %and3A_35 = arith.constant 15 : i32
    %and3A_36 = vector.broadcast %and3A_35 : i32 to vector<16xi32>
    %and3A_37 = arith.andi %add3A_34, %and3A_36 : vector<16xi32>
    %add3A_38 = arith.constant 6 : i32
    %add3A_39 = vector.broadcast %add3A_38 : i32 to vector<16xi32>
    %add3A_40 = arith.addi %iota3A, %add3A_39 : vector<16xi32>
    %and3A_41 = arith.constant 15 : i32
    %and3A_42 = vector.broadcast %and3A_41 : i32 to vector<16xi32>
    %and3A_43 = arith.andi %add3A_40, %and3A_42 : vector<16xi32>
    %add3A_44 = arith.constant 7 : i32
    %add3A_45 = vector.broadcast %add3A_44 : i32 to vector<16xi32>
    %add3A_46 = arith.addi %iota3A, %add3A_45 : vector<16xi32>
    %and3A_47 = arith.constant 15 : i32
    %and3A_48 = vector.broadcast %and3A_47 : i32 to vector<16xi32>
    %and3A_49 = arith.andi %add3A_46, %and3A_48 : vector<16xi32>
    %add3A_50 = arith.constant 8 : i32
    %add3A_51 = vector.broadcast %add3A_50 : i32 to vector<16xi32>
    %add3A_52 = arith.addi %iota3A, %add3A_51 : vector<16xi32>
    %and3A_53 = arith.constant 15 : i32
    %and3A_54 = vector.broadcast %and3A_53 : i32 to vector<16xi32>
    %and3A_55 = arith.andi %add3A_52, %and3A_54 : vector<16xi32>
    %add3A_56 = arith.constant 9 : i32
    %add3A_57 = vector.broadcast %add3A_56 : i32 to vector<16xi32>
    %add3A_58 = arith.addi %iota3A, %add3A_57 : vector<16xi32>
    %and3A_59 = arith.constant 15 : i32
    %and3A_60 = vector.broadcast %and3A_59 : i32 to vector<16xi32>
    %and3A_61 = arith.andi %add3A_58, %and3A_60 : vector<16xi32>
    %add3A_62 = arith.constant 10 : i32
    %add3A_63 = vector.broadcast %add3A_62 : i32 to vector<16xi32>
    %add3A_64 = arith.addi %iota3A, %add3A_63 : vector<16xi32>
    %and3A_65 = arith.constant 15 : i32
    %and3A_66 = vector.broadcast %and3A_65 : i32 to vector<16xi32>
    %and3A_67 = arith.andi %add3A_64, %and3A_66 : vector<16xi32>
    %add3A_68 = arith.constant 11 : i32
    %add3A_69 = vector.broadcast %add3A_68 : i32 to vector<16xi32>
    %add3A_70 = arith.addi %iota3A, %add3A_69 : vector<16xi32>
    %and3A_71 = arith.constant 15 : i32
    %and3A_72 = vector.broadcast %and3A_71 : i32 to vector<16xi32>
    %and3A_73 = arith.andi %add3A_70, %and3A_72 : vector<16xi32>
    %add3A_74 = arith.constant 12 : i32
    %add3A_75 = vector.broadcast %add3A_74 : i32 to vector<16xi32>
    %add3A_76 = arith.addi %iota3A, %add3A_75 : vector<16xi32>
    %and3A_77 = arith.constant 15 : i32
    %and3A_78 = vector.broadcast %and3A_77 : i32 to vector<16xi32>
    %and3A_79 = arith.andi %add3A_76, %and3A_78 : vector<16xi32>
    %add3A_80 = arith.constant 13 : i32
    %add3A_81 = vector.broadcast %add3A_80 : i32 to vector<16xi32>
    %add3A_82 = arith.addi %iota3A, %add3A_81 : vector<16xi32>
    %and3A_83 = arith.constant 15 : i32
    %and3A_84 = vector.broadcast %and3A_83 : i32 to vector<16xi32>
    %and3A_85 = arith.andi %add3A_82, %and3A_84 : vector<16xi32>
    %add3A_86 = arith.constant 14 : i32
    %add3A_87 = vector.broadcast %add3A_86 : i32 to vector<16xi32>
    %add3A_88 = arith.addi %iota3A, %add3A_87 : vector<16xi32>
    %and3A_89 = arith.constant 15 : i32
    %and3A_90 = vector.broadcast %and3A_89 : i32 to vector<16xi32>
    %and3A_91 = arith.andi %add3A_88, %and3A_90 : vector<16xi32>
    %add3A_92 = arith.constant 15 : i32
    %add3A_93 = vector.broadcast %add3A_92 : i32 to vector<16xi32>
    %add3A_94 = arith.addi %iota3A, %add3A_93 : vector<16xi32>
    %and3A_95 = arith.constant 15 : i32
    %and3A_96 = vector.broadcast %and3A_95 : i32 to vector<16xi32>
    %and3A_97 = arith.andi %add3A_94, %and3A_96 : vector<16xi32>
    %shift_right_arithmetic3A = arith.constant 3 : i32
    %shift_right_arithmetic3A_98 = vector.broadcast %shift_right_arithmetic3A : i32 to vector<16xi32>
    %shift_right_arithmetic3A_99 = arith.shrsi %and3A_7, %shift_right_arithmetic3A_98 : vector<16xi32>
    %mul3A_100 = arith.constant 16384 : i32
    %mul3A_101 = vector.broadcast %mul3A_100 : i32 to vector<16xi32>
    %mul3A_102 = arith.muli %shift_right_arithmetic3A_99, %mul3A_101 : vector<16xi32>
    %and3A_103 = arith.constant 7 : i32
    %and3A_104 = vector.broadcast %and3A_103 : i32 to vector<16xi32>
    %and3A_105 = arith.andi %and3A_7, %and3A_104 : vector<16xi32>
    %mul3A_106 = arith.constant 128 : i32
    %mul3A_107 = vector.broadcast %mul3A_106 : i32 to vector<16xi32>
    %mul3A_108 = arith.muli %and3A_105, %mul3A_107 : vector<16xi32>
    %add3A_109 = arith.addi %mul3A_102, %mul3A_108 : vector<16xi32>
    %add3A_110 = arith.addi %add3A_109, %iota3A : vector<16xi32>
    %shift_right_arithmetic3A_111 = arith.constant 3 : i32
    %shift_right_arithmetic3A_112 = vector.broadcast %shift_right_arithmetic3A_111 : i32 to vector<16xi32>
    %shift_right_arithmetic3A_113 = arith.shrsi %and3A_13, %shift_right_arithmetic3A_112 : vector<16xi32>
    %mul3A_114 = arith.constant 16384 : i32
    %mul3A_115 = vector.broadcast %mul3A_114 : i32 to vector<16xi32>
    %mul3A_116 = arith.muli %shift_right_arithmetic3A_113, %mul3A_115 : vector<16xi32>
    %and3A_117 = arith.constant 7 : i32
    %and3A_118 = vector.broadcast %and3A_117 : i32 to vector<16xi32>
    %and3A_119 = arith.andi %and3A_13, %and3A_118 : vector<16xi32>
    %mul3A_120 = arith.constant 128 : i32
    %mul3A_121 = vector.broadcast %mul3A_120 : i32 to vector<16xi32>
    %mul3A_122 = arith.muli %and3A_119, %mul3A_121 : vector<16xi32>
    %add3A_123 = arith.addi %mul3A_116, %mul3A_122 : vector<16xi32>
    %add3A_124 = arith.addi %add3A_123, %iota3A : vector<16xi32>
    %shift_right_arithmetic3A_125 = arith.constant 3 : i32
    %shift_right_arithmetic3A_126 = vector.broadcast %shift_right_arithmetic3A_125 : i32 to vector<16xi32>
    %shift_right_arithmetic3A_127 = arith.shrsi %and3A_19, %shift_right_arithmetic3A_126 : vector<16xi32>
    %mul3A_128 = arith.constant 16384 : i32
    %mul3A_129 = vector.broadcast %mul3A_128 : i32 to vector<16xi32>
    %mul3A_130 = arith.muli %shift_right_arithmetic3A_127, %mul3A_129 : vector<16xi32>
    %and3A_131 = arith.constant 7 : i32
    %and3A_132 = vector.broadcast %and3A_131 : i32 to vector<16xi32>
    %and3A_133 = arith.andi %and3A_19, %and3A_132 : vector<16xi32>
    %mul3A_134 = arith.constant 128 : i32
    %mul3A_135 = vector.broadcast %mul3A_134 : i32 to vector<16xi32>
    %mul3A_136 = arith.muli %and3A_133, %mul3A_135 : vector<16xi32>
    %add3A_137 = arith.addi %mul3A_130, %mul3A_136 : vector<16xi32>
    %add3A_138 = arith.addi %add3A_137, %iota3A : vector<16xi32>
    %shift_right_arithmetic3A_139 = arith.constant 3 : i32
    %shift_right_arithmetic3A_140 = vector.broadcast %shift_right_arithmetic3A_139 : i32 to vector<16xi32>
    %shift_right_arithmetic3A_141 = arith.shrsi %and3A_25, %shift_right_arithmetic3A_140 : vector<16xi32>
    %mul3A_142 = arith.constant 16384 : i32
    %mul3A_143 = vector.broadcast %mul3A_142 : i32 to vector<16xi32>
    %mul3A_144 = arith.muli %shift_right_arithmetic3A_141, %mul3A_143 : vector<16xi32>
    %and3A_145 = arith.constant 7 : i32
    %and3A_146 = vector.broadcast %and3A_145 : i32 to vector<16xi32>
    %and3A_147 = arith.andi %and3A_25, %and3A_146 : vector<16xi32>
    %mul3A_148 = arith.constant 128 : i32
    %mul3A_149 = vector.broadcast %mul3A_148 : i32 to vector<16xi32>
    %mul3A_150 = arith.muli %and3A_147, %mul3A_149 : vector<16xi32>
    %add3A_151 = arith.addi %mul3A_144, %mul3A_150 : vector<16xi32>
    %add3A_152 = arith.addi %add3A_151, %iota3A : vector<16xi32>
    %shift_right_arithmetic3A_153 = arith.constant 3 : i32
    %shift_right_arithmetic3A_154 = vector.broadcast %shift_right_arithmetic3A_153 : i32 to vector<16xi32>
    %shift_right_arithmetic3A_155 = arith.shrsi %and3A_31, %shift_right_arithmetic3A_154 : vector<16xi32>
    %mul3A_156 = arith.constant 16384 : i32
    %mul3A_157 = vector.broadcast %mul3A_156 : i32 to vector<16xi32>
    %mul3A_158 = arith.muli %shift_right_arithmetic3A_155, %mul3A_157 : vector<16xi32>
    %and3A_159 = arith.constant 7 : i32
    %and3A_160 = vector.broadcast %and3A_159 : i32 to vector<16xi32>
    %and3A_161 = arith.andi %and3A_31, %and3A_160 : vector<16xi32>
    %mul3A_162 = arith.constant 128 : i32
    %mul3A_163 = vector.broadcast %mul3A_162 : i32 to vector<16xi32>
    %mul3A_164 = arith.muli %and3A_161, %mul3A_163 : vector<16xi32>
    %add3A_165 = arith.addi %mul3A_158, %mul3A_164 : vector<16xi32>
    %add3A_166 = arith.addi %add3A_165, %iota3A : vector<16xi32>
    %shift_right_arithmetic3A_167 = arith.constant 3 : i32
    %shift_right_arithmetic3A_168 = vector.broadcast %shift_right_arithmetic3A_167 : i32 to vector<16xi32>
    %shift_right_arithmetic3A_169 = arith.shrsi %and3A_37, %shift_right_arithmetic3A_168 : vector<16xi32>
    %mul3A_170 = arith.constant 16384 : i32
    %mul3A_171 = vector.broadcast %mul3A_170 : i32 to vector<16xi32>
    %mul3A_172 = arith.muli %shift_right_arithmetic3A_169, %mul3A_171 : vector<16xi32>
    %and3A_173 = arith.constant 7 : i32
    %and3A_174 = vector.broadcast %and3A_173 : i32 to vector<16xi32>
    %and3A_175 = arith.andi %and3A_37, %and3A_174 : vector<16xi32>
    %mul3A_176 = arith.constant 128 : i32
    %mul3A_177 = vector.broadcast %mul3A_176 : i32 to vector<16xi32>
    %mul3A_178 = arith.muli %and3A_175, %mul3A_177 : vector<16xi32>
    %add3A_179 = arith.addi %mul3A_172, %mul3A_178 : vector<16xi32>
    %add3A_180 = arith.addi %add3A_179, %iota3A : vector<16xi32>
    %shift_right_arithmetic3A_181 = arith.constant 3 : i32
    %shift_right_arithmetic3A_182 = vector.broadcast %shift_right_arithmetic3A_181 : i32 to vector<16xi32>
    %shift_right_arithmetic3A_183 = arith.shrsi %and3A_43, %shift_right_arithmetic3A_182 : vector<16xi32>
    %mul3A_184 = arith.constant 16384 : i32
    %mul3A_185 = vector.broadcast %mul3A_184 : i32 to vector<16xi32>
    %mul3A_186 = arith.muli %shift_right_arithmetic3A_183, %mul3A_185 : vector<16xi32>
    %and3A_187 = arith.constant 7 : i32
    %and3A_188 = vector.broadcast %and3A_187 : i32 to vector<16xi32>
    %and3A_189 = arith.andi %and3A_43, %and3A_188 : vector<16xi32>
    %mul3A_190 = arith.constant 128 : i32
    %mul3A_191 = vector.broadcast %mul3A_190 : i32 to vector<16xi32>
    %mul3A_192 = arith.muli %and3A_189, %mul3A_191 : vector<16xi32>
    %add3A_193 = arith.addi %mul3A_186, %mul3A_192 : vector<16xi32>
    %add3A_194 = arith.addi %add3A_193, %iota3A : vector<16xi32>
    %shift_right_arithmetic3A_195 = arith.constant 3 : i32
    %shift_right_arithmetic3A_196 = vector.broadcast %shift_right_arithmetic3A_195 : i32 to vector<16xi32>
    %shift_right_arithmetic3A_197 = arith.shrsi %and3A_49, %shift_right_arithmetic3A_196 : vector<16xi32>
    %mul3A_198 = arith.constant 16384 : i32
    %mul3A_199 = vector.broadcast %mul3A_198 : i32 to vector<16xi32>
    %mul3A_200 = arith.muli %shift_right_arithmetic3A_197, %mul3A_199 : vector<16xi32>
    %and3A_201 = arith.constant 7 : i32
    %and3A_202 = vector.broadcast %and3A_201 : i32 to vector<16xi32>
    %and3A_203 = arith.andi %and3A_49, %and3A_202 : vector<16xi32>
    %mul3A_204 = arith.constant 128 : i32
    %mul3A_205 = vector.broadcast %mul3A_204 : i32 to vector<16xi32>
    %mul3A_206 = arith.muli %and3A_203, %mul3A_205 : vector<16xi32>
    %add3A_207 = arith.addi %mul3A_200, %mul3A_206 : vector<16xi32>
    %add3A_208 = arith.addi %add3A_207, %iota3A : vector<16xi32>
    %shift_right_arithmetic3A_209 = arith.constant 3 : i32
    %shift_right_arithmetic3A_210 = vector.broadcast %shift_right_arithmetic3A_209 : i32 to vector<16xi32>
    %shift_right_arithmetic3A_211 = arith.shrsi %and3A_55, %shift_right_arithmetic3A_210 : vector<16xi32>
    %mul3A_212 = arith.constant 16384 : i32
    %mul3A_213 = vector.broadcast %mul3A_212 : i32 to vector<16xi32>
    %mul3A_214 = arith.muli %shift_right_arithmetic3A_211, %mul3A_213 : vector<16xi32>
    %and3A_215 = arith.constant 7 : i32
    %and3A_216 = vector.broadcast %and3A_215 : i32 to vector<16xi32>
    %and3A_217 = arith.andi %and3A_55, %and3A_216 : vector<16xi32>
    %mul3A_218 = arith.constant 128 : i32
    %mul3A_219 = vector.broadcast %mul3A_218 : i32 to vector<16xi32>
    %mul3A_220 = arith.muli %and3A_217, %mul3A_219 : vector<16xi32>
    %add3A_221 = arith.addi %mul3A_214, %mul3A_220 : vector<16xi32>
    %add3A_222 = arith.addi %add3A_221, %iota3A : vector<16xi32>
    %shift_right_arithmetic3A_223 = arith.constant 3 : i32
    %shift_right_arithmetic3A_224 = vector.broadcast %shift_right_arithmetic3A_223 : i32 to vector<16xi32>
    %shift_right_arithmetic3A_225 = arith.shrsi %and3A_61, %shift_right_arithmetic3A_224 : vector<16xi32>
    %mul3A_226 = arith.constant 16384 : i32
    %mul3A_227 = vector.broadcast %mul3A_226 : i32 to vector<16xi32>
    %mul3A_228 = arith.muli %shift_right_arithmetic3A_225, %mul3A_227 : vector<16xi32>
    %and3A_229 = arith.constant 7 : i32
    %and3A_230 = vector.broadcast %and3A_229 : i32 to vector<16xi32>
    %and3A_231 = arith.andi %and3A_61, %and3A_230 : vector<16xi32>
    %mul3A_232 = arith.constant 128 : i32
    %mul3A_233 = vector.broadcast %mul3A_232 : i32 to vector<16xi32>
    %mul3A_234 = arith.muli %and3A_231, %mul3A_233 : vector<16xi32>
    %add3A_235 = arith.addi %mul3A_228, %mul3A_234 : vector<16xi32>
    %add3A_236 = arith.addi %add3A_235, %iota3A : vector<16xi32>
    %shift_right_arithmetic3A_237 = arith.constant 3 : i32
    %shift_right_arithmetic3A_238 = vector.broadcast %shift_right_arithmetic3A_237 : i32 to vector<16xi32>
    %shift_right_arithmetic3A_239 = arith.shrsi %and3A_67, %shift_right_arithmetic3A_238 : vector<16xi32>
    %mul3A_240 = arith.constant 16384 : i32
    %mul3A_241 = vector.broadcast %mul3A_240 : i32 to vector<16xi32>
    %mul3A_242 = arith.muli %shift_right_arithmetic3A_239, %mul3A_241 : vector<16xi32>
    %and3A_243 = arith.constant 7 : i32
    %and3A_244 = vector.broadcast %and3A_243 : i32 to vector<16xi32>
    %and3A_245 = arith.andi %and3A_67, %and3A_244 : vector<16xi32>
    %mul3A_246 = arith.constant 128 : i32
    %mul3A_247 = vector.broadcast %mul3A_246 : i32 to vector<16xi32>
    %mul3A_248 = arith.muli %and3A_245, %mul3A_247 : vector<16xi32>
    %add3A_249 = arith.addi %mul3A_242, %mul3A_248 : vector<16xi32>
    %add3A_250 = arith.addi %add3A_249, %iota3A : vector<16xi32>
    %shift_right_arithmetic3A_251 = arith.constant 3 : i32
    %shift_right_arithmetic3A_252 = vector.broadcast %shift_right_arithmetic3A_251 : i32 to vector<16xi32>
    %shift_right_arithmetic3A_253 = arith.shrsi %and3A_73, %shift_right_arithmetic3A_252 : vector<16xi32>
    %mul3A_254 = arith.constant 16384 : i32
    %mul3A_255 = vector.broadcast %mul3A_254 : i32 to vector<16xi32>
    %mul3A_256 = arith.muli %shift_right_arithmetic3A_253, %mul3A_255 : vector<16xi32>
    %and3A_257 = arith.constant 7 : i32
    %and3A_258 = vector.broadcast %and3A_257 : i32 to vector<16xi32>
    %and3A_259 = arith.andi %and3A_73, %and3A_258 : vector<16xi32>
    %mul3A_260 = arith.constant 128 : i32
    %mul3A_261 = vector.broadcast %mul3A_260 : i32 to vector<16xi32>
    %mul3A_262 = arith.muli %and3A_259, %mul3A_261 : vector<16xi32>
    %add3A_263 = arith.addi %mul3A_256, %mul3A_262 : vector<16xi32>
    %add3A_264 = arith.addi %add3A_263, %iota3A : vector<16xi32>
    %shift_right_arithmetic3A_265 = arith.constant 3 : i32
    %shift_right_arithmetic3A_266 = vector.broadcast %shift_right_arithmetic3A_265 : i32 to vector<16xi32>
    %shift_right_arithmetic3A_267 = arith.shrsi %and3A_79, %shift_right_arithmetic3A_266 : vector<16xi32>
    %mul3A_268 = arith.constant 16384 : i32
    %mul3A_269 = vector.broadcast %mul3A_268 : i32 to vector<16xi32>
    %mul3A_270 = arith.muli %shift_right_arithmetic3A_267, %mul3A_269 : vector<16xi32>
    %and3A_271 = arith.constant 7 : i32
    %and3A_272 = vector.broadcast %and3A_271 : i32 to vector<16xi32>
    %and3A_273 = arith.andi %and3A_79, %and3A_272 : vector<16xi32>
    %mul3A_274 = arith.constant 128 : i32
    %mul3A_275 = vector.broadcast %mul3A_274 : i32 to vector<16xi32>
    %mul3A_276 = arith.muli %and3A_273, %mul3A_275 : vector<16xi32>
    %add3A_277 = arith.addi %mul3A_270, %mul3A_276 : vector<16xi32>
    %add3A_278 = arith.addi %add3A_277, %iota3A : vector<16xi32>
    %shift_right_arithmetic3A_279 = arith.constant 3 : i32
    %shift_right_arithmetic3A_280 = vector.broadcast %shift_right_arithmetic3A_279 : i32 to vector<16xi32>
    %shift_right_arithmetic3A_281 = arith.shrsi %and3A_85, %shift_right_arithmetic3A_280 : vector<16xi32>
    %mul3A_282 = arith.constant 16384 : i32
    %mul3A_283 = vector.broadcast %mul3A_282 : i32 to vector<16xi32>
    %mul3A_284 = arith.muli %shift_right_arithmetic3A_281, %mul3A_283 : vector<16xi32>
    %and3A_285 = arith.constant 7 : i32
    %and3A_286 = vector.broadcast %and3A_285 : i32 to vector<16xi32>
    %and3A_287 = arith.andi %and3A_85, %and3A_286 : vector<16xi32>
    %mul3A_288 = arith.constant 128 : i32
    %mul3A_289 = vector.broadcast %mul3A_288 : i32 to vector<16xi32>
    %mul3A_290 = arith.muli %and3A_287, %mul3A_289 : vector<16xi32>
    %add3A_291 = arith.addi %mul3A_284, %mul3A_290 : vector<16xi32>
    %add3A_292 = arith.addi %add3A_291, %iota3A : vector<16xi32>
    %shift_right_arithmetic3A_293 = arith.constant 3 : i32
    %shift_right_arithmetic3A_294 = vector.broadcast %shift_right_arithmetic3A_293 : i32 to vector<16xi32>
    %shift_right_arithmetic3A_295 = arith.shrsi %and3A_91, %shift_right_arithmetic3A_294 : vector<16xi32>
    %mul3A_296 = arith.constant 16384 : i32
    %mul3A_297 = vector.broadcast %mul3A_296 : i32 to vector<16xi32>
    %mul3A_298 = arith.muli %shift_right_arithmetic3A_295, %mul3A_297 : vector<16xi32>
    %and3A_299 = arith.constant 7 : i32
    %and3A_300 = vector.broadcast %and3A_299 : i32 to vector<16xi32>
    %and3A_301 = arith.andi %and3A_91, %and3A_300 : vector<16xi32>
    %mul3A_302 = arith.constant 128 : i32
    %mul3A_303 = vector.broadcast %mul3A_302 : i32 to vector<16xi32>
    %mul3A_304 = arith.muli %and3A_301, %mul3A_303 : vector<16xi32>
    %add3A_305 = arith.addi %mul3A_298, %mul3A_304 : vector<16xi32>
    %add3A_306 = arith.addi %add3A_305, %iota3A : vector<16xi32>
    %shift_right_arithmetic3A_307 = arith.constant 3 : i32
    %shift_right_arithmetic3A_308 = vector.broadcast %shift_right_arithmetic3A_307 : i32 to vector<16xi32>
    %shift_right_arithmetic3A_309 = arith.shrsi %and3A_97, %shift_right_arithmetic3A_308 : vector<16xi32>
    %mul3A_310 = arith.constant 16384 : i32
    %mul3A_311 = vector.broadcast %mul3A_310 : i32 to vector<16xi32>
    %mul3A_312 = arith.muli %shift_right_arithmetic3A_309, %mul3A_311 : vector<16xi32>
    %and3A_313 = arith.constant 7 : i32
    %and3A_314 = vector.broadcast %and3A_313 : i32 to vector<16xi32>
    %and3A_315 = arith.andi %and3A_97, %and3A_314 : vector<16xi32>
    %mul3A_316 = arith.constant 128 : i32
    %mul3A_317 = vector.broadcast %mul3A_316 : i32 to vector<16xi32>
    %mul3A_318 = arith.muli %and3A_315, %mul3A_317 : vector<16xi32>
    %add3A_319 = arith.addi %mul3A_312, %mul3A_318 : vector<16xi32>
    %add3A_320 = arith.addi %add3A_319, %iota3A : vector<16xi32>
    %add3A_321 = arith.constant 0 : i32
    %add3A_322 = arith.addi %mul3A_2, %add3A_321 : i32
    %dma_start3A = arith.constant 0 : i32
    %dma_start3A_323 = tpu.memref_slice %arg5[%dma_start3A] : memref<4096xi32, #tpu.memory_space<vmem>> -> memref<2048xi32, #tpu.memory_space<vmem>>
    %dma_start3A_324 = tpu.memref_slice %arg2[%add3A_322] : memref<3276800xi32, #tpu.memory_space<hbm>> -> memref<2048xi32, #tpu.memory_space<hbm>>
    %dma_start3A_325 = arith.constant 0 : i32
    %dma_start3A_326 = tpu.memref_slice %arg5[%dma_start3A_325] : memref<4096xi32, #tpu.memory_space<vmem>> -> memref<2048xi32, #tpu.memory_space<vmem>>
    %dma_start3A_327 = tpu.memref_slice %arg2[%add3A_322] : memref<3276800xi32, #tpu.memory_space<hbm>> -> memref<2048xi32, #tpu.memory_space<hbm>>
    tpu.enqueue_dma source(%dma_start3A_327 : memref<2048xi32, #tpu.memory_space<hbm>>) target(%dma_start3A_326 : memref<2048xi32, #tpu.memory_space<vmem>>) target_semaphore(%arg8 : memref<!tpu.dma_semaphore, #tpu.memory_space<semaphore_mem>>)
    %add3A_328 = arith.constant 2048 : i32
    %add3A_329 = arith.addi %mul3A_2, %add3A_328 : i32
    %dma_start3A_330 = arith.constant 2048 : i32
    %dma_start3A_331 = tpu.memref_slice %arg5[%dma_start3A_330] : memref<4096xi32, #tpu.memory_space<vmem>> -> memref<2048xi32, #tpu.memory_space<vmem>>
    %dma_start3A_332 = tpu.memref_slice %arg2[%add3A_329] : memref<3276800xi32, #tpu.memory_space<hbm>> -> memref<2048xi32, #tpu.memory_space<hbm>>
    %dma_start3A_333 = arith.constant 2048 : i32
    %dma_start3A_334 = tpu.memref_slice %arg5[%dma_start3A_333] : memref<4096xi32, #tpu.memory_space<vmem>> -> memref<2048xi32, #tpu.memory_space<vmem>>
    %dma_start3A_335 = tpu.memref_slice %arg2[%add3A_329] : memref<3276800xi32, #tpu.memory_space<hbm>> -> memref<2048xi32, #tpu.memory_space<hbm>>
    tpu.enqueue_dma source(%dma_start3A_335 : memref<2048xi32, #tpu.memory_space<hbm>>) target(%dma_start3A_334 : memref<2048xi32, #tpu.memory_space<vmem>>) target_semaphore(%arg9 : memref<!tpu.dma_semaphore, #tpu.memory_space<semaphore_mem>>)
    %add3A_336 = arith.constant 0 : i32
    %add3A_337 = arith.addi %mul3A_2, %add3A_336 : i32
    %dma_wait3A = arith.constant 0 : i32
    %dma_wait3A_338 = tpu.memref_slice %arg5[%dma_wait3A] : memref<4096xi32, #tpu.memory_space<vmem>> -> memref<2048xi32, #tpu.memory_space<vmem>>
    %dma_wait3A_339 = tpu.memref_slice %arg2[%add3A_337] : memref<3276800xi32, #tpu.memory_space<hbm>> -> memref<2048xi32, #tpu.memory_space<hbm>>
    %dma_wait3A_340 = arith.constant 0 : i32
    %dma_wait3A_341 = tpu.memref_slice %arg5[%dma_wait3A_340] : memref<4096xi32, #tpu.memory_space<vmem>> -> memref<2048xi32, #tpu.memory_space<vmem>>
    %dma_wait3A_342 = tpu.memref_slice %arg2[%add3A_337] : memref<3276800xi32, #tpu.memory_space<hbm>> -> memref<2048xi32, #tpu.memory_space<hbm>>
    tpu.wait_dma2 semaphore(%arg8 : memref<!tpu.dma_semaphore, #tpu.memory_space<semaphore_mem>>) src(%dma_wait3A_342 : memref<2048xi32, #tpu.memory_space<hbm>>) dst(%dma_wait3A_341 : memref<2048xi32, #tpu.memory_space<vmem>>)
    %parallel_loop3A = arith.constant 0 : i32
    %parallel_loop3A_343 = arith.constant 128 : i32
    %parallel_loop3A_344 = arith.constant 1 : i32
    scf.for %parallel_loop3A_592 = %parallel_loop3A to %parallel_loop3A_343 step %parallel_loop3A_344  : i32 {
      %parallel_loop3A_593 = arith.constant 16 : i32
      %parallel_loop3A_594 = arith.muli %parallel_loop3A_592, %parallel_loop3A_593 : i32
      %parallel_loop3A_595 = arith.constant 0 : i32
      %parallel_loop3A_596 = arith.addi %parallel_loop3A_595, %parallel_loop3A_594 : i32
      %parallel_loop3A_597 = arith.index_cast %parallel_loop3A_596 : i32 to index
      %parallel_loop3A_598 = tpu.vector_load %arg5[%parallel_loop3A_597] {strides = array<i32>} : memref<4096xi32, #tpu.memory_space<vmem>>, vector<16xi32>,
      %parallel_loop3A_599 = arith.constant 16 : i32
      %parallel_loop3A_600 = vector.broadcast %parallel_loop3A_599 : i32 to vector<16xi32>
      %parallel_loop3A_601 = arith.muli %parallel_loop3A_598, %parallel_loop3A_600 : vector<16xi32>
      %parallel_loop3A_602 = arith.constant 3 : i32
      %parallel_loop3A_603 = arith.shrsi %parallel_loop3A_592, %parallel_loop3A_602 : i32
      %parallel_loop3A_604 = arith.constant 1024 : i32
      %parallel_loop3A_605 = arith.muli %parallel_loop3A_603, %parallel_loop3A_604 : i32
      %parallel_loop3A_606 = arith.constant 0 : i32
      %parallel_loop3A_607 = arith.addi %parallel_loop3A_606, %parallel_loop3A_605 : i32
      %parallel_loop3A_608 = arith.constant 7 : i32
      %parallel_loop3A_609 = arith.andi %parallel_loop3A_592, %parallel_loop3A_608 : i32
      %parallel_loop3A_610 = arith.constant 16 : i32
      %parallel_loop3A_611 = arith.muli %parallel_loop3A_609, %parallel_loop3A_610 : i32
      %parallel_loop3A_612 = arith.addi %parallel_loop3A_607, %parallel_loop3A_611 : i32
      %parallel_loop3A_613 = arith.addi %parallel_loop3A_601, %and3A_7 : vector<16xi32>
      %parallel_loop3A_614 = tpu.vector_load_idx %arg7[%parallel_loop3A_613] : memref<3280xf32, #tpu.memory_space<vmem>>[vector<16xi32>], vector<16xf32>,
      %parallel_loop3A_615 = vector.broadcast %parallel_loop3A_612 : i32 to vector<16xi32>
      %parallel_loop3A_616 = arith.addi %add3A_110, %parallel_loop3A_615 : vector<16xi32>
      tpu.vector_store_idx %arg6[%parallel_loop3A_616], %parallel_loop3A_614 : memref<65536xf32, #tpu.memory_space<vmem>>[vector<16xi32>], vector<16xf32>,
      %parallel_loop3A_617 = arith.addi %parallel_loop3A_601, %and3A_13 : vector<16xi32>
      %parallel_loop3A_618 = tpu.vector_load_idx %arg7[%parallel_loop3A_617] : memref<3280xf32, #tpu.memory_space<vmem>>[vector<16xi32>], vector<16xf32>,
      %parallel_loop3A_619 = vector.broadcast %parallel_loop3A_612 : i32 to vector<16xi32>
      %parallel_loop3A_620 = arith.addi %add3A_124, %parallel_loop3A_619 : vector<16xi32>
      tpu.vector_store_idx %arg6[%parallel_loop3A_620], %parallel_loop3A_618 : memref<65536xf32, #tpu.memory_space<vmem>>[vector<16xi32>], vector<16xf32>,
      %parallel_loop3A_621 = arith.addi %parallel_loop3A_601, %and3A_19 : vector<16xi32>
      %parallel_loop3A_622 = tpu.vector_load_idx %arg7[%parallel_loop3A_621] : memref<3280xf32, #tpu.memory_space<vmem>>[vector<16xi32>], vector<16xf32>,
      %parallel_loop3A_623 = vector.broadcast %parallel_loop3A_612 : i32 to vector<16xi32>
      %parallel_loop3A_624 = arith.addi %add3A_138, %parallel_loop3A_623 : vector<16xi32>
      tpu.vector_store_idx %arg6[%parallel_loop3A_624], %parallel_loop3A_622 : memref<65536xf32, #tpu.memory_space<vmem>>[vector<16xi32>], vector<16xf32>,
      %parallel_loop3A_625 = arith.addi %parallel_loop3A_601, %and3A_25 : vector<16xi32>
      %parallel_loop3A_626 = tpu.vector_load_idx %arg7[%parallel_loop3A_625] : memref<3280xf32, #tpu.memory_space<vmem>>[vector<16xi32>], vector<16xf32>,
      %parallel_loop3A_627 = vector.broadcast %parallel_loop3A_612 : i32 to vector<16xi32>
      %parallel_loop3A_628 = arith.addi %add3A_152, %parallel_loop3A_627 : vector<16xi32>
      tpu.vector_store_idx %arg6[%parallel_loop3A_628], %parallel_loop3A_626 : memref<65536xf32, #tpu.memory_space<vmem>>[vector<16xi32>], vector<16xf32>,
      %parallel_loop3A_629 = arith.addi %parallel_loop3A_601, %and3A_31 : vector<16xi32>
      %parallel_loop3A_630 = tpu.vector_load_idx %arg7[%parallel_loop3A_629] : memref<3280xf32, #tpu.memory_space<vmem>>[vector<16xi32>], vector<16xf32>,
      %parallel_loop3A_631 = vector.broadcast %parallel_loop3A_612 : i32 to vector<16xi32>
      %parallel_loop3A_632 = arith.addi %add3A_166, %parallel_loop3A_631 : vector<16xi32>
      tpu.vector_store_idx %arg6[%parallel_loop3A_632], %parallel_loop3A_630 : memref<65536xf32, #tpu.memory_space<vmem>>[vector<16xi32>], vector<16xf32>,
      %parallel_loop3A_633 = arith.addi %parallel_loop3A_601, %and3A_37 : vector<16xi32>
      %parallel_loop3A_634 = tpu.vector_load_idx %arg7[%parallel_loop3A_633] : memref<3280xf32, #tpu.memory_space<vmem>>[vector<16xi32>], vector<16xf32>,
      %parallel_loop3A_635 = vector.broadcast %parallel_loop3A_612 : i32 to vector<16xi32>
      %parallel_loop3A_636 = arith.addi %add3A_180, %parallel_loop3A_635 : vector<16xi32>
      tpu.vector_store_idx %arg6[%parallel_loop3A_636], %parallel_loop3A_634 : memref<65536xf32, #tpu.memory_space<vmem>>[vector<16xi32>], vector<16xf32>,
      %parallel_loop3A_637 = arith.addi %parallel_loop3A_601, %and3A_43 : vector<16xi32>
      %parallel_loop3A_638 = tpu.vector_load_idx %arg7[%parallel_loop3A_637] : memref<3280xf32, #tpu.memory_space<vmem>>[vector<16xi32>], vector<16xf32>,
      %parallel_loop3A_639 = vector.broadcast %parallel_loop3A_612 : i32 to vector<16xi32>
      %parallel_loop3A_640 = arith.addi %add3A_194, %parallel_loop3A_639 : vector<16xi32>
      tpu.vector_store_idx %arg6[%parallel_loop3A_640], %parallel_loop3A_638 : memref<65536xf32, #tpu.memory_space<vmem>>[vector<16xi32>], vector<16xf32>,
      %parallel_loop3A_641 = arith.addi %parallel_loop3A_601, %and3A_49 : vector<16xi32>
      %parallel_loop3A_642 = tpu.vector_load_idx %arg7[%parallel_loop3A_641] : memref<3280xf32, #tpu.memory_space<vmem>>[vector<16xi32>], vector<16xf32>,
      %parallel_loop3A_643 = vector.broadcast %parallel_loop3A_612 : i32 to vector<16xi32>
      %parallel_loop3A_644 = arith.addi %add3A_208, %parallel_loop3A_643 : vector<16xi32>
      tpu.vector_store_idx %arg6[%parallel_loop3A_644], %parallel_loop3A_642 : memref<65536xf32, #tpu.memory_space<vmem>>[vector<16xi32>], vector<16xf32>,
      %parallel_loop3A_645 = arith.addi %parallel_loop3A_601, %and3A_55 : vector<16xi32>
      %parallel_loop3A_646 = tpu.vector_load_idx %arg7[%parallel_loop3A_645] : memref<3280xf32, #tpu.memory_space<vmem>>[vector<16xi32>], vector<16xf32>,
      %parallel_loop3A_647 = vector.broadcast %parallel_loop3A_612 : i32 to vector<16xi32>
      %parallel_loop3A_648 = arith.addi %add3A_222, %parallel_loop3A_647 : vector<16xi32>
      tpu.vector_store_idx %arg6[%parallel_loop3A_648], %parallel_loop3A_646 : memref<65536xf32, #tpu.memory_space<vmem>>[vector<16xi32>], vector<16xf32>,
      %parallel_loop3A_649 = arith.addi %parallel_loop3A_601, %and3A_61 : vector<16xi32>
      %parallel_loop3A_650 = tpu.vector_load_idx %arg7[%parallel_loop3A_649] : memref<3280xf32, #tpu.memory_space<vmem>>[vector<16xi32>], vector<16xf32>,
      %parallel_loop3A_651 = vector.broadcast %parallel_loop3A_612 : i32 to vector<16xi32>
      %parallel_loop3A_652 = arith.addi %add3A_236, %parallel_loop3A_651 : vector<16xi32>
      tpu.vector_store_idx %arg6[%parallel_loop3A_652], %parallel_loop3A_650 : memref<65536xf32, #tpu.memory_space<vmem>>[vector<16xi32>], vector<16xf32>,
      %parallel_loop3A_653 = arith.addi %parallel_loop3A_601, %and3A_67 : vector<16xi32>
      %parallel_loop3A_654 = tpu.vector_load_idx %arg7[%parallel_loop3A_653] : memref<3280xf32, #tpu.memory_space<vmem>>[vector<16xi32>], vector<16xf32>,
      %parallel_loop3A_655 = vector.broadcast %parallel_loop3A_612 : i32 to vector<16xi32>
      %parallel_loop3A_656 = arith.addi %add3A_250, %parallel_loop3A_655 : vector<16xi32>
      tpu.vector_store_idx %arg6[%parallel_loop3A_656], %parallel_loop3A_654 : memref<65536xf32, #tpu.memory_space<vmem>>[vector<16xi32>], vector<16xf32>,
      %parallel_loop3A_657 = arith.addi %parallel_loop3A_601, %and3A_73 : vector<16xi32>
      %parallel_loop3A_658 = tpu.vector_load_idx %arg7[%parallel_loop3A_657] : memref<3280xf32, #tpu.memory_space<vmem>>[vector<16xi32>], vector<16xf32>,
      %parallel_loop3A_659 = vector.broadcast %parallel_loop3A_612 : i32 to vector<16xi32>
      %parallel_loop3A_660 = arith.addi %add3A_264, %parallel_loop3A_659 : vector<16xi32>
      tpu.vector_store_idx %arg6[%parallel_loop3A_660], %parallel_loop3A_658 : memref<65536xf32, #tpu.memory_space<vmem>>[vector<16xi32>], vector<16xf32>,
      %parallel_loop3A_661 = arith.addi %parallel_loop3A_601, %and3A_79 : vector<16xi32>
      %parallel_loop3A_662 = tpu.vector_load_idx %arg7[%parallel_loop3A_661] : memref<3280xf32, #tpu.memory_space<vmem>>[vector<16xi32>], vector<16xf32>,
      %parallel_loop3A_663 = vector.broadcast %parallel_loop3A_612 : i32 to vector<16xi32>
      %parallel_loop3A_664 = arith.addi %add3A_278, %parallel_loop3A_663 : vector<16xi32>
      tpu.vector_store_idx %arg6[%parallel_loop3A_664], %parallel_loop3A_662 : memref<65536xf32, #tpu.memory_space<vmem>>[vector<16xi32>], vector<16xf32>,
      %parallel_loop3A_665 = arith.addi %parallel_loop3A_601, %and3A_85 : vector<16xi32>
      %parallel_loop3A_666 = tpu.vector_load_idx %arg7[%parallel_loop3A_665] : memref<3280xf32, #tpu.memory_space<vmem>>[vector<16xi32>], vector<16xf32>,
      %parallel_loop3A_667 = vector.broadcast %parallel_loop3A_612 : i32 to vector<16xi32>
      %parallel_loop3A_668 = arith.addi %add3A_292, %parallel_loop3A_667 : vector<16xi32>
      tpu.vector_store_idx %arg6[%parallel_loop3A_668], %parallel_loop3A_666 : memref<65536xf32, #tpu.memory_space<vmem>>[vector<16xi32>], vector<16xf32>,
      %parallel_loop3A_669 = arith.addi %parallel_loop3A_601, %and3A_91 : vector<16xi32>
      %parallel_loop3A_670 = tpu.vector_load_idx %arg7[%parallel_loop3A_669] : memref<3280xf32, #tpu.memory_space<vmem>>[vector<16xi32>], vector<16xf32>,
      %parallel_loop3A_671 = vector.broadcast %parallel_loop3A_612 : i32 to vector<16xi32>
      %parallel_loop3A_672 = arith.addi %add3A_306, %parallel_loop3A_671 : vector<16xi32>
      tpu.vector_store_idx %arg6[%parallel_loop3A_672], %parallel_loop3A_670 : memref<65536xf32, #tpu.memory_space<vmem>>[vector<16xi32>], vector<16xf32>,
      %parallel_loop3A_673 = arith.addi %parallel_loop3A_601, %and3A_97 : vector<16xi32>
      %parallel_loop3A_674 = tpu.vector_load_idx %arg7[%parallel_loop3A_673] : memref<3280xf32, #tpu.memory_space<vmem>>[vector<16xi32>], vector<16xf32>,
      %parallel_loop3A_675 = vector.broadcast %parallel_loop3A_612 : i32 to vector<16xi32>
      %parallel_loop3A_676 = arith.addi %add3A_320, %parallel_loop3A_675 : vector<16xi32>
      tpu.vector_store_idx %arg6[%parallel_loop3A_676], %parallel_loop3A_674 : memref<65536xf32, #tpu.memory_space<vmem>>[vector<16xi32>], vector<16xf32>,
    } {sc.loop_unroll_factor = 4 : i64, sc.parallel_access}
    %add3A_345 = arith.constant 0 : i32
    %add3A_346 = arith.addi %mul3A_2, %add3A_345 : i32
    %mul3A_347 = arith.constant 8 : i32
    %mul3A_348 = arith.muli %add3A_346, %mul3A_347 : i32
    %add3A_349 = arith.constant 0 : i32
    %add3A_350 = arith.addi %add3A_349, %mul3A_348 : i32
    %dma_start3A_351 = arith.constant 0 : i32
    %dma_start3A_352 = tpu.memref_slice %arg6[%dma_start3A_351] : memref<65536xf32, #tpu.memory_space<vmem>> -> memref<16384xf32, #tpu.memory_space<vmem>>
    %dma_start3A_353 = tpu.memref_slice %arg4[%add3A_350] : memref<52428800xf32, #tpu.memory_space<hbm>> -> memref<16384xf32, #tpu.memory_space<hbm>>
    %dma_start3A_354 = tpu.memref_slice %arg4[%add3A_350] : memref<52428800xf32, #tpu.memory_space<hbm>> -> memref<16384xf32, #tpu.memory_space<hbm>>
    %dma_start3A_355 = arith.constant 0 : i32
    %dma_start3A_356 = tpu.memref_slice %arg6[%dma_start3A_355] : memref<65536xf32, #tpu.memory_space<vmem>> -> memref<16384xf32, #tpu.memory_space<vmem>>
    tpu.enqueue_dma source(%dma_start3A_356 : memref<16384xf32, #tpu.memory_space<vmem>>) target(%dma_start3A_354 : memref<16384xf32, #tpu.memory_space<hbm>>) target_semaphore(%arg10 : memref<!tpu.dma_semaphore, #tpu.memory_space<semaphore_mem>>)
    %add3A_357 = arith.constant 0 : i32
    %add3A_358 = arith.addi %mul3A_2, %add3A_357 : i32
    %mul3A_359 = arith.constant 8 : i32
    %mul3A_360 = arith.muli %add3A_358, %mul3A_359 : i32
    %add3A_361 = arith.constant 26214400 : i32
    %add3A_362 = arith.addi %add3A_361, %mul3A_360 : i32
    %dma_start3A_363 = arith.constant 16384 : i32
    %dma_start3A_364 = tpu.memref_slice %arg6[%dma_start3A_363] : memref<65536xf32, #tpu.memory_space<vmem>> -> memref<16384xf32, #tpu.memory_space<vmem>>
    %dma_start3A_365 = tpu.memref_slice %arg4[%add3A_362] : memref<52428800xf32, #tpu.memory_space<hbm>> -> memref<16384xf32, #tpu.memory_space<hbm>>
    %dma_start3A_366 = tpu.memref_slice %arg4[%add3A_362] : memref<52428800xf32, #tpu.memory_space<hbm>> -> memref<16384xf32, #tpu.memory_space<hbm>>
    %dma_start3A_367 = arith.constant 16384 : i32
    %dma_start3A_368 = tpu.memref_slice %arg6[%dma_start3A_367] : memref<65536xf32, #tpu.memory_space<vmem>> -> memref<16384xf32, #tpu.memory_space<vmem>>
    tpu.enqueue_dma source(%dma_start3A_368 : memref<16384xf32, #tpu.memory_space<vmem>>) target(%dma_start3A_366 : memref<16384xf32, #tpu.memory_space<hbm>>) target_semaphore(%arg10 : memref<!tpu.dma_semaphore, #tpu.memory_space<semaphore_mem>>)
    %add3A_369 = arith.constant 4096 : i32
    %add3A_370 = arith.addi %mul3A_2, %add3A_369 : i32
    %dma_start3A_371 = arith.constant 0 : i32
    %dma_start3A_372 = tpu.memref_slice %arg5[%dma_start3A_371] : memref<4096xi32, #tpu.memory_space<vmem>> -> memref<2048xi32, #tpu.memory_space<vmem>>
    %dma_start3A_373 = tpu.memref_slice %arg2[%add3A_370] : memref<3276800xi32, #tpu.memory_space<hbm>> -> memref<2048xi32, #tpu.memory_space<hbm>>
    %dma_start3A_374 = arith.constant 0 : i32
    %dma_start3A_375 = tpu.memref_slice %arg5[%dma_start3A_374] : memref<4096xi32, #tpu.memory_space<vmem>> -> memref<2048xi32, #tpu.memory_space<vmem>>
    %dma_start3A_376 = tpu.memref_slice %arg2[%add3A_370] : memref<3276800xi32, #tpu.memory_space<hbm>> -> memref<2048xi32, #tpu.memory_space<hbm>>
    tpu.enqueue_dma source(%dma_start3A_376 : memref<2048xi32, #tpu.memory_space<hbm>>) target(%dma_start3A_375 : memref<2048xi32, #tpu.memory_space<vmem>>) target_semaphore(%arg8 : memref<!tpu.dma_semaphore, #tpu.memory_space<semaphore_mem>>)
    %add3A_377 = arith.constant 2048 : i32
    %add3A_378 = arith.addi %mul3A_2, %add3A_377 : i32
    %dma_wait3A_379 = arith.constant 2048 : i32
    %dma_wait3A_380 = tpu.memref_slice %arg5[%dma_wait3A_379] : memref<4096xi32, #tpu.memory_space<vmem>> -> memref<2048xi32, #tpu.memory_space<vmem>>
    %dma_wait3A_381 = tpu.memref_slice %arg2[%add3A_378] : memref<3276800xi32, #tpu.memory_space<hbm>> -> memref<2048xi32, #tpu.memory_space<hbm>>
    %dma_wait3A_382 = arith.constant 2048 : i32
    %dma_wait3A_383 = tpu.memref_slice %arg5[%dma_wait3A_382] : memref<4096xi32, #tpu.memory_space<vmem>> -> memref<2048xi32, #tpu.memory_space<vmem>>
    %dma_wait3A_384 = tpu.memref_slice %arg2[%add3A_378] : memref<3276800xi32, #tpu.memory_space<hbm>> -> memref<2048xi32, #tpu.memory_space<hbm>>
    tpu.wait_dma2 semaphore(%arg9 : memref<!tpu.dma_semaphore, #tpu.memory_space<semaphore_mem>>) src(%dma_wait3A_384 : memref<2048xi32, #tpu.memory_space<hbm>>) dst(%dma_wait3A_383 : memref<2048xi32, #tpu.memory_space<vmem>>)
    %parallel_loop3A_385 = arith.constant 0 : i32
    %parallel_loop3A_386 = arith.constant 128 : i32
    %parallel_loop3A_387 = arith.constant 1 : i32
    scf.for %parallel_loop3A_592 = %parallel_loop3A_385 to %parallel_loop3A_386 step %parallel_loop3A_387  : i32 {
      %parallel_loop3A_593 = arith.constant 16 : i32
      %parallel_loop3A_594 = arith.muli %parallel_loop3A_592, %parallel_loop3A_593 : i32
      %parallel_loop3A_595 = arith.constant 2048 : i32
      %parallel_loop3A_596 = arith.addi %parallel_loop3A_595, %parallel_loop3A_594 : i32
      %parallel_loop3A_597 = arith.index_cast %parallel_loop3A_596 : i32 to index
      %parallel_loop3A_598 = tpu.vector_load %arg5[%parallel_loop3A_597] {strides = array<i32>} : memref<4096xi32, #tpu.memory_space<vmem>>, vector<16xi32>,
      %parallel_loop3A_599 = arith.constant 16 : i32
      %parallel_loop3A_600 = vector.broadcast %parallel_loop3A_599 : i32 to vector<16xi32>
      %parallel_loop3A_601 = arith.muli %parallel_loop3A_598, %parallel_loop3A_600 : vector<16xi32>
      %parallel_loop3A_602 = arith.constant 3 : i32
      %parallel_loop3A_603 = arith.shrsi %parallel_loop3A_592, %parallel_loop3A_602 : i32
      %parallel_loop3A_604 = arith.constant 1024 : i32
      %parallel_loop3A_605 = arith.muli %parallel_loop3A_603, %parallel_loop3A_604 : i32
      %parallel_loop3A_606 = arith.constant 32768 : i32
      %parallel_loop3A_607 = arith.addi %parallel_loop3A_606, %parallel_loop3A_605 : i32
      %parallel_loop3A_608 = arith.constant 7 : i32
      %parallel_loop3A_609 = arith.andi %parallel_loop3A_592, %parallel_loop3A_608 : i32
      %parallel_loop3A_610 = arith.constant 16 : i32
      %parallel_loop3A_611 = arith.muli %parallel_loop3A_609, %parallel_loop3A_610 : i32
      %parallel_loop3A_612 = arith.addi %parallel_loop3A_607, %parallel_loop3A_611 : i32
      %parallel_loop3A_613 = arith.addi %parallel_loop3A_601, %and3A_7 : vector<16xi32>
      %parallel_loop3A_614 = tpu.vector_load_idx %arg7[%parallel_loop3A_613] : memref<3280xf32, #tpu.memory_space<vmem>>[vector<16xi32>], vector<16xf32>,
      %parallel_loop3A_615 = vector.broadcast %parallel_loop3A_612 : i32 to vector<16xi32>
      %parallel_loop3A_616 = arith.addi %add3A_110, %parallel_loop3A_615 : vector<16xi32>
      tpu.vector_store_idx %arg6[%parallel_loop3A_616], %parallel_loop3A_614 : memref<65536xf32, #tpu.memory_space<vmem>>[vector<16xi32>], vector<16xf32>,
      %parallel_loop3A_617 = arith.addi %parallel_loop3A_601, %and3A_13 : vector<16xi32>
      %parallel_loop3A_618 = tpu.vector_load_idx %arg7[%parallel_loop3A_617] : memref<3280xf32, #tpu.memory_space<vmem>>[vector<16xi32>], vector<16xf32>,
      %parallel_loop3A_619 = vector.broadcast %parallel_loop3A_612 : i32 to vector<16xi32>
      %parallel_loop3A_620 = arith.addi %add3A_124, %parallel_loop3A_619 : vector<16xi32>
      tpu.vector_store_idx %arg6[%parallel_loop3A_620], %parallel_loop3A_618 : memref<65536xf32, #tpu.memory_space<vmem>>[vector<16xi32>], vector<16xf32>,
      %parallel_loop3A_621 = arith.addi %parallel_loop3A_601, %and3A_19 : vector<16xi32>
      %parallel_loop3A_622 = tpu.vector_load_idx %arg7[%parallel_loop3A_621] : memref<3280xf32, #tpu.memory_space<vmem>>[vector<16xi32>], vector<16xf32>,
      %parallel_loop3A_623 = vector.broadcast %parallel_loop3A_612 : i32 to vector<16xi32>
      %parallel_loop3A_624 = arith.addi %add3A_138, %parallel_loop3A_623 : vector<16xi32>
      tpu.vector_store_idx %arg6[%parallel_loop3A_624], %parallel_loop3A_622 : memref<65536xf32, #tpu.memory_space<vmem>>[vector<16xi32>], vector<16xf32>,
      %parallel_loop3A_625 = arith.addi %parallel_loop3A_601, %and3A_25 : vector<16xi32>
      %parallel_loop3A_626 = tpu.vector_load_idx %arg7[%parallel_loop3A_625] : memref<3280xf32, #tpu.memory_space<vmem>>[vector<16xi32>], vector<16xf32>,
      %parallel_loop3A_627 = vector.broadcast %parallel_loop3A_612 : i32 to vector<16xi32>
      %parallel_loop3A_628 = arith.addi %add3A_152, %parallel_loop3A_627 : vector<16xi32>
      tpu.vector_store_idx %arg6[%parallel_loop3A_628], %parallel_loop3A_626 : memref<65536xf32, #tpu.memory_space<vmem>>[vector<16xi32>], vector<16xf32>,
      %parallel_loop3A_629 = arith.addi %parallel_loop3A_601, %and3A_31 : vector<16xi32>
      %parallel_loop3A_630 = tpu.vector_load_idx %arg7[%parallel_loop3A_629] : memref<3280xf32, #tpu.memory_space<vmem>>[vector<16xi32>], vector<16xf32>,
      %parallel_loop3A_631 = vector.broadcast %parallel_loop3A_612 : i32 to vector<16xi32>
      %parallel_loop3A_632 = arith.addi %add3A_166, %parallel_loop3A_631 : vector<16xi32>
      tpu.vector_store_idx %arg6[%parallel_loop3A_632], %parallel_loop3A_630 : memref<65536xf32, #tpu.memory_space<vmem>>[vector<16xi32>], vector<16xf32>,
      %parallel_loop3A_633 = arith.addi %parallel_loop3A_601, %and3A_37 : vector<16xi32>
      %parallel_loop3A_634 = tpu.vector_load_idx %arg7[%parallel_loop3A_633] : memref<3280xf32, #tpu.memory_space<vmem>>[vector<16xi32>], vector<16xf32>,
      %parallel_loop3A_635 = vector.broadcast %parallel_loop3A_612 : i32 to vector<16xi32>
      %parallel_loop3A_636 = arith.addi %add3A_180, %parallel_loop3A_635 : vector<16xi32>
      tpu.vector_store_idx %arg6[%parallel_loop3A_636], %parallel_loop3A_634 : memref<65536xf32, #tpu.memory_space<vmem>>[vector<16xi32>], vector<16xf32>,
      %parallel_loop3A_637 = arith.addi %parallel_loop3A_601, %and3A_43 : vector<16xi32>
      %parallel_loop3A_638 = tpu.vector_load_idx %arg7[%parallel_loop3A_637] : memref<3280xf32, #tpu.memory_space<vmem>>[vector<16xi32>], vector<16xf32>,
      %parallel_loop3A_639 = vector.broadcast %parallel_loop3A_612 : i32 to vector<16xi32>
      %parallel_loop3A_640 = arith.addi %add3A_194, %parallel_loop3A_639 : vector<16xi32>
      tpu.vector_store_idx %arg6[%parallel_loop3A_640], %parallel_loop3A_638 : memref<65536xf32, #tpu.memory_space<vmem>>[vector<16xi32>], vector<16xf32>,
      %parallel_loop3A_641 = arith.addi %parallel_loop3A_601, %and3A_49 : vector<16xi32>
      %parallel_loop3A_642 = tpu.vector_load_idx %arg7[%parallel_loop3A_641] : memref<3280xf32, #tpu.memory_space<vmem>>[vector<16xi32>], vector<16xf32>,
      %parallel_loop3A_643 = vector.broadcast %parallel_loop3A_612 : i32 to vector<16xi32>
      %parallel_loop3A_644 = arith.addi %add3A_208, %parallel_loop3A_643 : vector<16xi32>
      tpu.vector_store_idx %arg6[%parallel_loop3A_644], %parallel_loop3A_642 : memref<65536xf32, #tpu.memory_space<vmem>>[vector<16xi32>], vector<16xf32>,
      %parallel_loop3A_645 = arith.addi %parallel_loop3A_601, %and3A_55 : vector<16xi32>
      %parallel_loop3A_646 = tpu.vector_load_idx %arg7[%parallel_loop3A_645] : memref<3280xf32, #tpu.memory_space<vmem>>[vector<16xi32>], vector<16xf32>,
      %parallel_loop3A_647 = vector.broadcast %parallel_loop3A_612 : i32 to vector<16xi32>
      %parallel_loop3A_648 = arith.addi %add3A_222, %parallel_loop3A_647 : vector<16xi32>
      tpu.vector_store_idx %arg6[%parallel_loop3A_648], %parallel_loop3A_646 : memref<65536xf32, #tpu.memory_space<vmem>>[vector<16xi32>], vector<16xf32>,
      %parallel_loop3A_649 = arith.addi %parallel_loop3A_601, %and3A_61 : vector<16xi32>
      %parallel_loop3A_650 = tpu.vector_load_idx %arg7[%parallel_loop3A_649] : memref<3280xf32, #tpu.memory_space<vmem>>[vector<16xi32>], vector<16xf32>,
      %parallel_loop3A_651 = vector.broadcast %parallel_loop3A_612 : i32 to vector<16xi32>
      %parallel_loop3A_652 = arith.addi %add3A_236, %parallel_loop3A_651 : vector<16xi32>
      tpu.vector_store_idx %arg6[%parallel_loop3A_652], %parallel_loop3A_650 : memref<65536xf32, #tpu.memory_space<vmem>>[vector<16xi32>], vector<16xf32>,
      %parallel_loop3A_653 = arith.addi %parallel_loop3A_601, %and3A_67 : vector<16xi32>
      %parallel_loop3A_654 = tpu.vector_load_idx %arg7[%parallel_loop3A_653] : memref<3280xf32, #tpu.memory_space<vmem>>[vector<16xi32>], vector<16xf32>,
      %parallel_loop3A_655 = vector.broadcast %parallel_loop3A_612 : i32 to vector<16xi32>
      %parallel_loop3A_656 = arith.addi %add3A_250, %parallel_loop3A_655 : vector<16xi32>
      tpu.vector_store_idx %arg6[%parallel_loop3A_656], %parallel_loop3A_654 : memref<65536xf32, #tpu.memory_space<vmem>>[vector<16xi32>], vector<16xf32>,
      %parallel_loop3A_657 = arith.addi %parallel_loop3A_601, %and3A_73 : vector<16xi32>
      %parallel_loop3A_658 = tpu.vector_load_idx %arg7[%parallel_loop3A_657] : memref<3280xf32, #tpu.memory_space<vmem>>[vector<16xi32>], vector<16xf32>,
      %parallel_loop3A_659 = vector.broadcast %parallel_loop3A_612 : i32 to vector<16xi32>
      %parallel_loop3A_660 = arith.addi %add3A_264, %parallel_loop3A_659 : vector<16xi32>
      tpu.vector_store_idx %arg6[%parallel_loop3A_660], %parallel_loop3A_658 : memref<65536xf32, #tpu.memory_space<vmem>>[vector<16xi32>], vector<16xf32>,
      %parallel_loop3A_661 = arith.addi %parallel_loop3A_601, %and3A_79 : vector<16xi32>
      %parallel_loop3A_662 = tpu.vector_load_idx %arg7[%parallel_loop3A_661] : memref<3280xf32, #tpu.memory_space<vmem>>[vector<16xi32>], vector<16xf32>,
      %parallel_loop3A_663 = vector.broadcast %parallel_loop3A_612 : i32 to vector<16xi32>
      %parallel_loop3A_664 = arith.addi %add3A_278, %parallel_loop3A_663 : vector<16xi32>
      tpu.vector_store_idx %arg6[%parallel_loop3A_664], %parallel_loop3A_662 : memref<65536xf32, #tpu.memory_space<vmem>>[vector<16xi32>], vector<16xf32>,
      %parallel_loop3A_665 = arith.addi %parallel_loop3A_601, %and3A_85 : vector<16xi32>
      %parallel_loop3A_666 = tpu.vector_load_idx %arg7[%parallel_loop3A_665] : memref<3280xf32, #tpu.memory_space<vmem>>[vector<16xi32>], vector<16xf32>,
      %parallel_loop3A_667 = vector.broadcast %parallel_loop3A_612 : i32 to vector<16xi32>
      %parallel_loop3A_668 = arith.addi %add3A_292, %parallel_loop3A_667 : vector<16xi32>
      tpu.vector_store_idx %arg6[%parallel_loop3A_668], %parallel_loop3A_666 : memref<65536xf32, #tpu.memory_space<vmem>>[vector<16xi32>], vector<16xf32>,
      %parallel_loop3A_669 = arith.addi %parallel_loop3A_601, %and3A_91 : vector<16xi32>
      %parallel_loop3A_670 = tpu.vector_load_idx %arg7[%parallel_loop3A_669] : memref<3280xf32, #tpu.memory_space<vmem>>[vector<16xi32>], vector<16xf32>,
      %parallel_loop3A_671 = vector.broadcast %parallel_loop3A_612 : i32 to vector<16xi32>
      %parallel_loop3A_672 = arith.addi %add3A_306, %parallel_loop3A_671 : vector<16xi32>
      tpu.vector_store_idx %arg6[%parallel_loop3A_672], %parallel_loop3A_670 : memref<65536xf32, #tpu.memory_space<vmem>>[vector<16xi32>], vector<16xf32>,
      %parallel_loop3A_673 = arith.addi %parallel_loop3A_601, %and3A_97 : vector<16xi32>
      %parallel_loop3A_674 = tpu.vector_load_idx %arg7[%parallel_loop3A_673] : memref<3280xf32, #tpu.memory_space<vmem>>[vector<16xi32>], vector<16xf32>,
      %parallel_loop3A_675 = vector.broadcast %parallel_loop3A_612 : i32 to vector<16xi32>
      %parallel_loop3A_676 = arith.addi %add3A_320, %parallel_loop3A_675 : vector<16xi32>
      tpu.vector_store_idx %arg6[%parallel_loop3A_676], %parallel_loop3A_674 : memref<65536xf32, #tpu.memory_space<vmem>>[vector<16xi32>], vector<16xf32>,
    } {sc.loop_unroll_factor = 4 : i64, sc.parallel_access}
    %add3A_388 = arith.constant 2048 : i32
    %add3A_389 = arith.addi %mul3A_2, %add3A_388 : i32
    %mul3A_390 = arith.constant 8 : i32
    %mul3A_391 = arith.muli %add3A_389, %mul3A_390 : i32
    %add3A_392 = arith.constant 0 : i32
    %add3A_393 = arith.addi %add3A_392, %mul3A_391 : i32
    %dma_start3A_394 = arith.constant 32768 : i32
    %dma_start3A_395 = tpu.memref_slice %arg6[%dma_start3A_394] : memref<65536xf32, #tpu.memory_space<vmem>> -> memref<16384xf32, #tpu.memory_space<vmem>>
    %dma_start3A_396 = tpu.memref_slice %arg4[%add3A_393] : memref<52428800xf32, #tpu.memory_space<hbm>> -> memref<16384xf32, #tpu.memory_space<hbm>>
    %dma_start3A_397 = tpu.memref_slice %arg4[%add3A_393] : memref<52428800xf32, #tpu.memory_space<hbm>> -> memref<16384xf32, #tpu.memory_space<hbm>>
    %dma_start3A_398 = arith.constant 32768 : i32
    %dma_start3A_399 = tpu.memref_slice %arg6[%dma_start3A_398] : memref<65536xf32, #tpu.memory_space<vmem>> -> memref<16384xf32, #tpu.memory_space<vmem>>
    tpu.enqueue_dma source(%dma_start3A_399 : memref<16384xf32, #tpu.memory_space<vmem>>) target(%dma_start3A_397 : memref<16384xf32, #tpu.memory_space<hbm>>) target_semaphore(%arg11 : memref<!tpu.dma_semaphore, #tpu.memory_space<semaphore_mem>>)
    %add3A_400 = arith.constant 2048 : i32
    %add3A_401 = arith.addi %mul3A_2, %add3A_400 : i32
    %mul3A_402 = arith.constant 8 : i32
    %mul3A_403 = arith.muli %add3A_401, %mul3A_402 : i32
    %add3A_404 = arith.constant 26214400 : i32
    %add3A_405 = arith.addi %add3A_404, %mul3A_403 : i32
    %dma_start3A_406 = arith.constant 49152 : i32
    %dma_start3A_407 = tpu.memref_slice %arg6[%dma_start3A_406] : memref<65536xf32, #tpu.memory_space<vmem>> -> memref<16384xf32, #tpu.memory_space<vmem>>
    %dma_start3A_408 = tpu.memref_slice %arg4[%add3A_405] : memref<52428800xf32, #tpu.memory_space<hbm>> -> memref<16384xf32, #tpu.memory_space<hbm>>
    %dma_start3A_409 = tpu.memref_slice %arg4[%add3A_405] : memref<52428800xf32, #tpu.memory_space<hbm>> -> memref<16384xf32, #tpu.memory_space<hbm>>
    %dma_start3A_410 = arith.constant 49152 : i32
    %dma_start3A_411 = tpu.memref_slice %arg6[%dma_start3A_410] : memref<65536xf32, #tpu.memory_space<vmem>> -> memref<16384xf32, #tpu.memory_space<vmem>>
    tpu.enqueue_dma source(%dma_start3A_411 : memref<16384xf32, #tpu.memory_space<vmem>>) target(%dma_start3A_409 : memref<16384xf32, #tpu.memory_space<hbm>>) target_semaphore(%arg11 : memref<!tpu.dma_semaphore, #tpu.memory_space<semaphore_mem>>)
    %add3A_412 = arith.constant 6144 : i32
    %add3A_413 = arith.addi %mul3A_2, %add3A_412 : i32
    %dma_start3A_414 = arith.constant 2048 : i32
    %dma_start3A_415 = tpu.memref_slice %arg5[%dma_start3A_414] : memref<4096xi32, #tpu.memory_space<vmem>> -> memref<2048xi32, #tpu.memory_space<vmem>>
    %dma_start3A_416 = tpu.memref_slice %arg2[%add3A_413] : memref<3276800xi32, #tpu.memory_space<hbm>> -> memref<2048xi32, #tpu.memory_space<hbm>>
    %dma_start3A_417 = arith.constant 2048 : i32
    %dma_start3A_418 = tpu.memref_slice %arg5[%dma_start3A_417] : memref<4096xi32, #tpu.memory_space<vmem>> -> memref<2048xi32, #tpu.memory_space<vmem>>
    %dma_start3A_419 = tpu.memref_slice %arg2[%add3A_413] : memref<3276800xi32, #tpu.memory_space<hbm>> -> memref<2048xi32, #tpu.memory_space<hbm>>
    tpu.enqueue_dma source(%dma_start3A_419 : memref<2048xi32, #tpu.memory_space<hbm>>) target(%dma_start3A_418 : memref<2048xi32, #tpu.memory_space<vmem>>) target_semaphore(%arg9 : memref<!tpu.dma_semaphore, #tpu.memory_space<semaphore_mem>>)
    %scan3A = arith.constant 0 : i32
    %scan3A_420 = arith.constant 1 : i32
    %scan3A_421 = arith.constant 23 : i32
    %scan3A_422 = arith.addi %scan3A_420, %scan3A_421 : i32
    %scan3A_423 = arith.constant 1 : i32
    %scan3A_424 = scf.for %scan3A_592 = %scan3A_420 to %scan3A_422 step %scan3A_423 iter_args(%scan3A_593 = %scan3A) -> (i32)  : i32 {
      %mul3A_594 = arith.constant 2 : i32
      %mul3A_595 = arith.muli %scan3A_592, %mul3A_594 : i32
      %add3A_596 = arith.constant 0 : i32
      %add3A_597 = arith.addi %mul3A_595, %add3A_596 : i32
      %mul3A_598 = arith.constant 2048 : i32
      %mul3A_599 = arith.muli %add3A_597, %mul3A_598 : i32
      %add3A_600 = arith.addi %mul3A_2, %mul3A_599 : i32
      %dma_wait3A_601 = arith.constant 0 : i32
      %dma_wait3A_602 = tpu.memref_slice %arg5[%dma_wait3A_601] : memref<4096xi32, #tpu.memory_space<vmem>> -> memref<2048xi32, #tpu.memory_space<vmem>>
      %dma_wait3A_603 = tpu.memref_slice %arg2[%add3A_600] : memref<3276800xi32, #tpu.memory_space<hbm>> -> memref<2048xi32, #tpu.memory_space<hbm>>
      %dma_wait3A_604 = arith.constant 0 : i32
      %dma_wait3A_605 = tpu.memref_slice %arg5[%dma_wait3A_604] : memref<4096xi32, #tpu.memory_space<vmem>> -> memref<2048xi32, #tpu.memory_space<vmem>>
      %dma_wait3A_606 = tpu.memref_slice %arg2[%add3A_600] : memref<3276800xi32, #tpu.memory_space<hbm>> -> memref<2048xi32, #tpu.memory_space<hbm>>
      tpu.wait_dma2 semaphore(%arg8 : memref<!tpu.dma_semaphore, #tpu.memory_space<semaphore_mem>>) src(%dma_wait3A_606 : memref<2048xi32, #tpu.memory_space<hbm>>) dst(%dma_wait3A_605 : memref<2048xi32, #tpu.memory_space<vmem>>)
      %sub3A = arith.constant 2 : i32
      %sub3A_607 = arith.subi %add3A_597, %sub3A : i32
      %mul3A_608 = arith.constant 2048 : i32
      %mul3A_609 = arith.muli %sub3A_607, %mul3A_608 : i32
      %add3A_610 = arith.addi %mul3A_2, %mul3A_609 : i32
      %mul3A_611 = arith.constant 8 : i32
      %mul3A_612 = arith.muli %add3A_610, %mul3A_611 : i32
      %add3A_613 = arith.constant 0 : i32
      %add3A_614 = arith.addi %add3A_613, %mul3A_612 : i32
      %dma_wait3A_615 = arith.constant 0 : i32
      %dma_wait3A_616 = tpu.memref_slice %arg6[%dma_wait3A_615] : memref<65536xf32, #tpu.memory_space<vmem>> -> memref<16384xf32, #tpu.memory_space<vmem>>
      %dma_wait3A_617 = tpu.memref_slice %arg4[%add3A_614] : memref<52428800xf32, #tpu.memory_space<hbm>> -> memref<16384xf32, #tpu.memory_space<hbm>>
      %dma_wait3A_618 = tpu.memref_slice %arg4[%add3A_614] : memref<52428800xf32, #tpu.memory_space<hbm>> -> memref<16384xf32, #tpu.memory_space<hbm>>
      %dma_wait3A_619 = arith.constant 0 : i32
      %dma_wait3A_620 = tpu.memref_slice %arg6[%dma_wait3A_619] : memref<65536xf32, #tpu.memory_space<vmem>> -> memref<16384xf32, #tpu.memory_space<vmem>>
      tpu.wait_dma2 semaphore(%arg10 : memref<!tpu.dma_semaphore, #tpu.memory_space<semaphore_mem>>) src(%dma_wait3A_620 : memref<16384xf32, #tpu.memory_space<vmem>>) dst(%dma_wait3A_618 : memref<16384xf32, #tpu.memory_space<hbm>>)
      %sub3A_621 = arith.constant 2 : i32
      %sub3A_622 = arith.subi %add3A_597, %sub3A_621 : i32
      %mul3A_623 = arith.constant 2048 : i32
      %mul3A_624 = arith.muli %sub3A_622, %mul3A_623 : i32
      %add3A_625 = arith.addi %mul3A_2, %mul3A_624 : i32
      %mul3A_626 = arith.constant 8 : i32
      %mul3A_627 = arith.muli %add3A_625, %mul3A_626 : i32
      %add3A_628 = arith.constant 26214400 : i32
      %add3A_629 = arith.addi %add3A_628, %mul3A_627 : i32
      %dma_wait3A_630 = arith.constant 16384 : i32
      %dma_wait3A_631 = tpu.memref_slice %arg6[%dma_wait3A_630] : memref<65536xf32, #tpu.memory_space<vmem>> -> memref<16384xf32, #tpu.memory_space<vmem>>
      %dma_wait3A_632 = tpu.memref_slice %arg4[%add3A_629] : memref<52428800xf32, #tpu.memory_space<hbm>> -> memref<16384xf32, #tpu.memory_space<hbm>>
      %dma_wait3A_633 = tpu.memref_slice %arg4[%add3A_629] : memref<52428800xf32, #tpu.memory_space<hbm>> -> memref<16384xf32, #tpu.memory_space<hbm>>
      %dma_wait3A_634 = arith.constant 16384 : i32
      %dma_wait3A_635 = tpu.memref_slice %arg6[%dma_wait3A_634] : memref<65536xf32, #tpu.memory_space<vmem>> -> memref<16384xf32, #tpu.memory_space<vmem>>
      tpu.wait_dma2 semaphore(%arg10 : memref<!tpu.dma_semaphore, #tpu.memory_space<semaphore_mem>>) src(%dma_wait3A_635 : memref<16384xf32, #tpu.memory_space<vmem>>) dst(%dma_wait3A_633 : memref<16384xf32, #tpu.memory_space<hbm>>)
      %parallel_loop3A_636 = arith.constant 0 : i32
      %parallel_loop3A_637 = arith.constant 128 : i32
      %parallel_loop3A_638 = arith.constant 1 : i32
      scf.for %parallel_loop3A_760 = %parallel_loop3A_636 to %parallel_loop3A_637 step %parallel_loop3A_638  : i32 {
        %parallel_loop3A_761 = arith.constant 16 : i32
        %parallel_loop3A_762 = arith.muli %parallel_loop3A_760, %parallel_loop3A_761 : i32
        %parallel_loop3A_763 = arith.constant 0 : i32
        %parallel_loop3A_764 = arith.addi %parallel_loop3A_763, %parallel_loop3A_762 : i32
        %parallel_loop3A_765 = arith.index_cast %parallel_loop3A_764 : i32 to index
        %parallel_loop3A_766 = tpu.vector_load %arg5[%parallel_loop3A_765] {strides = array<i32>} : memref<4096xi32, #tpu.memory_space<vmem>>, vector<16xi32>,
        %parallel_loop3A_767 = arith.constant 16 : i32
        %parallel_loop3A_768 = vector.broadcast %parallel_loop3A_767 : i32 to vector<16xi32>
        %parallel_loop3A_769 = arith.muli %parallel_loop3A_766, %parallel_loop3A_768 : vector<16xi32>
        %parallel_loop3A_770 = arith.constant 3 : i32
        %parallel_loop3A_771 = arith.shrsi %parallel_loop3A_760, %parallel_loop3A_770 : i32
        %parallel_loop3A_772 = arith.constant 1024 : i32
        %parallel_loop3A_773 = arith.muli %parallel_loop3A_771, %parallel_loop3A_772 : i32
        %parallel_loop3A_774 = arith.constant 0 : i32
        %parallel_loop3A_775 = arith.addi %parallel_loop3A_774, %parallel_loop3A_773 : i32
        %parallel_loop3A_776 = arith.constant 7 : i32
        %parallel_loop3A_777 = arith.andi %parallel_loop3A_760, %parallel_loop3A_776 : i32
        %parallel_loop3A_778 = arith.constant 16 : i32
        %parallel_loop3A_779 = arith.muli %parallel_loop3A_777, %parallel_loop3A_778 : i32
        %parallel_loop3A_780 = arith.addi %parallel_loop3A_775, %parallel_loop3A_779 : i32
        %parallel_loop3A_781 = arith.addi %parallel_loop3A_769, %and3A_7 : vector<16xi32>
        %parallel_loop3A_782 = tpu.vector_load_idx %arg7[%parallel_loop3A_781] : memref<3280xf32, #tpu.memory_space<vmem>>[vector<16xi32>], vector<16xf32>,
        %parallel_loop3A_783 = vector.broadcast %parallel_loop3A_780 : i32 to vector<16xi32>
        %parallel_loop3A_784 = arith.addi %add3A_110, %parallel_loop3A_783 : vector<16xi32>
        tpu.vector_store_idx %arg6[%parallel_loop3A_784], %parallel_loop3A_782 : memref<65536xf32, #tpu.memory_space<vmem>>[vector<16xi32>], vector<16xf32>,
        %parallel_loop3A_785 = arith.addi %parallel_loop3A_769, %and3A_13 : vector<16xi32>
        %parallel_loop3A_786 = tpu.vector_load_idx %arg7[%parallel_loop3A_785] : memref<3280xf32, #tpu.memory_space<vmem>>[vector<16xi32>], vector<16xf32>,
        %parallel_loop3A_787 = vector.broadcast %parallel_loop3A_780 : i32 to vector<16xi32>
        %parallel_loop3A_788 = arith.addi %add3A_124, %parallel_loop3A_787 : vector<16xi32>
        tpu.vector_store_idx %arg6[%parallel_loop3A_788], %parallel_loop3A_786 : memref<65536xf32, #tpu.memory_space<vmem>>[vector<16xi32>], vector<16xf32>,
        %parallel_loop3A_789 = arith.addi %parallel_loop3A_769, %and3A_19 : vector<16xi32>
        %parallel_loop3A_790 = tpu.vector_load_idx %arg7[%parallel_loop3A_789] : memref<3280xf32, #tpu.memory_space<vmem>>[vector<16xi32>], vector<16xf32>,
        %parallel_loop3A_791 = vector.broadcast %parallel_loop3A_780 : i32 to vector<16xi32>
        %parallel_loop3A_792 = arith.addi %add3A_138, %parallel_loop3A_791 : vector<16xi32>
        tpu.vector_store_idx %arg6[%parallel_loop3A_792], %parallel_loop3A_790 : memref<65536xf32, #tpu.memory_space<vmem>>[vector<16xi32>], vector<16xf32>,
        %parallel_loop3A_793 = arith.addi %parallel_loop3A_769, %and3A_25 : vector<16xi32>
        %parallel_loop3A_794 = tpu.vector_load_idx %arg7[%parallel_loop3A_793] : memref<3280xf32, #tpu.memory_space<vmem>>[vector<16xi32>], vector<16xf32>,
        %parallel_loop3A_795 = vector.broadcast %parallel_loop3A_780 : i32 to vector<16xi32>
        %parallel_loop3A_796 = arith.addi %add3A_152, %parallel_loop3A_795 : vector<16xi32>
        tpu.vector_store_idx %arg6[%parallel_loop3A_796], %parallel_loop3A_794 : memref<65536xf32, #tpu.memory_space<vmem>>[vector<16xi32>], vector<16xf32>,
        %parallel_loop3A_797 = arith.addi %parallel_loop3A_769, %and3A_31 : vector<16xi32>
        %parallel_loop3A_798 = tpu.vector_load_idx %arg7[%parallel_loop3A_797] : memref<3280xf32, #tpu.memory_space<vmem>>[vector<16xi32>], vector<16xf32>,
        %parallel_loop3A_799 = vector.broadcast %parallel_loop3A_780 : i32 to vector<16xi32>
        %parallel_loop3A_800 = arith.addi %add3A_166, %parallel_loop3A_799 : vector<16xi32>
        tpu.vector_store_idx %arg6[%parallel_loop3A_800], %parallel_loop3A_798 : memref<65536xf32, #tpu.memory_space<vmem>>[vector<16xi32>], vector<16xf32>,
        %parallel_loop3A_801 = arith.addi %parallel_loop3A_769, %and3A_37 : vector<16xi32>
        %parallel_loop3A_802 = tpu.vector_load_idx %arg7[%parallel_loop3A_801] : memref<3280xf32, #tpu.memory_space<vmem>>[vector<16xi32>], vector<16xf32>,
        %parallel_loop3A_803 = vector.broadcast %parallel_loop3A_780 : i32 to vector<16xi32>
        %parallel_loop3A_804 = arith.addi %add3A_180, %parallel_loop3A_803 : vector<16xi32>
        tpu.vector_store_idx %arg6[%parallel_loop3A_804], %parallel_loop3A_802 : memref<65536xf32, #tpu.memory_space<vmem>>[vector<16xi32>], vector<16xf32>,
        %parallel_loop3A_805 = arith.addi %parallel_loop3A_769, %and3A_43 : vector<16xi32>
        %parallel_loop3A_806 = tpu.vector_load_idx %arg7[%parallel_loop3A_805] : memref<3280xf32, #tpu.memory_space<vmem>>[vector<16xi32>], vector<16xf32>,
        %parallel_loop3A_807 = vector.broadcast %parallel_loop3A_780 : i32 to vector<16xi32>
        %parallel_loop3A_808 = arith.addi %add3A_194, %parallel_loop3A_807 : vector<16xi32>
        tpu.vector_store_idx %arg6[%parallel_loop3A_808], %parallel_loop3A_806 : memref<65536xf32, #tpu.memory_space<vmem>>[vector<16xi32>], vector<16xf32>,
        %parallel_loop3A_809 = arith.addi %parallel_loop3A_769, %and3A_49 : vector<16xi32>
        %parallel_loop3A_810 = tpu.vector_load_idx %arg7[%parallel_loop3A_809] : memref<3280xf32, #tpu.memory_space<vmem>>[vector<16xi32>], vector<16xf32>,
        %parallel_loop3A_811 = vector.broadcast %parallel_loop3A_780 : i32 to vector<16xi32>
        %parallel_loop3A_812 = arith.addi %add3A_208, %parallel_loop3A_811 : vector<16xi32>
        tpu.vector_store_idx %arg6[%parallel_loop3A_812], %parallel_loop3A_810 : memref<65536xf32, #tpu.memory_space<vmem>>[vector<16xi32>], vector<16xf32>,
        %parallel_loop3A_813 = arith.addi %parallel_loop3A_769, %and3A_55 : vector<16xi32>
        %parallel_loop3A_814 = tpu.vector_load_idx %arg7[%parallel_loop3A_813] : memref<3280xf32, #tpu.memory_space<vmem>>[vector<16xi32>], vector<16xf32>,
        %parallel_loop3A_815 = vector.broadcast %parallel_loop3A_780 : i32 to vector<16xi32>
        %parallel_loop3A_816 = arith.addi %add3A_222, %parallel_loop3A_815 : vector<16xi32>
        tpu.vector_store_idx %arg6[%parallel_loop3A_816], %parallel_loop3A_814 : memref<65536xf32, #tpu.memory_space<vmem>>[vector<16xi32>], vector<16xf32>,
        %parallel_loop3A_817 = arith.addi %parallel_loop3A_769, %and3A_61 : vector<16xi32>
        %parallel_loop3A_818 = tpu.vector_load_idx %arg7[%parallel_loop3A_817] : memref<3280xf32, #tpu.memory_space<vmem>>[vector<16xi32>], vector<16xf32>,
        %parallel_loop3A_819 = vector.broadcast %parallel_loop3A_780 : i32 to vector<16xi32>
        %parallel_loop3A_820 = arith.addi %add3A_236, %parallel_loop3A_819 : vector<16xi32>
        tpu.vector_store_idx %arg6[%parallel_loop3A_820], %parallel_loop3A_818 : memref<65536xf32, #tpu.memory_space<vmem>>[vector<16xi32>], vector<16xf32>,
        %parallel_loop3A_821 = arith.addi %parallel_loop3A_769, %and3A_67 : vector<16xi32>
        %parallel_loop3A_822 = tpu.vector_load_idx %arg7[%parallel_loop3A_821] : memref<3280xf32, #tpu.memory_space<vmem>>[vector<16xi32>], vector<16xf32>,
        %parallel_loop3A_823 = vector.broadcast %parallel_loop3A_780 : i32 to vector<16xi32>
        %parallel_loop3A_824 = arith.addi %add3A_250, %parallel_loop3A_823 : vector<16xi32>
        tpu.vector_store_idx %arg6[%parallel_loop3A_824], %parallel_loop3A_822 : memref<65536xf32, #tpu.memory_space<vmem>>[vector<16xi32>], vector<16xf32>,
        %parallel_loop3A_825 = arith.addi %parallel_loop3A_769, %and3A_73 : vector<16xi32>
        %parallel_loop3A_826 = tpu.vector_load_idx %arg7[%parallel_loop3A_825] : memref<3280xf32, #tpu.memory_space<vmem>>[vector<16xi32>], vector<16xf32>,
        %parallel_loop3A_827 = vector.broadcast %parallel_loop3A_780 : i32 to vector<16xi32>
        %parallel_loop3A_828 = arith.addi %add3A_264, %parallel_loop3A_827 : vector<16xi32>
        tpu.vector_store_idx %arg6[%parallel_loop3A_828], %parallel_loop3A_826 : memref<65536xf32, #tpu.memory_space<vmem>>[vector<16xi32>], vector<16xf32>,
        %parallel_loop3A_829 = arith.addi %parallel_loop3A_769, %and3A_79 : vector<16xi32>
        %parallel_loop3A_830 = tpu.vector_load_idx %arg7[%parallel_loop3A_829] : memref<3280xf32, #tpu.memory_space<vmem>>[vector<16xi32>], vector<16xf32>,
        %parallel_loop3A_831 = vector.broadcast %parallel_loop3A_780 : i32 to vector<16xi32>
        %parallel_loop3A_832 = arith.addi %add3A_278, %parallel_loop3A_831 : vector<16xi32>
        tpu.vector_store_idx %arg6[%parallel_loop3A_832], %parallel_loop3A_830 : memref<65536xf32, #tpu.memory_space<vmem>>[vector<16xi32>], vector<16xf32>,
        %parallel_loop3A_833 = arith.addi %parallel_loop3A_769, %and3A_85 : vector<16xi32>
        %parallel_loop3A_834 = tpu.vector_load_idx %arg7[%parallel_loop3A_833] : memref<3280xf32, #tpu.memory_space<vmem>>[vector<16xi32>], vector<16xf32>,
        %parallel_loop3A_835 = vector.broadcast %parallel_loop3A_780 : i32 to vector<16xi32>
        %parallel_loop3A_836 = arith.addi %add3A_292, %parallel_loop3A_835 : vector<16xi32>
        tpu.vector_store_idx %arg6[%parallel_loop3A_836], %parallel_loop3A_834 : memref<65536xf32, #tpu.memory_space<vmem>>[vector<16xi32>], vector<16xf32>,
        %parallel_loop3A_837 = arith.addi %parallel_loop3A_769, %and3A_91 : vector<16xi32>
        %parallel_loop3A_838 = tpu.vector_load_idx %arg7[%parallel_loop3A_837] : memref<3280xf32, #tpu.memory_space<vmem>>[vector<16xi32>], vector<16xf32>,
        %parallel_loop3A_839 = vector.broadcast %parallel_loop3A_780 : i32 to vector<16xi32>
        %parallel_loop3A_840 = arith.addi %add3A_306, %parallel_loop3A_839 : vector<16xi32>
        tpu.vector_store_idx %arg6[%parallel_loop3A_840], %parallel_loop3A_838 : memref<65536xf32, #tpu.memory_space<vmem>>[vector<16xi32>], vector<16xf32>,
        %parallel_loop3A_841 = arith.addi %parallel_loop3A_769, %and3A_97 : vector<16xi32>
        %parallel_loop3A_842 = tpu.vector_load_idx %arg7[%parallel_loop3A_841] : memref<3280xf32, #tpu.memory_space<vmem>>[vector<16xi32>], vector<16xf32>,
        %parallel_loop3A_843 = vector.broadcast %parallel_loop3A_780 : i32 to vector<16xi32>
        %parallel_loop3A_844 = arith.addi %add3A_320, %parallel_loop3A_843 : vector<16xi32>
        tpu.vector_store_idx %arg6[%parallel_loop3A_844], %parallel_loop3A_842 : memref<65536xf32, #tpu.memory_space<vmem>>[vector<16xi32>], vector<16xf32>,
      } {sc.loop_unroll_factor = 4 : i64, sc.parallel_access}
      %mul3A_639 = arith.constant 2048 : i32
      %mul3A_640 = arith.muli %add3A_597, %mul3A_639 : i32
      %add3A_641 = arith.addi %mul3A_2, %mul3A_640 : i32
      %mul3A_642 = arith.constant 8 : i32
      %mul3A_643 = arith.muli %add3A_641, %mul3A_642 : i32
      %add3A_644 = arith.constant 0 : i32
      %add3A_645 = arith.addi %add3A_644, %mul3A_643 : i32
      %dma_start3A_646 = arith.constant 0 : i32
      %dma_start3A_647 = tpu.memref_slice %arg6[%dma_start3A_646] : memref<65536xf32, #tpu.memory_space<vmem>> -> memref<16384xf32, #tpu.memory_space<vmem>>
      %dma_start3A_648 = tpu.memref_slice %arg4[%add3A_645] : memref<52428800xf32, #tpu.memory_space<hbm>> -> memref<16384xf32, #tpu.memory_space<hbm>>
      %dma_start3A_649 = tpu.memref_slice %arg4[%add3A_645] : memref<52428800xf32, #tpu.memory_space<hbm>> -> memref<16384xf32, #tpu.memory_space<hbm>>
      %dma_start3A_650 = arith.constant 0 : i32
      %dma_start3A_651 = tpu.memref_slice %arg6[%dma_start3A_650] : memref<65536xf32, #tpu.memory_space<vmem>> -> memref<16384xf32, #tpu.memory_space<vmem>>
      tpu.enqueue_dma source(%dma_start3A_651 : memref<16384xf32, #tpu.memory_space<vmem>>) target(%dma_start3A_649 : memref<16384xf32, #tpu.memory_space<hbm>>) target_semaphore(%arg10 : memref<!tpu.dma_semaphore, #tpu.memory_space<semaphore_mem>>)
      %mul3A_652 = arith.constant 2048 : i32
      %mul3A_653 = arith.muli %add3A_597, %mul3A_652 : i32
      %add3A_654 = arith.addi %mul3A_2, %mul3A_653 : i32
      %mul3A_655 = arith.constant 8 : i32
      %mul3A_656 = arith.muli %add3A_654, %mul3A_655 : i32
      %add3A_657 = arith.constant 26214400 : i32
      %add3A_658 = arith.addi %add3A_657, %mul3A_656 : i32
      %dma_start3A_659 = arith.constant 16384 : i32
      %dma_start3A_660 = tpu.memref_slice %arg6[%dma_start3A_659] : memref<65536xf32, #tpu.memory_space<vmem>> -> memref<16384xf32, #tpu.memory_space<vmem>>
      %dma_start3A_661 = tpu.memref_slice %arg4[%add3A_658] : memref<52428800xf32, #tpu.memory_space<hbm>> -> memref<16384xf32, #tpu.memory_space<hbm>>
      %dma_start3A_662 = tpu.memref_slice %arg4[%add3A_658] : memref<52428800xf32, #tpu.memory_space<hbm>> -> memref<16384xf32, #tpu.memory_space<hbm>>
      %dma_start3A_663 = arith.constant 16384 : i32
      %dma_start3A_664 = tpu.memref_slice %arg6[%dma_start3A_663] : memref<65536xf32, #tpu.memory_space<vmem>> -> memref<16384xf32, #tpu.memory_space<vmem>>
      tpu.enqueue_dma source(%dma_start3A_664 : memref<16384xf32, #tpu.memory_space<vmem>>) target(%dma_start3A_662 : memref<16384xf32, #tpu.memory_space<hbm>>) target_semaphore(%arg10 : memref<!tpu.dma_semaphore, #tpu.memory_space<semaphore_mem>>)
      %add3A_665 = arith.constant 2 : i32
      %add3A_666 = arith.addi %add3A_597, %add3A_665 : i32
      %mul3A_667 = arith.constant 2048 : i32
      %mul3A_668 = arith.muli %add3A_666, %mul3A_667 : i32
      %add3A_669 = arith.addi %mul3A_2, %mul3A_668 : i32
      %dma_start3A_670 = arith.constant 0 : i32
      %dma_start3A_671 = tpu.memref_slice %arg5[%dma_start3A_670] : memref<4096xi32, #tpu.memory_space<vmem>> -> memref<2048xi32, #tpu.memory_space<vmem>>
      %dma_start3A_672 = tpu.memref_slice %arg2[%add3A_669] : memref<3276800xi32, #tpu.memory_space<hbm>> -> memref<2048xi32, #tpu.memory_space<hbm>>
      %dma_start3A_673 = arith.constant 0 : i32
      %dma_start3A_674 = tpu.memref_slice %arg5[%dma_start3A_673] : memref<4096xi32, #tpu.memory_space<vmem>> -> memref<2048xi32, #tpu.memory_space<vmem>>
      %dma_start3A_675 = tpu.memref_slice %arg2[%add3A_669] : memref<3276800xi32, #tpu.memory_space<hbm>> -> memref<2048xi32, #tpu.memory_space<hbm>>
      tpu.enqueue_dma source(%dma_start3A_675 : memref<2048xi32, #tpu.memory_space<hbm>>) target(%dma_start3A_674 : memref<2048xi32, #tpu.memory_space<vmem>>) target_semaphore(%arg8 : memref<!tpu.dma_semaphore, #tpu.memory_space<semaphore_mem>>)
      %mul3A_676 = arith.constant 2 : i32
      %mul3A_677 = arith.muli %scan3A_592, %mul3A_676 : i32
      %add3A_678 = arith.constant 1 : i32
      %add3A_679 = arith.addi %mul3A_677, %add3A_678 : i32
      %mul3A_680 = arith.constant 2048 : i32
      %mul3A_681 = arith.muli %add3A_679, %mul3A_680 : i32
      %add3A_682 = arith.addi %mul3A_2, %mul3A_681 : i32
      %dma_wait3A_683 = arith.constant 2048 : i32
      %dma_wait3A_684 = tpu.memref_slice %arg5[%dma_wait3A_683] : memref<4096xi32, #tpu.memory_space<vmem>> -> memref<2048xi32, #tpu.memory_space<vmem>>
      %dma_wait3A_685 = tpu.memref_slice %arg2[%add3A_682] : memref<3276800xi32, #tpu.memory_space<hbm>> -> memref<2048xi32, #tpu.memory_space<hbm>>
      %dma_wait3A_686 = arith.constant 2048 : i32
      %dma_wait3A_687 = tpu.memref_slice %arg5[%dma_wait3A_686] : memref<4096xi32, #tpu.memory_space<vmem>> -> memref<2048xi32, #tpu.memory_space<vmem>>
      %dma_wait3A_688 = tpu.memref_slice %arg2[%add3A_682] : memref<3276800xi32, #tpu.memory_space<hbm>> -> memref<2048xi32, #tpu.memory_space<hbm>>
      tpu.wait_dma2 semaphore(%arg9 : memref<!tpu.dma_semaphore, #tpu.memory_space<semaphore_mem>>) src(%dma_wait3A_688 : memref<2048xi32, #tpu.memory_space<hbm>>) dst(%dma_wait3A_687 : memref<2048xi32, #tpu.memory_space<vmem>>)
      %sub3A_689 = arith.constant 2 : i32
      %sub3A_690 = arith.subi %add3A_679, %sub3A_689 : i32
      %mul3A_691 = arith.constant 2048 : i32
      %mul3A_692 = arith.muli %sub3A_690, %mul3A_691 : i32
      %add3A_693 = arith.addi %mul3A_2, %mul3A_692 : i32
      %mul3A_694 = arith.constant 8 : i32
      %mul3A_695 = arith.muli %add3A_693, %mul3A_694 : i32
      %add3A_696 = arith.constant 0 : i32
      %add3A_697 = arith.addi %add3A_696, %mul3A_695 : i32
      %dma_wait3A_698 = arith.constant 32768 : i32
      %dma_wait3A_699 = tpu.memref_slice %arg6[%dma_wait3A_698] : memref<65536xf32, #tpu.memory_space<vmem>> -> memref<16384xf32, #tpu.memory_space<vmem>>
      %dma_wait3A_700 = tpu.memref_slice %arg4[%add3A_697] : memref<52428800xf32, #tpu.memory_space<hbm>> -> memref<16384xf32, #tpu.memory_space<hbm>>
      %dma_wait3A_701 = tpu.memref_slice %arg4[%add3A_697] : memref<52428800xf32, #tpu.memory_space<hbm>> -> memref<16384xf32, #tpu.memory_space<hbm>>
      %dma_wait3A_702 = arith.constant 32768 : i32
      %dma_wait3A_703 = tpu.memref_slice %arg6[%dma_wait3A_702] : memref<65536xf32, #tpu.memory_space<vmem>> -> memref<16384xf32, #tpu.memory_space<vmem>>
      tpu.wait_dma2 semaphore(%arg11 : memref<!tpu.dma_semaphore, #tpu.memory_space<semaphore_mem>>) src(%dma_wait3A_703 : memref<16384xf32, #tpu.memory_space<vmem>>) dst(%dma_wait3A_701 : memref<16384xf32, #tpu.memory_space<hbm>>)
      %sub3A_704 = arith.constant 2 : i32
      %sub3A_705 = arith.subi %add3A_679, %sub3A_704 : i32
      %mul3A_706 = arith.constant 2048 : i32
      %mul3A_707 = arith.muli %sub3A_705, %mul3A_706 : i32
      %add3A_708 = arith.addi %mul3A_2, %mul3A_707 : i32
      %mul3A_709 = arith.constant 8 : i32
      %mul3A_710 = arith.muli %add3A_708, %mul3A_709 : i32
      %add3A_711 = arith.constant 26214400 : i32
      %add3A_712 = arith.addi %add3A_711, %mul3A_710 : i32
      %dma_wait3A_713 = arith.constant 49152 : i32
      %dma_wait3A_714 = tpu.memref_slice %arg6[%dma_wait3A_713] : memref<65536xf32, #tpu.memory_space<vmem>> -> memref<16384xf32, #tpu.memory_space<vmem>>
      %dma_wait3A_715 = tpu.memref_slice %arg4[%add3A_712] : memref<52428800xf32, #tpu.memory_space<hbm>> -> memref<16384xf32, #tpu.memory_space<hbm>>
      %dma_wait3A_716 = tpu.memref_slice %arg4[%add3A_712] : memref<52428800xf32, #tpu.memory_space<hbm>> -> memref<16384xf32, #tpu.memory_space<hbm>>
      %dma_wait3A_717 = arith.constant 49152 : i32
      %dma_wait3A_718 = tpu.memref_slice %arg6[%dma_wait3A_717] : memref<65536xf32, #tpu.memory_space<vmem>> -> memref<16384xf32, #tpu.memory_space<vmem>>
      tpu.wait_dma2 semaphore(%arg11 : memref<!tpu.dma_semaphore, #tpu.memory_space<semaphore_mem>>) src(%dma_wait3A_718 : memref<16384xf32, #tpu.memory_space<vmem>>) dst(%dma_wait3A_716 : memref<16384xf32, #tpu.memory_space<hbm>>)
      %parallel_loop3A_719 = arith.constant 0 : i32
      %parallel_loop3A_720 = arith.constant 128 : i32
      %parallel_loop3A_721 = arith.constant 1 : i32
      scf.for %parallel_loop3A_760 = %parallel_loop3A_719 to %parallel_loop3A_720 step %parallel_loop3A_721  : i32 {
        %parallel_loop3A_761 = arith.constant 16 : i32
        %parallel_loop3A_762 = arith.muli %parallel_loop3A_760, %parallel_loop3A_761 : i32
        %parallel_loop3A_763 = arith.constant 2048 : i32
        %parallel_loop3A_764 = arith.addi %parallel_loop3A_763, %parallel_loop3A_762 : i32
        %parallel_loop3A_765 = arith.index_cast %parallel_loop3A_764 : i32 to index
        %parallel_loop3A_766 = tpu.vector_load %arg5[%parallel_loop3A_765] {strides = array<i32>} : memref<4096xi32, #tpu.memory_space<vmem>>, vector<16xi32>,
        %parallel_loop3A_767 = arith.constant 16 : i32
        %parallel_loop3A_768 = vector.broadcast %parallel_loop3A_767 : i32 to vector<16xi32>
        %parallel_loop3A_769 = arith.muli %parallel_loop3A_766, %parallel_loop3A_768 : vector<16xi32>
        %parallel_loop3A_770 = arith.constant 3 : i32
        %parallel_loop3A_771 = arith.shrsi %parallel_loop3A_760, %parallel_loop3A_770 : i32
        %parallel_loop3A_772 = arith.constant 1024 : i32
        %parallel_loop3A_773 = arith.muli %parallel_loop3A_771, %parallel_loop3A_772 : i32
        %parallel_loop3A_774 = arith.constant 32768 : i32
        %parallel_loop3A_775 = arith.addi %parallel_loop3A_774, %parallel_loop3A_773 : i32
        %parallel_loop3A_776 = arith.constant 7 : i32
        %parallel_loop3A_777 = arith.andi %parallel_loop3A_760, %parallel_loop3A_776 : i32
        %parallel_loop3A_778 = arith.constant 16 : i32
        %parallel_loop3A_779 = arith.muli %parallel_loop3A_777, %parallel_loop3A_778 : i32
        %parallel_loop3A_780 = arith.addi %parallel_loop3A_775, %parallel_loop3A_779 : i32
        %parallel_loop3A_781 = arith.addi %parallel_loop3A_769, %and3A_7 : vector<16xi32>
        %parallel_loop3A_782 = tpu.vector_load_idx %arg7[%parallel_loop3A_781] : memref<3280xf32, #tpu.memory_space<vmem>>[vector<16xi32>], vector<16xf32>,
        %parallel_loop3A_783 = vector.broadcast %parallel_loop3A_780 : i32 to vector<16xi32>
        %parallel_loop3A_784 = arith.addi %add3A_110, %parallel_loop3A_783 : vector<16xi32>
        tpu.vector_store_idx %arg6[%parallel_loop3A_784], %parallel_loop3A_782 : memref<65536xf32, #tpu.memory_space<vmem>>[vector<16xi32>], vector<16xf32>,
        %parallel_loop3A_785 = arith.addi %parallel_loop3A_769, %and3A_13 : vector<16xi32>
        %parallel_loop3A_786 = tpu.vector_load_idx %arg7[%parallel_loop3A_785] : memref<3280xf32, #tpu.memory_space<vmem>>[vector<16xi32>], vector<16xf32>,
        %parallel_loop3A_787 = vector.broadcast %parallel_loop3A_780 : i32 to vector<16xi32>
        %parallel_loop3A_788 = arith.addi %add3A_124, %parallel_loop3A_787 : vector<16xi32>
        tpu.vector_store_idx %arg6[%parallel_loop3A_788], %parallel_loop3A_786 : memref<65536xf32, #tpu.memory_space<vmem>>[vector<16xi32>], vector<16xf32>,
        %parallel_loop3A_789 = arith.addi %parallel_loop3A_769, %and3A_19 : vector<16xi32>
        %parallel_loop3A_790 = tpu.vector_load_idx %arg7[%parallel_loop3A_789] : memref<3280xf32, #tpu.memory_space<vmem>>[vector<16xi32>], vector<16xf32>,
        %parallel_loop3A_791 = vector.broadcast %parallel_loop3A_780 : i32 to vector<16xi32>
        %parallel_loop3A_792 = arith.addi %add3A_138, %parallel_loop3A_791 : vector<16xi32>
        tpu.vector_store_idx %arg6[%parallel_loop3A_792], %parallel_loop3A_790 : memref<65536xf32, #tpu.memory_space<vmem>>[vector<16xi32>], vector<16xf32>,
        %parallel_loop3A_793 = arith.addi %parallel_loop3A_769, %and3A_25 : vector<16xi32>
        %parallel_loop3A_794 = tpu.vector_load_idx %arg7[%parallel_loop3A_793] : memref<3280xf32, #tpu.memory_space<vmem>>[vector<16xi32>], vector<16xf32>,
        %parallel_loop3A_795 = vector.broadcast %parallel_loop3A_780 : i32 to vector<16xi32>
        %parallel_loop3A_796 = arith.addi %add3A_152, %parallel_loop3A_795 : vector<16xi32>
        tpu.vector_store_idx %arg6[%parallel_loop3A_796], %parallel_loop3A_794 : memref<65536xf32, #tpu.memory_space<vmem>>[vector<16xi32>], vector<16xf32>,
        %parallel_loop3A_797 = arith.addi %parallel_loop3A_769, %and3A_31 : vector<16xi32>
        %parallel_loop3A_798 = tpu.vector_load_idx %arg7[%parallel_loop3A_797] : memref<3280xf32, #tpu.memory_space<vmem>>[vector<16xi32>], vector<16xf32>,
        %parallel_loop3A_799 = vector.broadcast %parallel_loop3A_780 : i32 to vector<16xi32>
        %parallel_loop3A_800 = arith.addi %add3A_166, %parallel_loop3A_799 : vector<16xi32>
        tpu.vector_store_idx %arg6[%parallel_loop3A_800], %parallel_loop3A_798 : memref<65536xf32, #tpu.memory_space<vmem>>[vector<16xi32>], vector<16xf32>,
        %parallel_loop3A_801 = arith.addi %parallel_loop3A_769, %and3A_37 : vector<16xi32>
        %parallel_loop3A_802 = tpu.vector_load_idx %arg7[%parallel_loop3A_801] : memref<3280xf32, #tpu.memory_space<vmem>>[vector<16xi32>], vector<16xf32>,
        %parallel_loop3A_803 = vector.broadcast %parallel_loop3A_780 : i32 to vector<16xi32>
        %parallel_loop3A_804 = arith.addi %add3A_180, %parallel_loop3A_803 : vector<16xi32>
        tpu.vector_store_idx %arg6[%parallel_loop3A_804], %parallel_loop3A_802 : memref<65536xf32, #tpu.memory_space<vmem>>[vector<16xi32>], vector<16xf32>,
        %parallel_loop3A_805 = arith.addi %parallel_loop3A_769, %and3A_43 : vector<16xi32>
        %parallel_loop3A_806 = tpu.vector_load_idx %arg7[%parallel_loop3A_805] : memref<3280xf32, #tpu.memory_space<vmem>>[vector<16xi32>], vector<16xf32>,
        %parallel_loop3A_807 = vector.broadcast %parallel_loop3A_780 : i32 to vector<16xi32>
        %parallel_loop3A_808 = arith.addi %add3A_194, %parallel_loop3A_807 : vector<16xi32>
        tpu.vector_store_idx %arg6[%parallel_loop3A_808], %parallel_loop3A_806 : memref<65536xf32, #tpu.memory_space<vmem>>[vector<16xi32>], vector<16xf32>,
        %parallel_loop3A_809 = arith.addi %parallel_loop3A_769, %and3A_49 : vector<16xi32>
        %parallel_loop3A_810 = tpu.vector_load_idx %arg7[%parallel_loop3A_809] : memref<3280xf32, #tpu.memory_space<vmem>>[vector<16xi32>], vector<16xf32>,
        %parallel_loop3A_811 = vector.broadcast %parallel_loop3A_780 : i32 to vector<16xi32>
        %parallel_loop3A_812 = arith.addi %add3A_208, %parallel_loop3A_811 : vector<16xi32>
        tpu.vector_store_idx %arg6[%parallel_loop3A_812], %parallel_loop3A_810 : memref<65536xf32, #tpu.memory_space<vmem>>[vector<16xi32>], vector<16xf32>,
        %parallel_loop3A_813 = arith.addi %parallel_loop3A_769, %and3A_55 : vector<16xi32>
        %parallel_loop3A_814 = tpu.vector_load_idx %arg7[%parallel_loop3A_813] : memref<3280xf32, #tpu.memory_space<vmem>>[vector<16xi32>], vector<16xf32>,
        %parallel_loop3A_815 = vector.broadcast %parallel_loop3A_780 : i32 to vector<16xi32>
        %parallel_loop3A_816 = arith.addi %add3A_222, %parallel_loop3A_815 : vector<16xi32>
        tpu.vector_store_idx %arg6[%parallel_loop3A_816], %parallel_loop3A_814 : memref<65536xf32, #tpu.memory_space<vmem>>[vector<16xi32>], vector<16xf32>,
        %parallel_loop3A_817 = arith.addi %parallel_loop3A_769, %and3A_61 : vector<16xi32>
        %parallel_loop3A_818 = tpu.vector_load_idx %arg7[%parallel_loop3A_817] : memref<3280xf32, #tpu.memory_space<vmem>>[vector<16xi32>], vector<16xf32>,
        %parallel_loop3A_819 = vector.broadcast %parallel_loop3A_780 : i32 to vector<16xi32>
        %parallel_loop3A_820 = arith.addi %add3A_236, %parallel_loop3A_819 : vector<16xi32>
        tpu.vector_store_idx %arg6[%parallel_loop3A_820], %parallel_loop3A_818 : memref<65536xf32, #tpu.memory_space<vmem>>[vector<16xi32>], vector<16xf32>,
        %parallel_loop3A_821 = arith.addi %parallel_loop3A_769, %and3A_67 : vector<16xi32>
        %parallel_loop3A_822 = tpu.vector_load_idx %arg7[%parallel_loop3A_821] : memref<3280xf32, #tpu.memory_space<vmem>>[vector<16xi32>], vector<16xf32>,
        %parallel_loop3A_823 = vector.broadcast %parallel_loop3A_780 : i32 to vector<16xi32>
        %parallel_loop3A_824 = arith.addi %add3A_250, %parallel_loop3A_823 : vector<16xi32>
        tpu.vector_store_idx %arg6[%parallel_loop3A_824], %parallel_loop3A_822 : memref<65536xf32, #tpu.memory_space<vmem>>[vector<16xi32>], vector<16xf32>,
        %parallel_loop3A_825 = arith.addi %parallel_loop3A_769, %and3A_73 : vector<16xi32>
        %parallel_loop3A_826 = tpu.vector_load_idx %arg7[%parallel_loop3A_825] : memref<3280xf32, #tpu.memory_space<vmem>>[vector<16xi32>], vector<16xf32>,
        %parallel_loop3A_827 = vector.broadcast %parallel_loop3A_780 : i32 to vector<16xi32>
        %parallel_loop3A_828 = arith.addi %add3A_264, %parallel_loop3A_827 : vector<16xi32>
        tpu.vector_store_idx %arg6[%parallel_loop3A_828], %parallel_loop3A_826 : memref<65536xf32, #tpu.memory_space<vmem>>[vector<16xi32>], vector<16xf32>,
        %parallel_loop3A_829 = arith.addi %parallel_loop3A_769, %and3A_79 : vector<16xi32>
        %parallel_loop3A_830 = tpu.vector_load_idx %arg7[%parallel_loop3A_829] : memref<3280xf32, #tpu.memory_space<vmem>>[vector<16xi32>], vector<16xf32>,
        %parallel_loop3A_831 = vector.broadcast %parallel_loop3A_780 : i32 to vector<16xi32>
        %parallel_loop3A_832 = arith.addi %add3A_278, %parallel_loop3A_831 : vector<16xi32>
        tpu.vector_store_idx %arg6[%parallel_loop3A_832], %parallel_loop3A_830 : memref<65536xf32, #tpu.memory_space<vmem>>[vector<16xi32>], vector<16xf32>,
        %parallel_loop3A_833 = arith.addi %parallel_loop3A_769, %and3A_85 : vector<16xi32>
        %parallel_loop3A_834 = tpu.vector_load_idx %arg7[%parallel_loop3A_833] : memref<3280xf32, #tpu.memory_space<vmem>>[vector<16xi32>], vector<16xf32>,
        %parallel_loop3A_835 = vector.broadcast %parallel_loop3A_780 : i32 to vector<16xi32>
        %parallel_loop3A_836 = arith.addi %add3A_292, %parallel_loop3A_835 : vector<16xi32>
        tpu.vector_store_idx %arg6[%parallel_loop3A_836], %parallel_loop3A_834 : memref<65536xf32, #tpu.memory_space<vmem>>[vector<16xi32>], vector<16xf32>,
        %parallel_loop3A_837 = arith.addi %parallel_loop3A_769, %and3A_91 : vector<16xi32>
        %parallel_loop3A_838 = tpu.vector_load_idx %arg7[%parallel_loop3A_837] : memref<3280xf32, #tpu.memory_space<vmem>>[vector<16xi32>], vector<16xf32>,
        %parallel_loop3A_839 = vector.broadcast %parallel_loop3A_780 : i32 to vector<16xi32>
        %parallel_loop3A_840 = arith.addi %add3A_306, %parallel_loop3A_839 : vector<16xi32>
        tpu.vector_store_idx %arg6[%parallel_loop3A_840], %parallel_loop3A_838 : memref<65536xf32, #tpu.memory_space<vmem>>[vector<16xi32>], vector<16xf32>,
        %parallel_loop3A_841 = arith.addi %parallel_loop3A_769, %and3A_97 : vector<16xi32>
        %parallel_loop3A_842 = tpu.vector_load_idx %arg7[%parallel_loop3A_841] : memref<3280xf32, #tpu.memory_space<vmem>>[vector<16xi32>], vector<16xf32>,
        %parallel_loop3A_843 = vector.broadcast %parallel_loop3A_780 : i32 to vector<16xi32>
        %parallel_loop3A_844 = arith.addi %add3A_320, %parallel_loop3A_843 : vector<16xi32>
        tpu.vector_store_idx %arg6[%parallel_loop3A_844], %parallel_loop3A_842 : memref<65536xf32, #tpu.memory_space<vmem>>[vector<16xi32>], vector<16xf32>,
      } {sc.loop_unroll_factor = 4 : i64, sc.parallel_access}
      %mul3A_722 = arith.constant 2048 : i32
      %mul3A_723 = arith.muli %add3A_679, %mul3A_722 : i32
      %add3A_724 = arith.addi %mul3A_2, %mul3A_723 : i32
      %mul3A_725 = arith.constant 8 : i32
      %mul3A_726 = arith.muli %add3A_724, %mul3A_725 : i32
      %add3A_727 = arith.constant 0 : i32
      %add3A_728 = arith.addi %add3A_727, %mul3A_726 : i32
      %dma_start3A_729 = arith.constant 32768 : i32
      %dma_start3A_730 = tpu.memref_slice %arg6[%dma_start3A_729] : memref<65536xf32, #tpu.memory_space<vmem>> -> memref<16384xf32, #tpu.memory_space<vmem>>
      %dma_start3A_731 = tpu.memref_slice %arg4[%add3A_728] : memref<52428800xf32, #tpu.memory_space<hbm>> -> memref<16384xf32, #tpu.memory_space<hbm>>
      %dma_start3A_732 = tpu.memref_slice %arg4[%add3A_728] : memref<52428800xf32, #tpu.memory_space<hbm>> -> memref<16384xf32, #tpu.memory_space<hbm>>
      %dma_start3A_733 = arith.constant 32768 : i32
      %dma_start3A_734 = tpu.memref_slice %arg6[%dma_start3A_733] : memref<65536xf32, #tpu.memory_space<vmem>> -> memref<16384xf32, #tpu.memory_space<vmem>>
      tpu.enqueue_dma source(%dma_start3A_734 : memref<16384xf32, #tpu.memory_space<vmem>>) target(%dma_start3A_732 : memref<16384xf32, #tpu.memory_space<hbm>>) target_semaphore(%arg11 : memref<!tpu.dma_semaphore, #tpu.memory_space<semaphore_mem>>)
      %mul3A_735 = arith.constant 2048 : i32
      %mul3A_736 = arith.muli %add3A_679, %mul3A_735 : i32
      %add3A_737 = arith.addi %mul3A_2, %mul3A_736 : i32
      %mul3A_738 = arith.constant 8 : i32
      %mul3A_739 = arith.muli %add3A_737, %mul3A_738 : i32
      %add3A_740 = arith.constant 26214400 : i32
      %add3A_741 = arith.addi %add3A_740, %mul3A_739 : i32
      %dma_start3A_742 = arith.constant 49152 : i32
      %dma_start3A_743 = tpu.memref_slice %arg6[%dma_start3A_742] : memref<65536xf32, #tpu.memory_space<vmem>> -> memref<16384xf32, #tpu.memory_space<vmem>>
      %dma_start3A_744 = tpu.memref_slice %arg4[%add3A_741] : memref<52428800xf32, #tpu.memory_space<hbm>> -> memref<16384xf32, #tpu.memory_space<hbm>>
      %dma_start3A_745 = tpu.memref_slice %arg4[%add3A_741] : memref<52428800xf32, #tpu.memory_space<hbm>> -> memref<16384xf32, #tpu.memory_space<hbm>>
      %dma_start3A_746 = arith.constant 49152 : i32
      %dma_start3A_747 = tpu.memref_slice %arg6[%dma_start3A_746] : memref<65536xf32, #tpu.memory_space<vmem>> -> memref<16384xf32, #tpu.memory_space<vmem>>
      tpu.enqueue_dma source(%dma_start3A_747 : memref<16384xf32, #tpu.memory_space<vmem>>) target(%dma_start3A_745 : memref<16384xf32, #tpu.memory_space<hbm>>) target_semaphore(%arg11 : memref<!tpu.dma_semaphore, #tpu.memory_space<semaphore_mem>>)
      %add3A_748 = arith.constant 2 : i32
      %add3A_749 = arith.addi %add3A_679, %add3A_748 : i32
      %mul3A_750 = arith.constant 2048 : i32
      %mul3A_751 = arith.muli %add3A_749, %mul3A_750 : i32
      %add3A_752 = arith.addi %mul3A_2, %mul3A_751 : i32
      %dma_start3A_753 = arith.constant 2048 : i32
      %dma_start3A_754 = tpu.memref_slice %arg5[%dma_start3A_753] : memref<4096xi32, #tpu.memory_space<vmem>> -> memref<2048xi32, #tpu.memory_space<vmem>>
      %dma_start3A_755 = tpu.memref_slice %arg2[%add3A_752] : memref<3276800xi32, #tpu.memory_space<hbm>> -> memref<2048xi32, #tpu.memory_space<hbm>>
      %dma_start3A_756 = arith.constant 2048 : i32
      %dma_start3A_757 = tpu.memref_slice %arg5[%dma_start3A_756] : memref<4096xi32, #tpu.memory_space<vmem>> -> memref<2048xi32, #tpu.memory_space<vmem>>
      %dma_start3A_758 = tpu.memref_slice %arg2[%add3A_752] : memref<3276800xi32, #tpu.memory_space<hbm>> -> memref<2048xi32, #tpu.memory_space<hbm>>
      tpu.enqueue_dma source(%dma_start3A_758 : memref<2048xi32, #tpu.memory_space<hbm>>) target(%dma_start3A_757 : memref<2048xi32, #tpu.memory_space<vmem>>) target_semaphore(%arg9 : memref<!tpu.dma_semaphore, #tpu.memory_space<semaphore_mem>>)
      %scan3A_759 = arith.constant 0 : i32
      scf.yield %scan3A_759 : i32
    }
    %scan3A_425 = arith.constant 23 : i32
    %add3A_426 = arith.constant 98304 : i32
    %add3A_427 = arith.addi %mul3A_2, %add3A_426 : i32
    %dma_wait3A_428 = arith.constant 0 : i32
    %dma_wait3A_429 = tpu.memref_slice %arg5[%dma_wait3A_428] : memref<4096xi32, #tpu.memory_space<vmem>> -> memref<2048xi32, #tpu.memory_space<vmem>>
    %dma_wait3A_430 = tpu.memref_slice %arg2[%add3A_427] : memref<3276800xi32, #tpu.memory_space<hbm>> -> memref<2048xi32, #tpu.memory_space<hbm>>
    %dma_wait3A_431 = arith.constant 0 : i32
    %dma_wait3A_432 = tpu.memref_slice %arg5[%dma_wait3A_431] : memref<4096xi32, #tpu.memory_space<vmem>> -> memref<2048xi32, #tpu.memory_space<vmem>>
    %dma_wait3A_433 = tpu.memref_slice %arg2[%add3A_427] : memref<3276800xi32, #tpu.memory_space<hbm>> -> memref<2048xi32, #tpu.memory_space<hbm>>
    tpu.wait_dma2 semaphore(%arg8 : memref<!tpu.dma_semaphore, #tpu.memory_space<semaphore_mem>>) src(%dma_wait3A_433 : memref<2048xi32, #tpu.memory_space<hbm>>) dst(%dma_wait3A_432 : memref<2048xi32, #tpu.memory_space<vmem>>)
    %add3A_434 = arith.constant 94208 : i32
    %add3A_435 = arith.addi %mul3A_2, %add3A_434 : i32
    %mul3A_436 = arith.constant 8 : i32
    %mul3A_437 = arith.muli %add3A_435, %mul3A_436 : i32
    %add3A_438 = arith.constant 0 : i32
    %add3A_439 = arith.addi %add3A_438, %mul3A_437 : i32
    %dma_wait3A_440 = arith.constant 0 : i32
    %dma_wait3A_441 = tpu.memref_slice %arg6[%dma_wait3A_440] : memref<65536xf32, #tpu.memory_space<vmem>> -> memref<16384xf32, #tpu.memory_space<vmem>>
    %dma_wait3A_442 = tpu.memref_slice %arg4[%add3A_439] : memref<52428800xf32, #tpu.memory_space<hbm>> -> memref<16384xf32, #tpu.memory_space<hbm>>
    %dma_wait3A_443 = tpu.memref_slice %arg4[%add3A_439] : memref<52428800xf32, #tpu.memory_space<hbm>> -> memref<16384xf32, #tpu.memory_space<hbm>>
    %dma_wait3A_444 = arith.constant 0 : i32
    %dma_wait3A_445 = tpu.memref_slice %arg6[%dma_wait3A_444] : memref<65536xf32, #tpu.memory_space<vmem>> -> memref<16384xf32, #tpu.memory_space<vmem>>
    tpu.wait_dma2 semaphore(%arg10 : memref<!tpu.dma_semaphore, #tpu.memory_space<semaphore_mem>>) src(%dma_wait3A_445 : memref<16384xf32, #tpu.memory_space<vmem>>) dst(%dma_wait3A_443 : memref<16384xf32, #tpu.memory_space<hbm>>)
    %add3A_446 = arith.constant 94208 : i32
    %add3A_447 = arith.addi %mul3A_2, %add3A_446 : i32
    %mul3A_448 = arith.constant 8 : i32
    %mul3A_449 = arith.muli %add3A_447, %mul3A_448 : i32
    %add3A_450 = arith.constant 26214400 : i32
    %add3A_451 = arith.addi %add3A_450, %mul3A_449 : i32
    %dma_wait3A_452 = arith.constant 16384 : i32
    %dma_wait3A_453 = tpu.memref_slice %arg6[%dma_wait3A_452] : memref<65536xf32, #tpu.memory_space<vmem>> -> memref<16384xf32, #tpu.memory_space<vmem>>
    %dma_wait3A_454 = tpu.memref_slice %arg4[%add3A_451] : memref<52428800xf32, #tpu.memory_space<hbm>> -> memref<16384xf32, #tpu.memory_space<hbm>>
    %dma_wait3A_455 = tpu.memref_slice %arg4[%add3A_451] : memref<52428800xf32, #tpu.memory_space<hbm>> -> memref<16384xf32, #tpu.memory_space<hbm>>
    %dma_wait3A_456 = arith.constant 16384 : i32
    %dma_wait3A_457 = tpu.memref_slice %arg6[%dma_wait3A_456] : memref<65536xf32, #tpu.memory_space<vmem>> -> memref<16384xf32, #tpu.memory_space<vmem>>
    tpu.wait_dma2 semaphore(%arg10 : memref<!tpu.dma_semaphore, #tpu.memory_space<semaphore_mem>>) src(%dma_wait3A_457 : memref<16384xf32, #tpu.memory_space<vmem>>) dst(%dma_wait3A_455 : memref<16384xf32, #tpu.memory_space<hbm>>)
    %parallel_loop3A_458 = arith.constant 0 : i32
    %parallel_loop3A_459 = arith.constant 128 : i32
    %parallel_loop3A_460 = arith.constant 1 : i32
    scf.for %parallel_loop3A_592 = %parallel_loop3A_458 to %parallel_loop3A_459 step %parallel_loop3A_460  : i32 {
      %parallel_loop3A_593 = arith.constant 16 : i32
      %parallel_loop3A_594 = arith.muli %parallel_loop3A_592, %parallel_loop3A_593 : i32
      %parallel_loop3A_595 = arith.constant 0 : i32
      %parallel_loop3A_596 = arith.addi %parallel_loop3A_595, %parallel_loop3A_594 : i32
      %parallel_loop3A_597 = arith.index_cast %parallel_loop3A_596 : i32 to index
      %parallel_loop3A_598 = tpu.vector_load %arg5[%parallel_loop3A_597] {strides = array<i32>} : memref<4096xi32, #tpu.memory_space<vmem>>, vector<16xi32>,
      %parallel_loop3A_599 = arith.constant 16 : i32
      %parallel_loop3A_600 = vector.broadcast %parallel_loop3A_599 : i32 to vector<16xi32>
      %parallel_loop3A_601 = arith.muli %parallel_loop3A_598, %parallel_loop3A_600 : vector<16xi32>
      %parallel_loop3A_602 = arith.constant 3 : i32
      %parallel_loop3A_603 = arith.shrsi %parallel_loop3A_592, %parallel_loop3A_602 : i32
      %parallel_loop3A_604 = arith.constant 1024 : i32
      %parallel_loop3A_605 = arith.muli %parallel_loop3A_603, %parallel_loop3A_604 : i32
      %parallel_loop3A_606 = arith.constant 0 : i32
      %parallel_loop3A_607 = arith.addi %parallel_loop3A_606, %parallel_loop3A_605 : i32
      %parallel_loop3A_608 = arith.constant 7 : i32
      %parallel_loop3A_609 = arith.andi %parallel_loop3A_592, %parallel_loop3A_608 : i32
      %parallel_loop3A_610 = arith.constant 16 : i32
      %parallel_loop3A_611 = arith.muli %parallel_loop3A_609, %parallel_loop3A_610 : i32
      %parallel_loop3A_612 = arith.addi %parallel_loop3A_607, %parallel_loop3A_611 : i32
      %parallel_loop3A_613 = arith.addi %parallel_loop3A_601, %and3A_7 : vector<16xi32>
      %parallel_loop3A_614 = tpu.vector_load_idx %arg7[%parallel_loop3A_613] : memref<3280xf32, #tpu.memory_space<vmem>>[vector<16xi32>], vector<16xf32>,
      %parallel_loop3A_615 = vector.broadcast %parallel_loop3A_612 : i32 to vector<16xi32>
      %parallel_loop3A_616 = arith.addi %add3A_110, %parallel_loop3A_615 : vector<16xi32>
      tpu.vector_store_idx %arg6[%parallel_loop3A_616], %parallel_loop3A_614 : memref<65536xf32, #tpu.memory_space<vmem>>[vector<16xi32>], vector<16xf32>,
      %parallel_loop3A_617 = arith.addi %parallel_loop3A_601, %and3A_13 : vector<16xi32>
      %parallel_loop3A_618 = tpu.vector_load_idx %arg7[%parallel_loop3A_617] : memref<3280xf32, #tpu.memory_space<vmem>>[vector<16xi32>], vector<16xf32>,
      %parallel_loop3A_619 = vector.broadcast %parallel_loop3A_612 : i32 to vector<16xi32>
      %parallel_loop3A_620 = arith.addi %add3A_124, %parallel_loop3A_619 : vector<16xi32>
      tpu.vector_store_idx %arg6[%parallel_loop3A_620], %parallel_loop3A_618 : memref<65536xf32, #tpu.memory_space<vmem>>[vector<16xi32>], vector<16xf32>,
      %parallel_loop3A_621 = arith.addi %parallel_loop3A_601, %and3A_19 : vector<16xi32>
      %parallel_loop3A_622 = tpu.vector_load_idx %arg7[%parallel_loop3A_621] : memref<3280xf32, #tpu.memory_space<vmem>>[vector<16xi32>], vector<16xf32>,
      %parallel_loop3A_623 = vector.broadcast %parallel_loop3A_612 : i32 to vector<16xi32>
      %parallel_loop3A_624 = arith.addi %add3A_138, %parallel_loop3A_623 : vector<16xi32>
      tpu.vector_store_idx %arg6[%parallel_loop3A_624], %parallel_loop3A_622 : memref<65536xf32, #tpu.memory_space<vmem>>[vector<16xi32>], vector<16xf32>,
      %parallel_loop3A_625 = arith.addi %parallel_loop3A_601, %and3A_25 : vector<16xi32>
      %parallel_loop3A_626 = tpu.vector_load_idx %arg7[%parallel_loop3A_625] : memref<3280xf32, #tpu.memory_space<vmem>>[vector<16xi32>], vector<16xf32>,
      %parallel_loop3A_627 = vector.broadcast %parallel_loop3A_612 : i32 to vector<16xi32>
      %parallel_loop3A_628 = arith.addi %add3A_152, %parallel_loop3A_627 : vector<16xi32>
      tpu.vector_store_idx %arg6[%parallel_loop3A_628], %parallel_loop3A_626 : memref<65536xf32, #tpu.memory_space<vmem>>[vector<16xi32>], vector<16xf32>,
      %parallel_loop3A_629 = arith.addi %parallel_loop3A_601, %and3A_31 : vector<16xi32>
      %parallel_loop3A_630 = tpu.vector_load_idx %arg7[%parallel_loop3A_629] : memref<3280xf32, #tpu.memory_space<vmem>>[vector<16xi32>], vector<16xf32>,
      %parallel_loop3A_631 = vector.broadcast %parallel_loop3A_612 : i32 to vector<16xi32>
      %parallel_loop3A_632 = arith.addi %add3A_166, %parallel_loop3A_631 : vector<16xi32>
      tpu.vector_store_idx %arg6[%parallel_loop3A_632], %parallel_loop3A_630 : memref<65536xf32, #tpu.memory_space<vmem>>[vector<16xi32>], vector<16xf32>,
      %parallel_loop3A_633 = arith.addi %parallel_loop3A_601, %and3A_37 : vector<16xi32>
      %parallel_loop3A_634 = tpu.vector_load_idx %arg7[%parallel_loop3A_633] : memref<3280xf32, #tpu.memory_space<vmem>>[vector<16xi32>], vector<16xf32>,
      %parallel_loop3A_635 = vector.broadcast %parallel_loop3A_612 : i32 to vector<16xi32>
      %parallel_loop3A_636 = arith.addi %add3A_180, %parallel_loop3A_635 : vector<16xi32>
      tpu.vector_store_idx %arg6[%parallel_loop3A_636], %parallel_loop3A_634 : memref<65536xf32, #tpu.memory_space<vmem>>[vector<16xi32>], vector<16xf32>,
      %parallel_loop3A_637 = arith.addi %parallel_loop3A_601, %and3A_43 : vector<16xi32>
      %parallel_loop3A_638 = tpu.vector_load_idx %arg7[%parallel_loop3A_637] : memref<3280xf32, #tpu.memory_space<vmem>>[vector<16xi32>], vector<16xf32>,
      %parallel_loop3A_639 = vector.broadcast %parallel_loop3A_612 : i32 to vector<16xi32>
      %parallel_loop3A_640 = arith.addi %add3A_194, %parallel_loop3A_639 : vector<16xi32>
      tpu.vector_store_idx %arg6[%parallel_loop3A_640], %parallel_loop3A_638 : memref<65536xf32, #tpu.memory_space<vmem>>[vector<16xi32>], vector<16xf32>,
      %parallel_loop3A_641 = arith.addi %parallel_loop3A_601, %and3A_49 : vector<16xi32>
      %parallel_loop3A_642 = tpu.vector_load_idx %arg7[%parallel_loop3A_641] : memref<3280xf32, #tpu.memory_space<vmem>>[vector<16xi32>], vector<16xf32>,
      %parallel_loop3A_643 = vector.broadcast %parallel_loop3A_612 : i32 to vector<16xi32>
      %parallel_loop3A_644 = arith.addi %add3A_208, %parallel_loop3A_643 : vector<16xi32>
      tpu.vector_store_idx %arg6[%parallel_loop3A_644], %parallel_loop3A_642 : memref<65536xf32, #tpu.memory_space<vmem>>[vector<16xi32>], vector<16xf32>,
      %parallel_loop3A_645 = arith.addi %parallel_loop3A_601, %and3A_55 : vector<16xi32>
      %parallel_loop3A_646 = tpu.vector_load_idx %arg7[%parallel_loop3A_645] : memref<3280xf32, #tpu.memory_space<vmem>>[vector<16xi32>], vector<16xf32>,
      %parallel_loop3A_647 = vector.broadcast %parallel_loop3A_612 : i32 to vector<16xi32>
      %parallel_loop3A_648 = arith.addi %add3A_222, %parallel_loop3A_647 : vector<16xi32>
      tpu.vector_store_idx %arg6[%parallel_loop3A_648], %parallel_loop3A_646 : memref<65536xf32, #tpu.memory_space<vmem>>[vector<16xi32>], vector<16xf32>,
      %parallel_loop3A_649 = arith.addi %parallel_loop3A_601, %and3A_61 : vector<16xi32>
      %parallel_loop3A_650 = tpu.vector_load_idx %arg7[%parallel_loop3A_649] : memref<3280xf32, #tpu.memory_space<vmem>>[vector<16xi32>], vector<16xf32>,
      %parallel_loop3A_651 = vector.broadcast %parallel_loop3A_612 : i32 to vector<16xi32>
      %parallel_loop3A_652 = arith.addi %add3A_236, %parallel_loop3A_651 : vector<16xi32>
      tpu.vector_store_idx %arg6[%parallel_loop3A_652], %parallel_loop3A_650 : memref<65536xf32, #tpu.memory_space<vmem>>[vector<16xi32>], vector<16xf32>,
      %parallel_loop3A_653 = arith.addi %parallel_loop3A_601, %and3A_67 : vector<16xi32>
      %parallel_loop3A_654 = tpu.vector_load_idx %arg7[%parallel_loop3A_653] : memref<3280xf32, #tpu.memory_space<vmem>>[vector<16xi32>], vector<16xf32>,
      %parallel_loop3A_655 = vector.broadcast %parallel_loop3A_612 : i32 to vector<16xi32>
      %parallel_loop3A_656 = arith.addi %add3A_250, %parallel_loop3A_655 : vector<16xi32>
      tpu.vector_store_idx %arg6[%parallel_loop3A_656], %parallel_loop3A_654 : memref<65536xf32, #tpu.memory_space<vmem>>[vector<16xi32>], vector<16xf32>,
      %parallel_loop3A_657 = arith.addi %parallel_loop3A_601, %and3A_73 : vector<16xi32>
      %parallel_loop3A_658 = tpu.vector_load_idx %arg7[%parallel_loop3A_657] : memref<3280xf32, #tpu.memory_space<vmem>>[vector<16xi32>], vector<16xf32>,
      %parallel_loop3A_659 = vector.broadcast %parallel_loop3A_612 : i32 to vector<16xi32>
      %parallel_loop3A_660 = arith.addi %add3A_264, %parallel_loop3A_659 : vector<16xi32>
      tpu.vector_store_idx %arg6[%parallel_loop3A_660], %parallel_loop3A_658 : memref<65536xf32, #tpu.memory_space<vmem>>[vector<16xi32>], vector<16xf32>,
      %parallel_loop3A_661 = arith.addi %parallel_loop3A_601, %and3A_79 : vector<16xi32>
      %parallel_loop3A_662 = tpu.vector_load_idx %arg7[%parallel_loop3A_661] : memref<3280xf32, #tpu.memory_space<vmem>>[vector<16xi32>], vector<16xf32>,
      %parallel_loop3A_663 = vector.broadcast %parallel_loop3A_612 : i32 to vector<16xi32>
      %parallel_loop3A_664 = arith.addi %add3A_278, %parallel_loop3A_663 : vector<16xi32>
      tpu.vector_store_idx %arg6[%parallel_loop3A_664], %parallel_loop3A_662 : memref<65536xf32, #tpu.memory_space<vmem>>[vector<16xi32>], vector<16xf32>,
      %parallel_loop3A_665 = arith.addi %parallel_loop3A_601, %and3A_85 : vector<16xi32>
      %parallel_loop3A_666 = tpu.vector_load_idx %arg7[%parallel_loop3A_665] : memref<3280xf32, #tpu.memory_space<vmem>>[vector<16xi32>], vector<16xf32>,
      %parallel_loop3A_667 = vector.broadcast %parallel_loop3A_612 : i32 to vector<16xi32>
      %parallel_loop3A_668 = arith.addi %add3A_292, %parallel_loop3A_667 : vector<16xi32>
      tpu.vector_store_idx %arg6[%parallel_loop3A_668], %parallel_loop3A_666 : memref<65536xf32, #tpu.memory_space<vmem>>[vector<16xi32>], vector<16xf32>,
      %parallel_loop3A_669 = arith.addi %parallel_loop3A_601, %and3A_91 : vector<16xi32>
      %parallel_loop3A_670 = tpu.vector_load_idx %arg7[%parallel_loop3A_669] : memref<3280xf32, #tpu.memory_space<vmem>>[vector<16xi32>], vector<16xf32>,
      %parallel_loop3A_671 = vector.broadcast %parallel_loop3A_612 : i32 to vector<16xi32>
      %parallel_loop3A_672 = arith.addi %add3A_306, %parallel_loop3A_671 : vector<16xi32>
      tpu.vector_store_idx %arg6[%parallel_loop3A_672], %parallel_loop3A_670 : memref<65536xf32, #tpu.memory_space<vmem>>[vector<16xi32>], vector<16xf32>,
      %parallel_loop3A_673 = arith.addi %parallel_loop3A_601, %and3A_97 : vector<16xi32>
      %parallel_loop3A_674 = tpu.vector_load_idx %arg7[%parallel_loop3A_673] : memref<3280xf32, #tpu.memory_space<vmem>>[vector<16xi32>], vector<16xf32>,
      %parallel_loop3A_675 = vector.broadcast %parallel_loop3A_612 : i32 to vector<16xi32>
      %parallel_loop3A_676 = arith.addi %add3A_320, %parallel_loop3A_675 : vector<16xi32>
      tpu.vector_store_idx %arg6[%parallel_loop3A_676], %parallel_loop3A_674 : memref<65536xf32, #tpu.memory_space<vmem>>[vector<16xi32>], vector<16xf32>,
    } {sc.loop_unroll_factor = 4 : i64, sc.parallel_access}
    %add3A_461 = arith.constant 98304 : i32
    %add3A_462 = arith.addi %mul3A_2, %add3A_461 : i32
    %mul3A_463 = arith.constant 8 : i32
    %mul3A_464 = arith.muli %add3A_462, %mul3A_463 : i32
    %add3A_465 = arith.constant 0 : i32
    %add3A_466 = arith.addi %add3A_465, %mul3A_464 : i32
    %dma_start3A_467 = arith.constant 0 : i32
    %dma_start3A_468 = tpu.memref_slice %arg6[%dma_start3A_467] : memref<65536xf32, #tpu.memory_space<vmem>> -> memref<16384xf32, #tpu.memory_space<vmem>>
    %dma_start3A_469 = tpu.memref_slice %arg4[%add3A_466] : memref<52428800xf32, #tpu.memory_space<hbm>> -> memref<16384xf32, #tpu.memory_space<hbm>>
    %dma_start3A_470 = tpu.memref_slice %arg4[%add3A_466] : memref<52428800xf32, #tpu.memory_space<hbm>> -> memref<16384xf32, #tpu.memory_space<hbm>>
    %dma_start3A_471 = arith.constant 0 : i32
    %dma_start3A_472 = tpu.memref_slice %arg6[%dma_start3A_471] : memref<65536xf32, #tpu.memory_space<vmem>> -> memref<16384xf32, #tpu.memory_space<vmem>>
    tpu.enqueue_dma source(%dma_start3A_472 : memref<16384xf32, #tpu.memory_space<vmem>>) target(%dma_start3A_470 : memref<16384xf32, #tpu.memory_space<hbm>>) target_semaphore(%arg10 : memref<!tpu.dma_semaphore, #tpu.memory_space<semaphore_mem>>)
    %add3A_473 = arith.constant 98304 : i32
    %add3A_474 = arith.addi %mul3A_2, %add3A_473 : i32
    %mul3A_475 = arith.constant 8 : i32
    %mul3A_476 = arith.muli %add3A_474, %mul3A_475 : i32
    %add3A_477 = arith.constant 26214400 : i32
    %add3A_478 = arith.addi %add3A_477, %mul3A_476 : i32
    %dma_start3A_479 = arith.constant 16384 : i32
    %dma_start3A_480 = tpu.memref_slice %arg6[%dma_start3A_479] : memref<65536xf32, #tpu.memory_space<vmem>> -> memref<16384xf32, #tpu.memory_space<vmem>>
    %dma_start3A_481 = tpu.memref_slice %arg4[%add3A_478] : memref<52428800xf32, #tpu.memory_space<hbm>> -> memref<16384xf32, #tpu.memory_space<hbm>>
    %dma_start3A_482 = tpu.memref_slice %arg4[%add3A_478] : memref<52428800xf32, #tpu.memory_space<hbm>> -> memref<16384xf32, #tpu.memory_space<hbm>>
    %dma_start3A_483 = arith.constant 16384 : i32
    %dma_start3A_484 = tpu.memref_slice %arg6[%dma_start3A_483] : memref<65536xf32, #tpu.memory_space<vmem>> -> memref<16384xf32, #tpu.memory_space<vmem>>
    tpu.enqueue_dma source(%dma_start3A_484 : memref<16384xf32, #tpu.memory_space<vmem>>) target(%dma_start3A_482 : memref<16384xf32, #tpu.memory_space<hbm>>) target_semaphore(%arg10 : memref<!tpu.dma_semaphore, #tpu.memory_space<semaphore_mem>>)
    %add3A_485 = arith.constant 100352 : i32
    %add3A_486 = arith.addi %mul3A_2, %add3A_485 : i32
    %dma_wait3A_487 = arith.constant 2048 : i32
    %dma_wait3A_488 = tpu.memref_slice %arg5[%dma_wait3A_487] : memref<4096xi32, #tpu.memory_space<vmem>> -> memref<2048xi32, #tpu.memory_space<vmem>>
    %dma_wait3A_489 = tpu.memref_slice %arg2[%add3A_486] : memref<3276800xi32, #tpu.memory_space<hbm>> -> memref<2048xi32, #tpu.memory_space<hbm>>
    %dma_wait3A_490 = arith.constant 2048 : i32
    %dma_wait3A_491 = tpu.memref_slice %arg5[%dma_wait3A_490] : memref<4096xi32, #tpu.memory_space<vmem>> -> memref<2048xi32, #tpu.memory_space<vmem>>
    %dma_wait3A_492 = tpu.memref_slice %arg2[%add3A_486] : memref<3276800xi32, #tpu.memory_space<hbm>> -> memref<2048xi32, #tpu.memory_space<hbm>>
    tpu.wait_dma2 semaphore(%arg9 : memref<!tpu.dma_semaphore, #tpu.memory_space<semaphore_mem>>) src(%dma_wait3A_492 : memref<2048xi32, #tpu.memory_space<hbm>>) dst(%dma_wait3A_491 : memref<2048xi32, #tpu.memory_space<vmem>>)
    %add3A_493 = arith.constant 96256 : i32
    %add3A_494 = arith.addi %mul3A_2, %add3A_493 : i32
    %mul3A_495 = arith.constant 8 : i32
    %mul3A_496 = arith.muli %add3A_494, %mul3A_495 : i32
    %add3A_497 = arith.constant 0 : i32
    %add3A_498 = arith.addi %add3A_497, %mul3A_496 : i32
    %dma_wait3A_499 = arith.constant 32768 : i32
    %dma_wait3A_500 = tpu.memref_slice %arg6[%dma_wait3A_499] : memref<65536xf32, #tpu.memory_space<vmem>> -> memref<16384xf32, #tpu.memory_space<vmem>>
    %dma_wait3A_501 = tpu.memref_slice %arg4[%add3A_498] : memref<52428800xf32, #tpu.memory_space<hbm>> -> memref<16384xf32, #tpu.memory_space<hbm>>
    %dma_wait3A_502 = tpu.memref_slice %arg4[%add3A_498] : memref<52428800xf32, #tpu.memory_space<hbm>> -> memref<16384xf32, #tpu.memory_space<hbm>>
    %dma_wait3A_503 = arith.constant 32768 : i32
    %dma_wait3A_504 = tpu.memref_slice %arg6[%dma_wait3A_503] : memref<65536xf32, #tpu.memory_space<vmem>> -> memref<16384xf32, #tpu.memory_space<vmem>>
    tpu.wait_dma2 semaphore(%arg11 : memref<!tpu.dma_semaphore, #tpu.memory_space<semaphore_mem>>) src(%dma_wait3A_504 : memref<16384xf32, #tpu.memory_space<vmem>>) dst(%dma_wait3A_502 : memref<16384xf32, #tpu.memory_space<hbm>>)
    %add3A_505 = arith.constant 96256 : i32
    %add3A_506 = arith.addi %mul3A_2, %add3A_505 : i32
    %mul3A_507 = arith.constant 8 : i32
    %mul3A_508 = arith.muli %add3A_506, %mul3A_507 : i32
    %add3A_509 = arith.constant 26214400 : i32
    %add3A_510 = arith.addi %add3A_509, %mul3A_508 : i32
    %dma_wait3A_511 = arith.constant 49152 : i32
    %dma_wait3A_512 = tpu.memref_slice %arg6[%dma_wait3A_511] : memref<65536xf32, #tpu.memory_space<vmem>> -> memref<16384xf32, #tpu.memory_space<vmem>>
    %dma_wait3A_513 = tpu.memref_slice %arg4[%add3A_510] : memref<52428800xf32, #tpu.memory_space<hbm>> -> memref<16384xf32, #tpu.memory_space<hbm>>
    %dma_wait3A_514 = tpu.memref_slice %arg4[%add3A_510] : memref<52428800xf32, #tpu.memory_space<hbm>> -> memref<16384xf32, #tpu.memory_space<hbm>>
    %dma_wait3A_515 = arith.constant 49152 : i32
    %dma_wait3A_516 = tpu.memref_slice %arg6[%dma_wait3A_515] : memref<65536xf32, #tpu.memory_space<vmem>> -> memref<16384xf32, #tpu.memory_space<vmem>>
    tpu.wait_dma2 semaphore(%arg11 : memref<!tpu.dma_semaphore, #tpu.memory_space<semaphore_mem>>) src(%dma_wait3A_516 : memref<16384xf32, #tpu.memory_space<vmem>>) dst(%dma_wait3A_514 : memref<16384xf32, #tpu.memory_space<hbm>>)
    %parallel_loop3A_517 = arith.constant 0 : i32
    %parallel_loop3A_518 = arith.constant 128 : i32
    %parallel_loop3A_519 = arith.constant 1 : i32
    scf.for %parallel_loop3A_592 = %parallel_loop3A_517 to %parallel_loop3A_518 step %parallel_loop3A_519  : i32 {
      %parallel_loop3A_593 = arith.constant 16 : i32
      %parallel_loop3A_594 = arith.muli %parallel_loop3A_592, %parallel_loop3A_593 : i32
      %parallel_loop3A_595 = arith.constant 2048 : i32
      %parallel_loop3A_596 = arith.addi %parallel_loop3A_595, %parallel_loop3A_594 : i32
      %parallel_loop3A_597 = arith.index_cast %parallel_loop3A_596 : i32 to index
      %parallel_loop3A_598 = tpu.vector_load %arg5[%parallel_loop3A_597] {strides = array<i32>} : memref<4096xi32, #tpu.memory_space<vmem>>, vector<16xi32>,
      %parallel_loop3A_599 = arith.constant 16 : i32
      %parallel_loop3A_600 = vector.broadcast %parallel_loop3A_599 : i32 to vector<16xi32>
      %parallel_loop3A_601 = arith.muli %parallel_loop3A_598, %parallel_loop3A_600 : vector<16xi32>
      %parallel_loop3A_602 = arith.constant 3 : i32
      %parallel_loop3A_603 = arith.shrsi %parallel_loop3A_592, %parallel_loop3A_602 : i32
      %parallel_loop3A_604 = arith.constant 1024 : i32
      %parallel_loop3A_605 = arith.muli %parallel_loop3A_603, %parallel_loop3A_604 : i32
      %parallel_loop3A_606 = arith.constant 32768 : i32
      %parallel_loop3A_607 = arith.addi %parallel_loop3A_606, %parallel_loop3A_605 : i32
      %parallel_loop3A_608 = arith.constant 7 : i32
      %parallel_loop3A_609 = arith.andi %parallel_loop3A_592, %parallel_loop3A_608 : i32
      %parallel_loop3A_610 = arith.constant 16 : i32
      %parallel_loop3A_611 = arith.muli %parallel_loop3A_609, %parallel_loop3A_610 : i32
      %parallel_loop3A_612 = arith.addi %parallel_loop3A_607, %parallel_loop3A_611 : i32
      %parallel_loop3A_613 = arith.addi %parallel_loop3A_601, %and3A_7 : vector<16xi32>
      %parallel_loop3A_614 = tpu.vector_load_idx %arg7[%parallel_loop3A_613] : memref<3280xf32, #tpu.memory_space<vmem>>[vector<16xi32>], vector<16xf32>,
      %parallel_loop3A_615 = vector.broadcast %parallel_loop3A_612 : i32 to vector<16xi32>
      %parallel_loop3A_616 = arith.addi %add3A_110, %parallel_loop3A_615 : vector<16xi32>
      tpu.vector_store_idx %arg6[%parallel_loop3A_616], %parallel_loop3A_614 : memref<65536xf32, #tpu.memory_space<vmem>>[vector<16xi32>], vector<16xf32>,
      %parallel_loop3A_617 = arith.addi %parallel_loop3A_601, %and3A_13 : vector<16xi32>
      %parallel_loop3A_618 = tpu.vector_load_idx %arg7[%parallel_loop3A_617] : memref<3280xf32, #tpu.memory_space<vmem>>[vector<16xi32>], vector<16xf32>,
      %parallel_loop3A_619 = vector.broadcast %parallel_loop3A_612 : i32 to vector<16xi32>
      %parallel_loop3A_620 = arith.addi %add3A_124, %parallel_loop3A_619 : vector<16xi32>
      tpu.vector_store_idx %arg6[%parallel_loop3A_620], %parallel_loop3A_618 : memref<65536xf32, #tpu.memory_space<vmem>>[vector<16xi32>], vector<16xf32>,
      %parallel_loop3A_621 = arith.addi %parallel_loop3A_601, %and3A_19 : vector<16xi32>
      %parallel_loop3A_622 = tpu.vector_load_idx %arg7[%parallel_loop3A_621] : memref<3280xf32, #tpu.memory_space<vmem>>[vector<16xi32>], vector<16xf32>,
      %parallel_loop3A_623 = vector.broadcast %parallel_loop3A_612 : i32 to vector<16xi32>
      %parallel_loop3A_624 = arith.addi %add3A_138, %parallel_loop3A_623 : vector<16xi32>
      tpu.vector_store_idx %arg6[%parallel_loop3A_624], %parallel_loop3A_622 : memref<65536xf32, #tpu.memory_space<vmem>>[vector<16xi32>], vector<16xf32>,
      %parallel_loop3A_625 = arith.addi %parallel_loop3A_601, %and3A_25 : vector<16xi32>
      %parallel_loop3A_626 = tpu.vector_load_idx %arg7[%parallel_loop3A_625] : memref<3280xf32, #tpu.memory_space<vmem>>[vector<16xi32>], vector<16xf32>,
      %parallel_loop3A_627 = vector.broadcast %parallel_loop3A_612 : i32 to vector<16xi32>
      %parallel_loop3A_628 = arith.addi %add3A_152, %parallel_loop3A_627 : vector<16xi32>
      tpu.vector_store_idx %arg6[%parallel_loop3A_628], %parallel_loop3A_626 : memref<65536xf32, #tpu.memory_space<vmem>>[vector<16xi32>], vector<16xf32>,
      %parallel_loop3A_629 = arith.addi %parallel_loop3A_601, %and3A_31 : vector<16xi32>
      %parallel_loop3A_630 = tpu.vector_load_idx %arg7[%parallel_loop3A_629] : memref<3280xf32, #tpu.memory_space<vmem>>[vector<16xi32>], vector<16xf32>,
      %parallel_loop3A_631 = vector.broadcast %parallel_loop3A_612 : i32 to vector<16xi32>
      %parallel_loop3A_632 = arith.addi %add3A_166, %parallel_loop3A_631 : vector<16xi32>
      tpu.vector_store_idx %arg6[%parallel_loop3A_632], %parallel_loop3A_630 : memref<65536xf32, #tpu.memory_space<vmem>>[vector<16xi32>], vector<16xf32>,
      %parallel_loop3A_633 = arith.addi %parallel_loop3A_601, %and3A_37 : vector<16xi32>
      %parallel_loop3A_634 = tpu.vector_load_idx %arg7[%parallel_loop3A_633] : memref<3280xf32, #tpu.memory_space<vmem>>[vector<16xi32>], vector<16xf32>,
      %parallel_loop3A_635 = vector.broadcast %parallel_loop3A_612 : i32 to vector<16xi32>
      %parallel_loop3A_636 = arith.addi %add3A_180, %parallel_loop3A_635 : vector<16xi32>
      tpu.vector_store_idx %arg6[%parallel_loop3A_636], %parallel_loop3A_634 : memref<65536xf32, #tpu.memory_space<vmem>>[vector<16xi32>], vector<16xf32>,
      %parallel_loop3A_637 = arith.addi %parallel_loop3A_601, %and3A_43 : vector<16xi32>
      %parallel_loop3A_638 = tpu.vector_load_idx %arg7[%parallel_loop3A_637] : memref<3280xf32, #tpu.memory_space<vmem>>[vector<16xi32>], vector<16xf32>,
      %parallel_loop3A_639 = vector.broadcast %parallel_loop3A_612 : i32 to vector<16xi32>
      %parallel_loop3A_640 = arith.addi %add3A_194, %parallel_loop3A_639 : vector<16xi32>
      tpu.vector_store_idx %arg6[%parallel_loop3A_640], %parallel_loop3A_638 : memref<65536xf32, #tpu.memory_space<vmem>>[vector<16xi32>], vector<16xf32>,
      %parallel_loop3A_641 = arith.addi %parallel_loop3A_601, %and3A_49 : vector<16xi32>
      %parallel_loop3A_642 = tpu.vector_load_idx %arg7[%parallel_loop3A_641] : memref<3280xf32, #tpu.memory_space<vmem>>[vector<16xi32>], vector<16xf32>,
      %parallel_loop3A_643 = vector.broadcast %parallel_loop3A_612 : i32 to vector<16xi32>
      %parallel_loop3A_644 = arith.addi %add3A_208, %parallel_loop3A_643 : vector<16xi32>
      tpu.vector_store_idx %arg6[%parallel_loop3A_644], %parallel_loop3A_642 : memref<65536xf32, #tpu.memory_space<vmem>>[vector<16xi32>], vector<16xf32>,
      %parallel_loop3A_645 = arith.addi %parallel_loop3A_601, %and3A_55 : vector<16xi32>
      %parallel_loop3A_646 = tpu.vector_load_idx %arg7[%parallel_loop3A_645] : memref<3280xf32, #tpu.memory_space<vmem>>[vector<16xi32>], vector<16xf32>,
      %parallel_loop3A_647 = vector.broadcast %parallel_loop3A_612 : i32 to vector<16xi32>
      %parallel_loop3A_648 = arith.addi %add3A_222, %parallel_loop3A_647 : vector<16xi32>
      tpu.vector_store_idx %arg6[%parallel_loop3A_648], %parallel_loop3A_646 : memref<65536xf32, #tpu.memory_space<vmem>>[vector<16xi32>], vector<16xf32>,
      %parallel_loop3A_649 = arith.addi %parallel_loop3A_601, %and3A_61 : vector<16xi32>
      %parallel_loop3A_650 = tpu.vector_load_idx %arg7[%parallel_loop3A_649] : memref<3280xf32, #tpu.memory_space<vmem>>[vector<16xi32>], vector<16xf32>,
      %parallel_loop3A_651 = vector.broadcast %parallel_loop3A_612 : i32 to vector<16xi32>
      %parallel_loop3A_652 = arith.addi %add3A_236, %parallel_loop3A_651 : vector<16xi32>
      tpu.vector_store_idx %arg6[%parallel_loop3A_652], %parallel_loop3A_650 : memref<65536xf32, #tpu.memory_space<vmem>>[vector<16xi32>], vector<16xf32>,
      %parallel_loop3A_653 = arith.addi %parallel_loop3A_601, %and3A_67 : vector<16xi32>
      %parallel_loop3A_654 = tpu.vector_load_idx %arg7[%parallel_loop3A_653] : memref<3280xf32, #tpu.memory_space<vmem>>[vector<16xi32>], vector<16xf32>,
      %parallel_loop3A_655 = vector.broadcast %parallel_loop3A_612 : i32 to vector<16xi32>
      %parallel_loop3A_656 = arith.addi %add3A_250, %parallel_loop3A_655 : vector<16xi32>
      tpu.vector_store_idx %arg6[%parallel_loop3A_656], %parallel_loop3A_654 : memref<65536xf32, #tpu.memory_space<vmem>>[vector<16xi32>], vector<16xf32>,
      %parallel_loop3A_657 = arith.addi %parallel_loop3A_601, %and3A_73 : vector<16xi32>
      %parallel_loop3A_658 = tpu.vector_load_idx %arg7[%parallel_loop3A_657] : memref<3280xf32, #tpu.memory_space<vmem>>[vector<16xi32>], vector<16xf32>,
      %parallel_loop3A_659 = vector.broadcast %parallel_loop3A_612 : i32 to vector<16xi32>
      %parallel_loop3A_660 = arith.addi %add3A_264, %parallel_loop3A_659 : vector<16xi32>
      tpu.vector_store_idx %arg6[%parallel_loop3A_660], %parallel_loop3A_658 : memref<65536xf32, #tpu.memory_space<vmem>>[vector<16xi32>], vector<16xf32>,
      %parallel_loop3A_661 = arith.addi %parallel_loop3A_601, %and3A_79 : vector<16xi32>
      %parallel_loop3A_662 = tpu.vector_load_idx %arg7[%parallel_loop3A_661] : memref<3280xf32, #tpu.memory_space<vmem>>[vector<16xi32>], vector<16xf32>,
      %parallel_loop3A_663 = vector.broadcast %parallel_loop3A_612 : i32 to vector<16xi32>
      %parallel_loop3A_664 = arith.addi %add3A_278, %parallel_loop3A_663 : vector<16xi32>
      tpu.vector_store_idx %arg6[%parallel_loop3A_664], %parallel_loop3A_662 : memref<65536xf32, #tpu.memory_space<vmem>>[vector<16xi32>], vector<16xf32>,
      %parallel_loop3A_665 = arith.addi %parallel_loop3A_601, %and3A_85 : vector<16xi32>
      %parallel_loop3A_666 = tpu.vector_load_idx %arg7[%parallel_loop3A_665] : memref<3280xf32, #tpu.memory_space<vmem>>[vector<16xi32>], vector<16xf32>,
      %parallel_loop3A_667 = vector.broadcast %parallel_loop3A_612 : i32 to vector<16xi32>
      %parallel_loop3A_668 = arith.addi %add3A_292, %parallel_loop3A_667 : vector<16xi32>
      tpu.vector_store_idx %arg6[%parallel_loop3A_668], %parallel_loop3A_666 : memref<65536xf32, #tpu.memory_space<vmem>>[vector<16xi32>], vector<16xf32>,
      %parallel_loop3A_669 = arith.addi %parallel_loop3A_601, %and3A_91 : vector<16xi32>
      %parallel_loop3A_670 = tpu.vector_load_idx %arg7[%parallel_loop3A_669] : memref<3280xf32, #tpu.memory_space<vmem>>[vector<16xi32>], vector<16xf32>,
      %parallel_loop3A_671 = vector.broadcast %parallel_loop3A_612 : i32 to vector<16xi32>
      %parallel_loop3A_672 = arith.addi %add3A_306, %parallel_loop3A_671 : vector<16xi32>
      tpu.vector_store_idx %arg6[%parallel_loop3A_672], %parallel_loop3A_670 : memref<65536xf32, #tpu.memory_space<vmem>>[vector<16xi32>], vector<16xf32>,
      %parallel_loop3A_673 = arith.addi %parallel_loop3A_601, %and3A_97 : vector<16xi32>
      %parallel_loop3A_674 = tpu.vector_load_idx %arg7[%parallel_loop3A_673] : memref<3280xf32, #tpu.memory_space<vmem>>[vector<16xi32>], vector<16xf32>,
      %parallel_loop3A_675 = vector.broadcast %parallel_loop3A_612 : i32 to vector<16xi32>
      %parallel_loop3A_676 = arith.addi %add3A_320, %parallel_loop3A_675 : vector<16xi32>
      tpu.vector_store_idx %arg6[%parallel_loop3A_676], %parallel_loop3A_674 : memref<65536xf32, #tpu.memory_space<vmem>>[vector<16xi32>], vector<16xf32>,
    } {sc.loop_unroll_factor = 4 : i64, sc.parallel_access}
    %add3A_520 = arith.constant 100352 : i32
    %add3A_521 = arith.addi %mul3A_2, %add3A_520 : i32
    %mul3A_522 = arith.constant 8 : i32
    %mul3A_523 = arith.muli %add3A_521, %mul3A_522 : i32
    %add3A_524 = arith.constant 0 : i32
    %add3A_525 = arith.addi %add3A_524, %mul3A_523 : i32
    %dma_start3A_526 = arith.constant 32768 : i32
    %dma_start3A_527 = tpu.memref_slice %arg6[%dma_start3A_526] : memref<65536xf32, #tpu.memory_space<vmem>> -> memref<16384xf32, #tpu.memory_space<vmem>>
    %dma_start3A_528 = tpu.memref_slice %arg4[%add3A_525] : memref<52428800xf32, #tpu.memory_space<hbm>> -> memref<16384xf32, #tpu.memory_space<hbm>>
    %dma_start3A_529 = tpu.memref_slice %arg4[%add3A_525] : memref<52428800xf32, #tpu.memory_space<hbm>> -> memref<16384xf32, #tpu.memory_space<hbm>>
    %dma_start3A_530 = arith.constant 32768 : i32
    %dma_start3A_531 = tpu.memref_slice %arg6[%dma_start3A_530] : memref<65536xf32, #tpu.memory_space<vmem>> -> memref<16384xf32, #tpu.memory_space<vmem>>
    tpu.enqueue_dma source(%dma_start3A_531 : memref<16384xf32, #tpu.memory_space<vmem>>) target(%dma_start3A_529 : memref<16384xf32, #tpu.memory_space<hbm>>) target_semaphore(%arg11 : memref<!tpu.dma_semaphore, #tpu.memory_space<semaphore_mem>>)
    %add3A_532 = arith.constant 100352 : i32
    %add3A_533 = arith.addi %mul3A_2, %add3A_532 : i32
    %mul3A_534 = arith.constant 8 : i32
    %mul3A_535 = arith.muli %add3A_533, %mul3A_534 : i32
    %add3A_536 = arith.constant 26214400 : i32
    %add3A_537 = arith.addi %add3A_536, %mul3A_535 : i32
    %dma_start3A_538 = arith.constant 49152 : i32
    %dma_start3A_539 = tpu.memref_slice %arg6[%dma_start3A_538] : memref<65536xf32, #tpu.memory_space<vmem>> -> memref<16384xf32, #tpu.memory_space<vmem>>
    %dma_start3A_540 = tpu.memref_slice %arg4[%add3A_537] : memref<52428800xf32, #tpu.memory_space<hbm>> -> memref<16384xf32, #tpu.memory_space<hbm>>
    %dma_start3A_541 = tpu.memref_slice %arg4[%add3A_537] : memref<52428800xf32, #tpu.memory_space<hbm>> -> memref<16384xf32, #tpu.memory_space<hbm>>
    %dma_start3A_542 = arith.constant 49152 : i32
    %dma_start3A_543 = tpu.memref_slice %arg6[%dma_start3A_542] : memref<65536xf32, #tpu.memory_space<vmem>> -> memref<16384xf32, #tpu.memory_space<vmem>>
    tpu.enqueue_dma source(%dma_start3A_543 : memref<16384xf32, #tpu.memory_space<vmem>>) target(%dma_start3A_541 : memref<16384xf32, #tpu.memory_space<hbm>>) target_semaphore(%arg11 : memref<!tpu.dma_semaphore, #tpu.memory_space<semaphore_mem>>)
    %add3A_544 = arith.constant 98304 : i32
    %add3A_545 = arith.addi %mul3A_2, %add3A_544 : i32
    %mul3A_546 = arith.constant 8 : i32
    %mul3A_547 = arith.muli %add3A_545, %mul3A_546 : i32
    %add3A_548 = arith.constant 0 : i32
    %add3A_549 = arith.addi %add3A_548, %mul3A_547 : i32
    %dma_wait3A_550 = arith.constant 0 : i32
    %dma_wait3A_551 = tpu.memref_slice %arg6[%dma_wait3A_550] : memref<65536xf32, #tpu.memory_space<vmem>> -> memref<16384xf32, #tpu.memory_space<vmem>>
    %dma_wait3A_552 = tpu.memref_slice %arg4[%add3A_549] : memref<52428800xf32, #tpu.memory_space<hbm>> -> memref<16384xf32, #tpu.memory_space<hbm>>
    %dma_wait3A_553 = tpu.memref_slice %arg4[%add3A_549] : memref<52428800xf32, #tpu.memory_space<hbm>> -> memref<16384xf32, #tpu.memory_space<hbm>>
    %dma_wait3A_554 = arith.constant 0 : i32
    %dma_wait3A_555 = tpu.memref_slice %arg6[%dma_wait3A_554] : memref<65536xf32, #tpu.memory_space<vmem>> -> memref<16384xf32, #tpu.memory_space<vmem>>
    tpu.wait_dma2 semaphore(%arg10 : memref<!tpu.dma_semaphore, #tpu.memory_space<semaphore_mem>>) src(%dma_wait3A_555 : memref<16384xf32, #tpu.memory_space<vmem>>) dst(%dma_wait3A_553 : memref<16384xf32, #tpu.memory_space<hbm>>)
    %add3A_556 = arith.constant 98304 : i32
    %add3A_557 = arith.addi %mul3A_2, %add3A_556 : i32
    %mul3A_558 = arith.constant 8 : i32
    %mul3A_559 = arith.muli %add3A_557, %mul3A_558 : i32
    %add3A_560 = arith.constant 26214400 : i32
    %add3A_561 = arith.addi %add3A_560, %mul3A_559 : i32
    %dma_wait3A_562 = arith.constant 16384 : i32
    %dma_wait3A_563 = tpu.memref_slice %arg6[%dma_wait3A_562] : memref<65536xf32, #tpu.memory_space<vmem>> -> memref<16384xf32, #tpu.memory_space<vmem>>
    %dma_wait3A_564 = tpu.memref_slice %arg4[%add3A_561] : memref<52428800xf32, #tpu.memory_space<hbm>> -> memref<16384xf32, #tpu.memory_space<hbm>>
    %dma_wait3A_565 = tpu.memref_slice %arg4[%add3A_561] : memref<52428800xf32, #tpu.memory_space<hbm>> -> memref<16384xf32, #tpu.memory_space<hbm>>
    %dma_wait3A_566 = arith.constant 16384 : i32
    %dma_wait3A_567 = tpu.memref_slice %arg6[%dma_wait3A_566] : memref<65536xf32, #tpu.memory_space<vmem>> -> memref<16384xf32, #tpu.memory_space<vmem>>
    tpu.wait_dma2 semaphore(%arg10 : memref<!tpu.dma_semaphore, #tpu.memory_space<semaphore_mem>>) src(%dma_wait3A_567 : memref<16384xf32, #tpu.memory_space<vmem>>) dst(%dma_wait3A_565 : memref<16384xf32, #tpu.memory_space<hbm>>)
    %add3A_568 = arith.constant 100352 : i32
    %add3A_569 = arith.addi %mul3A_2, %add3A_568 : i32
    %mul3A_570 = arith.constant 8 : i32
    %mul3A_571 = arith.muli %add3A_569, %mul3A_570 : i32
    %add3A_572 = arith.constant 0 : i32
    %add3A_573 = arith.addi %add3A_572, %mul3A_571 : i32
    %dma_wait3A_574 = arith.constant 32768 : i32
    %dma_wait3A_575 = tpu.memref_slice %arg6[%dma_wait3A_574] : memref<65536xf32, #tpu.memory_space<vmem>> -> memref<16384xf32, #tpu.memory_space<vmem>>
    %dma_wait3A_576 = tpu.memref_slice %arg4[%add3A_573] : memref<52428800xf32, #tpu.memory_space<hbm>> -> memref<16384xf32, #tpu.memory_space<hbm>>
    %dma_wait3A_577 = tpu.memref_slice %arg4[%add3A_573] : memref<52428800xf32, #tpu.memory_space<hbm>> -> memref<16384xf32, #tpu.memory_space<hbm>>
    %dma_wait3A_578 = arith.constant 32768 : i32
    %dma_wait3A_579 = tpu.memref_slice %arg6[%dma_wait3A_578] : memref<65536xf32, #tpu.memory_space<vmem>> -> memref<16384xf32, #tpu.memory_space<vmem>>
    tpu.wait_dma2 semaphore(%arg11 : memref<!tpu.dma_semaphore, #tpu.memory_space<semaphore_mem>>) src(%dma_wait3A_579 : memref<16384xf32, #tpu.memory_space<vmem>>) dst(%dma_wait3A_577 : memref<16384xf32, #tpu.memory_space<hbm>>)
    %add3A_580 = arith.constant 100352 : i32
    %add3A_581 = arith.addi %mul3A_2, %add3A_580 : i32
    %mul3A_582 = arith.constant 8 : i32
    %mul3A_583 = arith.muli %add3A_581, %mul3A_582 : i32
    %add3A_584 = arith.constant 26214400 : i32
    %add3A_585 = arith.addi %add3A_584, %mul3A_583 : i32
    %dma_wait3A_586 = arith.constant 49152 : i32
    %dma_wait3A_587 = tpu.memref_slice %arg6[%dma_wait3A_586] : memref<65536xf32, #tpu.memory_space<vmem>> -> memref<16384xf32, #tpu.memory_space<vmem>>
    %dma_wait3A_588 = tpu.memref_slice %arg4[%add3A_585] : memref<52428800xf32, #tpu.memory_space<hbm>> -> memref<16384xf32, #tpu.memory_space<hbm>>
    %dma_wait3A_589 = tpu.memref_slice %arg4[%add3A_585] : memref<52428800xf32, #tpu.memory_space<hbm>> -> memref<16384xf32, #tpu.memory_space<hbm>>
    %dma_wait3A_590 = arith.constant 49152 : i32
    %dma_wait3A_591 = tpu.memref_slice %arg6[%dma_wait3A_590] : memref<65536xf32, #tpu.memory_space<vmem>> -> memref<16384xf32, #tpu.memory_space<vmem>>
    tpu.wait_dma2 semaphore(%arg11 : memref<!tpu.dma_semaphore, #tpu.memory_space<semaphore_mem>>) src(%dma_wait3A_591 : memref<16384xf32, #tpu.memory_space<vmem>>) dst(%dma_wait3A_589 : memref<16384xf32, #tpu.memory_space<hbm>>)
    return
  }
}

</mosaic_0001>

<sc_bundles>
// kernel: kernel.3.cloned.1.call-start
scs
__scs_entry_jumppad:
0x0: {  	(pc) =	sbr.rel $0x88, $3  }
0x1: {  	(tag) =	ssettag $0x0;
	lr =	simm.s32 $0x1  }
0x2: {  	[smem:$0x3F9F] =	sst lr;
	_ =	strace $0xD0000000  }
0x3: {  	_ = 	snop  }
0x4: {  	_ = 	snop  }
0x5: {  	_ = 	snop  }
0x6: {  	_ = 	snop  }
0x7: {  	_ = 	snop  }
__scs_overlays_trampoline_lowered:
0x8: {  	[smem:$0x3FAE] =	sst s0  }
0x9: {  	[smem:$0x3FAF] =	sst s1  }
0xa: {  	[smem:$0x3FB0] =	sst s2  }
0xb: {  	[smem:$0x3FB1] =	sst s3  }
0xc: {  	[smem:$0x3FB2] =	sst s4  }
0xd: {  	[smem:$0x3FB3] =	sst s5  }
0xe: {  	[smem:$0x3FB4] =	sst s6  }
0xf: {  	[smem:$0x3FB5] =	sst s7  }
0x10: {  	[smem:$0x3FB6] =	sst s8  }
0x11: {  	[smem:$0x3FB7] =	sst s9;
	s0 =	simm.s32 @!p0 $0x0  }
0x12: {  	s1 =	sld [smem:$0x3F9D];
	s0 =	simm.s32 @p0 $0x1  }
0x13: {  	[smem:$0x3FB8] =	sst s0;
	s0 =	simm.s32 @!p1 $0x0  }
0x14: {  	s2 =	sld [smem:$0x3F9C];
	s0 =	simm.s32 @p1 $0x1  }
0x15: {  	[smem:$0x3FB9] =	sst s0;
	s0 =	simm.s32 @!p2 $0x0  }
0x16: {  	s3 =	sld [smem:$0x3FDB];
	s0 =	simm.s32 @p2 $0x1  }
0x17: {  	s4 =	simm.s32 $0x1BF5;
	[smem:$0x3FBB] =	sst s0  }
0x18: {  	s0 =	sld [smem:$0x3F9E];
	_ =	swait.ge [sflag:s4], $0x0  }
0x19: {  	s7 =	sld [smem:$0x3F9F]  }
0x1a: {  	s8 =	sadd.s32 $0xFFFFE003, lr  }
0x1b: {  	s9 =	sadd.s32 $0xFFFFFEF7, lr;
	s5 =	simm.s32 $0xFFFFFFFF;
	p2 =	slt.u32 s8, $0xFFFFF086  }
0x1c: {  	p1 =	slt.u32 s9, $0xF7A;
	s5 =	simm.s32 @!p2 $0x0  }
0x1d: {  	s5 =	simm.s32 @p1 $0x1;
	p0 =	seq.s32 s7, s2  }
0x1e: {  	s7 =	smul.u32 @!p0 $0xF7A, s2;
	p2 =	seq.s32 @!p0 s5, $0x0  }
0x1f: {  	s9 =	smul.u32 $0xF7A, s1;
	s8 =	simm.s32 @!p0 $0x1BF5;
	p2 =	por !p2, p0  }
0x20: {  	[sflag:s8] =	ssyncset.s32 @!p0 $0xFFFFF086;
	s6 =	sadd.s32 @!p0 s3, s7;
	s7 =	simm.s32 @!p0 $0x108  }
0x21: {  	s3 =	sadd.s32 s3, s9;
	s6 =	sadd.s32 @!p0 $0x88, s6;
	s7 =	simm.s32 @p2 $0x1082  }
0x22: {  	[simem:s7], [sflag:s8] =	dma.local @!p0 [hbm:s6], $0xF7A  }
0x23: {  	s9 =	sor.u32 $0xD0000000, s2;
	s6 =	simm.s32 $0x108;
	_ =	swait.ge @!p0 [sflag:s8], $0x0  }
0x24: {  	s3 =	sadd.s32 $0x88, s3;
	s6 =	simm.s32 @!p1 $0x1082;
	[sflag:s4] =	ssyncset.s32 $0xFFFFF086  }
0x25: {  	[simem:s6], [sflag:s4] =	dma.local [hbm:s3], $0xF7A  }
0x26: {  	[smem:$0x3F9F] =	sst s1;
	(tag) =	ssettag s2;
	_ =	strace s9  }
0x27: {  	s1 =	sld [smem:$0x3FAF]  }
0x28: {  	s2 =	sld [smem:$0x3FB0]  }
0x29: {  	s4 =	sld [smem:$0x3FB2]  }
0x2a: {  	p0 =	seq.s32 s5, $0x0;
	s5 =	sld [smem:$0x3FB3]  }
0x2b: {  	s6 =	sld [smem:$0x3FB4]  }
0x2c: {  	s7 =	sld [smem:$0x3FB5]  }
0x2d: {  	s3 =	simm.s32 $0x108;
	s8 =	sld [smem:$0x3FB6]  }
0x2e: {  	s3 =	simm.s32 @!p0 $0x1082;
	s9 =	sld [smem:$0x3FB7]  }
0x2f: {  	lr =	sadd.s32 s0, s3;
	s0 =	sld [smem:$0x3FAE]  }
0x30: {  	s3 =	sld [smem:$0x3FB1]  }
0x31: {  	[smem:$0x3FBA] =	sst s10  }
0x32: {  	s10 =	sld [smem:$0x3FB8];
	_ =	sdelay $0x3  }
0x33: {  	p0 =	seq.s32 s10, $0x1;
	s10 =	sld [smem:$0x3FBA];
	_ =	sdelay $0x3  }
0x34: {  	[smem:$0x3FBA] =	sst s10  }
0x35: {  	s10 =	sld [smem:$0x3FB9];
	_ =	sdelay $0x3  }
0x36: {  	p1 =	seq.s32 s10, $0x1;
	s10 =	sld [smem:$0x3FBA];
	_ =	sdelay $0x3  }
0x37: {  	[smem:$0x3FBA] =	sst s10  }
0x38: {  	s10 =	sld [smem:$0x3FBB]  }
0x39: {  	_ = 	snop;
	(pc) =	sbr.ind lr, $3  }
0x3a: {  	_ = 	snop  }
0x3b: {  	_ = 	snop  }
0x3c: {  	p2 =	seq.s32 s10, $0x1;
	s10 =	sld [smem:$0x3FBA]  }
0x3d: {  	_ =	shalt  }
0x3e: {  	_ =	shalt  }
0x3f: {  	_ =	shalt  }
0x40: {  	_ =	shalt  }
0x41: {  	_ =	shalt  }
0x42: {  	_ =	shalt  }
0x43: {  	_ =	shalt  }
0x44: {  	_ =	shalt  }
0x45: {  	_ =	shalt  }
0x46: {  	_ =	shalt  }
0x47: {  	_ =	shalt  }
0x48: {  	_ =	shalt  }
0x49: {  	_ =	shalt  }
0x4a: {  	_ =	shalt  }
0x4b: {  	_ =	shalt  }
0x4c: {  	_ =	shalt  }
0x4d: {  	_ =	shalt  }
0x4e: {  	_ =	shalt  }
0x4f: {  	_ =	shalt  }
0x50: {  	_ =	shalt  }
0x51: {  	_ =	shalt  }
0x52: {  	_ =	shalt  }
0x53: {  	_ =	shalt  }
0x54: {  	_ =	shalt  }
0x55: {  	_ =	shalt  }
0x56: {  	_ =	shalt  }
0x57: {  	_ =	shalt  }
0x58: {  	_ =	shalt  }
0x59: {  	_ =	shalt  }
0x5a: {  	_ =	shalt  }
0x5b: {  	_ =	shalt  }
0x5c: {  	_ =	shalt  }
0x5d: {  	_ =	shalt  }
0x5e: {  	_ =	shalt  }
0x5f: {  	_ =	shalt  }
0x60: {  	_ =	shalt  }
0x61: {  	_ =	shalt  }
0x62: {  	_ =	shalt  }
0x63: {  	_ =	shalt  }
0x64: {  	_ =	shalt  }
0x65: {  	_ =	shalt  }
0x66: {  	_ =	shalt  }
0x67: {  	_ =	shalt  }
0x68: {  	_ =	shalt  }
0x69: {  	_ =	shalt  }
0x6a: {  	_ =	shalt  }
0x6b: {  	_ =	shalt  }
0x6c: {  	_ =	shalt  }
0x6d: {  	_ =	shalt  }
0x6e: {  	_ =	shalt  }
0x6f: {  	_ =	shalt  }
0x70: {  	_ =	shalt  }
0x71: {  	_ =	shalt  }
0x72: {  	_ =	shalt  }
0x73: {  	_ =	shalt  }
0x74: {  	_ =	shalt  }
0x75: {  	_ =	shalt  }
0x76: {  	_ =	shalt  }
0x77: {  	_ =	shalt  }
0x78: {  	_ =	shalt  }
0x79: {  	_ =	shalt  }
0x7a: {  	_ =	shalt  }
0x7b: {  	_ =	shalt  }
0x7c: {  	_ =	shalt  }
0x7d: {  	_ =	shalt  }
0x7e: {  	_ =	shalt  }
0x7f: {  	_ =	shalt  }
0x80: {  	_ =	shalt  }
0x81: {  	_ =	shalt  }
0x82: {  	_ =	shalt  }
0x83: {  	_ =	shalt  }
0x84: {  	_ =	shalt  }
0x85: {  	_ =	shalt  }
0x86: {  	_ =	shalt  }
0x87: {  	_ =	shalt  }
.Lfunc_end0:
.L_simem_size_0:
called_computation_lowered:
.L_overlay_start_0:
0x88: {  	s2 =	sld [smem:$0x3FD9]  }
0x89: {  	s3 =	sld [smem:$0x3FFE];
	_ =	sdelay $0x1  }
0x8a: {  	s1 =	srdreg.scid  }
0x8b: {  	s0 =	sand.u32 $0x1, s1  }
0x8c: {  	s17 =	sshll.u32 s0, $0xA;
	s2 =	sadd.s32 s3, s2  }
0x8d: {  	s2 =	sadd.s32 s2, s17  }
0x8e: {  	[smem:$0x3FC6] =	sst s2  }
0x8f: {  	_ = 	snop  }
0x90: {  	s2 =	sld [smem:$0x3FD0];
	(tm) =	ssettm $0x1  }
0x91: {  	s18 =	sld [smem:$0x3FFB];
	_ =	sdelay $0x3  }
0x92: {  	_ =	strace s18  }
0x93: {  	s3 =	sld [smem:$0x3FFC];
	_ =	sdelay $0x3  }
0x94: {  	_ =	strace s3  }
0x95: {  	s3 =	sld [smem:$0x3FFD];
	_ =	sdelay $0x3  }
0x96: {  	_ =	strace s3  }
0x97: {  	_ =	strace $0x8FFFFFFF  }
0x98: {  	s19 =	sld [smem:$0x3FDB];
	_ =	sdelay $0x1  }
0x99: {  	s4 =	simm.s32 $_scs_section_size  }
0x9a: {  	s5 =	simm.s32 $_size__tile_overlayer_lowered;
	s6 =	simm.s32 $_tile_overlayer_lowered  }
0x9b: {  	s22 =	simm.s32 $0x1BFF;
	s21 =	sshll.u32 s6, $0x1;
	s3 =	sadd.s32 s4, s19  }
0x9c: {  	s7 =	simm.s32 $0x0;
	s20 =	sshll.u32 s5, $0x1;
	s5 =	sadd.s32 s21, s3  }
0x9d: {  	[timem:s7], [sflag:s22] =	dma.local [hbm:s5], s20  }
0x9e: {  	_ =	swait.ge [sflag:s22], s20  }
0x9f: {  	s4 =	ssub.s32 $0x0, s20;
	[sflag:s22] =	ssyncset.done $0x0  }
0xa0: {  	[sflag:s22] =	ssyncadd.s32 s4;
	_ =	sdelay $0x1  }
0xa1: {  	s23 =	simm.s32 $0x1B8B  }
0xa2: {  	_ =	swait.ge [sflag:s23], $0x1  }
0xa3: {  	[sflag:s23] =	ssyncset.done $0x0  }
0xa4: {  	s25 =	simm.s32 $0x1B8E;
	s24 =	sld [smem:$0x3FFE];
	[sflag:s23] =	ssyncadd.s32 $0xFFFFFFFF  }
0xa5: {  	s26 =	simm.s32 $execute0_lowered;
	[smem:$0x3FD2] =	sst s25  }
0xa6: {  	s5 =	sshll.u32 s26, $0x1;
	_ =	strace $0x80000046;
	[dreg:$0x1] =	wrdreg $0xFFFFFFFF  }
0xa7: {  	s28 =	simm.s32 $_size_execute0_lowered;
	s3 =	sadd.s32 s3, s5;
	[dreg:$0x0] =	wrdreg $0x0  }
0xa8: {  	s5 =	sshll.u32 s28, $0x1;
	[dreg:$0x2] =	wrdreg s3  }
0xa9: {  	[dreg:$0x3] =	wrdreg s5  }
0xaa: {  	[dreg:$0x4] =	wrdreg $0xC0  }
0xab: {  	_ =	task [dreg:s7], $0x5FFFF  }
0xac: {  	[dreg:$0x1] =	wrdreg $0xFFFFFFFF  }
0xad: {  	[dreg:$0x0] =	wrdreg $0x60  }
0xae: {  	[dreg:$0x2] =	wrdreg s24  }
0xaf: {  	[dreg:$0x3] =	wrdreg s2  }
0xb0: {  	[dreg:$0x4] =	wrdreg $0x9  }
0xb1: {  	_ =	task.clear_ibuf [dreg:s7], $0x5FFFF;
	_ =	strace $0x90000046  }
0xb2: {  	s29 =	simm.s32 $0x9;
	_ =	strace $0x80000048  }
0xb3: {  	_ =	swait.ge [sflag:s29], $0x1  }
0xb4: {  	[sflag:s29] =	ssyncadd.s32 $0xFFFFFFFF  }
0xb5: {  	_ =	strace $0x90000048  }
0xb6: {  	_ =	sfence  }
0xb7: {  	s30 =	sld [smem:$0x0];
	_ =	sdelay $0x2  }
0xb8: {  	s31 =	sshll.u32 s1, $0xD;
	s1 =	sshrl.u32 s1, $0x2  }
0xb9: {  	s3 =	sand.u32 $0x4000, s31;
	s1 =	sadd.s32 s1, s30  }
0xba: {  	s0 =	sor.u32 s3, s0;
	s1 =	sshll.u32 s1, $0x11  }
0xbb: {  	s0 =	sor.u32 s1, s0  }
0xbc: {  	s0 =	sadd.s32 $0x8F2B, s0  }
0xbd: {  	[sflag:s0] =	ssyncadd.remote.s32 $0x1  }
0xbe: {  	_ =	sfence.sel $0xFFFF  }
0xbf: {  	[dreg:$0x0] =	wrdreg $0xFFFFFFFF;
	(pc) =	sbr.abs _section_cstart, $3  }
0xc0: {  	[dreg:$0x1] =	wrdreg $0xFFFFFFFF  }
0xc1: {  	_ =	task.clear_ibuf [dreg:s7], $0x2FFFF;
	_ =	strace $0x9FFFFFFF  }
0xc2: {  	(tm) =	ssettm $0x7FFFFFFF  }
0xc3: {  	_ =	shalt  }
tec
execute0_lowered:
.L_overlay_start_1:
0x0: {  	(tag) =	ssettag $0x1  }
0x1: {  	v0 =	vimm.s32 $0x438F;
	vm14 =	vcmask $0x300  }
0x2: {  	vm13 =	vcmask $0x704;
	vm12 =	vcmask $0xB08;
	vm11 =	vcmask $0xF0C  }
0x3: {  	vm10 =	vcmask $0x1310;
	vm9 =	vcmask $0x1714;
	vm8 =	vcmask $0x1B18  }
0x4: {  	vm7 =	vcmask $0x1F1C;
	vm6 =	vcmask $0x2320;
	vm4 =	vcmask $0x2724  }
0x5: {  	vm3 =	vcmask $0x2B28;
	v1 =	vimm.s32 $0xF;
	vm2 =	vcmask $0x2F2C  }
0x6: {  	vm1 =	vcmask $0x3330;
	vm0 =	vcmask $0x3734;
	v3 =	vimm.s32 $0xFEDCBA9  }
0x7: {  	v4 =	vimm.s32 $0x87654321;
	v38 =	vimm.s32 $0x8F;
	vm5 =	vcmask $0x3B38  }
0x8: {  	v6 =	vimm.s32 $0x98765432;
	v7 =	vimm.s32 $0x10F;
	v8 =	vimm.s32 $0x18F  }
0x9: {  	v9 =	vimm.s32 $0xA9876543;
	v12 =	vimm.s32 $0x28F;
	v13 =	vimm.s32 $0xCBA98765  }
0xa: {  	v14 =	vimm.s32 $0xDCBA9876;
	v26 =	vimm.s32 $0x76543210;
	v33 =	vimm.s32 $0x408F  }
0xb: {  	v53 =	vimm.s32 $0x420F;
	v0 =	vsel vm14, $0x0, v0;
	v1 =	vsel vm14, $0x80, v1  }
0xc: {  	v3 =	vunpack.c.l.s4.s8 v3;
	v4 =	vunpack.c.l.s4.s8 v4;
	v6 =	vunpack.c.l.s4.s8 v6  }
0xd: {  	v8 =	vsel vm14, $0x200, v8;
	v9 =	vunpack.c.l.s4.s8 v9;
	v12 =	vsel vm14, $0x300, v12  }
0xe: {  	v13 =	vunpack.c.l.s4.s8 v13;
	v14 =	vunpack.c.l.s4.s8 v14;
	v1 =	vsel vm13, $0x101, v1  }
0xf: {  	v26 =	vunpack.c.l.s4.s8 v26;
	v0 =	vsel vm13, $0x81, v0;
	v1 =	vsel vm12, $0x182, v1  }
0x10: {  	v8 =	vsel vm13, $0x281, v8;
	v12 =	vsel vm13, $0x381, v12;
	v1 =	vsel vm11, $0x203, v1  }
0x11: {  	v0 =	vsel vm12, $0x102, v0;
	v16 =	vunpack.c.0.s8.s32 v3;
	v1 =	vsel vm10, $0x284, v1  }
0x12: {  	v17 =	vunpack.c.0.s8.s32 v4;
	v3 =	vsel vm14, $0x100, v38;
	v1 =	vsel vm9, $0x305, v1  }
0x13: {  	v19 =	vunpack.c.0.s8.s32 v6;
	v21 =	vunpack.c.0.s8.s32 v9;
	v1 =	vsel vm8, $0x386, v1  }
0x14: {  	v9 =	vimm.s32 $0xBA987654;
	v3 =	vsel vm13, $0x181, v3;
	v1 =	vsel vm7, $0x4007, v1  }
0x15: {  	v4 =	vcombine.low v17, v16;
	v3 =	vsel vm12, $0x202, v3;
	v1 =	vsel vm6, $0x4088, v1  }
0x16: {  	v25 =	vunpack.c.0.s8.s32 v13;
	v3 =	vsel vm11, $0x283, v3;
	v5 =	vsel vm4, $0x4109, v1  }
0x17: {  	v40 =	vand.u32 $0xF, v4;
	v3 =	vsel vm10, $0x304, v3;
	v5 =	vsel vm3, $0x418A, v5  }
0x18: {  	v3 =	vsel vm9, $0x385, v3;
	v4 =	vsel vm2, $0x420B, v5;
	v5 =	vimm.s32 $0x10FEDCBA  }
0x19: {  	v28 =	vunpack.c.0.s8.s32 v14;
	v3 =	vsel vm8, $0x4006, v3;
	v5 =	vunpack.c.l.s4.s8 v5  }
0x1a: {  	v14 =	vimm.s32 $0xEDCBA987;
	v0 =	vsel vm11, $0x183, v0;
	v3 =	vsel vm7, $0x4087, v3  }
0x1b: {  	v3 =	vsel vm6, $0x4108, v3;
	v18 =	vunpack.c.0.s8.s32 v5;
	v5 =	vsel vm14, $0x180, v7  }
0x1c: {  	v9 =	vunpack.c.l.s4.s8 v9;
	v3 =	vsel vm4, $0x4189, v3;
	v5 =	vsel vm13, $0x201, v5  }
0x1d: {  	v4 =	vsel vm1, $0x428C, v4;
	v3 =	vsel vm3, $0x420A, v3;
	v5 =	vsel vm12, $0x282, v5  }
0x1e: {  	v7 =	vsel vm2, $0x428B, v3;
	v6 =	vcombine.low v19, v18;
	v5 =	vsel vm11, $0x303, v5  }
0x1f: {  	v4 =	vsel vm0, $0x430D, v4;
	v7 =	vsel vm1, $0x430C, v7;
	v5 =	vsel vm10, $0x384, v5  }
0x20: {  	v42 =	vand.u32 $0xF, v6;
	v6 =	vsel vm0, $0x438D, v7;
	v7 =	vsel vm9, $0x4005, v5  }
0x21: {  	v0 =	vsel vm10, $0x204, v0;
	v41 =	vsel vm5, $0x438E, v4;
	v7 =	vsel vm8, $0x4086, v7  }
0x22: {  	v4 =	vsel vm5, $0xE, v6;
	v6 =	vimm.s32 $0x210FEDCB;
	v7 =	vsel vm7, $0x4107, v7  }
0x23: {  	v0 =	vsel vm9, $0x285, v0;
	v6 =	vunpack.c.l.s4.s8 v6;
	v7 =	vsel vm6, $0x4188, v7  }
0x24: {  	v14 =	vunpack.c.l.s4.s8 v14;
	v0 =	vsel vm8, $0x306, v0;
	v7 =	vsel vm4, $0x4209, v7  }
0x25: {  	v20 =	vunpack.c.0.s8.s32 v6;
	v6 =	vsel vm3, $0x428A, v7;
	v7 =	vsel vm12, $0x302, v8  }
0x26: {  	v23 =	vunpack.c.0.s8.s32 v9;
	v0 =	vsel vm7, $0x387, v0;
	v7 =	vsel vm11, $0x383, v7  }
0x27: {  	v0 =	vsel vm6, $0x4008, v0;
	v8 =	vimm.s32 $0x3210FEDC;
	v7 =	vsel vm10, $0x4004, v7  }
0x28: {  	v6 =	vsel vm2, $0x430B, v6;
	v8 =	vunpack.c.l.s4.s8 v8;
	v7 =	vsel vm9, $0x4085, v7  }
0x29: {  	v10 =	vcombine.low v21, v20;
	v11 =	vsel vm1, $0x438C, v6;
	v6 =	vsel vm8, $0x4106, v7  }
0x2a: {  	v0 =	vsel vm4, $0x4089, v0;
	v22 =	vunpack.c.0.s8.s32 v8;
	v7 =	vsel vm7, $0x4187, v6  }
0x2b: {  	v5 =	vand.u32 $0xF, v10;
	v8 =	vsel vm0, $0xD, v11;
	v7 =	vsel vm6, $0x4208, v7  }
0x2c: {  	v11 =	vimm.s32 $0x20F;
	v9 =	vcombine.low v23, v22;
	v10 =	vsel vm4, $0x4289, v7  }
0x2d: {  	v0 =	vsel vm3, $0x410A, v0;
	v11 =	vsel vm14, $0x280, v11;
	v10 =	vsel vm3, $0x430A, v10  }
0x2e: {  	v44 =	vand.u32 $0xF, v9;
	v9 =	vsel vm2, $0x438B, v10;
	v10 =	vsel vm13, $0x301, v11  }
0x2f: {  	v32 =	vunpack.c.0.s8.s32 v14;
	v2 =	vsel vm2, $0x418B, v0;
	v10 =	vsel vm12, $0x382, v10  }
0x30: {  	v2 =	vsel vm1, $0x420C, v2;
	v11 =	vimm.s32 $0x43210FED;
	v10 =	vsel vm11, $0x4003, v10  }
0x31: {  	v2 =	vsel vm0, $0x428D, v2;
	v11 =	vunpack.c.l.s4.s8 v11;
	v10 =	vsel vm10, $0x4084, v10  }
0x32: {  	v39 =	vsel vm5, $0x430E, v2;
	v43 =	vsel vm5, $0x8E, v8;
	v10 =	vsel vm9, $0x4105, v10  }
0x33: {  	v24 =	vunpack.c.0.s8.s32 v11;
	v11 =	vsel vm12, $0x4002, v12;
	v10 =	vsel vm8, $0x4186, v10  }
0x34: {  	v9 =	vsel vm1, $0xC, v9;
	v11 =	vsel vm11, $0x4083, v11;
	v10 =	vsel vm7, $0x4207, v10  }
0x35: {  	v11 =	vsel vm10, $0x4104, v11;
	v12 =	vcombine.low v25, v24;
	v10 =	vsel vm6, $0x4288, v10  }
0x36: {  	v9 =	vsel vm0, $0x8D, v9;
	v11 =	vsel vm9, $0x4185, v11;
	v10 =	vsel vm4, $0x4309, v10  }
0x37: {  	v11 =	vsel vm8, $0x4206, v11;
	v45 =	vand.u32 $0xF, v12;
	v13 =	vsel vm3, $0x438A, v10  }
0x38: {  	v11 =	vsel vm7, $0x4287, v11;
	v12 =	vsel vm2, $0xB, v13;
	v13 =	vimm.s32 $0x543210FE  }
0x39: {  	v11 =	vsel vm6, $0x4308, v11;
	v12 =	vsel vm1, $0x8C, v12;
	v13 =	vunpack.c.l.s4.s8 v13  }
0x3a: {  	v6 =	vsel vm5, $0x10E, v9;
	v11 =	vsel vm4, $0x4389, v11;
	v12 =	vsel vm0, $0x10D, v12  }
0x3b: {  	v15 =	vsel vm3, $0xA, v11;
	v46 =	vsel vm5, $0x18E, v12;
	v27 =	vunpack.c.0.s8.s32 v13  }
0x3c: {  	v12 =	vsel vm2, $0x8B, v15;
	v13 =	vimm.s32 $0x6543210F;
	v15 =	vimm.s32 $0xFEDCBA98  }
0x3d: {  	v12 =	vsel vm1, $0x10C, v12;
	v13 =	vunpack.c.l.s4.s8 v13;
	v15 =	vunpack.c.l.s4.s8 v15  }
0x3e: {  	v30 =	vcombine.low v28, v27;
	v31 =	vsel vm0, $0x18D, v12;
	v28 =	vcombine.low v27, v28  }
0x3f: {  	v27 =	vimm.s32 $0x428F;
	v29 =	vunpack.c.0.s8.s32 v13;
	v14 =	vunpack.c.0.s8.s32 v15  }
0x40: {  	v11 =	vmovc v4;
	v4 =	vsel vm5, $0x20E, v31;
	v15 =	vunpack.c.0.s8.s32 v26;
	v31 =	vimm.s32 $0x38F  }
0x41: {  	v27 =	vsel vm14, $0x4300, v27;
	v47 =	vand.u32 $0xF, v30;
	v30 =	vimm.s32 $0x30F  }
0x42: {  	v27 =	vsel vm13, $0x4381, v27;
	v58 =	vand.u32 $0xF, v28;
	v26 =	vcombine.low v32, v29  }
0x43: {  	v14 =	vand.u32 $0xF, v14;
	v30 =	vsel vm14, $0x380, v30;
	v27 =	vsel vm12, $0x2, v27  }
0x44: {  	v12 =	vmovc v5;
	v5 =	vcombine.low v14, v15;
	v27 =	vsel vm11, $0x83, v27;
	v48 =	vand.u32 $0xF, v26  }
0x45: {  	v26 =	vsel vm13, $0x4001, v30;
	v30 =	vsel vm14, $0x4000, v31;
	v31 =	vcombine.low v16, v17  }
0x46: {  	v16 =	vimm.s32 $0x400F;
	v27 =	vsel vm10, $0x104, v27;
	v30 =	vsel vm13, $0x4081, v30  }
0x47: {  	v17 =	vsel vm12, $0x4082, v26;
	v16 =	vsel vm14, $0x4080, v16;
	v27 =	vsel vm9, $0x185, v27  }
0x48: {  	v26 =	vsel vm12, $0x4102, v30;
	v17 =	vsel vm11, $0x4103, v17;
	v16 =	vsel vm13, $0x4101, v16  }
0x49: {  	v51 =	vand.u32 $0xF, v31;
	v31 =	vcombine.low v20, v21;
	v21 =	vimm.s32 $0x410F  }
0x4a: {  	v27 =	vsel vm8, $0x206, v27;
	v26 =	vsel vm11, $0x4183, v26;
	v17 =	vsel vm10, $0x4184, v17  }
0x4b: {  	v16 =	vsel vm12, $0x4182, v16;
	v21 =	vsel vm14, $0x4180, v21;
	v27 =	vsel vm7, $0x287, v27  }
0x4c: {  	v26 =	vsel vm10, $0x4204, v26;
	v17 =	vsel vm9, $0x4205, v17;
	v16 =	vsel vm11, $0x4203, v16  }
0x4d: {  	v21 =	vsel vm13, $0x4201, v21;
	v52 =	vand.u32 $0xF, v31;
	v31 =	vcombine.low v24, v25  }
0x4e: {  	v27 =	vsel vm6, $0x308, v27;
	v26 =	vsel vm9, $0x4285, v26;
	v17 =	vsel vm8, $0x4286, v17  }
0x4f: {  	v16 =	vsel vm10, $0x4284, v16;
	v21 =	vsel vm12, $0x4282, v21;
	v27 =	vsel vm4, $0x389, v27  }
0x50: {  	v26 =	vsel vm8, $0x4306, v26;
	v17 =	vsel vm7, $0x4307, v17;
	v16 =	vsel vm9, $0x4305, v16  }
0x51: {  	v21 =	vsel vm11, $0x4303, v21;
	v55 =	vand.u32 $0xF, v31;
	v31 =	vcombine.low v29, v32  }
0x52: {  	v29 =	vimm.s32 $0x430F;
	v27 =	vsel vm3, $0x400A, v27;
	v26 =	vsel vm7, $0x4387, v26  }
0x53: {  	v17 =	vsel vm6, $0x4388, v17;
	v16 =	vsel vm8, $0x4386, v16;
	v21 =	vsel vm10, $0x4384, v21  }
0x54: {  	v29 =	vsel vm14, $0x4380, v29;
	v56 =	vsel vm2, $0x408B, v27;
	v26 =	vsel vm6, $0x8, v26  }
0x55: {  	v17 =	vsel vm4, $0x9, v17;
	v16 =	vsel vm7, $0x7, v16;
	v21 =	vsel vm9, $0x5, v21  }
0x56: {  	v29 =	vsel vm13, $0x1, v29;
	v61 =	vand.u32 $0xF, v31;
	v26 =	vsel vm4, $0x89, v26  }
0x57: {  	v17 =	vsel vm3, $0x8A, v17;
	v16 =	vsel vm6, $0x88, v16;
	v21 =	vsel vm8, $0x86, v21  }
0x58: {  	v29 =	vsel vm12, $0x82, v29;
	v26 =	vsel vm3, $0x10A, v26;
	v17 =	vsel vm2, $0x10B, v17  }
0x59: {  	v16 =	vsel vm4, $0x109, v16;
	v21 =	vsel vm7, $0x107, v21;
	v29 =	vsel vm11, $0x103, v29  }
0x5a: {  	v26 =	vsel vm2, $0x18B, v26;
	v17 =	vsel vm1, $0x18C, v17;
	v16 =	vsel vm3, $0x18A, v16  }
0x5b: {  	v21 =	vsel vm6, $0x188, v21;
	v29 =	vsel vm10, $0x184, v29;
	v26 =	vsel vm1, $0x20C, v26  }
0x5c: {  	v30 =	vsel vm2, $0x20B, v16;
	v21 =	vsel vm4, $0x209, v21;
	v29 =	vsel vm9, $0x205, v29  }
0x5d: {  	v26 =	vsel vm0, $0x28D, v26;
	v21 =	vsel vm3, $0x28A, v21;
	v29 =	vsel vm8, $0x286, v29  }
0x5e: {  	v50 =	vsel vm5, $0x30E, v26;
	v26 =	vsel vm1, $0x28C, v30;
	v30 =	vcombine.low v18, v19  }
0x5f: {  	v21 =	vsel vm2, $0x30B, v21;
	v29 =	vsel vm7, $0x307, v29;
	v26 =	vsel vm0, $0x30D, v26  }
0x60: {  	v15 =	vmovc v6;
	v29 =	vsel vm6, $0x388, v29;
	v6 =	vsel vm5, $0x38E, v26;
	v26 =	vsel vm14, $0x4100, v33  }
0x61: {  	v20 =	vmovc v4;
	v4 =	vand.u32 $0xF, v30;
	v30 =	vcombine.low v22, v23;
	v22 =	vimm.s32 $0x418F  }
0x62: {  	s2 =	srdreg.scid;
	s4 =	stileid.u32;
	v29 =	vsel vm4, $0x4009, v29;
	v26 =	vsel vm13, $0x4181, v26;
	v22 =	vsel vm14, $0x4200, v22  }
0x63: {  	s2 =	sand.u32 $0x1, s2;
	s4 =	sshll.u32 s4, $0x1;
	v29 =	vsel vm3, $0x408A, v29;
	v26 =	vsel vm12, $0x4202, v26;
	v22 =	vsel vm13, $0x4281, v22  }
0x64: {  	s0 =	rddreg [dreg:$0x0];
	s3 =	simm.s32 $0x0;
	s6 =	sor.u32 s2, s4;
	v54 =	vand.u32 $0xF, v30;
	v30 =	vsel vm14, $0x4280, v53;
	v29 =	vsel vm2, $0x410B, v29  }
0x65: {  	[smem:$0x7FF] =	sst s3;
	s4 =	smul.u32 $0x19000, s6;
	[tilespmem:$0x1FEC0] =	vst v55;
	v23 =	vsel vm11, $0x4283, v26;
	v22 =	vsel vm12, $0x4302, v22;
	v26 =	vsel vm1, $0x38C, v21  }
0x66: {  	s1 =	rddreg [dreg:$0x1];
	s28 =	simm.s32 $0x1;
	_ =	strace $0x80000047;
	[tilespmem:$0x1FEE0] =	vst v58;
	v30 =	vsel vm13, $0x4301, v30;
	v29 =	vsel vm1, $0x418C, v29;
	v23 =	vsel vm10, $0x4304, v23  }
0x67: {  	s29 =	simm.s32 $0x1000;
	s31 =	simm.s32 $0x2;
	s6 =	smul.u32 $0xC8000, s6;
	v7 =	vmovc v39;
	[tilespmem:$0x1FF40] =	vst v20;
	v22 =	vsel vm11, $0x4383, v22;
	v30 =	vsel vm12, $0x4382, v30;
	v23 =	vsel vm9, $0x4385, v23  }
0x68: {  	s5 =	sadd.s32 $0x600, s0;
	s0 =	sadd.s32 $0x400, s0;
	s8 =	sshrl.u32 s4, $0x3;
	v8 =	vmovc v40;
	[tilespmem:$0x1FFD0] =	vst v7;
	v22 =	vsel vm10, $0x4, v22;
	v30 =	vsel vm11, $0x3, v30;
	v23 =	vsel vm8, $0x6, v23  }
0x69: {  	s15 =	sshrl.u32 s6, $0x3;
	s13 =	sadd.s32 s5, s8;
	v9 =	vmovc v41;
	[dreg:$0x3] =	wrdreg s0;
	[tilespmem:$0x1FFE0] =	vst v8;
	v22 =	vsel vm9, $0x85, v22;
	v30 =	vsel vm10, $0x84, v30;
	v23 =	vsel vm7, $0x87, v23  }
0x6a: {  	s30 =	sadd.s32 $0x320000, s1;
	s7 =	sadd.s32 s1, s15;
	[dreg:$0x4] =	wrdreg s13;
	[tilespmem:$0x1FFF0] =	vst v9;
	v22 =	vsel vm8, $0x106, v22;
	v30 =	vsel vm9, $0x105, v30;
	v23 =	vsel vm6, $0x108, v23  }
0x6b: {  	s9 =	sor.u32 $0x800, s4;
	s18 =	sadd.s32 $0x320000, s7;
	[dreg:$0x7] =	wrdreg s6;
	[tilespmem:$0x1FF00] =	vst v61;
	v22 =	vsel vm7, $0x187, v22;
	v30 =	vsel vm8, $0x186, v30;
	v23 =	vsel vm4, $0x189, v23  }
0x6c: {  	s2 =	ssub.s32 $0x2, s2;
	s20 =	sadd.s32 s1, s9;
	[dreg:$0x8] =	wrdreg s18;
	v18 =	vmovc v47;
	[tilespmem:$0x1FF20] =	vst v50;
	v22 =	vsel vm6, $0x208, v22;
	v30 =	vsel vm7, $0x207, v30;
	v23 =	vsel vm3, $0x20A, v23  }
0x6d: {  	s12 =	sshrl.u32 s2, $0x1;
	s21 =	sadd.s32 $0x320800, s7;
	[dreg:$0xa] =	wrdreg s20;
	[tilespmem:$0x1FF30] =	vst v18;
	v22 =	vsel vm4, $0x289, v22;
	v30 =	vsel vm6, $0x288, v30;
	v23 =	vsel vm2, $0x28B, v23  }
0x6e: {  	s16 =	sadd.s32 $0x1000, s4;
	s22 =	sadd.s32 $0x18000, s7;
	[dreg:$0xb] =	wrdreg s21;
	[tilespmem:$0x1FFB0] =	vst v4;
	v22 =	vsel vm3, $0x30A, v22;
	v30 =	vsel vm4, $0x309, v30;
	v23 =	vsel vm1, $0x30C, v23  }
0x6f: {  	s10 =	smov.u32 s4;
	s24 =	sadd.s32 $0x338000, s7;
	[dreg:$0xd] =	wrdreg s22;
	v21 =	vmovc v5;
	[tilespmem:$0x1FF80] =	vst v54;
	v59 =	vsel vm0, $0x420D, v29;
	v30 =	vsel vm3, $0x38A, v30;
	v23 =	vsel vm0, $0x38D, v23  }
0x70: {  	s4 =	sadd.s32 $0x1800, s4;
	s25 =	sadd.s32 $0x18800, s7;
	[dreg:$0xe] =	wrdreg s24;
	[tilespmem:$0x1FF90] =	vst v21;
	v63 =	vsel vm5, $0x428E, v59;
	v30 =	vsel vm2, $0x400B, v30;
	v19 =	vsel vm5, $0x400E, v23  }
0x71: {  	s14 =	sshrl.u32 s9, $0x3;
	s23 =	smov.u32 s16;
	[dreg:$0xf] =	wrdreg s25;
	[tilespmem:$0x1FF10] =	vst v63;
	v23 =	vsel vm0, $0x400D, v26;
	v26 =	vsel vm2, $0x38B, v22;
	v22 =	vmovc v48;
	v30 =	vsel vm1, $0x408C, v30  }
0x72: {  	s17 =	sshrl.u32 s16, $0x3;
	s26 =	sadd.s32 $0x338800, s7;
	[dreg:$0x6] =	wrdreg s7;
	v17 =	vsel vm0, $0x20D, v17;
	v5 =	vsel vm5, $0x408E, v23;
	v30 =	vsel vm0, $0x410D, v30;
	[tilespmem:$0x1FF50] =	vst v22  }
0x73: {  	s19 =	sshrl.u32 s4, $0x3;
	s8 =	simm.s32 $0x4;
	[dreg:$0x10] =	wrdreg s26;
	v49 =	vsel vm5, $0x28E, v17;
	v26 =	vsel vm1, $0x400C, v26;
	v57 =	vsel vm5, $0x418E, v30;
	[tilespmem:$0x1FF70] =	vst v5  }
0x74: {  	s0 =	ssub.s32 s2, s12;
	s2 =	sadd.s32 s5, s14;
	[dreg:$0x12] =	wrdreg s30;
	v26 =	vsel vm0, $0x408D, v26;
	v30 =	vsel vm1, $0x410C, v56;
	v23 =	vmov v49;
	[tilespmem:$0x1FED0] =	vst v57  }
0x75: {  	s12 =	smov.u32 s4;
	[dreg:$0x5] =	wrdreg s2;
	s2 =	sadd.s32 s5, s17;
	v25 =	vsel vm5, $0x410E, v26;
	v30 =	vsel vm0, $0x418D, v30;
	[tilespmem:$0x1FF60] =	vst v23  }
0x76: {  	v62 =	vlaneseq.u32;
	v10 =	vmovc v42;
	v13 =	vmov v43;
	s4 =	smov.u32 s1;
	s0 =	smax.u32 s0, $0x1;
	[dreg:$0x9] =	wrdreg s2;
	v60 =	vsel vm5, $0x420E, v30;
	[tilespmem:$0x1FFA0] =	vst v25  }
0x77: {  	v14 =	vmovc v44;
	s24 =	simm.s32 $0x11000;
	s2 =	sadd.s32 s5, s19;
	[dreg:$0x11] =	wrdreg s0;
	v16 =	vmovc v45;
	v17 =	vmov v46;
	v24 =	vmov v50;
	v26 =	vmov v52;
	[tilespmem:$0x1FEF0] =	vst v60  }
0x78: {  	s6 =	simm.s32 $0x3;
	s1 =	simm.s32 $0x0;
	[dreg:$0xc] =	wrdreg s2;
	v27 =	vmovc v4;
	v31 =	vmovc v6;
	v29 =	vmov v51;
	v28 =	vmov v5;
	v30 =	vmov v54;
	[tilespmem:$0x1FFC0] =	vst v26  }
.LBB2_1:
0x79: {  	[dreg:$0x13] =	wrdreg s1  }
0x7a: {  	s0 =	rddreg [dreg:$0x3];
	s26 =	simm.s32 $0x5  }
0x7b: {  	[tilespmem:s24], [sflag:$0x5] =	stream.linear.gather [hbm4b:s0+s3], $0xCD0, $0x38;
	[tilespmem:$0x11CD0] =	vst v63  }
0x7c: {  	_ =	swait.ge [sflag:s26], $0xCD0  }
0x7d: {  	[sflag:s26] =	ssyncset.done $0x0  }
0x7e: {  	s30 =	rddreg [dreg:$0x4];
	[sflag:s26] =	ssyncadd.s32 $0xFFFFF330  }
0x7f: {  	[tilespmem:s3], [sflag:$0x1] =	stream.linear.gather [hbm4b:s30+s3], $0x800, $0x38;
	[tilespmem:$0x11CD0] =	vst v63  }
0x80: {  	s2 =	simm.s32 $0x800;
	s1 =	rddreg [dreg:$0x5]  }
0x81: {  	[tilespmem:s2], [sflag:$0x2] =	stream.linear.gather [hbm4b:s1+s3], $0x800, $0x38;
	[tilespmem:$0x11CD0] =	vst v63  }
0x82: {  	_ =	swait.ge [sflag:s28], $0x800  }
0x83: {  	[sflag:s28] =	ssyncset.done $0x0  }
0x84: {  	s7 =	simm.s32 $0x20;
	[sflag:s28] =	ssyncadd.s32 $0xFFFFF800  }
0x85: {  	v32 =	vld [tilespmem:s7+$0xFFFFFFE0];
	_ =	sdelay $0x1  }
0x86: {  	v33 =	vld [tilespmem:s7+$0xFFFFFFF0]  }
0x87: {  	v34 =	vld [tilespmem:s7+$0x0];
	_ =	sdelay $0x1  }
0x88: {  	v43 =	vshll.u32 v32, $0x4  }
0x89: {  	v32 =	vor.u32 v62, v43  }
0x8a: {  	v41 =	vshll.u32 v33, $0x4  }
0x8b: {  	s2 =	simm.s32 $0x0;
	v0 =	vshll.u32 v34, $0x4;
	v33 =	vor.u32 v62, v41  }
0x8c: {  	s9 =	sand.u32 $0x3C00, s3;
	s2 =	sand.u32 $0x40, s2;
	v36 =	vor.u32 v62, v0  }
0x8d: {  	s11 =	simm.s32 $0x10;
	s30 =	sor.u32 s2, s9  }
0x8e: {  	s13 =	simm.s32 $0x20;
	s2 =	sand.u32 $0x50, s11;
	v35 =	vor.u32 s30, v7;
	v32 =	vld.idx.msk [tilespmem:v32+s24+$0x0], $0xffff  }
0x8f: {  	s17 =	sor.u32 s9, s2;
	s2 =	sand.u32 $0x60, s13;
	v59 =	vor.u32 v8, v43  }
0x90: {  	v37 =	vor.u32 s17, v7;
	s18 =	sor.u32 s9, s2;
	v33 =	vld.idx.msk [tilespmem:v33+s24+$0x0], $0xffff  }
0x91: {  	v63 =	vor.u32 s18, v7;
	v38 =	vor.u32 v8, v41;
	v61 =	vld.idx.msk [tilespmem:v36+s24+$0x0], $0xffff  }
0x92: {  	v42 =	vor.u32 v8, v0  }
0x93: {  	[tilespmem:v35+s29+$0x0] =	vst.idx.msk $0xffff, v32  }
0x94: {  	v60 =	vor.u32 s30, v9;
	v32 =	vld.idx.msk [tilespmem:v59+s24+$0x0], $0xffff  }
0x95: {  	v39 =	vor.u32 v10, v43;
	[tilespmem:v37+s29+$0x0] =	vst.idx.msk $0xffff, v33  }
0x96: {  	v48 =	vor.u32 s17, v9;
	[tilespmem:v63+s29+$0x0] =	vst.idx.msk $0xffff, v61;
	v33 =	vld.idx.msk [tilespmem:v38+s24+$0x0], $0xffff  }
0x97: {  	v51 =	vor.u32 s18, v9;
	v49 =	vor.u32 v10, v41;
	v36 =	vld.idx.msk [tilespmem:v42+s24+$0x0], $0xffff  }
0x98: {  	v45 =	vor.u32 v10, v0  }
0x99: {  	v44 =	vld [tilespmem:s7+$0x10];
	[tilespmem:v60+s29+$0x0] =	vst.idx.msk $0xffff, v32  }
0x9a: {  	v50 =	vor.u32 s30, v11;
	v34 =	vld.idx.msk [tilespmem:v39+s24+$0x0], $0xffff  }
0x9b: {  	v52 =	vor.u32 v12, v43;
	[tilespmem:v48+s29+$0x0] =	vst.idx.msk $0xffff, v33  }
0x9c: {  	v54 =	vor.u32 s17, v11;
	[tilespmem:v51+s29+$0x0] =	vst.idx.msk $0xffff, v36;
	v32 =	vld.idx.msk [tilespmem:v49+s24+$0x0], $0xffff  }
0x9d: {  	v58 =	vor.u32 s18, v11;
	v55 =	vor.u32 v12, v41;
	v38 =	vld.idx.msk [tilespmem:v45+s24+$0x0], $0xffff  }
0x9e: {  	v42 =	vshll.u32 v44, $0x4;
	v59 =	vor.u32 v12, v0  }
0x9f: {  	v53 =	vor.u32 v62, v42;
	[tilespmem:v50+s29+$0x0] =	vst.idx.msk $0xffff, v34  }
0xa0: {  	v56 =	vor.u32 s30, v13;
	v35 =	vld.idx.msk [tilespmem:v52+s24+$0x0], $0xffff  }
0xa1: {  	s14 =	simm.s32 $0x30;
	v57 =	vor.u32 v14, v43;
	[tilespmem:v54+s29+$0x0] =	vst.idx.msk $0xffff, v32  }
0xa2: {  	s0 =	sand.u32 $0x70, s14;
	v61 =	vor.u32 s17, v13;
	[tilespmem:v58+s29+$0x0] =	vst.idx.msk $0xffff, v38;
	v34 =	vld.idx.msk [tilespmem:v55+s24+$0x0], $0xffff  }
0xa3: {  	s26 =	sor.u32 s9, s0;
	v63 =	vor.u32 v14, v41;
	v50 =	vor.u32 s18, v13;
	v44 =	vld.idx.msk [tilespmem:v59+s24+$0x0], $0xffff  }
0xa4: {  	v46 =	vor.u32 s26, v7;
	v51 =	vor.u32 v14, v0;
	v33 =	vld.idx.msk [tilespmem:v53+s24+$0x0], $0xffff  }
0xa5: {  	v60 =	vor.u32 v8, v42;
	[tilespmem:v56+s29+$0x0] =	vst.idx.msk $0xffff, v35  }
0xa6: {  	s15 =	simm.s32 $0x60;
	v48 =	vor.u32 s30, v15;
	v36 =	vld.idx.msk [tilespmem:v57+s24+$0x0], $0xffff  }
0xa7: {  	v47 =	vld [tilespmem:s15+$0xFFFFFFE0];
	v49 =	vor.u32 v16, v43;
	[tilespmem:v61+s29+$0x0] =	vst.idx.msk $0xffff, v34  }
0xa8: {  	v54 =	vor.u32 s17, v15;
	[tilespmem:v50+s29+$0x0] =	vst.idx.msk $0xffff, v44;
	v35 =	vld.idx.msk [tilespmem:v63+s24+$0x0], $0xffff  }
0xa9: {  	[tilespmem:v46+s29+$0x0] =	vst.idx.msk $0xffff, v33;
	v58 =	vor.u32 s18, v15;
	v55 =	vor.u32 v16, v41;
	v33 =	vld.idx.msk [tilespmem:v51+s24+$0x0], $0xffff  }
0xaa: {  	v32 =	vld.idx.msk [tilespmem:v60+s24+$0x0], $0xffff;
	v59 =	vor.u32 v16, v0  }
0xab: {  	v52 =	vor.u32 s26, v9;
	v61 =	vld [tilespmem:s15+$0x0];
	[tilespmem:v48+s29+$0x0] =	vst.idx.msk $0xffff, v36  }
0xac: {  	v53 =	vor.u32 v10, v42;
	v56 =	vor.u32 s30, v17;
	v38 =	vld.idx.msk [tilespmem:v49+s24+$0x0], $0xffff  }
0xad: {  	v50 =	vld [tilespmem:s15+$0xFFFFFFF0];
	v57 =	vor.u32 v18, v43;
	[tilespmem:v54+s29+$0x0] =	vst.idx.msk $0xffff, v35  }
0xae: {  	v60 =	vor.u32 s17, v17;
	[tilespmem:v58+s29+$0x0] =	vst.idx.msk $0xffff, v33;
	v35 =	vld.idx.msk [tilespmem:v55+s24+$0x0], $0xffff  }
0xaf: {  	v63 =	vor.u32 v18, v41;
	v45 =	vld.idx.msk [tilespmem:v59+s24+$0x0], $0xffff  }
0xb0: {  	[tilespmem:v52+s29+$0x0] =	vst.idx.msk $0xffff, v32;
	v59 =	vld [tilespmem:s15+$0x10]  }
0xb1: {  	v34 =	vld.idx.msk [tilespmem:v53+s24+$0x0], $0xffff;
	v49 =	vor.u32 s26, v11;
	[tilespmem:v56+s29+$0x0] =	vst.idx.msk $0xffff, v38  }
0xb2: {  	v40 =	vor.u32 s30, v20;
	v51 =	vor.u32 v12, v42;
	v39 =	vld.idx.msk [tilespmem:v57+s24+$0x0], $0xffff  }
0xb3: {  	v56 =	vor.u32 v22, v43;
	[tilespmem:v60+s29+$0x0] =	vst.idx.msk $0xffff, v35;
	v57 =	vor.u32 s18, v17  }
0xb4: {  	v5 =	vshll.u32 v50, $0x4;
	v48 =	vor.u32 v18, v0;
	v58 =	vor.u32 s17, v20;
	v36 =	vld.idx.msk [tilespmem:v63+s24+$0x0], $0xffff  }
0xb5: {  	v6 =	vshll.u32 v61, $0x4;
	v32 =	vshll.u32 v59, $0x4;
	v59 =	vor.u32 v62, v5  }
0xb6: {  	s16 =	simm.s32 $0x200;
	s19 =	simm.s32 $0x60;
	[tilespmem:v49+s29+$0x0] =	vst.idx.msk $0xffff, v34;
	v63 =	vor.u32 v62, v6  }
0xb7: {  	s21 =	simm.s32 $0x50;
	s0 =	sand.u32 $0x3C00, s16;
	s2 =	sand.u32 $0x60, s19;
	v52 =	vor.u32 v22, v41;
	v33 =	vshll.u32 v47, $0x4;
	v61 =	vld.idx.msk [tilespmem:v51+s24+$0x0], $0xffff;
	[tilespmem:v40+s29+$0x0] =	vst.idx.msk $0xffff, v39  }
0xb8: {  	s13 =	sor.u32 s0, s2;
	s2 =	sand.u32 $0x50, s21;
	[tilespmem:v57+s29+$0x0] =	vst.idx.msk $0xffff, v45;
	v57 =	vor.u32 s26, v13;
	v44 =	vld.idx.msk [tilespmem:v56+s24+$0x0], $0xffff;
	v56 =	vor.u32 v62, v33  }
0xb9: {  	s14 =	sor.u32 s0, s2;
	[tilespmem:v58+s29+$0x0] =	vst.idx.msk $0xffff, v36;
	v58 =	vor.u32 v14, v42;
	v46 =	vld.idx.msk [tilespmem:v48+s24+$0x0], $0xffff;
	v48 =	vor.u32 s18, v20  }
0xba: {  	v55 =	vor.u32 s14, v7;
	v60 =	vor.u32 v22, v0;
	v37 =	vld.idx.msk [tilespmem:v59+s24+$0x0], $0xffff  }
0xbb: {  	s20 =	simm.s32 $0x40;
	v53 =	vor.u32 s30, v23;
	v39 =	vld.idx.msk [tilespmem:v63+s24+$0x0], $0xffff  }
0xbc: {  	s9 =	sand.u32 $0x40, s20;
	v34 =	vor.u32 s17, v23;
	v63 =	vor.u32 v62, v32;
	v50 =	vld.idx.msk [tilespmem:v52+s24+$0x0], $0xffff  }
0xbd: {  	s16 =	sor.u32 s9, s0;
	v35 =	vor.u32 v21, v41;
	v40 =	vor.u32 s13, v7;
	[tilespmem:v57+s29+$0x0] =	vst.idx.msk $0xffff, v61;
	v49 =	vld.idx.msk [tilespmem:v56+s24+$0x0], $0xffff  }
0xbe: {  	s22 =	simm.s32 $0x70;
	v54 =	vor.u32 s16, v7;
	v57 =	vor.u32 v8, v5;
	[tilespmem:v48+s29+$0x0] =	vst.idx.msk $0xffff, v46;
	v38 =	vld.idx.msk [tilespmem:v58+s24+$0x0], $0xffff  }
0xbf: {  	s9 =	sand.u32 $0x70, s22;
	v62 =	vor.u32 s26, v15;
	[tilespmem:v55+s29+$0x0] =	vst.idx.msk $0xffff, v37;
	v47 =	vld.idx.msk [tilespmem:v60+s24+$0x0], $0xffff;
	v60 =	vor.u32 v8, v6  }
0xc0: {  	s15 =	sor.u32 s0, s9;
	v61 =	vor.u32 v8, v33;
	[tilespmem:v53+s29+$0x0] =	vst.idx.msk $0xffff, v44  }
0xc1: {  	v56 =	vor.u32 v16, v42;
	[tilespmem:v34+s29+$0x0] =	vst.idx.msk $0xffff, v50;
	v44 =	vld.idx.msk [tilespmem:v63+s24+$0x0], $0xffff;
	v63 =	vor.u32 s15, v7  }
0xc2: {  	[tilespmem:v40+s29+$0x0] =	vst.idx.msk $0xffff, v39;
	v34 =	vor.u32 v8, v32;
	v58 =	vor.u32 s18, v23;
	v46 =	vld.idx.msk [tilespmem:v35+s24+$0x0], $0xffff  }
0xc3: {  	v39 =	vor.u32 s17, v24;
	v40 =	vor.u32 v21, v0;
	v55 =	vld.idx.msk [tilespmem:v57+s24+$0x0], $0xffff;
	[tilespmem:v54+s29+$0x0] =	vst.idx.msk $0xffff, v49  }
0xc4: {  	v45 =	vor.u32 v21, v43;
	[tilespmem:v62+s29+$0x0] =	vst.idx.msk $0xffff, v38;
	v62 =	vor.u32 s14, v9;
	v53 =	vld.idx.msk [tilespmem:v60+s24+$0x0], $0xffff  }
0xc5: {  	v52 =	vor.u32 v10, v5;
	v49 =	vor.u32 s16, v9;
	v36 =	vld.idx.msk [tilespmem:v61+s24+$0x0], $0xffff  }
0xc6: {  	v35 =	vor.u32 v10, v33;
	[tilespmem:v63+s29+$0x0] =	vst.idx.msk $0xffff, v44;
	v60 =	vld.idx.msk [tilespmem:v56+s24+$0x0], $0xffff;
	v61 =	vor.u32 s26, v17  }
0xc7: {  	v63 =	vor.u32 v18, v42;
	[tilespmem:v58+s29+$0x0] =	vst.idx.msk $0xffff, v47;
	v47 =	vld.idx.msk [tilespmem:v34+s24+$0x0], $0xffff;
	v34 =	vor.u32 s15, v9  }
0xc8: {  	[tilespmem:v39+s29+$0x0] =	vst.idx.msk $0xffff, v46;
	v39 =	vld.idx.msk [tilespmem:v40+s24+$0x0], $0xffff;
	v40 =	vor.u32 s18, v24  }
0xc9: {  	v45 =	vld.idx.msk [tilespmem:v45+s24+$0x0], $0xffff;
	v54 =	vor.u32 v29, v41;
	v58 =	vor.u32 s30, v24;
	[tilespmem:v62+s29+$0x0] =	vst.idx.msk $0xffff, v55  }
0xca: {  	v57 =	vor.u32 v10, v32;
	v56 =	vor.u32 s14, v11;
	[tilespmem:v49+s29+$0x0] =	vst.idx.msk $0xffff, v36;
	v52 =	vld.idx.msk [tilespmem:v52+s24+$0x0], $0xffff  }
0xcb: {  	[tilespmem:v61+s29+$0x0] =	vst.idx.msk $0xffff, v60;
	v60 =	vor.u32 v29, v0;
	v38 =	vld.idx.msk [tilespmem:v35+s24+$0x0], $0xffff;
	v35 =	vor.u32 s16, v11  }
0xcc: {  	v62 =	vor.u32 s26, v20;
	v61 =	vor.u32 v12, v33;
	[tilespmem:v34+s29+$0x0] =	vst.idx.msk $0xffff, v47;
	v44 =	vld.idx.msk [tilespmem:v63+s24+$0x0], $0xffff  }
0xcd: {  	v63 =	vor.u32 s13, v9;
	[tilespmem:v40+s29+$0x0] =	vst.idx.msk $0xffff, v39;
	v39 =	vor.u32 v12, v5  }
0xce: {  	v36 =	vld.idx.msk [tilespmem:v54+s24+$0x0], $0xffff;
	v34 =	vor.u32 v22, v42;
	[tilespmem:v58+s29+$0x0] =	vst.idx.msk $0xffff, v45  }
0xcf: {  	v48 =	vor.u32 s17, v31;
	v45 =	vor.u32 v10, v6;
	v55 =	vld.idx.msk [tilespmem:v57+s24+$0x0], $0xffff;
	[tilespmem:v56+s29+$0x0] =	vst.idx.msk $0xffff, v52  }
0xd0: {  	v37 =	vld.idx.msk [tilespmem:v60+s24+$0x0], $0xffff;
	v60 =	vor.u32 s18, v31;
	[tilespmem:v35+s29+$0x0] =	vst.idx.msk $0xffff, v38;
	v35 =	vor.u32 v27, v41  }
0xd1: {  	[tilespmem:v62+s29+$0x0] =	vst.idx.msk $0xffff, v44;
	v62 =	vor.u32 v27, v0;
	v50 =	vld.idx.msk [tilespmem:v61+s24+$0x0], $0xffff;
	v61 =	vor.u32 s16, v13  }
0xd2: {  	[tilespmem:v63+s29+$0x0] =	vst.idx.msk $0xffff, v53;
	v63 =	vor.u32 v14, v33;
	v39 =	vld.idx.msk [tilespmem:v39+s24+$0x0], $0xffff  }
0xd3: {  	v47 =	vld.idx.msk [tilespmem:v34+s24+$0x0], $0xffff;
	v34 =	vor.u32 s26, v23  }
0xd4: {  	v46 =	vor.u32 v29, v43;
	v57 =	vor.u32 s13, v11;
	[tilespmem:v48+s29+$0x0] =	vst.idx.msk $0xffff, v36;
	v45 =	vld.idx.msk [tilespmem:v45+s24+$0x0], $0xffff  }
0xd5: {  	v40 =	vor.u32 v12, v6;
	[tilespmem:v60+s29+$0x0] =	vst.idx.msk $0xffff, v37;
	v38 =	vld.idx.msk [tilespmem:v35+s24+$0x0], $0xffff;
	v35 =	vor.u32 s14, v13  }
0xd6: {  	v59 =	vor.u32 v14, v5;
	v60 =	vor.u32 s18, v19;
	v58 =	vld.idx.msk [tilespmem:v62+s24+$0x0], $0xffff;
	[tilespmem:v61+s29+$0x0] =	vst.idx.msk $0xffff, v50  }
0xd7: {  	v52 =	vor.u32 v21, v42;
	v62 =	vor.u32 s16, v15;
	v61 =	vld.idx.msk [tilespmem:v63+s24+$0x0], $0xffff  }
0xd8: {  	[tilespmem:v34+s29+$0x0] =	vst.idx.msk $0xffff, v47;
	v34 =	vor.u32 v16, v33  }
0xd9: {  	v46 =	vld.idx.msk [tilespmem:v46+s24+$0x0], $0xffff;
	v56 =	vor.u32 s30, v31;
	[tilespmem:v57+s29+$0x0] =	vst.idx.msk $0xffff, v45;
	v63 =	vor.u32 v26, v0  }
0xda: {  	v36 =	vor.u32 v27, v43;
	v37 =	vld.idx.msk [tilespmem:v40+s24+$0x0], $0xffff;
	[tilespmem:v35+s29+$0x0] =	vst.idx.msk $0xffff, v39;
	v35 =	vor.u32 s13, v13  }
0xdb: {  	v40 =	vor.u32 s14, v15;
	[tilespmem:v60+s29+$0x0] =	vst.idx.msk $0xffff, v58;
	v39 =	vld.idx.msk [tilespmem:v59+s24+$0x0], $0xffff  }
0xdc: {  	v52 =	vld.idx.msk [tilespmem:v52+s24+$0x0], $0xffff;
	v60 =	vor.u32 v14, v6;
	[tilespmem:v62+s29+$0x0] =	vst.idx.msk $0xffff, v61;
	v61 =	vor.u32 s26, v24  }
0xdd: {  	v62 =	vor.u32 v16, v5;
	v49 =	vld.idx.msk [tilespmem:v34+s24+$0x0], $0xffff;
	v34 =	vor.u32 s17, v19  }
0xde: {  	[tilespmem:v56+s29+$0x0] =	vst.idx.msk $0xffff, v46;
	v57 =	vor.u32 s16, v17;
	v47 =	vld.idx.msk [tilespmem:v63+s24+$0x0], $0xffff;
	v63 =	vor.u32 v29, v42  }
0xdf: {  	s11 =	simm.s32 $0xA0;
	v36 =	vld.idx.msk [tilespmem:v36+s24+$0x0], $0xffff;
	v45 =	vor.u32 s30, v19;
	v59 =	vor.u32 v18, v33;
	[tilespmem:v35+s29+$0x0] =	vst.idx.msk $0xffff, v37  }
0xe0: {  	v51 =	vld [tilespmem:s11+$0x0];
	v35 =	vor.u32 v26, v41;
	[tilespmem:v40+s29+$0x0] =	vst.idx.msk $0xffff, v39  }
0xe1: {  	v48 =	vor.u32 v26, v43;
	v39 =	vld.idx.msk [tilespmem:v60+s24+$0x0], $0xffff;
	v40 =	vor.u32 s13, v15;
	[tilespmem:v61+s29+$0x0] =	vst.idx.msk $0xffff, v52  }
0xe2: {  	v50 =	vor.u32 s14, v17;
	v44 =	vld.idx.msk [tilespmem:v62+s24+$0x0], $0xffff;
	v52 =	vor.u32 v16, v6;
	[tilespmem:v34+s29+$0x0] =	vst.idx.msk $0xffff, v38  }
0xe3: {  	v61 =	vor.u32 v18, v5;
	v53 =	vld.idx.msk [tilespmem:v63+s24+$0x0], $0xffff;
	v34 =	vor.u32 s18, v28;
	[tilespmem:v57+s29+$0x0] =	vst.idx.msk $0xffff, v49  }
0xe4: {  	[tilespmem:v45+s29+$0x0] =	vst.idx.msk $0xffff, v36;
	v38 =	vor.u32 s26, v31;
	v57 =	vor.u32 v30, v0;
	v45 =	vld.idx.msk [tilespmem:v59+s24+$0x0], $0xffff  }
0xe5: {  	v59 =	vor.u32 s17, v28;
	v37 =	vld.idx.msk [tilespmem:v35+s24+$0x0], $0xffff;
	v35 =	vor.u32 v27, v42  }
0xe6: {  	v46 =	vld.idx.msk [tilespmem:v48+s24+$0x0], $0xffff;
	v62 =	vor.u32 v30, v41;
	[tilespmem:v40+s29+$0x0] =	vst.idx.msk $0xffff, v39;
	v39 =	vor.u32 s16, v20  }
0xe7: {  	v48 =	vor.u32 v22, v33;
	[tilespmem:v50+s29+$0x0] =	vst.idx.msk $0xffff, v44;
	v44 =	vld.idx.msk [tilespmem:v52+s24+$0x0], $0xffff;
	v50 =	vor.u32 s30, v28  }
0xe8: {  	v63 =	vor.u32 s13, v17;
	v52 =	vor.u32 v30, v43;
	v61 =	vld.idx.msk [tilespmem:v61+s24+$0x0], $0xffff;
	[tilespmem:v34+s29+$0x0] =	vst.idx.msk $0xffff, v47  }
0xe9: {  	[tilespmem:v38+s29+$0x0] =	vst.idx.msk $0xffff, v53;
	v56 =	vld.idx.msk [tilespmem:v57+s24+$0x0], $0xffff  }
0xea: {  	v47 =	vor.u32 v18, v6;
	v53 =	vor.u32 s14, v20;
	v49 =	vld.idx.msk [tilespmem:v35+s24+$0x0], $0xffff;
	[tilespmem:v59+s29+$0x0] =	vst.idx.msk $0xffff, v37  }
0xeb: {  	v36 =	vlaneseq.u32;
	v34 =	vshll.u32 v51, $0x4;
	v51 =	vor.u32 v22, v5;
	[tilespmem:v39+s29+$0x0] =	vst.idx.msk $0xffff, v45;
	v39 =	vld.idx.msk [tilespmem:v62+s24+$0x0], $0xffff  }
0xec: {  	v57 =	vor.u32 v36, v34;
	v37 =	vor.u32 s15, v11;
	v48 =	vld.idx.msk [tilespmem:v48+s24+$0x0], $0xffff;
	[tilespmem:v50+s29+$0x0] =	vst.idx.msk $0xffff, v46  }
0xed: {  	v45 =	vor.u32 s26, v19;
	[tilespmem:v63+s29+$0x0] =	vst.idx.msk $0xffff, v44;
	v44 =	vld.idx.msk [tilespmem:v52+s24+$0x0], $0xffff  }
0xee: {  	v40 =	vor.u32 s17, v25;
	v1 =	vld [tilespmem:$0x1FEC0]  }
0xef: {  	v52 =	vor.u32 s16, v23;
	[tilespmem:v53+s29+$0x0] =	vst.idx.msk $0xffff, v61;
	v47 =	vld.idx.msk [tilespmem:v47+s24+$0x0], $0xffff  }
0xf0: {  	v61 =	vor.u32 s13, v20;
	v51 =	vld.idx.msk [tilespmem:v51+s24+$0x0], $0xffff  }
0xf1: {  	[tilespmem:v37+s29+$0x0] =	vst.idx.msk $0xffff, v55;
	v55 =	vld.idx.msk [tilespmem:v57+s24+$0x0], $0xffff;
	v57 =	vor.u32 s14, v23  }
0xf2: {  	[tilespmem:v45+s29+$0x0] =	vst.idx.msk $0xffff, v49  }
0xf3: {  	v35 =	vor.u32 v12, v32;
	[tilespmem:v40+s29+$0x0] =	vst.idx.msk $0xffff, v39  }
0xf4: {  	v54 =	vld [tilespmem:s11+$0xFFFFFFE0];
	v46 =	vor.u32 v26, v42;
	[tilespmem:v52+s29+$0x0] =	vst.idx.msk $0xffff, v48  }
0xf5: {  	v58 =	vld [tilespmem:s11+$0xFFFFFFF0];
	v53 =	vor.u32 v21, v33;
	[tilespmem:v61+s29+$0x0] =	vst.idx.msk $0xffff, v47  }
0xf6: {  	v60 =	vld [tilespmem:s11+$0x10];
	v63 =	vor.u32 v22, v6;
	[tilespmem:v57+s29+$0x0] =	vst.idx.msk $0xffff, v51  }
0xf7: {  	s25 =	simm.s32 $0xA0;
	s9 =	simm.s32 $0x400;
	v45 =	vor.u32 s30, v25;
	v62 =	vor.u32 v1, v41;
	v2 =	vld [tilespmem:$0x1FED0]  }
0xf8: {  	s0 =	sand.u32 $0x60, s25;
	s2 =	sand.u32 $0x3C00, s9;
	v59 =	vld.idx.msk [tilespmem:v35+s24+$0x0], $0xffff;
	v39 =	vor.u32 s18, v25  }
0xf9: {  	s21 =	sor.u32 s2, s0;
	v4 =	vshll.u32 v54, $0x4;
	v54 =	vor.u32 s26, v28;
	v49 =	vor.u32 v21, v5;
	v46 =	vld.idx.msk [tilespmem:v46+s24+$0x0], $0xffff  }
0xfa: {  	v35 =	vor.u32 v1, v43;
	v47 =	vor.u32 s21, v7;
	v53 =	vld.idx.msk [tilespmem:v53+s24+$0x0], $0xffff  }
0xfb: {  	v38 =	vor.u32 s13, v23;
	v61 =	vld.idx.msk [tilespmem:v63+s24+$0x0], $0xffff  }
0xfc: {  	v48 =	vor.u32 v36, v4;
	[tilespmem:v45+s29+$0x0] =	vst.idx.msk $0xffff, v44;
	v52 =	vld.idx.msk [tilespmem:v62+s24+$0x0], $0xffff;
	v57 =	vor.u32 s17, v2  }
0xfd: {  	v37 =	vshll.u32 v58, $0x4;
	v58 =	vor.u32 v30, v42;
	v40 =	vor.u32 s16, v24;
	v3 =	vld [tilespmem:$0x1FEE0];
	[tilespmem:v39+s29+$0x0] =	vst.idx.msk $0xffff, v56  }
0xfe: {  	s1 =	simm.s32 $0x80;
	v51 =	vor.u32 v36, v37;
	v44 =	vor.u32 s15, v13;
	v45 =	vld.idx.msk [tilespmem:v49+s24+$0x0], $0xffff;
	[tilespmem:v54+s29+$0x0] =	vst.idx.msk $0xffff, v46  }
0xff: {  	s0 =	sand.u32 $0x40, s1;
	v56 =	vor.u32 v8, v34;
	v46 =	vor.u32 s14, v24;
	v50 =	vld.idx.msk [tilespmem:v35+s24+$0x0], $0xffff;
	v35 =	vshll.u32 v60, $0x4;
	[tilespmem:v47+s29+$0x0] =	vst.idx.msk $0xffff, v55  }
0x100: {  	s19 =	sor.u32 s0, s2;
	v54 =	vor.u32 v14, v32;
	v47 =	vor.u32 v36, v35;
	[tilespmem:v38+s29+$0x0] =	vst.idx.msk $0xffff, v61;
	v36 =	vor.u32 s30, v2  }
0x101: {  	v48 =	vld.idx.msk [tilespmem:v48+s24+$0x0], $0xffff;
	[tilespmem:v57+s29+$0x0] =	vst.idx.msk $0xffff, v52;
	v52 =	vor.u32 s19, v7  }
0x102: {  	s7 =	simm.s32 $0x90;
	v58 =	vld.idx.msk [tilespmem:v58+s24+$0x0], $0xffff;
	[tilespmem:v40+s29+$0x0] =	vst.idx.msk $0xffff, v53  }
0x103: {  	s0 =	sand.u32 $0x50, s7;
	v51 =	vld.idx.msk [tilespmem:v51+s24+$0x0], $0xffff;
	[tilespmem:v44+s29+$0x0] =	vst.idx.msk $0xffff, v59;
	v49 =	vor.u32 v3, v41  }
0x104: {  	s22 =	sor.u32 s2, s0;
	v56 =	vld.idx.msk [tilespmem:v56+s24+$0x0], $0xffff;
	v61 =	vor.u32 v3, v43;
	[tilespmem:v46+s29+$0x0] =	vst.idx.msk $0xffff, v45  }
0x105: {  	v44 =	vor.u32 v8, v4;
	v45 =	vor.u32 s22, v7;
	v46 =	vld.idx.msk [tilespmem:v54+s24+$0x0], $0xffff;
	[tilespmem:v36+s29+$0x0] =	vst.idx.msk $0xffff, v50  }
0x106: {  	s25 =	simm.s32 $0xB0;
	v53 =	vor.u32 v8, v37;
	v40 =	vor.u32 s15, v15;
	v47 =	vld.idx.msk [tilespmem:v47+s24+$0x0], $0xffff;
	[tilespmem:v52+s29+$0x0] =	vst.idx.msk $0xffff, v48  }
0x107: {  	s20 =	sand.u32 $0x70, s25;
	v39 =	vmov v4;
	v38 =	vor.u32 s26, v25;
	v57 =	vor.u32 v21, v6;
	v4 =	vld [tilespmem:$0x1FEF0]  }
0x108: {  	s20 =	sor.u32 s2, s20;
	v54 =	vor.u32 v1, v42;
	v49 =	vld.idx.msk [tilespmem:v49+s24+$0x0], $0xffff  }
0x109: {  	v61 =	vld.idx.msk [tilespmem:v61+s24+$0x0], $0xffff;
	v48 =	vor.u32 s20, v7  }
0x10a: {  	v36 =	vor.u32 s19, v9;
	v44 =	vld.idx.msk [tilespmem:v44+s24+$0x0], $0xffff;
	[tilespmem:v45+s29+$0x0] =	vst.idx.msk $0xffff, v51  }
0x10b: {  	[tilespmem:v40+s29+$0x0] =	vst.idx.msk $0xffff, v46;
	v46 =	vld.idx.msk [tilespmem:v53+s24+$0x0], $0xffff;
	v53 =	vor.u32 s21, v9  }
0x10c: {  	v50 =	vor.u32 v8, v35;
	v52 =	vld.idx.msk [tilespmem:v57+s24+$0x0], $0xffff;
	[tilespmem:v38+s29+$0x0] =	vst.idx.msk $0xffff, v58;
	v59 =	vor.u32 s17, v4  }
0x10d: {  	v55 =	vor.u32 s26, v2;
	v54 =	vld.idx.msk [tilespmem:v54+s24+$0x0], $0xffff  }
0x10e: {  	v57 =	vor.u32 v16, v32;
	v51 =	vor.u32 v1, v0;
	v1 =	vld [tilespmem:$0x1FF00];
	[tilespmem:v48+s29+$0x0] =	vst.idx.msk $0xffff, v47;
	v63 =	vor.u32 s30, v4  }
0x10f: {  	[tilespmem:v36+s29+$0x0] =	vst.idx.msk $0xffff, v44  }
0x110: {  	v47 =	vor.u32 v10, v39;
	v44 =	vor.u32 s22, v9;
	[tilespmem:v53+s29+$0x0] =	vst.idx.msk $0xffff, v56  }
0x111: {  	v60 =	vor.u32 s20, v9;
	v38 =	vor.u32 v29, v5;
	[tilespmem:v59+s29+$0x0] =	vst.idx.msk $0xffff, v49;
	v49 =	vld.idx.msk [tilespmem:v50+s24+$0x0], $0xffff  }
0x112: {  	[tilespmem:v55+s29+$0x0] =	vst.idx.msk $0xffff, v54  }
0x113: {  	v48 =	vld.idx.msk [tilespmem:v57+s24+$0x0], $0xffff;
	v57 =	vor.u32 v3, v42;
	[tilespmem:v63+s29+$0x0] =	vst.idx.msk $0xffff, v61  }
0x114: {  	v43 =	vor.u32 v1, v43;
	v56 =	vor.u32 s18, v2;
	v50 =	vor.u32 s15, v17;
	v2 =	vld [tilespmem:$0x1FF10]  }
0x115: {  	v45 =	vor.u32 v10, v37;
	v47 =	vld.idx.msk [tilespmem:v47+s24+$0x0], $0xffff;
	[tilespmem:v44+s29+$0x0] =	vst.idx.msk $0xffff, v46;
	v44 =	vor.u32 s19, v11  }
0x116: {  	v36 =	vld.idx.msk [tilespmem:v38+s24+$0x0], $0xffff;
	[tilespmem:v60+s29+$0x0] =	vst.idx.msk $0xffff, v49;
	v49 =	vor.u32 v12, v39  }
0x117: {  	v51 =	vld.idx.msk [tilespmem:v51+s24+$0x0], $0xffff;
	v59 =	vor.u32 v18, v32  }
0x118: {  	v38 =	vor.u32 v3, v0;
	v57 =	vld.idx.msk [tilespmem:v57+s24+$0x0], $0xffff  }
0x119: {  	v53 =	vor.u32 v10, v35;
	v43 =	vld.idx.msk [tilespmem:v43+s24+$0x0], $0xffff;
	[tilespmem:v50+s29+$0x0] =	vst.idx.msk $0xffff, v48;
	v40 =	vor.u32 s30, v2  }
0x11a: {  	v45 =	vld.idx.msk [tilespmem:v45+s24+$0x0], $0xffff;
	v48 =	vor.u32 v29, v33;
	v50 =	vor.u32 s13, v24;
	[tilespmem:v44+s29+$0x0] =	vst.idx.msk $0xffff, v47  }
0x11b: {  	v3 =	vmov v5;
	v61 =	vor.u32 v29, v6;
	v5 =	vld.idx.msk [tilespmem:v49+s24+$0x0], $0xffff  }
0x11c: {  	[tilespmem:v56+s29+$0x0] =	vst.idx.msk $0xffff, v51;
	v60 =	vor.u32 s15, v20;
	v59 =	vld.idx.msk [tilespmem:v59+s24+$0x0], $0xffff  }
0x11d: {  	v56 =	vor.u32 s26, v4;
	v38 =	vld.idx.msk [tilespmem:v38+s24+$0x0], $0xffff  }
0x11e: {  	v53 =	vld.idx.msk [tilespmem:v53+s24+$0x0], $0xffff;
	[tilespmem:v40+s29+$0x0] =	vst.idx.msk $0xffff, v43;
	v43 =	vor.u32 s20, v11  }
0x11f: {  	v51 =	vor.u32 v10, v34;
	[tilespmem:v50+s29+$0x0] =	vst.idx.msk $0xffff, v52;
	v50 =	vor.u32 s22, v11;
	v46 =	vld.idx.msk [tilespmem:v48+s24+$0x0], $0xffff  }
0x120: {  	v54 =	vor.u32 v22, v32;
	v48 =	vor.u32 s14, v31;
	v52 =	vld.idx.msk [tilespmem:v61+s24+$0x0], $0xffff;
	[tilespmem:$0x1FEB0] =	vst v5  }
0x121: {  	v42 =	vor.u32 v1, v42;
	[tilespmem:v60+s29+$0x0] =	vst.idx.msk $0xffff, v59;
	v59 =	vor.u32 s13, v31  }
0x122: {  	[tilespmem:v56+s29+$0x0] =	vst.idx.msk $0xffff, v57  }
0x123: {  	v44 =	vor.u32 v12, v37;
	[tilespmem:v43+s29+$0x0] =	vst.idx.msk $0xffff, v53  }
0x124: {  	v62 =	vor.u32 v27, v3;
	v63 =	vld.idx.msk [tilespmem:v51+s24+$0x0], $0xffff;
	v53 =	vor.u32 s21, v11;
	[tilespmem:v50+s29+$0x0] =	vst.idx.msk $0xffff, v45  }
0x125: {  	v40 =	vor.u32 s15, v23;
	v56 =	vor.u32 v27, v6;
	[tilespmem:v48+s29+$0x0] =	vst.idx.msk $0xffff, v36;
	v55 =	vld.idx.msk [tilespmem:v54+s24+$0x0], $0xffff  }
0x126: {  	v58 =	vor.u32 s18, v4;
	v41 =	vor.u32 v1, v41;
	v49 =	vld.idx.msk [tilespmem:v42+s24+$0x0], $0xffff;
	[tilespmem:v59+s29+$0x0] =	vst.idx.msk $0xffff, v52  }
0x127: {  	v61 =	vor.u32 v21, v32;
	v60 =	vor.u32 s19, v13;
	v51 =	vor.u32 v1, v0;
	v0 =	vld [tilespmem:$0x1FEB0]  }
0x128: {  	v57 =	vor.u32 v14, v39;
	v47 =	vld.idx.msk [tilespmem:v44+s24+$0x0], $0xffff  }
0x129: {  	v4 =	vor.u32 s15, v24;
	v5 =	vor.u32 s20, v24;
	v36 =	vor.u32 v16, v39;
	v45 =	vld.idx.msk [tilespmem:v62+s24+$0x0], $0xffff;
	[tilespmem:v53+s29+$0x0] =	vst.idx.msk $0xffff, v63  }
0x12a: {  	v1 =	vmov v34;
	v48 =	vor.u32 v27, v33;
	v52 =	vor.u32 s16, v31;
	v50 =	vld.idx.msk [tilespmem:v56+s24+$0x0], $0xffff;
	[tilespmem:v40+s29+$0x0] =	vst.idx.msk $0xffff, v55  }
0x12b: {  	v62 =	vmovc v32;
	v59 =	vor.u32 s22, v13;
	v56 =	vor.u32 s26, v2;
	v2 =	vmov v35;
	v40 =	vld.idx.msk [tilespmem:v41+s24+$0x0], $0xffff;
	[tilespmem:v58+s29+$0x0] =	vst.idx.msk $0xffff, v38  }
0x12c: {  	v63 =	vmov v33;
	v53 =	vor.u32 v14, v37;
	v58 =	vor.u32 s19, v15;
	v54 =	vld.idx.msk [tilespmem:v61+s24+$0x0], $0xffff;
	[tilespmem:v60+s29+$0x0] =	vst.idx.msk $0xffff, v0  }
0x12d: {  	s0 =	simm.s32 $0x8;
	v38 =	vmovc v6;
	v55 =	vor.u32 v26, v6;
	v60 =	vor.u32 v12, v34;
	v44 =	vld.idx.msk [tilespmem:v57+s24+$0x0], $0xffff;
	v57 =	vor.u32 s13, v19  }
.LBB2_2:
0x12e: {  	v0 =	vld [tilespmem:$0x1FF10];
	_ =	sdelay $0x2  }
0x12f: {  	[tilespmem:v52+s29+$0x0] =	vst.idx.msk $0xffff, v46;
	v46 =	vld.idx.msk [tilespmem:v51+s24+$0x0], $0xffff  }
0x130: {  	[tilespmem:v59+s29+$0x0] =	vst.idx.msk $0xffff, v47;
	v34 =	vld.idx.msk [tilespmem:v60+s24+$0x0], $0xffff  }
0x131: {  	v48 =	vld.idx.msk [tilespmem:v48+s24+$0x0], $0xffff;
	[tilespmem:v56+s29+$0x0] =	vst.idx.msk $0xffff, v49;
	v33 =	vor.u32 s18, v0  }
0x132: {  	v49 =	vld.idx.msk [tilespmem:v53+s24+$0x0], $0xffff;
	[tilespmem:v57+s29+$0x0] =	vst.idx.msk $0xffff, v50;
	v61 =	vor.u32 s17, v0;
	s18 =	smov.u32 s13;
	s13 =	smov.u32 s21  }
0x133: {  	s11 =	sadd.s32 $0x40, s11;
	[tilespmem:$0x1FE70] =	vst v38;
	v55 =	vld.idx.msk [tilespmem:v55+s24+$0x0], $0xffff;
	s17 =	smov.u32 s14;
	s14 =	smov.u32 s22;
	v35 =	vor.u32 s13, v13  }
0x134: {  	v41 =	vor.u32 s19, v17;
	v50 =	vor.u32 v14, v1;
	[tilespmem:v58+s29+$0x0] =	vst.idx.msk $0xffff, v44;
	v42 =	vld [tilespmem:s11+$0x0];
	v44 =	vor.u32 s14, v15  }
0x135: {  	v60 =	vor.u32 v18, v1;
	v56 =	vor.u32 v16, v37;
	[tilespmem:v4+s29+$0x0] =	vst.idx.msk $0xffff, v54;
	v43 =	vld.idx.msk [tilespmem:v36+s24+$0x0], $0xffff  }
0x136: {  	v54 =	vor.u32 v16, v1;
	v0 =	vmovc v5;
	v5 =	vmov v1;
	v1 =	vld [tilespmem:$0x1FEC0];
	v57 =	vor.u32 s18, v28;
	[tilespmem:v33+s29+$0x0] =	vst.idx.msk $0xffff, v46  }
0x137: {  	v32 =	vor.u32 v29, v62;
	v46 =	vld [tilespmem:s11+$0xFFFFFFE0];
	v33 =	vor.u32 s17, v19;
	[tilespmem:v61+s29+$0x0] =	vst.idx.msk $0xffff, v40  }
0x138: {  	v51 =	vld [tilespmem:s11+$0xFFFFFFF0];
	[tilespmem:v35+s29+$0x0] =	vst.idx.msk $0xffff, v34;
	v34 =	vor.u32 s16, v19;
	v35 =	vor.u32 v26, v3  }
0x139: {  	v59 =	vor.u32 v26, v62;
	v36 =	vor.u32 v18, v39;
	[tilespmem:v44+s29+$0x0] =	vst.idx.msk $0xffff, v49;
	v44 =	vld.idx.msk [tilespmem:v50+s24+$0x0], $0xffff  }
0x13a: {  	v61 =	vor.u32 v26, v63;
	[tilespmem:v41+s29+$0x0] =	vst.idx.msk $0xffff, v43;
	v50 =	vld.idx.msk [tilespmem:v56+s24+$0x0], $0xffff;
	v56 =	vor.u32 s13, v15  }
0x13b: {  	v52 =	vor.u32 s15, v31;
	v43 =	vor.u32 s14, v17;
	v40 =	vshll.u32 v42, $0x4;
	v42 =	vld [tilespmem:s11+$0x10];
	[tilespmem:v57+s29+$0x0] =	vst.idx.msk $0xffff, v55  }
0x13c: {  	v47 =	vor.u32 v30, v63;
	v55 =	vld.idx.msk [tilespmem:v32+s24+$0x0], $0xffff;
	v57 =	vor.u32 v18, v37;
	[tilespmem:v33+s29+$0x0] =	vst.idx.msk $0xffff, v45  }
0x13d: {  	v6 =	vmov v62;
	v53 =	vor.u32 v27, v62;
	[tilespmem:v34+s29+$0x0] =	vst.idx.msk $0xffff, v48;
	v48 =	vld.idx.msk [tilespmem:v35+s24+$0x0], $0xffff  }
0x13e: {  	[tilespmem:$0x1FE80] =	vst v0;
	v62 =	vor.u32 s17, v28;
	v49 =	vor.u32 v30, v38;
	v38 =	vor.u32 v30, v3;
	v58 =	vld.idx.msk [tilespmem:v36+s24+$0x0], $0xffff  }
0x13f: {  	v0 =	vlaneseq.u32;
	v32 =	vor.u32 s19, v20;
	v36 =	vmovc v37;
	v37 =	vmov v39;
	[tilespmem:v56+s29+$0x0] =	vst.idx.msk $0xffff, v44;
	v56 =	vld.idx.msk [tilespmem:v61+s24+$0x0], $0xffff  }
0x140: {  	v46 =	vshll.u32 v46, $0x4;
	[tilespmem:v43+s29+$0x0] =	vst.idx.msk $0xffff, v50;
	v33 =	vor.u32 v22, v37;
	v50 =	vld.idx.msk [tilespmem:v54+s24+$0x0], $0xffff;
	v54 =	vor.u32 s16, v28  }
0x141: {  	v45 =	vshll.u32 v42, $0x4;
	v4 =	vor.u32 v16, v46;
	[tilespmem:v52+s29+$0x0] =	vst.idx.msk $0xffff, v55;
	v42 =	vld.idx.msk [tilespmem:v57+s24+$0x0], $0xffff;
	v57 =	vor.u32 s13, v17  }
0x142: {  	v41 =	vor.u32 v0, v46;
	[tilespmem:$0x1FEA0] =	vst v4;
	v55 =	vor.u32 s14, v20;
	v53 =	vld.idx.msk [tilespmem:v53+s24+$0x0], $0xffff  }
0x143: {  	s25 =	sadd.s32 $0x40, s25;
	s9 =	sadd.s32 $0x200, s9;
	v44 =	vshll.u32 v51, $0x4;
	v51 =	vor.u32 v22, v36;
	[tilespmem:v62+s29+$0x0] =	vst.idx.msk $0xffff, v48;
	v48 =	vld.idx.msk [tilespmem:v49+s24+$0x0], $0xffff  }
0x144: {  	s2 =	sand.u32 $0x70, s25;
	s7 =	sadd.s32 $0xFFFFFFE0, s25;
	s30 =	sand.u32 $0x3C00, s9;
	v61 =	vor.u32 v0, v40;
	v49 =	vor.u32 s15, v19;
	[tilespmem:v32+s29+$0x0] =	vst.idx.msk $0xffff, v58;
	v32 =	vld.idx.msk [tilespmem:v38+s24+$0x0], $0xffff  }
0x145: {  	s22 =	sand.u32 $0x50, s7;
	s7 =	sor.u32 s30, s2;
	v52 =	vor.u32 v0, v45;
	v38 =	vor.u32 s18, v25;
	v33 =	vld.idx.msk [tilespmem:v33+s24+$0x0], $0xffff;
	[tilespmem:v54+s29+$0x0] =	vst.idx.msk $0xffff, v56  }
0x146: {  	v62 =	vor.u32 v0, v44;
	v0 =	vor.u32 s7, v24;
	v54 =	vor.u32 s17, v25;
	[tilespmem:v57+s29+$0x0] =	vst.idx.msk $0xffff, v50;
	v47 =	vld.idx.msk [tilespmem:v47+s24+$0x0], $0xffff  }
0x147: {  	v39 =	vmov v63;
	v63 =	vor.u32 v12, v2;
	v56 =	vor.u32 s19, v23;
	[tilespmem:v55+s29+$0x0] =	vst.idx.msk $0xffff, v42;
	v55 =	vld.idx.msk [tilespmem:v60+s24+$0x0], $0xffff  }
0x148: {  	[tilespmem:$0x1FE90] =	vst v0;
	v50 =	vor.u32 s16, v25;
	v51 =	vld.idx.msk [tilespmem:v51+s24+$0x0], $0xffff  }
0x149: {  	s26 =	sadd.s32 $0xFFFFFFF0, s25;
	v57 =	vor.u32 v1, v3;
	v42 =	vor.u32 s13, v20;
	v0 =	vmov v2;
	v2 =	vld [tilespmem:$0x1FED0];
	[tilespmem:v49+s29+$0x0] =	vst.idx.msk $0xffff, v53  }
0x14a: {  	s26 =	sand.u32 $0x60, s26;
	v43 =	vor.u32 v21, v37;
	v49 =	vld.idx.msk [tilespmem:v61+s24+$0x0], $0xffff;
	v53 =	vor.u32 s14, v23;
	[tilespmem:v38+s29+$0x0] =	vst.idx.msk $0xffff, v48  }
0x14b: {  	s21 =	sor.u32 s30, s26;
	v4 =	vld [tilespmem:$0x1FEF0];
	v61 =	vor.u32 v22, v5;
	[tilespmem:v54+s29+$0x0] =	vst.idx.msk $0xffff, v32  }
0x14c: {  	v38 =	vor.u32 v21, v36;
	v63 =	vld.idx.msk [tilespmem:v63+s24+$0x0], $0xffff;
	v54 =	vor.u32 s21, v7;
	[tilespmem:v56+s29+$0x0] =	vst.idx.msk $0xffff, v33  }
0x14d: {  	v56 =	vld.idx.msk [tilespmem:v59+s24+$0x0], $0xffff;
	[tilespmem:v50+s29+$0x0] =	vst.idx.msk $0xffff, v47;
	v50 =	vor.u32 s15, v28  }
0x14e: {  	v47 =	vld.idx.msk [tilespmem:v57+s24+$0x0], $0xffff;
	[tilespmem:v42+s29+$0x0] =	vst.idx.msk $0xffff, v55;
	v42 =	vor.u32 s17, v2  }
0x14f: {  	v57 =	vor.u32 v30, v6;
	v43 =	vld.idx.msk [tilespmem:v43+s24+$0x0], $0xffff;
	[tilespmem:v53+s29+$0x0] =	vst.idx.msk $0xffff, v51;
	v53 =	vor.u32 s20, v13  }
0x150: {  	s1 =	sadd.s32 $0xFFFFFFD0, s25;
	v33 =	vor.u32 v1, v39;
	v51 =	vld.idx.msk [tilespmem:v61+s24+$0x0], $0xffff  }
0x151: {  	s1 =	sand.u32 $0x40, s1;
	v34 =	vor.u32 s19, v24;
	v55 =	vld.idx.msk [tilespmem:v38+s24+$0x0], $0xffff;
	[tilespmem:v54+s29+$0x0] =	vst.idx.msk $0xffff, v49  }
0x152: {  	s22 =	sor.u32 s30, s22;
	s30 =	sor.u32 s1, s30;
	v58 =	vor.u32 s13, v23;
	v38 =	vmov v3;
	v3 =	vld [tilespmem:$0x1FEE0];
	v54 =	vor.u32 v14, v0;
	[tilespmem:v50+s29+$0x0] =	vst.idx.msk $0xffff, v56  }
0x153: {  	v41 =	vld.idx.msk [tilespmem:v41+s24+$0x0], $0xffff;
	v50 =	vor.u32 s30, v7;
	[tilespmem:v42+s29+$0x0] =	vst.idx.msk $0xffff, v47  }
0x154: {  	v60 =	vor.u32 v8, v46;
	v42 =	vld.idx.msk [tilespmem:v57+s24+$0x0], $0xffff;
	[tilespmem:v53+s29+$0x0] =	vst.idx.msk $0xffff, v63;
	v53 =	vor.u32 s15, v25  }
0x155: {  	v33 =	vld.idx.msk [tilespmem:v33+s24+$0x0], $0xffff  }
0x156: {  	v47 =	vld.idx.msk [tilespmem:v62+s24+$0x0], $0xffff;
	[tilespmem:v34+s29+$0x0] =	vst.idx.msk $0xffff, v43  }
0x157: {  	[tilespmem:v58+s29+$0x0] =	vst.idx.msk $0xffff, v51;
	v51 =	vor.u32 s16, v2;
	v61 =	vor.u32 v3, v38;
	v34 =	vld.idx.msk [tilespmem:v54+s24+$0x0], $0xffff  }
0x158: {  	v49 =	vor.u32 s14, v24;
	v57 =	vor.u32 v21, v5;
	[tilespmem:v50+s29+$0x0] =	vst.idx.msk $0xffff, v41;
	v41 =	vld.idx.msk [tilespmem:v52+s24+$0x0], $0xffff  }
0x159: {  	v62 =	vor.u32 v3, v39;
	[tilespmem:v53+s29+$0x0] =	vst.idx.msk $0xffff, v42;
	v42 =	vld.idx.msk [tilespmem:v60+s24+$0x0], $0xffff  }
0x15a: {  	v60 =	vld [tilespmem:$0x1FE70]  }
0x15b: {  	v54 =	vor.u32 v1, v6;
	v50 =	vor.u32 s20, v15  }
0x15c: {  	v35 =	vor.u32 v8, v40;
	v52 =	vor.u32 s7, v7;
	[tilespmem:v51+s29+$0x0] =	vst.idx.msk $0xffff, v33;
	v58 =	vld.idx.msk [tilespmem:v61+s24+$0x0], $0xffff  }
0x15d: {  	v61 =	vor.u32 s22, v7;
	[tilespmem:v49+s29+$0x0] =	vst.idx.msk $0xffff, v55;
	v55 =	vld.idx.msk [tilespmem:v57+s24+$0x0], $0xffff;
	v57 =	vor.u32 v16, v0  }
0x15e: {  	v63 =	vor.u32 s17, v4;
	v49 =	vld.idx.msk [tilespmem:v62+s24+$0x0], $0xffff  }
0x15f: {  	v59 =	vor.u32 v8, v44;
	v33 =	vor.u32 s30, v9;
	v43 =	vor.u32 v1, v60;
	v1 =	vld [tilespmem:$0x1FF00]  }
0x160: {  	v48 =	vor.u32 v8, v45;
	v51 =	vor.u32 s16, v4;
	v53 =	vld.idx.msk [tilespmem:v54+s24+$0x0], $0xffff;
	[tilespmem:v50+s29+$0x0] =	vst.idx.msk $0xffff, v34  }
0x161: {  	v56 =	vor.u32 v10, v46;
	v35 =	vld.idx.msk [tilespmem:v35+s24+$0x0], $0xffff;
	[tilespmem:v52+s29+$0x0] =	vst.idx.msk $0xffff, v41  }
0x162: {  	v62 =	vor.u32 s15, v2;
	[tilespmem:v61+s29+$0x0] =	vst.idx.msk $0xffff, v47;
	v47 =	vor.u32 v29, v36;
	v41 =	vld.idx.msk [tilespmem:v57+s24+$0x0], $0xffff  }
0x163: {  	[tilespmem:v63+s29+$0x0] =	vst.idx.msk $0xffff, v58;
	v58 =	vor.u32 s21, v9;
	v63 =	vmov v37;
	v37 =	vld [tilespmem:$0x1FF10]  }
0x164: {  	[tilespmem:v33+s29+$0x0] =	vst.idx.msk $0xffff, v42;
	v33 =	vor.u32 s22, v9;
	v54 =	vld.idx.msk [tilespmem:v59+s24+$0x0], $0xffff;
	v34 =	vor.u32 v1, v39  }
0x165: {  	v57 =	vor.u32 v10, v44;
	[tilespmem:v51+s29+$0x0] =	vst.idx.msk $0xffff, v49;
	v39 =	vmov v46;
	v46 =	vld.idx.msk [tilespmem:v48+s24+$0x0], $0xffff;
	v48 =	vor.u32 s20, v17  }
0x166: {  	v52 =	vor.u32 v3, v6;
	v49 =	vld.idx.msk [tilespmem:v56+s24+$0x0], $0xffff  }
0x167: {  	v59 =	vor.u32 s7, v9;
	[tilespmem:v62+s29+$0x0] =	vst.idx.msk $0xffff, v53;
	v42 =	vld.idx.msk [tilespmem:v47+s24+$0x0], $0xffff;
	v47 =	vor.u32 v18, v0  }
0x168: {  	v32 =	vor.u32 v10, v45;
	v43 =	vld.idx.msk [tilespmem:v43+s24+$0x0], $0xffff;
	[tilespmem:v58+s29+$0x0] =	vst.idx.msk $0xffff, v35;
	v35 =	vor.u32 s18, v2  }
0x169: {  	v56 =	vor.u32 v3, v60;
	v51 =	vor.u32 s16, v37;
	[tilespmem:v33+s29+$0x0] =	vst.idx.msk $0xffff, v54;
	v34 =	vld.idx.msk [tilespmem:v34+s24+$0x0], $0xffff  }
0x16a: {  	v62 =	vor.u32 s13, v24;
	v54 =	vld.idx.msk [tilespmem:v57+s24+$0x0], $0xffff;
	[tilespmem:v48+s29+$0x0] =	vst.idx.msk $0xffff, v41  }
0x16b: {  	v3 =	vmov v60;
	v60 =	vor.u32 v27, v5;
	v61 =	vor.u32 v29, v63;
	s16 =	smov.u32 s19;
	s19 =	smov.u32 s30;
	v41 =	vld.idx.msk [tilespmem:v52+s24+$0x0], $0xffff  }
0x16c: {  	v33 =	vor.u32 v29, v5;
	v48 =	vor.u32 s19, v11;
	v47 =	vld.idx.msk [tilespmem:v47+s24+$0x0], $0xffff;
	[tilespmem:v59+s29+$0x0] =	vst.idx.msk $0xffff, v46  }
0x16d: {  	v58 =	vor.u32 v10, v40;
	v57 =	vor.u32 s20, v20;
	v32 =	vld.idx.msk [tilespmem:v32+s24+$0x0], $0xffff;
	[tilespmem:v35+s29+$0x0] =	vst.idx.msk $0xffff, v43  }
0x16e: {  	v52 =	vor.u32 v12, v39;
	v35 =	vor.u32 s15, v4;
	[tilespmem:v51+s29+$0x0] =	vst.idx.msk $0xffff, v34;
	v34 =	vld.idx.msk [tilespmem:v56+s24+$0x0], $0xffff  }
0x16f: {  	v59 =	vor.u32 v22, v0;
	v43 =	vor.u32 s7, v11;
	[tilespmem:v62+s29+$0x0] =	vst.idx.msk $0xffff, v55;
	v62 =	vmovc v0;
	v0 =	vmov v5;
	v5 =	vld [tilespmem:$0x1FE90]  }
0x170: {  	v46 =	vld.idx.msk [tilespmem:v61+s24+$0x0], $0xffff  }
0x171: {  	v50 =	vor.u32 v1, v6;
	[tilespmem:v48+s29+$0x0] =	vst.idx.msk $0xffff, v49;
	v33 =	vld.idx.msk [tilespmem:v33+s24+$0x0], $0xffff  }
0x172: {  	v51 =	vor.u32 s22, v11;
	[tilespmem:v57+s29+$0x0] =	vst.idx.msk $0xffff, v47;
	v58 =	vld.idx.msk [tilespmem:v58+s24+$0x0], $0xffff  }
0x173: {  	v53 =	vor.u32 s14, v31;
	v48 =	vor.u32 v12, v44;
	v61 =	vor.u32 s18, v4;
	v4 =	vld [tilespmem:$0x1FE80];
	[tilespmem:v35+s29+$0x0] =	vst.idx.msk $0xffff, v41  }
0x174: {  	v2 =	vmov v45;
	v45 =	vor.u32 v27, v36;
	v56 =	vor.u32 s13, v31;
	v55 =	vld.idx.msk [tilespmem:v52+s24+$0x0], $0xffff;
	[tilespmem:v43+s29+$0x0] =	vst.idx.msk $0xffff, v32  }
0x175: {  	v57 =	vor.u32 s19, v13;
	v32 =	vld.idx.msk [tilespmem:v59+s24+$0x0], $0xffff  }
0x176: {  	v35 =	vor.u32 v14, v39;
	v41 =	vor.u32 s21, v11;
	v43 =	vor.u32 s20, v23;
	v49 =	vld.idx.msk [tilespmem:v50+s24+$0x0], $0xffff  }
0x177: {  	s0 =	sadd.s32 $0x4, s0;
	[tilespmem:v51+s29+$0x0] =	vst.idx.msk $0xffff, v54;
	v54 =	vor.u32 v1, v38;
	v51 =	vor.u32 v1, v3;
	v3 =	vmov v36;
	v36 =	vld [tilespmem:$0x1FEA0]  }
0x178: {  	p0 =	slt.u32 s0, $0x7C;
	v47 =	vld.idx.msk [tilespmem:v48+s24+$0x0], $0xffff;
	[tilespmem:v53+s29+$0x0] =	vst.idx.msk $0xffff, v42;
	v42 =	vor.u32 v21, v62  }
.Ltmp0:
0x179: {  	[tilespmem:v56+s29+$0x0] =	vst.idx.msk $0xffff, v33;
	v45 =	vld.idx.msk [tilespmem:v45+s24+$0x0], $0xffff;
	(pc) =	sbr.rel @p0 .LBB2_2-.Ltmp0, $4  }
0x17a: {  	v52 =	vor.u32 s16, v31;
	v59 =	vor.u32 s22, v13;
	v1 =	vmovc v40;
	v38 =	vmov v0;
	[tilespmem:v57+s29+$0x0] =	vst.idx.msk $0xffff, v55;
	v50 =	vld.idx.msk [tilespmem:v60+s24+$0x0], $0xffff  }
0x17b: {  	v48 =	vor.u32 v27, v63;
	v56 =	vor.u32 s15, v37;
	v37 =	vmov v44;
	[tilespmem:v41+s29+$0x0] =	vst.idx.msk $0xffff, v58;
	v44 =	vld.idx.msk [tilespmem:v35+s24+$0x0], $0xffff  }
0x17c: {  	v60 =	vor.u32 v12, v1;
	v53 =	vor.u32 v14, v37;
	[tilespmem:v43+s29+$0x0] =	vst.idx.msk $0xffff, v32;
	v40 =	vld.idx.msk [tilespmem:v54+s24+$0x0], $0xffff  }
0x17d: {  	s15 =	smov.u32 s20;
	s20 =	smov.u32 s7;
	v57 =	vor.u32 s13, v19;
	v58 =	vor.u32 s19, v15;
	v55 =	vor.u32 v26, v0;
	[tilespmem:v61+s29+$0x0] =	vst.idx.msk $0xffff, v34;
	v54 =	vld.idx.msk [tilespmem:v42+s24+$0x0], $0xffff  }
0x17e: {  	_ =	sdelay $0x3  }
0x17f: {  	[tilespmem:v52+s29+$0x0] =	vst.idx.msk $0xffff, v46  }
0x180: {  	v32 =	vor.u32 v12, v2;
	[tilespmem:v56+s29+$0x0] =	vst.idx.msk $0xffff, v49  }
0x181: {  	[tilespmem:v59+s29+$0x0] =	vst.idx.msk $0xffff, v47  }
0x182: {  	v6 =	vld [tilespmem:$0x1FF10];
	_ =	sdelay $0x2  }
0x183: {  	v33 =	vor.u32 s20, v13;
	v32 =	vld.idx.msk [tilespmem:v32+s24+$0x0], $0xffff  }
0x184: {  	v34 =	vld.idx.msk [tilespmem:v60+s24+$0x0], $0xffff;
	v35 =	vor.u32 s21, v13;
	v41 =	vor.u32 v14, v2  }
0x185: {  	v42 =	vld.idx.msk [tilespmem:v51+s24+$0x0], $0xffff;
	v46 =	vor.u32 v14, v1;
	[tilespmem:v57+s29+$0x0] =	vst.idx.msk $0xffff, v50;
	v43 =	vor.u32 s18, v6  }
0x186: {  	[tilespmem:v58+s29+$0x0] =	vst.idx.msk $0xffff, v44;
	v56 =	vor.u32 s17, v6  }
0x187: {  	v57 =	vld.idx.msk [tilespmem:v53+s24+$0x0], $0xffff;
	v58 =	vor.u32 s22, v15;
	[tilespmem:v4+s29+$0x0] =	vst.idx.msk $0xffff, v54  }
0x188: {  	v59 =	vor.u32 s13, v28;
	v50 =	vld.idx.msk [tilespmem:v55+s24+$0x0], $0xffff;
	[tilespmem:v33+s29+$0x0] =	vst.idx.msk $0xffff, v32  }
0x189: {  	v60 =	vor.u32 v16, v37;
	v61 =	vor.u32 s20, v15;
	[tilespmem:v35+s29+$0x0] =	vst.idx.msk $0xffff, v34;
	v33 =	vld.idx.msk [tilespmem:v41+s24+$0x0], $0xffff  }
0x18a: {  	v35 =	vld.idx.msk [tilespmem:v46+s24+$0x0], $0xffff;
	[tilespmem:v43+s29+$0x0] =	vst.idx.msk $0xffff, v42;
	v41 =	vor.u32 s21, v15;
	v42 =	vor.u32 v16, v2  }
0x18b: {  	v52 =	vor.u32 s14, v19;
	[tilespmem:v56+s29+$0x0] =	vst.idx.msk $0xffff, v40;
	v40 =	vor.u32 v16, v1  }
0x18c: {  	v47 =	vor.u32 v29, v62;
	v46 =	vor.u32 s19, v17;
	[tilespmem:v58+s29+$0x0] =	vst.idx.msk $0xffff, v57;
	v43 =	vld.idx.msk [tilespmem:v36+s24+$0x0], $0xffff  }
0x18d: {  	v57 =	vor.u32 s16, v19;
	v58 =	vor.u32 v26, v3;
	[tilespmem:v59+s29+$0x0] =	vst.idx.msk $0xffff, v50;
	v56 =	vld.idx.msk [tilespmem:v48+s24+$0x0], $0xffff  }
0x18e: {  	v59 =	vor.u32 v18, v39;
	v32 =	vld.idx.msk [tilespmem:v60+s24+$0x0], $0xffff;
	v60 =	vor.u32 s22, v17;
	[tilespmem:v61+s29+$0x0] =	vst.idx.msk $0xffff, v33  }
0x18f: {  	v36 =	vor.u32 s20, v17;
	v61 =	vor.u32 v26, v63;
	[tilespmem:v41+s29+$0x0] =	vst.idx.msk $0xffff, v35;
	v34 =	vld.idx.msk [tilespmem:v42+s24+$0x0], $0xffff  }
0x190: {  	[tilespmem:v52+s29+$0x0] =	vst.idx.msk $0xffff, v45;
	v41 =	vor.u32 s21, v17;
	v40 =	vld.idx.msk [tilespmem:v40+s24+$0x0], $0xffff;
	v42 =	vor.u32 v18, v2  }
0x191: {  	v45 =	vor.u32 s15, v31;
	[tilespmem:v46+s29+$0x0] =	vst.idx.msk $0xffff, v43;
	v43 =	vld.idx.msk [tilespmem:v47+s24+$0x0], $0xffff;
	v46 =	vor.u32 v18, v1  }
0x192: {  	v47 =	vor.u32 v18, v37;
	[tilespmem:v57+s29+$0x0] =	vst.idx.msk $0xffff, v56;
	v56 =	vld.idx.msk [tilespmem:v58+s24+$0x0], $0xffff;
	v57 =	vor.u32 s14, v28  }
0x193: {  	[tilespmem:v60+s29+$0x0] =	vst.idx.msk $0xffff, v32;
	v60 =	vor.u32 v30, v38;
	v50 =	vld.idx.msk [tilespmem:v59+s24+$0x0], $0xffff;
	v59 =	vor.u32 s19, v20  }
0x194: {  	v58 =	vor.u32 v27, v62;
	v33 =	vld.idx.msk [tilespmem:v61+s24+$0x0], $0xffff;
	v61 =	vor.u32 s16, v28;
	[tilespmem:v36+s29+$0x0] =	vst.idx.msk $0xffff, v34  }
0x195: {  	v36 =	vor.u32 v22, v39;
	[tilespmem:v41+s29+$0x0] =	vst.idx.msk $0xffff, v40;
	v40 =	vor.u32 s20, v20;
	v35 =	vld.idx.msk [tilespmem:v42+s24+$0x0], $0xffff  }
0x196: {  	[tilespmem:v45+s29+$0x0] =	vst.idx.msk $0xffff, v43;
	v43 =	vor.u32 v22, v2;
	v41 =	vld.idx.msk [tilespmem:v46+s24+$0x0], $0xffff;
	v42 =	vor.u32 s21, v20  }
0x197: {  	v44 =	vor.u32 v22, v1;
	v45 =	vld.idx.msk [tilespmem:v47+s24+$0x0], $0xffff;
	[tilespmem:v57+s29+$0x0] =	vst.idx.msk $0xffff, v56;
	v46 =	vor.u32 s22, v20  }
0x198: {  	v32 =	vld.idx.msk [tilespmem:v60+s24+$0x0], $0xffff;
	v60 =	vor.u32 s13, v25;
	v57 =	vor.u32 v22, v37;
	[tilespmem:v59+s29+$0x0] =	vst.idx.msk $0xffff, v50  }
0x199: {  	v56 =	vld.idx.msk [tilespmem:v58+s24+$0x0], $0xffff;
	v58 =	vor.u32 s15, v19;
	v59 =	vor.u32 v30, v3;
	[tilespmem:v61+s29+$0x0] =	vst.idx.msk $0xffff, v33  }
0x19a: {  	v61 =	vor.u32 v30, v63;
	v34 =	vld.idx.msk [tilespmem:v36+s24+$0x0], $0xffff;
	v36 =	vor.u32 s19, v23;
	[tilespmem:v40+s29+$0x0] =	vst.idx.msk $0xffff, v35  }
0x19b: {  	[tilespmem:v42+s29+$0x0] =	vst.idx.msk $0xffff, v41;
	v41 =	vor.u32 s20, v23;
	v40 =	vld.idx.msk [tilespmem:v43+s24+$0x0], $0xffff  }
0x19c: {  	[tilespmem:v46+s29+$0x0] =	vst.idx.msk $0xffff, v45;
	v42 =	vld.idx.msk [tilespmem:v44+s24+$0x0], $0xffff;
	v43 =	vor.u32 s21, v23  }
0x19d: {  	[tilespmem:v60+s29+$0x0] =	vst.idx.msk $0xffff, v32;
	v46 =	vor.u32 s22, v23;
	v45 =	vld.idx.msk [tilespmem:v57+s24+$0x0], $0xffff  }
0x19e: {  	[tilespmem:v58+s29+$0x0] =	vst.idx.msk $0xffff, v56;
	v58 =	vor.u32 s14, v25;
	v35 =	vor.u32 v21, v39;
	v57 =	vld.idx.msk [tilespmem:v59+s24+$0x0], $0xffff  }
0x19f: {  	v44 =	vor.u32 v21, v2;
	v33 =	vld.idx.msk [tilespmem:v61+s24+$0x0], $0xffff;
	v61 =	vor.u32 s16, v25;
	[tilespmem:v36+s29+$0x0] =	vst.idx.msk $0xffff, v34  }
0x1a0: {  	v56 =	vor.u32 v21, v1;
	v36 =	vmov v1;
	v1 =	vld [tilespmem:$0x1FEC0];
	[tilespmem:v41+s29+$0x0] =	vst.idx.msk $0xffff, v40  }
0x1a1: {  	[tilespmem:v43+s29+$0x0] =	vst.idx.msk $0xffff, v42  }
0x1a2: {  	[tilespmem:v46+s29+$0x0] =	vst.idx.msk $0xffff, v45  }
0x1a3: {  	v59 =	vor.u32 v21, v37;
	v35 =	vld.idx.msk [tilespmem:v35+s24+$0x0], $0xffff;
	[tilespmem:v58+s29+$0x0] =	vst.idx.msk $0xffff, v57  }
0x1a4: {  	v60 =	vor.u32 v26, v62;
	v41 =	vld.idx.msk [tilespmem:v44+s24+$0x0], $0xffff;
	[tilespmem:v61+s29+$0x0] =	vst.idx.msk $0xffff, v33  }
0x1a5: {  	v51 =	vor.u32 s19, v24;
	v53 =	vmovc v2;
	v44 =	vor.u32 v29, v2;
	v2 =	vld [tilespmem:$0x1FED0];
	v55 =	vor.u32 v1, v3  }
0x1a6: {  	v40 =	vor.u32 v29, v39  }
0x1a7: {  	v43 =	vor.u32 s21, v24;
	v42 =	vld.idx.msk [tilespmem:v56+s24+$0x0], $0xffff  }
0x1a8: {  	v57 =	vor.u32 v29, v36;
	v32 =	vld.idx.msk [tilespmem:v59+s24+$0x0], $0xffff;
	v56 =	vor.u32 s22, v24  }
0x1a9: {  	v58 =	vld.idx.msk [tilespmem:v60+s24+$0x0], $0xffff;
	v60 =	vor.u32 v29, v37;
	v59 =	vor.u32 s15, v28  }
0x1aa: {  	v61 =	vor.u32 v30, v62;
	[tilespmem:v51+s29+$0x0] =	vst.idx.msk $0xffff, v35;
	v54 =	vor.u32 s14, v2;
	v34 =	vld.idx.msk [tilespmem:v55+s24+$0x0], $0xffff  }
0x1ab: {  	v51 =	vor.u32 s19, v31;
	v40 =	vld.idx.msk [tilespmem:v40+s24+$0x0], $0xffff;
	[tilespmem:v5+s29+$0x0] =	vst.idx.msk $0xffff, v41  }
0x1ac: {  	[tilespmem:v43+s29+$0x0] =	vst.idx.msk $0xffff, v42;
	v43 =	vor.u32 s20, v31;
	v42 =	vld.idx.msk [tilespmem:v44+s24+$0x0], $0xffff  }
0x1ad: {  	[tilespmem:v56+s29+$0x0] =	vst.idx.msk $0xffff, v32;
	v32 =	vld.idx.msk [tilespmem:v57+s24+$0x0], $0xffff;
	v44 =	vor.u32 s21, v31  }
0x1ae: {  	v46 =	vor.u32 s22, v31;
	[tilespmem:v59+s29+$0x0] =	vst.idx.msk $0xffff, v58;
	v33 =	vld.idx.msk [tilespmem:v60+s24+$0x0], $0xffff  }
0x1af: {  	v58 =	vor.u32 s15, v25;
	v57 =	vld.idx.msk [tilespmem:v61+s24+$0x0], $0xffff;
	v55 =	vor.u32 v1, v63;
	[tilespmem:v54+s29+$0x0] =	vst.idx.msk $0xffff, v34  }
0x1b0: {  	v0 =	vmov v3;
	v3 =	vld [tilespmem:$0x1FEE0];
	[tilespmem:v51+s29+$0x0] =	vst.idx.msk $0xffff, v40  }
0x1b1: {  	v41 =	vor.u32 v27, v39;
	[tilespmem:v43+s29+$0x0] =	vst.idx.msk $0xffff, v42  }
0x1b2: {  	v45 =	vor.u32 v27, v53;
	[tilespmem:v44+s29+$0x0] =	vst.idx.msk $0xffff, v32  }
0x1b3: {  	v56 =	vor.u32 v27, v36;
	[tilespmem:v46+s29+$0x0] =	vst.idx.msk $0xffff, v33  }
0x1b4: {  	v59 =	vor.u32 v27, v37;
	v35 =	vld.idx.msk [tilespmem:v55+s24+$0x0], $0xffff;
	[tilespmem:v58+s29+$0x0] =	vst.idx.msk $0xffff, v57  }
0x1b5: {  	v61 =	vor.u32 s16, v2;
	v4 =	vld [tilespmem:$0x1FEF0];
	v60 =	vor.u32 v3, v0  }
0x1b6: {  	v51 =	vor.u32 s19, v19;
	v41 =	vld.idx.msk [tilespmem:v41+s24+$0x0], $0xffff;
	v55 =	vor.u32 v3, v63  }
0x1b7: {  	v43 =	vor.u32 s20, v19;
	v42 =	vld.idx.msk [tilespmem:v45+s24+$0x0], $0xffff  }
0x1b8: {  	v32 =	vor.u32 v26, v39;
	v44 =	vor.u32 s21, v19;
	v33 =	vld.idx.msk [tilespmem:v56+s24+$0x0], $0xffff  }
0x1b9: {  	v45 =	vor.u32 v26, v53;
	v34 =	vld.idx.msk [tilespmem:v59+s24+$0x0], $0xffff;
	v56 =	vor.u32 s22, v19  }
0x1ba: {  	v46 =	vor.u32 v26, v36;
	[tilespmem:v61+s29+$0x0] =	vst.idx.msk $0xffff, v35;
	v58 =	vor.u32 s14, v4;
	v57 =	vld.idx.msk [tilespmem:v60+s24+$0x0], $0xffff  }
0x1bb: {  	v59 =	vor.u32 v26, v37;
	v61 =	vor.u32 s16, v4;
	[tilespmem:v51+s29+$0x0] =	vst.idx.msk $0xffff, v41;
	v40 =	vld.idx.msk [tilespmem:v55+s24+$0x0], $0xffff  }
0x1bc: {  	[tilespmem:v43+s29+$0x0] =	vst.idx.msk $0xffff, v42  }
0x1bd: {  	v51 =	vor.u32 s19, v28;
	[tilespmem:v44+s29+$0x0] =	vst.idx.msk $0xffff, v33;
	v32 =	vld.idx.msk [tilespmem:v32+s24+$0x0], $0xffff;
	v60 =	vor.u32 v1, v62  }
0x1be: {  	v33 =	vor.u32 v30, v39;
	v43 =	vor.u32 s20, v28;
	[tilespmem:v56+s29+$0x0] =	vst.idx.msk $0xffff, v34;
	v42 =	vld.idx.msk [tilespmem:v45+s24+$0x0], $0xffff  }
0x1bf: {  	v56 =	vor.u32 v30, v53;
	v44 =	vld.idx.msk [tilespmem:v46+s24+$0x0], $0xffff;
	v45 =	vor.u32 s21, v28;
	[tilespmem:v58+s29+$0x0] =	vst.idx.msk $0xffff, v57  }
0x1c0: {  	v35 =	vld.idx.msk [tilespmem:v59+s24+$0x0], $0xffff;
	v57 =	vor.u32 v30, v36;
	v58 =	vor.u32 s22, v28;
	[tilespmem:v61+s29+$0x0] =	vst.idx.msk $0xffff, v40  }
0x1c1: {  	v5 =	vld [tilespmem:$0x1FF00]  }
0x1c2: {  	v59 =	vor.u32 s15, v2;
	v55 =	vor.u32 v1, v38;
	v48 =	vld.idx.msk [tilespmem:v60+s24+$0x0], $0xffff;
	[tilespmem:v51+s29+$0x0] =	vst.idx.msk $0xffff, v32  }
0x1c3: {  	v60 =	vor.u32 v30, v37;
	v51 =	vor.u32 s19, v25;
	[tilespmem:v43+s29+$0x0] =	vst.idx.msk $0xffff, v42;
	v33 =	vld.idx.msk [tilespmem:v33+s24+$0x0], $0xffff  }
0x1c4: {  	[tilespmem:v45+s29+$0x0] =	vst.idx.msk $0xffff, v44;
	v42 =	vor.u32 v1, v39;
	v43 =	vor.u32 s20, v25;
	v34 =	vld.idx.msk [tilespmem:v56+s24+$0x0], $0xffff  }
0x1c5: {  	[tilespmem:v58+s29+$0x0] =	vst.idx.msk $0xffff, v35;
	v56 =	vld.idx.msk [tilespmem:v57+s24+$0x0], $0xffff;
	v57 =	vor.u32 s21, v25;
	v58 =	vor.u32 v1, v53  }
0x1c6: {  	v61 =	vor.u32 v5, v63  }
0x1c7: {  	v41 =	vld.idx.msk [tilespmem:v55+s24+$0x0], $0xffff;
	v55 =	vor.u32 v3, v62;
	[tilespmem:v59+s29+$0x0] =	vst.idx.msk $0xffff, v48;
	v63 =	vor.u32 s13, v2  }
0x1c8: {  	v59 =	vor.u32 s22, v25;
	v40 =	vld.idx.msk [tilespmem:v60+s24+$0x0], $0xffff;
	[tilespmem:v51+s29+$0x0] =	vst.idx.msk $0xffff, v33  }
0x1c9: {  	v60 =	vor.u32 v1, v36;
	v51 =	vor.u32 s19, v2;
	[tilespmem:v43+s29+$0x0] =	vst.idx.msk $0xffff, v34;
	v42 =	vld.idx.msk [tilespmem:v42+s24+$0x0], $0xffff  }
0x1ca: {  	[tilespmem:v57+s29+$0x0] =	vst.idx.msk $0xffff, v56;
	v56 =	vor.u32 v3, v39;
	v57 =	vld.idx.msk [tilespmem:v58+s24+$0x0], $0xffff;
	v58 =	vor.u32 s20, v2  }
0x1cb: {  	v49 =	vor.u32 s16, v6;
	v48 =	vld.idx.msk [tilespmem:v61+s24+$0x0], $0xffff;
	v61 =	vor.u32 v1, v37  }
0x1cc: {  	v50 =	vor.u32 v3, v38;
	v32 =	vld.idx.msk [tilespmem:v55+s24+$0x0], $0xffff;
	[tilespmem:v63+s29+$0x0] =	vst.idx.msk $0xffff, v41;
	v63 =	vor.u32 s15, v4  }
0x1cd: {  	[tilespmem:v59+s29+$0x0] =	vst.idx.msk $0xffff, v40;
	v59 =	vor.u32 v3, v53  }
0x1ce: {  	v55 =	vor.u32 v5, v62;
	v44 =	vld.idx.msk [tilespmem:v60+s24+$0x0], $0xffff;
	v60 =	vor.u32 s21, v2;
	[tilespmem:v51+s29+$0x0] =	vst.idx.msk $0xffff, v42  }
0x1cf: {  	v62 =	vor.u32 v3, v36;
	v34 =	vld.idx.msk [tilespmem:v56+s24+$0x0], $0xffff;
	v56 =	vor.u32 s19, v4;
	[tilespmem:v58+s29+$0x0] =	vst.idx.msk $0xffff, v57  }
0x1d0: {  	[tilespmem:v49+s29+$0x0] =	vst.idx.msk $0xffff, v48;
	v41 =	vld.idx.msk [tilespmem:v61+s24+$0x0], $0xffff;
	v61 =	vor.u32 s22, v2  }
0x1d1: {  	v48 =	vld.idx.msk [tilespmem:v50+s24+$0x0], $0xffff;
	[tilespmem:v63+s29+$0x0] =	vst.idx.msk $0xffff, v32;
	v32 =	vor.u32 s13, v4;
	v63 =	vor.u32 v3, v37  }
0x1d2: {  	v57 =	vor.u32 v5, v39;
	v58 =	vld.idx.msk [tilespmem:v59+s24+$0x0], $0xffff  }
0x1d3: {  	v50 =	vor.u32 v5, v38;
	[tilespmem:v60+s29+$0x0] =	vst.idx.msk $0xffff, v44;
	v59 =	vor.u32 s20, v4;
	v33 =	vld.idx.msk [tilespmem:v55+s24+$0x0], $0xffff  }
0x1d4: {  	v55 =	vor.u32 v5, v0;
	v60 =	vld.idx.msk [tilespmem:v62+s24+$0x0], $0xffff;
	v62 =	vor.u32 s21, v4;
	[tilespmem:v56+s29+$0x0] =	vst.idx.msk $0xffff, v34  }
0x1d5: {  	v52 =	vor.u32 s15, v6;
	v36 =	vor.u32 v5, v36;
	[tilespmem:v61+s29+$0x0] =	vst.idx.msk $0xffff, v41  }
0x1d6: {  	v61 =	vor.u32 v5, v53;
	[tilespmem:v32+s29+$0x0] =	vst.idx.msk $0xffff, v48;
	v48 =	vor.u32 s22, v4;
	v63 =	vld.idx.msk [tilespmem:v63+s24+$0x0], $0xffff  }
0x1d7: {  	v56 =	vor.u32 s19, v6;
	v53 =	vor.u32 v5, v37;
	v34 =	vld.idx.msk [tilespmem:v57+s24+$0x0], $0xffff  }
0x1d8: {  	[tilespmem:v59+s29+$0x0] =	vst.idx.msk $0xffff, v58;
	v49 =	vld.idx.msk [tilespmem:v50+s24+$0x0], $0xffff;
	v50 =	vor.u32 s13, v6  }
0x1d9: {  	v54 =	vld.idx.msk [tilespmem:v55+s24+$0x0], $0xffff;
	v55 =	vor.u32 s14, v6;
	[tilespmem:v62+s29+$0x0] =	vst.idx.msk $0xffff, v60  }
0x1da: {  	v59 =	vor.u32 s21, v6;
	[tilespmem:v52+s29+$0x0] =	vst.idx.msk $0xffff, v33;
	v58 =	vld.idx.msk [tilespmem:v36+s24+$0x0], $0xffff  }
0x1db: {  	v57 =	vor.u32 s20, v6;
	v38 =	vld.idx.msk [tilespmem:v61+s24+$0x0], $0xffff;
	[tilespmem:v48+s29+$0x0] =	vst.idx.msk $0xffff, v63  }
0x1dc: {  	v60 =	vor.u32 s22, v6;
	[tilespmem:v56+s29+$0x0] =	vst.idx.msk $0xffff, v34;
	v33 =	vld.idx.msk [tilespmem:v53+s24+$0x0], $0xffff  }
0x1dd: {  	[tilespmem:v50+s29+$0x0] =	vst.idx.msk $0xffff, v49  }
0x1de: {  	[tilespmem:v55+s29+$0x0] =	vst.idx.msk $0xffff, v54  }
0x1df: {  	[tilespmem:v59+s29+$0x0] =	vst.idx.msk $0xffff, v58  }
0x1e0: {  	[tilespmem:v57+s29+$0x0] =	vst.idx.msk $0xffff, v38  }
0x1e1: {  	[tilespmem:v60+s29+$0x0] =	vst.idx.msk $0xffff, v33  }
0x1e2: {  	s0 =	simm.s32 $0x0;
	s1 =	rddreg [dreg:$0x6]  }
0x1e3: {  	[hbm4b:s1+s0] =	stream.linear.scatter [tilespmem:s29], [sflag:$0x3], $0x4000, $0x38;
	[tilespmem:$0x11CD0] =	vst v63  }
0x1e4: {  	s2 =	simm.s32 $0x5000;
	s17 =	rddreg [dreg:$0x8]  }
0x1e5: {  	[hbm4b:s17+s0] =	stream.linear.scatter [tilespmem:s2], [sflag:$0x3], $0x4000, $0x38;
	[tilespmem:$0x11CD0] =	vst v63  }
0x1e6: {  	s18 =	rddreg [dreg:$0x9]  }
0x1e7: {  	[tilespmem:s0], [sflag:$0x1] =	stream.linear.gather [hbm4b:s18+s0], $0x800, $0x38;
	[tilespmem:$0x11CD0] =	vst v63  }
0x1e8: {  	_ =	swait.ge [sflag:s31], $0x800  }
0x1e9: {  	[sflag:s31] =	ssyncset.done $0x0  }
0x1ea: {  	s19 =	simm.s32 $0x830;
	[sflag:s31] =	ssyncadd.s32 $0xFFFFF800  }
0x1eb: {  	v61 =	vld [tilespmem:s19+$0xFFFFFFD0];
	_ =	sdelay $0x3  }
0x1ec: {  	v62 =	vld [tilespmem:s19+$0x0]  }
0x1ed: {  	v0 =	vlaneseq.u32;
	v44 =	vld [tilespmem:s19+$0xFFFFFFE0];
	v33 =	vshll.u32 v61, $0x4  }
0x1ee: {  	v32 =	vor.u32 v0, v33  }
0x1ef: {  	s20 =	simm.s32 $0x0  }
0x1f0: {  	s2 =	sand.u32 $0x40, s20;
	s0 =	sand.u32 $0x3C00, s0;
	v63 =	vld [tilespmem:s19+$0xFFFFFFF0]  }
0x1f1: {  	s21 =	sor.u32 s2, s0;
	v34 =	vshll.u32 v62, $0x4  }
0x1f2: {  	s15 =	sor.u32 $0x8000, s21;
	v35 =	vshll.u32 v44, $0x4;
	v45 =	vor.u32 v0, v34  }
0x1f3: {  	s22 =	simm.s32 $0x30;
	v47 =	vor.u32 s15, v7;
	v50 =	vor.u32 v0, v35;
	v46 =	vld.idx.msk [tilespmem:v32+s24+$0x0], $0xffff  }
0x1f4: {  	s25 =	simm.s32 $0x20;
	s30 =	simm.s32 $0x10;
	s1 =	sand.u32 $0x70, s22;
	v48 =	vor.u32 v8, v33  }
0x1f5: {  	s26 =	sand.u32 $0x60, s25;
	s1 =	sor.u32 s1, s0;
	s2 =	sand.u32 $0x50, s30;
	v6 =	vshll.u32 v63, $0x4  }
0x1f6: {  	s13 =	sor.u32 $0x8000, s1;
	s1 =	sor.u32 s26, s0;
	s0 =	sor.u32 s2, s0;
	v49 =	vor.u32 v0, v6  }
0x1f7: {  	v51 =	vor.u32 s13, v7;
	s16 =	sor.u32 $0x8000, s0;
	v37 =	vld.idx.msk [tilespmem:v45+s24+$0x0], $0xffff  }
0x1f8: {  	v56 =	vor.u32 s16, v7;
	v52 =	vor.u32 v8, v34;
	v41 =	vld.idx.msk [tilespmem:v50+s24+$0x0], $0xffff;
	[tilespmem:v47+s29+$0x0] =	vst.idx.msk $0xffff, v46  }
0x1f9: {  	v53 =	vor.u32 s15, v9;
	v58 =	vor.u32 v8, v35;
	v39 =	vld.idx.msk [tilespmem:v48+s24+$0x0], $0xffff  }
0x1fa: {  	s14 =	sor.u32 $0x8000, s1;
	v54 =	vor.u32 v10, v33  }
0x1fb: {  	v55 =	vor.u32 s14, v7;
	v36 =	vld.idx.msk [tilespmem:v49+s24+$0x0], $0xffff  }
0x1fc: {  	v57 =	vor.u32 v8, v6;
	[tilespmem:v51+s29+$0x0] =	vst.idx.msk $0xffff, v37  }
0x1fd: {  	v59 =	vor.u32 s13, v9;
	[tilespmem:v56+s29+$0x0] =	vst.idx.msk $0xffff, v41;
	v37 =	vld.idx.msk [tilespmem:v52+s24+$0x0], $0xffff  }
0x1fe: {  	v60 =	vor.u32 v10, v34;
	v49 =	vor.u32 s16, v9;
	v48 =	vld.idx.msk [tilespmem:v58+s24+$0x0], $0xffff;
	[tilespmem:v53+s29+$0x0] =	vst.idx.msk $0xffff, v39  }
0x1ff: {  	v61 =	vor.u32 s15, v11;
	v51 =	vor.u32 v10, v35;
	v40 =	vld.idx.msk [tilespmem:v54+s24+$0x0], $0xffff  }
0x200: {  	v62 =	vor.u32 v12, v33;
	[tilespmem:v55+s29+$0x0] =	vst.idx.msk $0xffff, v36  }
0x201: {  	v32 =	vor.u32 s14, v9;
	v63 =	vld.idx.msk [tilespmem:v57+s24+$0x0], $0xffff  }
0x202: {  	v50 =	vor.u32 v10, v6;
	[tilespmem:v59+s29+$0x0] =	vst.idx.msk $0xffff, v37  }
0x203: {  	v52 =	vor.u32 s13, v11;
	[tilespmem:v49+s29+$0x0] =	vst.idx.msk $0xffff, v48;
	v37 =	vld.idx.msk [tilespmem:v60+s24+$0x0], $0xffff  }
0x204: {  	v58 =	vor.u32 s16, v11;
	v53 =	vor.u32 v12, v34;
	v44 =	vld.idx.msk [tilespmem:v51+s24+$0x0], $0xffff;
	[tilespmem:v61+s29+$0x0] =	vst.idx.msk $0xffff, v40  }
0x205: {  	v54 =	vor.u32 s15, v13;
	v60 =	vor.u32 v12, v35;
	v36 =	vld.idx.msk [tilespmem:v62+s24+$0x0], $0xffff  }
0x206: {  	v55 =	vor.u32 v14, v33;
	[tilespmem:v32+s29+$0x0] =	vst.idx.msk $0xffff, v63  }
0x207: {  	v57 =	vor.u32 s14, v11;
	v56 =	vld.idx.msk [tilespmem:v50+s24+$0x0], $0xffff  }
0x208: {  	v59 =	vor.u32 v12, v6;
	[tilespmem:v52+s29+$0x0] =	vst.idx.msk $0xffff, v37  }
0x209: {  	v61 =	vor.u32 s13, v13;
	[tilespmem:v58+s29+$0x0] =	vst.idx.msk $0xffff, v44;
	v37 =	vld.idx.msk [tilespmem:v53+s24+$0x0], $0xffff  }
0x20a: {  	v50 =	vor.u32 s16, v13;
	v62 =	vor.u32 v14, v34;
	v44 =	vld.idx.msk [tilespmem:v60+s24+$0x0], $0xffff;
	[tilespmem:v54+s29+$0x0] =	vst.idx.msk $0xffff, v36  }
0x20b: {  	v32 =	vor.u32 s15, v15;
	v52 =	vor.u32 v14, v35;
	v63 =	vld.idx.msk [tilespmem:v55+s24+$0x0], $0xffff  }
0x20c: {  	v48 =	vor.u32 v16, v33;
	[tilespmem:v57+s29+$0x0] =	vst.idx.msk $0xffff, v56  }
0x20d: {  	v49 =	vor.u32 s14, v13;
	v42 =	vld.idx.msk [tilespmem:v59+s24+$0x0], $0xffff  }
0x20e: {  	v51 =	vor.u32 v14, v6;
	[tilespmem:v61+s29+$0x0] =	vst.idx.msk $0xffff, v37  }
0x20f: {  	v53 =	vor.u32 s13, v15;
	[tilespmem:v50+s29+$0x0] =	vst.idx.msk $0xffff, v44;
	v36 =	vld.idx.msk [tilespmem:v62+s24+$0x0], $0xffff  }
0x210: {  	v58 =	vor.u32 s16, v15;
	v54 =	vor.u32 v16, v34;
	v44 =	vld.idx.msk [tilespmem:v52+s24+$0x0], $0xffff;
	[tilespmem:v32+s29+$0x0] =	vst.idx.msk $0xffff, v63  }
0x211: {  	v60 =	vor.u32 v16, v35;
	v55 =	vor.u32 s15, v17;
	v39 =	vld.idx.msk [tilespmem:v48+s24+$0x0], $0xffff  }
0x212: {  	v56 =	vor.u32 v18, v33;
	[tilespmem:v49+s29+$0x0] =	vst.idx.msk $0xffff, v42  }
0x213: {  	v57 =	vor.u32 s14, v15;
	v42 =	vld.idx.msk [tilespmem:v51+s24+$0x0], $0xffff  }
0x214: {  	v59 =	vor.u32 v16, v6;
	[tilespmem:v53+s29+$0x0] =	vst.idx.msk $0xffff, v36  }
0x215: {  	v61 =	vor.u32 s13, v17;
	[tilespmem:v58+s29+$0x0] =	vst.idx.msk $0xffff, v44;
	v36 =	vld.idx.msk [tilespmem:v54+s24+$0x0], $0xffff  }
0x216: {  	v50 =	vor.u32 s16, v17;
	v62 =	vor.u32 v18, v34;
	v45 =	vld.idx.msk [tilespmem:v60+s24+$0x0], $0xffff;
	[tilespmem:v55+s29+$0x0] =	vst.idx.msk $0xffff, v39  }
0x217: {  	v51 =	vor.u32 v18, v35;
	v63 =	vor.u32 s15, v20;
	v39 =	vld.idx.msk [tilespmem:v56+s24+$0x0], $0xffff  }
0x218: {  	[tilespmem:v57+s29+$0x0] =	vst.idx.msk $0xffff, v42;
	v32 =	vor.u32 v22, v33  }
0x219: {  	v42 =	vld.idx.msk [tilespmem:v59+s24+$0x0], $0xffff;
	v48 =	vor.u32 s14, v17  }
0x21a: {  	v49 =	vor.u32 v18, v6;
	[tilespmem:v61+s29+$0x0] =	vst.idx.msk $0xffff, v36  }
0x21b: {  	v54 =	vor.u32 s13, v20;
	[tilespmem:v50+s29+$0x0] =	vst.idx.msk $0xffff, v45;
	v37 =	vld.idx.msk [tilespmem:v62+s24+$0x0], $0xffff  }
0x21c: {  	v59 =	vor.u32 s16, v20;
	v56 =	vor.u32 v22, v34;
	v36 =	vld.idx.msk [tilespmem:v51+s24+$0x0], $0xffff;
	[tilespmem:v63+s29+$0x0] =	vst.idx.msk $0xffff, v39  }
0x21d: {  	s11 =	simm.s32 $0x870;
	v53 =	vor.u32 s15, v23;
	v61 =	vor.u32 v22, v35;
	v52 =	vld.idx.msk [tilespmem:v32+s24+$0x0], $0xffff  }
0x21e: {  	v60 =	vld [tilespmem:s11+$0xFFFFFFD0];
	[tilespmem:v48+s29+$0x0] =	vst.idx.msk $0xffff, v42;
	v55 =	vor.u32 v21, v33  }
0x21f: {  	v57 =	vor.u32 s14, v20;
	v43 =	vld.idx.msk [tilespmem:v49+s24+$0x0], $0xffff  }
0x220: {  	v49 =	vld [tilespmem:s11+$0x0];
	[tilespmem:v54+s29+$0x0] =	vst.idx.msk $0xffff, v37  }
0x221: {  	v58 =	vor.u32 v22, v6;
	[tilespmem:v59+s29+$0x0] =	vst.idx.msk $0xffff, v36;
	v63 =	vld.idx.msk [tilespmem:v56+s24+$0x0], $0xffff  }
0x222: {  	v32 =	vor.u32 s13, v23;
	v38 =	vld.idx.msk [tilespmem:v61+s24+$0x0], $0xffff;
	[tilespmem:v53+s29+$0x0] =	vst.idx.msk $0xffff, v52  }
0x223: {  	v62 =	vor.u32 s15, v24;
	v37 =	vld.idx.msk [tilespmem:v55+s24+$0x0], $0xffff  }
0x224: {  	[tilespmem:v57+s29+$0x0] =	vst.idx.msk $0xffff, v43;
	v57 =	vor.u32 v29, v33;
	v39 =	vshll.u32 v60, $0x4;
	v56 =	vor.u32 s16, v23;
	v61 =	vld [tilespmem:s11+$0xFFFFFFF0]  }
0x225: {  	v40 =	vld [tilespmem:s11+$0xFFFFFFE0];
	v60 =	vor.u32 v0, v39  }
0x226: {  	v46 =	vor.u32 v21, v34;
	v45 =	vld.idx.msk [tilespmem:v58+s24+$0x0], $0xffff;
	v58 =	vor.u32 s14, v23  }
0x227: {  	s7 =	simm.s32 $0x40;
	s21 =	simm.s32 $0x200;
	v59 =	vor.u32 v21, v6;
	[tilespmem:v32+s29+$0x0] =	vst.idx.msk $0xffff, v63  }
0x228: {  	s9 =	sand.u32 $0x3C00, s21;
	s0 =	sand.u32 $0x40, s7;
	v36 =	vshll.u32 v49, $0x4;
	[tilespmem:v62+s29+$0x0] =	vst.idx.msk $0xffff, v37;
	v62 =	vor.u32 v21, v35  }
0x229: {  	s0 =	sor.u32 s0, s9;
	v63 =	vor.u32 s15, v31;
	v32 =	vor.u32 v0, v36;
	[tilespmem:v56+s29+$0x0] =	vst.idx.msk $0xffff, v38;
	v38 =	vshll.u32 v61, $0x4;
	v42 =	vld.idx.msk [tilespmem:v57+s24+$0x0], $0xffff  }
0x22a: {  	s22 =	simm.s32 $0x70;
	s20 =	sor.u32 $0x8000, s0;
	v48 =	vld.idx.msk [tilespmem:v60+s24+$0x0], $0xffff;
	v54 =	vor.u32 v0, v38  }
0x22b: {  	s17 =	sand.u32 $0x70, s22;
	[tilespmem:v58+s29+$0x0] =	vst.idx.msk $0xffff, v45;
	v60 =	vor.u32 s20, v7;
	v46 =	vld.idx.msk [tilespmem:v46+s24+$0x0], $0xffff;
	v37 =	vshll.u32 v40, $0x4;
	v57 =	vor.u32 v27, v33  }
0x22c: {  	s18 =	sor.u32 s17, s9;
	v58 =	vor.u32 s13, v24;
	v45 =	vld.idx.msk [tilespmem:v59+s24+$0x0], $0xffff;
	v59 =	vor.u32 v0, v37  }
0x22d: {  	s19 =	simm.s32 $0x50;
	s17 =	sor.u32 $0x8000, s18;
	v51 =	vor.u32 v29, v34;
	v61 =	vor.u32 s14, v24;
	v41 =	vld.idx.msk [tilespmem:v62+s24+$0x0], $0xffff  }
0x22e: {  	s25 =	sand.u32 $0x50, s19;
	v43 =	vor.u32 s17, v7;
	v62 =	vor.u32 v8, v39;
	[tilespmem:v63+s29+$0x0] =	vst.idx.msk $0xffff, v42;
	v42 =	vld.idx.msk [tilespmem:v32+s24+$0x0], $0xffff  }
0x22f: {  	s0 =	sor.u32 s25, s9;
	v47 =	vor.u32 v29, v6;
	v54 =	vld.idx.msk [tilespmem:v54+s24+$0x0], $0xffff;
	v63 =	vor.u32 s16, v24  }
0x230: {  	s26 =	simm.s32 $0x60;
	s19 =	sor.u32 $0x8000, s0;
	v55 =	vor.u32 v8, v36;
	[tilespmem:v60+s29+$0x0] =	vst.idx.msk $0xffff, v48;
	v40 =	vor.u32 s15, v19;
	v49 =	vld.idx.msk [tilespmem:v57+s24+$0x0], $0xffff  }
0x231: {  	s30 =	sand.u32 $0x60, s26;
	v60 =	vor.u32 v26, v33;
	[tilespmem:v58+s29+$0x0] =	vst.idx.msk $0xffff, v46;
	v46 =	vld.idx.msk [tilespmem:v59+s24+$0x0], $0xffff;
	v32 =	vor.u32 s19, v7  }
0x232: {  	s0 =	sor.u32 s30, s9;
	v52 =	vor.u32 s13, v31;
	[tilespmem:v61+s29+$0x0] =	vst.idx.msk $0xffff, v45;
	v50 =	vld.idx.msk [tilespmem:v51+s24+$0x0], $0xffff;
	v61 =	vor.u32 v8, v37  }
0x233: {  	s18 =	sor.u32 $0x8000, s0;
	v58 =	vor.u32 v29, v35;
	v45 =	vld.idx.msk [tilespmem:v62+s24+$0x0], $0xffff;
	v62 =	vor.u32 s20, v9;
	[tilespmem:v43+s29+$0x0] =	vst.idx.msk $0xffff, v42  }
0x234: {  	v47 =	vld.idx.msk [tilespmem:v47+s24+$0x0], $0xffff;
	v42 =	vor.u32 v27, v34;
	[tilespmem:v63+s29+$0x0] =	vst.idx.msk $0xffff, v41;
	v63 =	vor.u32 s18, v7  }
0x235: {  	v41 =	vor.u32 v10, v39;
	v44 =	vld.idx.msk [tilespmem:v55+s24+$0x0], $0xffff;
	[tilespmem:v40+s29+$0x0] =	vst.idx.msk $0xffff, v49;
	v49 =	vor.u32 s17, v9  }
0x236: {  	[tilespmem:v32+s29+$0x0] =	vst.idx.msk $0xffff, v46;
	v40 =	vor.u32 v8, v38;
	v48 =	vld.idx.msk [tilespmem:v60+s24+$0x0], $0xffff;
	v60 =	vor.u32 s14, v31  }
0x237: {  	v56 =	vor.u32 s15, v28;
	[tilespmem:v52+s29+$0x0] =	vst.idx.msk $0xffff, v50;
	v32 =	vor.u32 v10, v36;
	v51 =	vld.idx.msk [tilespmem:v61+s24+$0x0], $0xffff  }
0x238: {  	v61 =	vor.u32 v27, v6;
	v50 =	vld.idx.msk [tilespmem:v58+s24+$0x0], $0xffff;
	[tilespmem:v62+s29+$0x0] =	vst.idx.msk $0xffff, v45;
	v62 =	vor.u32 s19, v9  }
0x239: {  	v59 =	vor.u32 v30, v33;
	v52 =	vor.u32 s13, v19;
	v42 =	vld.idx.msk [tilespmem:v42+s24+$0x0], $0xffff;
	[tilespmem:v63+s29+$0x0] =	vst.idx.msk $0xffff, v54  }
0x23a: {  	v53 =	vor.u32 s20, v11;
	v41 =	vld.idx.msk [tilespmem:v41+s24+$0x0], $0xffff;
	v63 =	vor.u32 v10, v37;
	[tilespmem:v49+s29+$0x0] =	vst.idx.msk $0xffff, v44  }
0x23b: {  	v40 =	vld.idx.msk [tilespmem:v40+s24+$0x0], $0xffff;
	v49 =	vor.u32 s18, v9;
	[tilespmem:v60+s29+$0x0] =	vst.idx.msk $0xffff, v47  }
0x23c: {  	v44 =	vor.u32 v12, v39;
	v46 =	vld.idx.msk [tilespmem:v32+s24+$0x0], $0xffff;
	v60 =	vor.u32 s17, v11;
	[tilespmem:v56+s29+$0x0] =	vst.idx.msk $0xffff, v48  }
0x23d: {  	v32 =	vor.u32 v10, v38;
	v56 =	vor.u32 s16, v31;
	v48 =	vld.idx.msk [tilespmem:v61+s24+$0x0], $0xffff;
	[tilespmem:v62+s29+$0x0] =	vst.idx.msk $0xffff, v51  }
0x23e: {  	v61 =	vor.u32 v12, v36;
	v43 =	vld.idx.msk [tilespmem:v59+s24+$0x0], $0xffff;
	v62 =	vor.u32 s14, v19;
	[tilespmem:v52+s29+$0x0] =	vst.idx.msk $0xffff, v42  }
0x23f: {  	v57 =	vor.u32 v26, v6;
	[tilespmem:v53+s29+$0x0] =	vst.idx.msk $0xffff, v41;
	v41 =	vld.idx.msk [tilespmem:v63+s24+$0x0], $0xffff;
	v63 =	vor.u32 s15, v25  }
0x240: {  	v52 =	vor.u32 v26, v34;
	v53 =	vor.u32 s19, v11;
	[tilespmem:v49+s29+$0x0] =	vst.idx.msk $0xffff, v40  }
0x241: {  	v44 =	vld.idx.msk [tilespmem:v44+s24+$0x0], $0xffff;
	v40 =	vor.u32 v27, v35;
	v49 =	vor.u32 s20, v13;
	[tilespmem:v60+s29+$0x0] =	vst.idx.msk $0xffff, v46  }
0x242: {  	v54 =	vor.u32 v12, v37;
	v47 =	vld.idx.msk [tilespmem:v32+s24+$0x0], $0xffff;
	v60 =	vor.u32 s18, v11;
	[tilespmem:v56+s29+$0x0] =	vst.idx.msk $0xffff, v50  }
0x243: {  	v32 =	vor.u32 v14, v39;
	v45 =	vld.idx.msk [tilespmem:v61+s24+$0x0], $0xffff;
	[tilespmem:v62+s29+$0x0] =	vst.idx.msk $0xffff, v48;
	v62 =	vor.u32 s17, v13  }
0x244: {  	v61 =	vor.u32 v12, v38;
	v50 =	vld.idx.msk [tilespmem:v57+s24+$0x0], $0xffff;
	[tilespmem:v63+s29+$0x0] =	vst.idx.msk $0xffff, v43;
	v63 =	vor.u32 s14, v28  }
0x245: {  	v56 =	vor.u32 v14, v36;
	v43 =	vld.idx.msk [tilespmem:v52+s24+$0x0], $0xffff;
	[tilespmem:v53+s29+$0x0] =	vst.idx.msk $0xffff, v41;
	v52 =	vor.u32 s13, v28  }
0x246: {  	v41 =	vor.u32 v30, v6;
	v40 =	vld.idx.msk [tilespmem:v40+s24+$0x0], $0xffff;
	[tilespmem:v49+s29+$0x0] =	vst.idx.msk $0xffff, v44;
	v49 =	vor.u32 s16, v19  }
0x247: {  	v53 =	vor.u32 v30, v34;
	v44 =	vld.idx.msk [tilespmem:v54+s24+$0x0], $0xffff;
	v54 =	vor.u32 s19, v13;
	[tilespmem:v60+s29+$0x0] =	vst.idx.msk $0xffff, v47  }
0x248: {  	v46 =	vld.idx.msk [tilespmem:v32+s24+$0x0], $0xffff;
	v47 =	vor.u32 v26, v35;
	v32 =	vor.u32 s20, v15;
	[tilespmem:v62+s29+$0x0] =	vst.idx.msk $0xffff, v45  }
0x249: {  	v60 =	vor.u32 v14, v37;
	v48 =	vld.idx.msk [tilespmem:v61+s24+$0x0], $0xffff;
	v62 =	vor.u32 s18, v13;
	[tilespmem:v63+s29+$0x0] =	vst.idx.msk $0xffff, v50  }
0x24a: {  	v61 =	vor.u32 v16, v39;
	v56 =	vld.idx.msk [tilespmem:v56+s24+$0x0], $0xffff;
	v50 =	vor.u32 s17, v15;
	[tilespmem:v52+s29+$0x0] =	vst.idx.msk $0xffff, v43  }
0x24b: {  	v63 =	vor.u32 v14, v38;
	v41 =	vld.idx.msk [tilespmem:v41+s24+$0x0], $0xffff;
	[tilespmem:v49+s29+$0x0] =	vst.idx.msk $0xffff, v40;
	v40 =	vor.u32 s14, v25  }
0x24c: {  	v43 =	vor.u32 v16, v36;
	v52 =	vor.u32 s13, v25;
	v49 =	vld.idx.msk [tilespmem:v53+s24+$0x0], $0xffff;
	[tilespmem:v54+s29+$0x0] =	vst.idx.msk $0xffff, v44  }
0x24d: {  	v44 =	vld.idx.msk [tilespmem:v47+s24+$0x0], $0xffff;
	v47 =	vor.u32 v1, v6;
	[tilespmem:v32+s29+$0x0] =	vst.idx.msk $0xffff, v46;
	v32 =	vor.u32 s16, v28  }
0x24e: {  	v55 =	vor.u32 s19, v15;
	v54 =	vor.u32 v1, v34;
	v46 =	vld.idx.msk [tilespmem:v60+s24+$0x0], $0xffff;
	[tilespmem:v62+s29+$0x0] =	vst.idx.msk $0xffff, v48  }
0x24f: {  	v57 =	vor.u32 v16, v37;
	v45 =	vld.idx.msk [tilespmem:v61+s24+$0x0], $0xffff;
	[tilespmem:v50+s29+$0x0] =	vst.idx.msk $0xffff, v56  }
0x250: {  	v51 =	vor.u32 s20, v17;
	v60 =	vor.u32 v1, v33;
	v63 =	vld.idx.msk [tilespmem:v63+s24+$0x0], $0xffff;
	[tilespmem:v40+s29+$0x0] =	vst.idx.msk $0xffff, v41  }
0x251: {  	v59 =	vor.u32 s18, v15;
	v48 =	vor.u32 v30, v35;
	v5 =	vld.idx.msk [tilespmem:v43+s24+$0x0], $0xffff;
	[tilespmem:v52+s29+$0x0] =	vst.idx.msk $0xffff, v49  }
0x252: {  	v62 =	vor.u32 s17, v17;
	v56 =	vor.u32 v18, v39;
	v4 =	vld.idx.msk [tilespmem:v47+s24+$0x0], $0xffff;
	[tilespmem:v32+s29+$0x0] =	vst.idx.msk $0xffff, v44  }
0x253: {  	v61 =	vor.u32 v16, v38;
	v32 =	vor.u32 s14, v2;
	v43 =	vld.idx.msk [tilespmem:v54+s24+$0x0], $0xffff;
	[tilespmem:v55+s29+$0x0] =	vst.idx.msk $0xffff, v46  }
0x254: {  	v49 =	vld.idx.msk [tilespmem:v57+s24+$0x0], $0xffff  }
0x255: {  	v3 =	vor.u32 s20, v2;
	v0 =	vor.u32 s15, v2;
	[tilespmem:v51+s29+$0x0] =	vst.idx.msk $0xffff, v45;
	v45 =	vld.idx.msk [tilespmem:v60+s24+$0x0], $0xffff  }
0x256: {  	v42 =	vor.u32 v18, v38;
	v50 =	vor.u32 v18, v36;
	v44 =	vld.idx.msk [tilespmem:v48+s24+$0x0], $0xffff;
	[tilespmem:v59+s29+$0x0] =	vst.idx.msk $0xffff, v63  }
0x257: {  	v52 =	vor.u32 v22, v39;
	v47 =	vor.u32 s16, v25;
	v54 =	vor.u32 s19, v17;
	v48 =	vld.idx.msk [tilespmem:v56+s24+$0x0], $0xffff;
	[tilespmem:v62+s29+$0x0] =	vst.idx.msk $0xffff, v5  }
0x258: {  	s0 =	simm.s32 $0x4;
	v46 =	vor.u32 v1, v35;
	v55 =	vor.u32 s18, v17;
	v51 =	vor.u32 s20, v20;
	v53 =	vld.idx.msk [tilespmem:v61+s24+$0x0], $0xffff;
	[tilespmem:v32+s29+$0x0] =	vst.idx.msk $0xffff, v4  }
.LBB2_4:
0x259: {  	_ =	sdelay $0x2  }
0x25a: {  	v50 =	vld.idx.msk [tilespmem:v50+s24+$0x0], $0xffff  }
0x25b: {  	v1 =	vld [tilespmem:$0x1FEE0]  }
0x25c: {  	v2 =	vld [tilespmem:$0x1FED0]  }
0x25d: {  	v32 =	vmov v3;
	v3 =	vld [tilespmem:$0x1FEF0]  }
0x25e: {  	v4 =	vld [tilespmem:$0x1FF00]  }
0x25f: {  	s11 =	sadd.s32 $0x40, s11;
	v5 =	vld [tilespmem:$0x1FF10];
	[tilespmem:v47+s29+$0x0] =	vst.idx.msk $0xffff, v44  }
0x260: {  	v56 =	vor.u32 v18, v37;
	v58 =	vld [tilespmem:s11+$0x0];
	[tilespmem:v51+s29+$0x0] =	vst.idx.msk $0xffff, v48;
	v51 =	vor.u32 s17, v20  }
0x261: {  	v60 =	vor.u32 s20, v23;
	[tilespmem:v54+s29+$0x0] =	vst.idx.msk $0xffff, v49;
	v44 =	vor.u32 v1, v33;
	v49 =	vld.idx.msk [tilespmem:v52+s24+$0x0], $0xffff  }
0x262: {  	v61 =	vor.u32 v22, v36;
	[tilespmem:v55+s29+$0x0] =	vst.idx.msk $0xffff, v53;
	v48 =	vor.u32 s16, v2;
	v46 =	vld.idx.msk [tilespmem:v46+s24+$0x0], $0xffff  }
0x263: {  	v42 =	vld.idx.msk [tilespmem:v42+s24+$0x0], $0xffff  }
0x264: {  	v62 =	vor.u32 s18, v20;
	v52 =	vor.u32 v1, v35;
	[tilespmem:v0+s29+$0x0] =	vst.idx.msk $0xffff, v45;
	v47 =	vld [tilespmem:s11+$0xFFFFFFE0]  }
0x265: {  	v63 =	vor.u32 s19, v20;
	v57 =	vor.u32 v22, v38;
	v45 =	vld.idx.msk [tilespmem:v56+s24+$0x0], $0xffff;
	[tilespmem:v51+s29+$0x0] =	vst.idx.msk $0xffff, v50  }
0x266: {  	v41 =	vor.u32 v21, v39;
	v44 =	vld.idx.msk [tilespmem:v44+s24+$0x0], $0xffff;
	[tilespmem:v60+s29+$0x0] =	vst.idx.msk $0xffff, v49  }
0x267: {  	v59 =	vor.u32 s15, v3;
	[tilespmem:v48+s29+$0x0] =	vst.idx.msk $0xffff, v46;
	v46 =	vor.u32 v4, v33;
	v33 =	vmov v39;
	v39 =	vld.idx.msk [tilespmem:v61+s24+$0x0], $0xffff  }
0x268: {  	v61 =	vor.u32 s17, v23;
	v53 =	vld [tilespmem:s11+$0xFFFFFFD0]  }
0x269: {  	v49 =	vor.u32 s16, v3;
	[tilespmem:v62+s29+$0x0] =	vst.idx.msk $0xffff, v42;
	v48 =	vld.idx.msk [tilespmem:v52+s24+$0x0], $0xffff  }
0x26a: {  	v55 =	vor.u32 s18, v23;
	[tilespmem:v63+s29+$0x0] =	vst.idx.msk $0xffff, v45;
	v45 =	vld.idx.msk [tilespmem:v57+s24+$0x0], $0xffff;
	v63 =	vor.u32 v21, v36  }
0x26b: {  	v60 =	vor.u32 v22, v37;
	v62 =	vor.u32 s20, v24;
	v41 =	vld.idx.msk [tilespmem:v41+s24+$0x0], $0xffff  }
0x26c: {  	v54 =	vor.u32 v29, v33;
	[tilespmem:v59+s29+$0x0] =	vst.idx.msk $0xffff, v44  }
0x26d: {  	v56 =	vor.u32 s13, v2;
	v57 =	vld [tilespmem:s11+$0xFFFFFFF0];
	v44 =	vor.u32 v21, v38;
	v59 =	vor.u32 s15, v5;
	[tilespmem:v61+s29+$0x0] =	vst.idx.msk $0xffff, v39  }
0x26e: {  	v0 =	vlaneseq.u32;
	v46 =	vld.idx.msk [tilespmem:v46+s24+$0x0], $0xffff;
	[tilespmem:v49+s29+$0x0] =	vst.idx.msk $0xffff, v48;
	v48 =	vor.u32 v1, v34;
	v49 =	vor.u32 v4, v34  }
0x26f: {  	v39 =	vshll.u32 v53, $0x4;
	v34 =	vor.u32 v1, v6;
	v52 =	vld.idx.msk [tilespmem:v63+s24+$0x0], $0xffff;
	[tilespmem:v55+s29+$0x0] =	vst.idx.msk $0xffff, v45;
	v45 =	vor.u32 s17, v24  }
0x270: {  	[tilespmem:v62+s29+$0x0] =	vst.idx.msk $0xffff, v41;
	v41 =	vor.u32 s19, v23;
	v55 =	vor.u32 v0, v39;
	v50 =	vld.idx.msk [tilespmem:v60+s24+$0x0], $0xffff  }
0x271: {  	s22 =	sadd.s32 $0x40, s22;
	v35 =	vor.u32 v4, v35;
	v58 =	vshll.u32 v58, $0x4;
	v51 =	vor.u32 v27, v33;
	s15 =	smov.u32 s20;
	v53 =	vld.idx.msk [tilespmem:v54+s24+$0x0], $0xffff  }
0x272: {  	s21 =	sadd.s32 $0x200, s21;
	s1 =	sadd.s32 $0xFFFFFFD0, s22;
	v47 =	vshll.u32 v47, $0x4;
	v61 =	vor.u32 s15, v31;
	v54 =	vor.u32 v21, v37;
	[tilespmem:v56+s29+$0x0] =	vst.idx.msk $0xffff, v43;
	v44 =	vld.idx.msk [tilespmem:v44+s24+$0x0], $0xffff  }
0x273: {  	s9 =	sand.u32 $0x3C00, s21;
	s1 =	sand.u32 $0x40, s1;
	v62 =	vor.u32 v0, v47;
	v43 =	vshll.u32 v57, $0x4;
	v57 =	vor.u32 s18, v24;
	[tilespmem:v59+s29+$0x0] =	vst.idx.msk $0xffff, v46;
	v46 =	vld.idx.msk [tilespmem:v48+s24+$0x0], $0xffff  }
0x274: {  	s1 =	sor.u32 s1, s9;
	v56 =	vor.u32 v0, v58;
	v63 =	vor.u32 s14, v3;
	v60 =	vor.u32 s13, v3;
	v59 =	vld.idx.msk [tilespmem:v34+s24+$0x0], $0xffff;
	[tilespmem:v45+s29+$0x0] =	vst.idx.msk $0xffff, v52  }
0x275: {  	s20 =	sor.u32 $0x8000, s1;
	v42 =	vor.u32 v18, v43;
	v48 =	vor.u32 v0, v43;
	v55 =	vld.idx.msk [tilespmem:v55+s24+$0x0], $0xffff;
	[tilespmem:v41+s29+$0x0] =	vst.idx.msk $0xffff, v50  }
0x276: {  	v52 =	vor.u32 v4, v6;
	v6 =	vmovc v38;
	v38 =	vmov v43;
	v43 =	vor.u32 s20, v7;
	v50 =	vld.idx.msk [tilespmem:v35+s24+$0x0], $0xffff  }
0x277: {  	s25 =	sand.u32 $0x70, s22;
	s26 =	sadd.s32 $0xFFFFFFE0, s22;
	v45 =	vor.u32 s16, v5;
	[tilespmem:v61+s29+$0x0] =	vst.idx.msk $0xffff, v53;
	v53 =	vor.u32 s19, v24;
	v54 =	vld.idx.msk [tilespmem:v54+s24+$0x0], $0xffff  }
0x278: {  	s25 =	sor.u32 s25, s9;
	s1 =	sand.u32 $0x50, s26;
	v35 =	vmov v37;
	v37 =	vmov v47;
	v47 =	vld.idx.msk [tilespmem:v51+s24+$0x0], $0xffff;
	v51 =	vor.u32 v8, v39;
	[tilespmem:v57+s29+$0x0] =	vst.idx.msk $0xffff, v44  }
0x279: {  	s30 =	sor.u32 $0x8000, s25;
	s1 =	sor.u32 s1, s9;
	v34 =	vmov v36;
	v56 =	vld.idx.msk [tilespmem:v56+s24+$0x0], $0xffff;
	v57 =	vor.u32 s15, v19;
	[tilespmem:v60+s29+$0x0] =	vst.idx.msk $0xffff, v46  }
0x27a: {  	v1 =	vld [tilespmem:$0x1FEC0];
	v36 =	vmov v58;
	s16 =	smov.u32 s19;
	s19 =	sor.u32 $0x8000, s1;
	v58 =	vor.u32 s30, v7;
	v44 =	vor.u32 v29, v34;
	[tilespmem:v63+s29+$0x0] =	vst.idx.msk $0xffff, v59  }
0x27b: {  	s2 =	sadd.s32 $0xFFFFFFF0, s22;
	v46 =	vld.idx.msk [tilespmem:v62+s24+$0x0], $0xffff;
	v59 =	vor.u32 s19, v7;
	[tilespmem:v43+s29+$0x0] =	vst.idx.msk $0xffff, v55  }
0x27c: {  	s2 =	sand.u32 $0x60, s2;
	v0 =	vmov v32;
	v32 =	vor.u32 v8, v36;
	[tilespmem:v45+s29+$0x0] =	vst.idx.msk $0xffff, v50;
	v45 =	vld.idx.msk [tilespmem:v49+s24+$0x0], $0xffff;
	v49 =	vor.u32 s13, v5  }
0x27d: {  	s2 =	sor.u32 s2, s9;
	v43 =	vor.u32 v26, v33;
	v55 =	vor.u32 s20, v9;
	v51 =	vld.idx.msk [tilespmem:v51+s24+$0x0], $0xffff;
	[tilespmem:v53+s29+$0x0] =	vst.idx.msk $0xffff, v54  }
0x27e: {  	s2 =	sor.u32 $0x8000, s2;
	v52 =	vld.idx.msk [tilespmem:v52+s24+$0x0], $0xffff;
	s13 =	smov.u32 s17;
	v50 =	vor.u32 v29, v6;
	v53 =	vor.u32 s14, v5;
	[tilespmem:v57+s29+$0x0] =	vst.idx.msk $0xffff, v47  }
0x27f: {  	s14 =	smov.u32 s18;
	s18 =	smov.u32 s2;
	v44 =	vld.idx.msk [tilespmem:v44+s24+$0x0], $0xffff;
	v54 =	vor.u32 v8, v37;
	v47 =	vor.u32 s13, v31;
	[tilespmem:v58+s29+$0x0] =	vst.idx.msk $0xffff, v56  }
0x280: {  	v48 =	vld.idx.msk [tilespmem:v48+s24+$0x0], $0xffff;
	s17 =	smov.u32 s30;
	v56 =	vor.u32 v27, v34;
	[tilespmem:v59+s29+$0x0] =	vst.idx.msk $0xffff, v46;
	v46 =	vor.u32 s18, v7  }
0x281: {  	v57 =	vor.u32 v10, v39;
	v58 =	vld.idx.msk [tilespmem:v32+s24+$0x0], $0xffff;
	v32 =	vor.u32 s17, v9;
	[tilespmem:v49+s29+$0x0] =	vst.idx.msk $0xffff, v45  }
0x282: {  	v40 =	vor.u32 s15, v28;
	v59 =	vor.u32 v8, v38;
	v43 =	vld.idx.msk [tilespmem:v43+s24+$0x0], $0xffff;
	[tilespmem:v55+s29+$0x0] =	vst.idx.msk $0xffff, v51  }
0x283: {  	v50 =	vld.idx.msk [tilespmem:v50+s24+$0x0], $0xffff;
	v45 =	vor.u32 v10, v36;
	v49 =	vor.u32 s14, v31;
	[tilespmem:v53+s29+$0x0] =	vst.idx.msk $0xffff, v52  }
0x284: {  	v41 =	vor.u32 v27, v6;
	v52 =	vld.idx.msk [tilespmem:v54+s24+$0x0], $0xffff;
	[tilespmem:v47+s29+$0x0] =	vst.idx.msk $0xffff, v44;
	v44 =	vor.u32 s19, v9  }
0x285: {  	v47 =	vor.u32 v29, v35;
	v51 =	vld.idx.msk [tilespmem:v56+s24+$0x0], $0xffff;
	[tilespmem:v46+s29+$0x0] =	vst.idx.msk $0xffff, v48;
	v48 =	vor.u32 s13, v19  }
0x286: {  	v55 =	vld.idx.msk [tilespmem:v57+s24+$0x0], $0xffff;
	v56 =	vor.u32 s20, v11;
	[tilespmem:v32+s29+$0x0] =	vst.idx.msk $0xffff, v58;
	v46 =	vor.u32 v30, v33  }
0x287: {  	v57 =	vor.u32 v10, v37;
	v32 =	vor.u32 s18, v9;
	[tilespmem:v40+s29+$0x0] =	vst.idx.msk $0xffff, v43;
	v59 =	vld.idx.msk [tilespmem:v59+s24+$0x0], $0xffff  }
0x288: {  	v58 =	vor.u32 v12, v39;
	v45 =	vld.idx.msk [tilespmem:v45+s24+$0x0], $0xffff;
	[tilespmem:v49+s29+$0x0] =	vst.idx.msk $0xffff, v50;
	v50 =	vor.u32 s17, v11  }
0x289: {  	v49 =	vor.u32 v10, v38;
	v43 =	vld.idx.msk [tilespmem:v41+s24+$0x0], $0xffff;
	[tilespmem:v44+s29+$0x0] =	vst.idx.msk $0xffff, v52;
	v41 =	vor.u32 s14, v19  }
0x28a: {  	v53 =	vor.u32 s16, v31;
	v40 =	vor.u32 v12, v36;
	v47 =	vld.idx.msk [tilespmem:v47+s24+$0x0], $0xffff;
	[tilespmem:v48+s29+$0x0] =	vst.idx.msk $0xffff, v51  }
0x28b: {  	v54 =	vor.u32 v26, v6;
	v46 =	vld.idx.msk [tilespmem:v46+s24+$0x0], $0xffff;
	[tilespmem:v56+s29+$0x0] =	vst.idx.msk $0xffff, v55;
	v51 =	vor.u32 s15, v25  }
0x28c: {  	v48 =	vld.idx.msk [tilespmem:v57+s24+$0x0], $0xffff;
	v55 =	vor.u32 v26, v34;
	v57 =	vor.u32 s19, v11;
	[tilespmem:v32+s29+$0x0] =	vst.idx.msk $0xffff, v59  }
0x28d: {  	v56 =	vld.idx.msk [tilespmem:v58+s24+$0x0], $0xffff;
	v58 =	vor.u32 v27, v35;
	v59 =	vor.u32 s20, v13;
	[tilespmem:v50+s29+$0x0] =	vst.idx.msk $0xffff, v45  }
0x28e: {  	v63 =	vor.u32 s18, v11;
	v32 =	vor.u32 v12, v37;
	v49 =	vld.idx.msk [tilespmem:v49+s24+$0x0], $0xffff;
	[tilespmem:v41+s29+$0x0] =	vst.idx.msk $0xffff, v43  }
0x28f: {  	v62 =	vor.u32 v14, v39;
	v52 =	vor.u32 s17, v13;
	v44 =	vld.idx.msk [tilespmem:v40+s24+$0x0], $0xffff;
	[tilespmem:v53+s29+$0x0] =	vst.idx.msk $0xffff, v47  }
0x290: {  	v43 =	vor.u32 v12, v38;
	v47 =	vld.idx.msk [tilespmem:v54+s24+$0x0], $0xffff;
	[tilespmem:v51+s29+$0x0] =	vst.idx.msk $0xffff, v46;
	v46 =	vor.u32 s14, v28  }
0x291: {  	v53 =	vor.u32 v14, v36;
	v51 =	vld.idx.msk [tilespmem:v55+s24+$0x0], $0xffff;
	[tilespmem:v57+s29+$0x0] =	vst.idx.msk $0xffff, v48;
	v55 =	vor.u32 s13, v28  }
0x292: {  	v54 =	vor.u32 v30, v6;
	v57 =	vor.u32 s16, v19;
	v48 =	vld.idx.msk [tilespmem:v58+s24+$0x0], $0xffff;
	[tilespmem:v59+s29+$0x0] =	vst.idx.msk $0xffff, v56  }
0x293: {  	v56 =	vld.idx.msk [tilespmem:v32+s24+$0x0], $0xffff;
	v58 =	vor.u32 v30, v34;
	v59 =	vor.u32 s19, v13;
	[tilespmem:v63+s29+$0x0] =	vst.idx.msk $0xffff, v49  }
0x294: {  	v45 =	vld.idx.msk [tilespmem:v62+s24+$0x0], $0xffff;
	v49 =	vor.u32 v26, v35;
	[tilespmem:v52+s29+$0x0] =	vst.idx.msk $0xffff, v44  }
0x295: {  	v50 =	vor.u32 s20, v15;
	v32 =	vor.u32 v14, v37;
	v43 =	vld.idx.msk [tilespmem:v43+s24+$0x0], $0xffff;
	[tilespmem:v46+s29+$0x0] =	vst.idx.msk $0xffff, v47  }
0x296: {  	v63 =	vor.u32 s18, v13;
	v53 =	vld.idx.msk [tilespmem:v53+s24+$0x0], $0xffff;
	[tilespmem:v55+s29+$0x0] =	vst.idx.msk $0xffff, v51  }
0x297: {  	v62 =	vor.u32 v16, v39;
	v47 =	vor.u32 s17, v15;
	v54 =	vld.idx.msk [tilespmem:v54+s24+$0x0], $0xffff;
	[tilespmem:v57+s29+$0x0] =	vst.idx.msk $0xffff, v48  }
0x298: {  	v41 =	vor.u32 s14, v25;
	v46 =	vor.u32 v14, v38;
	v55 =	vld.idx.msk [tilespmem:v58+s24+$0x0], $0xffff;
	[tilespmem:v59+s29+$0x0] =	vst.idx.msk $0xffff, v56  }
0x299: {  	v40 =	vor.u32 v16, v36;
	v57 =	vor.u32 s13, v25;
	v49 =	vld.idx.msk [tilespmem:v49+s24+$0x0], $0xffff  }
0x29a: {  	v56 =	vor.u32 v1, v6;
	[tilespmem:v50+s29+$0x0] =	vst.idx.msk $0xffff, v45;
	v45 =	vld.idx.msk [tilespmem:v32+s24+$0x0], $0xffff;
	v32 =	vor.u32 s16, v28  }
0x29b: {  	v44 =	vor.u32 s19, v15;
	v58 =	vor.u32 v1, v34;
	[tilespmem:v63+s29+$0x0] =	vst.idx.msk $0xffff, v43  }
0x29c: {  	v52 =	vor.u32 v30, v35;
	v59 =	vld.idx.msk [tilespmem:v62+s24+$0x0], $0xffff;
	[tilespmem:v47+s29+$0x0] =	vst.idx.msk $0xffff, v53  }
0x29d: {  	v61 =	vor.u32 v16, v37;
	v60 =	vor.u32 s20, v17;
	v46 =	vld.idx.msk [tilespmem:v46+s24+$0x0], $0xffff;
	[tilespmem:v41+s29+$0x0] =	vst.idx.msk $0xffff, v54  }
0x29e: {  	v62 =	vor.u32 s18, v15;
	v53 =	vor.u32 v18, v39;
	v63 =	vld.idx.msk [tilespmem:v40+s24+$0x0], $0xffff;
	[tilespmem:v57+s29+$0x0] =	vst.idx.msk $0xffff, v55  }
0x29f: {  	s0 =	sadd.s32 $0x4, s0;
	v40 =	vor.u32 v16, v38;
	v41 =	vor.u32 s17, v17;
	v56 =	vld.idx.msk [tilespmem:v56+s24+$0x0], $0xffff;
	[tilespmem:v32+s29+$0x0] =	vst.idx.msk $0xffff, v49  }
0x2a0: {  	p0 =	slt.u32 s0, $0x7C;
	v57 =	vor.u32 v1, v33;
	v43 =	vld.idx.msk [tilespmem:v58+s24+$0x0], $0xffff;
	v32 =	vor.u32 s14, v2;
	[tilespmem:v44+s29+$0x0] =	vst.idx.msk $0xffff, v45  }
.Ltmp1:
0x2a1: {  	v44 =	vld.idx.msk [tilespmem:v52+s24+$0x0], $0xffff;
	(pc) =	sbr.rel @p0 .LBB2_4-.Ltmp1, $4  }
0x2a2: {  	[tilespmem:v60+s29+$0x0] =	vst.idx.msk $0xffff, v59;
	v49 =	vld.idx.msk [tilespmem:v61+s24+$0x0], $0xffff  }
0x2a3: {  	v3 =	vor.u32 s20, v2;
	v51 =	vor.u32 s20, v20;
	v47 =	vor.u32 s16, v25;
	v48 =	vld.idx.msk [tilespmem:v53+s24+$0x0], $0xffff;
	[tilespmem:v62+s29+$0x0] =	vst.idx.msk $0xffff, v46  }
0x2a4: {  	v50 =	vor.u32 v18, v36;
	v54 =	vor.u32 s19, v17;
	v55 =	vor.u32 s18, v17;
	v53 =	vld.idx.msk [tilespmem:v40+s24+$0x0], $0xffff;
	[tilespmem:v41+s29+$0x0] =	vst.idx.msk $0xffff, v63  }
0x2a5: {  	v46 =	vor.u32 v1, v35;
	v52 =	vor.u32 v22, v39;
	v45 =	vld.idx.msk [tilespmem:v57+s24+$0x0], $0xffff;
	[tilespmem:v32+s29+$0x0] =	vst.idx.msk $0xffff, v56  }
0x2a6: {  	v32 =	vor.u32 v18, v37;
	_ =	sdelay $0x3  }
0x2a7: {  	[tilespmem:v54+s29+$0x0] =	vst.idx.msk $0xffff, v49  }
0x2a8: {  	v40 =	vor.u32 s19, v20;
	v32 =	vld.idx.msk [tilespmem:v32+s24+$0x0], $0xffff  }
0x2a9: {  	v41 =	vld.idx.msk [tilespmem:v50+s24+$0x0], $0xffff;
	v1 =	vor.u32 s17, v20;
	v2 =	vor.u32 v22, v37  }
0x2aa: {  	v57 =	vor.u32 v22, v36;
	[tilespmem:v55+s29+$0x0] =	vst.idx.msk $0xffff, v53  }
0x2ab: {  	v58 =	vor.u32 s18, v20;
	[tilespmem:v51+s29+$0x0] =	vst.idx.msk $0xffff, v48;
	v42 =	vld.idx.msk [tilespmem:v42+s24+$0x0], $0xffff  }
0x2ac: {  	v59 =	vor.u32 v22, v38;
	v60 =	vor.u32 s20, v23;
	v48 =	vld.idx.msk [tilespmem:v52+s24+$0x0], $0xffff  }
0x2ad: {  	v61 =	vor.u32 v21, v39;
	[tilespmem:v40+s29+$0x0] =	vst.idx.msk $0xffff, v32  }
0x2ae: {  	v62 =	vor.u32 s19, v23;
	[tilespmem:v1+s29+$0x0] =	vst.idx.msk $0xffff, v41;
	v40 =	vld.idx.msk [tilespmem:v2+s24+$0x0], $0xffff  }
0x2af: {  	v63 =	vor.u32 s17, v23;
	v1 =	vor.u32 v21, v37;
	v49 =	vld.idx.msk [tilespmem:v57+s24+$0x0], $0xffff  }
0x2b0: {  	v57 =	vor.u32 v21, v36;
	[tilespmem:v58+s29+$0x0] =	vst.idx.msk $0xffff, v42  }
0x2b1: {  	[tilespmem:v60+s29+$0x0] =	vst.idx.msk $0xffff, v48;
	v58 =	vor.u32 s18, v23;
	v2 =	vld.idx.msk [tilespmem:v59+s24+$0x0], $0xffff  }
0x2b2: {  	v60 =	vor.u32 s20, v24;
	v32 =	vld.idx.msk [tilespmem:v61+s24+$0x0], $0xffff;
	v59 =	vor.u32 v21, v38  }
0x2b3: {  	v61 =	vor.u32 v29, v39;
	[tilespmem:v62+s29+$0x0] =	vst.idx.msk $0xffff, v40  }
0x2b4: {  	[tilespmem:v63+s29+$0x0] =	vst.idx.msk $0xffff, v49;
	v62 =	vor.u32 s19, v24;
	v41 =	vld.idx.msk [tilespmem:v1+s24+$0x0], $0xffff  }
0x2b5: {  	v63 =	vor.u32 s17, v24;
	v49 =	vld.idx.msk [tilespmem:v57+s24+$0x0], $0xffff;
	v1 =	vor.u32 v29, v37  }
0x2b6: {  	v57 =	vor.u32 v29, v36;
	[tilespmem:v58+s29+$0x0] =	vst.idx.msk $0xffff, v2  }
0x2b7: {  	[tilespmem:v60+s29+$0x0] =	vst.idx.msk $0xffff, v32;
	v2 =	vor.u32 s18, v24;
	v52 =	vld.idx.msk [tilespmem:v59+s24+$0x0], $0xffff  }
0x2b8: {  	v58 =	vor.u32 v29, v38;
	v32 =	vld.idx.msk [tilespmem:v61+s24+$0x0], $0xffff;
	v59 =	vor.u32 s20, v31  }
0x2b9: {  	[tilespmem:v62+s29+$0x0] =	vst.idx.msk $0xffff, v41  }
0x2ba: {  	v61 =	vor.u32 s19, v31;
	[tilespmem:v63+s29+$0x0] =	vst.idx.msk $0xffff, v49;
	v41 =	vor.u32 v27, v39;
	v42 =	vld.idx.msk [tilespmem:v1+s24+$0x0], $0xffff  }
0x2bb: {  	v60 =	vor.u32 s17, v31;
	v49 =	vld.idx.msk [tilespmem:v57+s24+$0x0], $0xffff  }
0x2bc: {  	[tilespmem:v2+s29+$0x0] =	vst.idx.msk $0xffff, v52  }
0x2bd: {  	v57 =	vor.u32 s18, v31;
	[tilespmem:v59+s29+$0x0] =	vst.idx.msk $0xffff, v32;
	v53 =	vld.idx.msk [tilespmem:v58+s24+$0x0], $0xffff  }
0x2be: {  	v2 =	vld [tilespmem:$0x1FEE0]  }
0x2bf: {  	v40 =	vld.idx.msk [tilespmem:v41+s24+$0x0], $0xffff;
	[tilespmem:v61+s29+$0x0] =	vst.idx.msk $0xffff, v42;
	v61 =	vor.u32 s20, v19  }
0x2c0: {  	[tilespmem:v60+s29+$0x0] =	vst.idx.msk $0xffff, v49  }
0x2c1: {  	v62 =	vor.u32 v27, v37;
	[tilespmem:v47+s29+$0x0] =	vst.idx.msk $0xffff, v44  }
0x2c2: {  	v63 =	vor.u32 v27, v36;
	[tilespmem:v57+s29+$0x0] =	vst.idx.msk $0xffff, v53  }
0x2c3: {  	v58 =	vor.u32 v27, v38;
	v1 =	vld [tilespmem:$0x1FED0];
	[tilespmem:v0+s29+$0x0] =	vst.idx.msk $0xffff, v45  }
0x2c4: {  	[tilespmem:v61+s29+$0x0] =	vst.idx.msk $0xffff, v40  }
0x2c5: {  	v56 =	vmov v3;
	v59 =	vor.u32 v2, v33;
	v3 =	vld [tilespmem:$0x1FEF0]  }
0x2c6: {  	v42 =	vor.u32 v26, v39;
	v48 =	vld.idx.msk [tilespmem:v62+s24+$0x0], $0xffff;
	v62 =	vor.u32 s19, v19  }
0x2c7: {  	v51 =	vor.u32 s17, v19;
	v52 =	vor.u32 v26, v37;
	v50 =	vld.idx.msk [tilespmem:v63+s24+$0x0], $0xffff  }
0x2c8: {  	v47 =	vor.u32 s18, v19;
	v53 =	vor.u32 v26, v36;
	v44 =	vld.idx.msk [tilespmem:v58+s24+$0x0], $0xffff  }
0x2c9: {  	v46 =	vld.idx.msk [tilespmem:v46+s24+$0x0], $0xffff;
	v63 =	vor.u32 v26, v38;
	v54 =	vor.u32 s16, v1  }
0x2ca: {  	v60 =	vor.u32 v2, v35;
	v32 =	vld.idx.msk [tilespmem:v59+s24+$0x0], $0xffff;
	v61 =	vor.u32 s15, v3  }
0x2cb: {  	v41 =	vld.idx.msk [tilespmem:v42+s24+$0x0], $0xffff;
	v42 =	vor.u32 s20, v28;
	[tilespmem:v62+s29+$0x0] =	vst.idx.msk $0xffff, v48  }
0x2cc: {  	[tilespmem:v51+s29+$0x0] =	vst.idx.msk $0xffff, v50;
	v50 =	vor.u32 s19, v28;
	v49 =	vld.idx.msk [tilespmem:v52+s24+$0x0], $0xffff  }
0x2cd: {  	v0 =	vor.u32 s17, v28;
	[tilespmem:v47+s29+$0x0] =	vst.idx.msk $0xffff, v44;
	v44 =	vld.idx.msk [tilespmem:v53+s24+$0x0], $0xffff  }
0x2ce: {  	v45 =	vld.idx.msk [tilespmem:v63+s24+$0x0], $0xffff;
	[tilespmem:v54+s29+$0x0] =	vst.idx.msk $0xffff, v46  }
0x2cf: {  	v46 =	vor.u32 s18, v28;
	v57 =	vld.idx.msk [tilespmem:v60+s24+$0x0], $0xffff;
	[tilespmem:v61+s29+$0x0] =	vst.idx.msk $0xffff, v32  }
0x2d0: {  	v58 =	vor.u32 s16, v3;
	v4 =	vld [tilespmem:$0x1FF00];
	[tilespmem:v42+s29+$0x0] =	vst.idx.msk $0xffff, v41  }
0x2d1: {  	[tilespmem:v50+s29+$0x0] =	vst.idx.msk $0xffff, v49  }
0x2d2: {  	v62 =	vor.u32 v30, v39;
	[tilespmem:v0+s29+$0x0] =	vst.idx.msk $0xffff, v44  }
0x2d3: {  	v51 =	vor.u32 v30, v37;
	v0 =	vld [tilespmem:$0x1FEC0]  }
0x2d4: {  	v63 =	vor.u32 v30, v36;
	[tilespmem:v46+s29+$0x0] =	vst.idx.msk $0xffff, v45  }
0x2d5: {  	v59 =	vor.u32 v30, v38;
	[tilespmem:v58+s29+$0x0] =	vst.idx.msk $0xffff, v57  }
0x2d6: {  	v61 =	vor.u32 s13, v1;
	v5 =	vld [tilespmem:$0x1FF10];
	v60 =	vor.u32 v4, v33  }
0x2d7: {  	v41 =	vor.u32 v2, v34;
	v42 =	vld.idx.msk [tilespmem:v62+s24+$0x0], $0xffff;
	v62 =	vor.u32 s20, v25  }
0x2d8: {  	v49 =	vor.u32 s19, v25;
	v47 =	vld.idx.msk [tilespmem:v51+s24+$0x0], $0xffff;
	v44 =	vor.u32 v0, v39  }
0x2d9: {  	v45 =	vld.idx.msk [tilespmem:v63+s24+$0x0], $0xffff;
	v63 =	vor.u32 s17, v25;
	v50 =	vor.u32 v0, v37  }
0x2da: {  	v51 =	vor.u32 s18, v25;
	v32 =	vld.idx.msk [tilespmem:v59+s24+$0x0], $0xffff;
	v57 =	vor.u32 v0, v36  }
0x2db: {  	[tilespmem:v61+s29+$0x0] =	vst.idx.msk $0xffff, v43;
	v59 =	vor.u32 v0, v38;
	v58 =	vor.u32 s15, v5;
	v33 =	vld.idx.msk [tilespmem:v60+s24+$0x0], $0xffff  }
0x2dc: {  	v61 =	vor.u32 s13, v3;
	v41 =	vld.idx.msk [tilespmem:v41+s24+$0x0], $0xffff;
	[tilespmem:v62+s29+$0x0] =	vst.idx.msk $0xffff, v42;
	v62 =	vor.u32 v4, v35  }
0x2dd: {  	[tilespmem:v49+s29+$0x0] =	vst.idx.msk $0xffff, v47;
	v60 =	vor.u32 v2, v6;
	v42 =	vld.idx.msk [tilespmem:v44+s24+$0x0], $0xffff  }
0x2de: {  	[tilespmem:v63+s29+$0x0] =	vst.idx.msk $0xffff, v45;
	v63 =	vor.u32 v2, v39;
	v0 =	vor.u32 s19, v1;
	v45 =	vld.idx.msk [tilespmem:v50+s24+$0x0], $0xffff  }
0x2df: {  	v48 =	vor.u32 s17, v1;
	v47 =	vor.u32 v2, v37;
	[tilespmem:v51+s29+$0x0] =	vst.idx.msk $0xffff, v32;
	v32 =	vld.idx.msk [tilespmem:v57+s24+$0x0], $0xffff  }
0x2e0: {  	v40 =	vor.u32 s18, v1;
	v57 =	vor.u32 v2, v36;
	[tilespmem:v58+s29+$0x0] =	vst.idx.msk $0xffff, v33;
	v33 =	vld.idx.msk [tilespmem:v59+s24+$0x0], $0xffff  }
0x2e1: {  	[tilespmem:v61+s29+$0x0] =	vst.idx.msk $0xffff, v41;
	v61 =	vor.u32 s16, v5;
	v35 =	vld.idx.msk [tilespmem:v62+s24+$0x0], $0xffff;
	v59 =	vor.u32 v2, v38  }
0x2e2: {  	v43 =	vld.idx.msk [tilespmem:v60+s24+$0x0], $0xffff;
	v58 =	vor.u32 s14, v3;
	v60 =	vor.u32 v4, v34;
	[tilespmem:v56+s29+$0x0] =	vst.idx.msk $0xffff, v42  }
0x2e3: {  	v62 =	vor.u32 v4, v6;
	[tilespmem:v0+s29+$0x0] =	vst.idx.msk $0xffff, v45;
	v44 =	vld.idx.msk [tilespmem:v63+s24+$0x0], $0xffff;
	v63 =	vor.u32 s20, v3  }
0x2e4: {  	v1 =	vor.u32 s19, v3;
	v0 =	vor.u32 v4, v39;
	[tilespmem:v48+s29+$0x0] =	vst.idx.msk $0xffff, v32;
	v45 =	vld.idx.msk [tilespmem:v47+s24+$0x0], $0xffff  }
0x2e5: {  	v2 =	vor.u32 v4, v37;
	v48 =	vor.u32 s17, v3;
	v53 =	vld.idx.msk [tilespmem:v57+s24+$0x0], $0xffff;
	[tilespmem:v40+s29+$0x0] =	vst.idx.msk $0xffff, v33  }
0x2e6: {  	v55 =	vor.u32 s18, v3;
	v54 =	vor.u32 v4, v36;
	[tilespmem:v61+s29+$0x0] =	vst.idx.msk $0xffff, v35;
	v40 =	vld.idx.msk [tilespmem:v59+s24+$0x0], $0xffff  }
0x2e7: {  	v56 =	vor.u32 s13, v5;
	v57 =	vor.u32 v4, v38;
	[tilespmem:v58+s29+$0x0] =	vst.idx.msk $0xffff, v43;
	v34 =	vld.idx.msk [tilespmem:v60+s24+$0x0], $0xffff  }
0x2e8: {  	v58 =	vor.u32 s14, v5;
	v42 =	vld.idx.msk [tilespmem:v62+s24+$0x0], $0xffff;
	[tilespmem:v63+s29+$0x0] =	vst.idx.msk $0xffff, v44  }
0x2e9: {  	v59 =	vor.u32 s20, v5;
	[tilespmem:v1+s29+$0x0] =	vst.idx.msk $0xffff, v45;
	v39 =	vld.idx.msk [tilespmem:v0+s24+$0x0], $0xffff  }
0x2ea: {  	v60 =	vor.u32 s19, v5;
	[tilespmem:v48+s29+$0x0] =	vst.idx.msk $0xffff, v53;
	v32 =	vld.idx.msk [tilespmem:v2+s24+$0x0], $0xffff  }
0x2eb: {  	v61 =	vor.u32 s17, v5;
	v33 =	vld.idx.msk [tilespmem:v54+s24+$0x0], $0xffff;
	[tilespmem:v55+s29+$0x0] =	vst.idx.msk $0xffff, v40  }
0x2ec: {  	v63 =	vor.u32 s18, v5;
	[tilespmem:v56+s29+$0x0] =	vst.idx.msk $0xffff, v34;
	v62 =	vld.idx.msk [tilespmem:v57+s24+$0x0], $0xffff  }
0x2ed: {  	[tilespmem:v58+s29+$0x0] =	vst.idx.msk $0xffff, v42  }
0x2ee: {  	[tilespmem:v59+s29+$0x0] =	vst.idx.msk $0xffff, v39  }
0x2ef: {  	[tilespmem:v60+s29+$0x0] =	vst.idx.msk $0xffff, v32  }
0x2f0: {  	[tilespmem:v61+s29+$0x0] =	vst.idx.msk $0xffff, v33  }
0x2f1: {  	[tilespmem:v63+s29+$0x0] =	vst.idx.msk $0xffff, v62  }
0x2f2: {  	s1 =	simm.s32 $0x9000;
	s0 =	rddreg [dreg:$0xa]  }
0x2f3: {  	[hbm4b:s0+s3] =	stream.linear.scatter [tilespmem:s1], [sflag:$0x4], $0x4000, $0x38;
	[tilespmem:$0x11CD0] =	vst v63  }
0x2f4: {  	s25 =	simm.s32 $0xD000;
	s22 =	rddreg [dreg:$0xb]  }
0x2f5: {  	[hbm4b:s22+s3] =	stream.linear.scatter [tilespmem:s25], [sflag:$0x4], $0x4000, $0x38;
	[tilespmem:$0x11CD0] =	vst v63  }
0x2f6: {  	s30 =	simm.s32 $0x800;
	s13 =	simm.s32 $0x1;
	s26 =	rddreg [dreg:$0xc]  }
0x2f7: {  	v62 =	vlaneseq.u32;
	[tilespmem:s30], [sflag:$0x2] =	stream.linear.gather [hbm4b:s26+s3], $0x800, $0x38;
	[tilespmem:$0x11CD0] =	vst v63  }
.LBB2_6:
0x2f8: {  	_ =	swait.ge [sflag:s28], $0x800  }
0x2f9: {  	[sflag:s28] =	ssyncset.done $0x0  }
0x2fa: {  	[sflag:s28] =	ssyncadd.s32 $0xFFFFF800  }
0x2fb: {  	_ =	swait.ge [sflag:s6], $0x4000  }
0x2fc: {  	[sflag:s6] =	ssyncset.done $0x0  }
0x2fd: {  	[sflag:s6] =	ssyncadd.s32 $0xFFFFC000  }
0x2fe: {  	_ =	swait.ge [sflag:s6], $0x4000  }
0x2ff: {  	[sflag:s6] =	ssyncset.done $0x0  }
0x300: {  	s1 =	simm.s32 $0x20;
	[sflag:s6] =	ssyncadd.s32 $0xFFFFC000  }
0x301: {  	v32 =	vld [tilespmem:s1+$0xFFFFFFE0]  }
0x302: {  	v33 =	vld [tilespmem:s1+$0xFFFFFFF0];
	_ =	sdelay $0x1  }
0x303: {  	v34 =	vld [tilespmem:s1+$0x0];
	_ =	sdelay $0x1  }
0x304: {  	v43 =	vshll.u32 v32, $0x4  }
0x305: {  	v41 =	vshll.u32 v33, $0x4;
	v32 =	vor.u32 v62, v43  }
0x306: {  	v33 =	vor.u32 v62, v41  }
0x307: {  	s0 =	simm.s32 $0x0;
	s2 =	simm.s32 $0x0;
	v5 =	vshll.u32 v34, $0x4  }
0x308: {  	s11 =	simm.s32 $0x10;
	s9 =	sand.u32 $0x3C00, s0;
	s7 =	sand.u32 $0x40, s2;
	v36 =	vor.u32 v62, v5  }
0x309: {  	s2 =	sand.u32 $0x50, s11;
	s0 =	sor.u32 s7, s9  }
0x30a: {  	s14 =	simm.s32 $0x20;
	s18 =	sor.u32 s9, s2;
	v35 =	vor.u32 s0, v7;
	v32 =	vld.idx.msk [tilespmem:v32+s24+$0x0], $0xffff  }
0x30b: {  	s2 =	sand.u32 $0x60, s14;
	v37 =	vor.u32 s18, v7;
	v1 =	vor.u32 v8, v43;
	v33 =	vld.idx.msk [tilespmem:v33+s24+$0x0], $0xffff  }
0x30c: {  	s19 =	sor.u32 s9, s2;
	v38 =	vor.u32 v8, v41  }
0x30d: {  	v4 =	vor.u32 s19, v7;
	v3 =	vld.idx.msk [tilespmem:v36+s24+$0x0], $0xffff  }
0x30e: {  	v42 =	vor.u32 v8, v5  }
0x30f: {  	[tilespmem:v35+s29+$0x0] =	vst.idx.msk $0xffff, v32  }
0x310: {  	v2 =	vor.u32 s0, v9;
	[tilespmem:v37+s29+$0x0] =	vst.idx.msk $0xffff, v33;
	v32 =	vld.idx.msk [tilespmem:v1+s24+$0x0], $0xffff  }
0x311: {  	v6 =	vor.u32 s18, v9;
	v39 =	vor.u32 v10, v43;
	v33 =	vld.idx.msk [tilespmem:v38+s24+$0x0], $0xffff  }
0x312: {  	v48 =	vor.u32 v10, v41;
	[tilespmem:v4+s29+$0x0] =	vst.idx.msk $0xffff, v3  }
0x313: {  	v50 =	vor.u32 s19, v9;
	v36 =	vld.idx.msk [tilespmem:v42+s24+$0x0], $0xffff  }
0x314: {  	v45 =	vor.u32 v10, v5  }
0x315: {  	v44 =	vld [tilespmem:s1+$0x10];
	[tilespmem:v2+s29+$0x0] =	vst.idx.msk $0xffff, v32  }
0x316: {  	v49 =	vor.u32 s0, v11;
	[tilespmem:v6+s29+$0x0] =	vst.idx.msk $0xffff, v33;
	v34 =	vld.idx.msk [tilespmem:v39+s24+$0x0], $0xffff  }
0x317: {  	v53 =	vor.u32 s18, v11;
	v51 =	vor.u32 v12, v43;
	v32 =	vld.idx.msk [tilespmem:v48+s24+$0x0], $0xffff  }
0x318: {  	v54 =	vor.u32 v12, v41;
	[tilespmem:v50+s29+$0x0] =	vst.idx.msk $0xffff, v36  }
0x319: {  	v57 =	vor.u32 s19, v11;
	v38 =	vld.idx.msk [tilespmem:v45+s24+$0x0], $0xffff  }
0x31a: {  	v58 =	vor.u32 v12, v5;
	v42 =	vshll.u32 v44, $0x4  }
0x31b: {  	v52 =	vor.u32 v62, v42;
	[tilespmem:v49+s29+$0x0] =	vst.idx.msk $0xffff, v34  }
0x31c: {  	v55 =	vor.u32 s0, v13;
	[tilespmem:v53+s29+$0x0] =	vst.idx.msk $0xffff, v32;
	v35 =	vld.idx.msk [tilespmem:v51+s24+$0x0], $0xffff  }
0x31d: {  	s15 =	simm.s32 $0x30;
	v60 =	vor.u32 s18, v13;
	v56 =	vor.u32 v14, v43;
	v34 =	vld.idx.msk [tilespmem:v54+s24+$0x0], $0xffff  }
0x31e: {  	s1 =	sand.u32 $0x70, s15;
	v61 =	vor.u32 v14, v41;
	[tilespmem:v57+s29+$0x0] =	vst.idx.msk $0xffff, v38  }
0x31f: {  	s30 =	sor.u32 s9, s1;
	v1 =	vor.u32 s19, v13;
	v44 =	vld.idx.msk [tilespmem:v58+s24+$0x0], $0xffff  }
0x320: {  	v46 =	vor.u32 s30, v7;
	v2 =	vor.u32 v14, v5;
	v33 =	vld.idx.msk [tilespmem:v52+s24+$0x0], $0xffff  }
0x321: {  	[tilespmem:v55+s29+$0x0] =	vst.idx.msk $0xffff, v35  }
0x322: {  	v63 =	vor.u32 s0, v15;
	v59 =	vor.u32 v8, v42;
	[tilespmem:v60+s29+$0x0] =	vst.idx.msk $0xffff, v34;
	v36 =	vld.idx.msk [tilespmem:v56+s24+$0x0], $0xffff  }
0x323: {  	v0 =	vor.u32 v16, v43;
	v6 =	vor.u32 s18, v15;
	v35 =	vld.idx.msk [tilespmem:v61+s24+$0x0], $0xffff  }
0x324: {  	v48 =	vor.u32 v16, v41;
	[tilespmem:v1+s29+$0x0] =	vst.idx.msk $0xffff, v44  }
0x325: {  	s16 =	simm.s32 $0x60;
	[tilespmem:v46+s29+$0x0] =	vst.idx.msk $0xffff, v33;
	v51 =	vor.u32 s19, v15;
	v33 =	vld.idx.msk [tilespmem:v2+s24+$0x0], $0xffff  }
0x326: {  	v47 =	vld [tilespmem:s16+$0xFFFFFFE0];
	v52 =	vor.u32 v16, v5  }
0x327: {  	v3 =	vor.u32 s30, v9;
	v32 =	vld.idx.msk [tilespmem:v59+s24+$0x0], $0xffff;
	[tilespmem:v63+s29+$0x0] =	vst.idx.msk $0xffff, v36  }
0x328: {  	v4 =	vor.u32 v10, v42;
	v49 =	vor.u32 s0, v17;
	[tilespmem:v6+s29+$0x0] =	vst.idx.msk $0xffff, v35;
	v38 =	vld.idx.msk [tilespmem:v0+s24+$0x0], $0xffff  }
0x329: {  	v50 =	vor.u32 v18, v43;
	v53 =	vor.u32 s18, v17;
	v35 =	vld.idx.msk [tilespmem:v48+s24+$0x0], $0xffff  }
0x32a: {  	v54 =	vld [tilespmem:s16+$0x0];
	v55 =	vor.u32 v18, v41;
	[tilespmem:v51+s29+$0x0] =	vst.idx.msk $0xffff, v33  }
0x32b: {  	v58 =	vor.u32 s19, v17;
	v45 =	vld.idx.msk [tilespmem:v52+s24+$0x0], $0xffff  }
0x32c: {  	[tilespmem:v3+s29+$0x0] =	vst.idx.msk $0xffff, v32;
	v60 =	vld [tilespmem:s16+$0x10];
	v48 =	vor.u32 v18, v5  }
0x32d: {  	v34 =	vld.idx.msk [tilespmem:v4+s24+$0x0], $0xffff;
	[tilespmem:v49+s29+$0x0] =	vst.idx.msk $0xffff, v38;
	v49 =	vor.u32 s30, v11  }
0x32e: {  	v56 =	vor.u32 s0, v20;
	v51 =	vor.u32 v12, v42;
	[tilespmem:v53+s29+$0x0] =	vst.idx.msk $0xffff, v35;
	v39 =	vld.idx.msk [tilespmem:v50+s24+$0x0], $0xffff  }
0x32f: {  	v57 =	vor.u32 v22, v43;
	v59 =	vor.u32 s18, v20;
	v32 =	vshll.u32 v54, $0x4;
	v36 =	vld.idx.msk [tilespmem:v55+s24+$0x0], $0xffff  }
0x330: {  	v61 =	vor.u32 v62, v32;
	[tilespmem:v58+s29+$0x0] =	vst.idx.msk $0xffff, v45;
	v35 =	vshll.u32 v47, $0x4;
	v50 =	vld [tilespmem:s16+$0xFFFFFFF0]  }
0x331: {  	v0 =	vor.u32 s19, v20;
	v46 =	vld.idx.msk [tilespmem:v48+s24+$0x0], $0xffff;
	v2 =	vor.u32 v62, v35  }
0x332: {  	v52 =	vor.u32 v22, v41;
	[tilespmem:v49+s29+$0x0] =	vst.idx.msk $0xffff, v34  }
0x333: {  	s17 =	simm.s32 $0x200;
	s20 =	simm.s32 $0x60;
	v1 =	vor.u32 v22, v5;
	v4 =	vor.u32 s30, v13;
	[tilespmem:v56+s29+$0x0] =	vst.idx.msk $0xffff, v39;
	v3 =	vld.idx.msk [tilespmem:v51+s24+$0x0], $0xffff  }
0x334: {  	s21 =	simm.s32 $0x40;
	s2 =	sand.u32 $0x60, s20;
	s1 =	sand.u32 $0x3C00, s17;
	v53 =	vor.u32 s0, v23;
	[tilespmem:v59+s29+$0x0] =	vst.idx.msk $0xffff, v36;
	v59 =	vor.u32 v14, v42;
	v44 =	vld.idx.msk [tilespmem:v57+s24+$0x0], $0xffff  }
0x335: {  	s9 =	sand.u32 $0x40, s21;
	s14 =	sor.u32 s1, s2;
	v63 =	vor.u32 v21, v43;
	v33 =	vshll.u32 v50, $0x4;
	v39 =	vld.idx.msk [tilespmem:v61+s24+$0x0], $0xffff  }
0x336: {  	s17 =	sor.u32 s9, s1;
	v34 =	vshll.u32 v60, $0x4;
	[tilespmem:v0+s29+$0x0] =	vst.idx.msk $0xffff, v46;
	v0 =	vor.u32 s14, v7;
	v49 =	vld.idx.msk [tilespmem:v2+s24+$0x0], $0xffff;
	v60 =	vor.u32 v62, v33  }
0x337: {  	v54 =	vor.u32 s17, v7;
	v61 =	vor.u32 v62, v34;
	v6 =	vld.idx.msk [tilespmem:v52+s24+$0x0], $0xffff  }
0x338: {  	s22 =	simm.s32 $0x50;
	v2 =	vor.u32 v8, v35;
	v62 =	vor.u32 s18, v23;
	v47 =	vld.idx.msk [tilespmem:v1+s24+$0x0], $0xffff;
	[tilespmem:v4+s29+$0x0] =	vst.idx.msk $0xffff, v3  }
0x339: {  	s25 =	simm.s32 $0x70;
	s2 =	sand.u32 $0x50, s22;
	v58 =	vor.u32 s19, v23;
	v1 =	vor.u32 v8, v32;
	[tilespmem:v53+s29+$0x0] =	vst.idx.msk $0xffff, v44;
	v38 =	vld.idx.msk [tilespmem:v59+s24+$0x0], $0xffff  }
0x33a: {  	s9 =	sand.u32 $0x70, s25;
	s15 =	sor.u32 s1, s2;
	v3 =	vor.u32 s30, v15;
	v45 =	vld.idx.msk [tilespmem:v63+s24+$0x0], $0xffff;
	v63 =	vor.u32 v21, v41  }
0x33b: {  	s16 =	sor.u32 s1, s9;
	v55 =	vor.u32 s15, v7;
	v56 =	vor.u32 v16, v42;
	[tilespmem:v0+s29+$0x0] =	vst.idx.msk $0xffff, v39;
	v37 =	vld.idx.msk [tilespmem:v60+s24+$0x0], $0xffff  }
0x33c: {  	v57 =	vor.u32 v8, v33;
	v4 =	vor.u32 s16, v7;
	[tilespmem:v54+s29+$0x0] =	vst.idx.msk $0xffff, v49;
	v44 =	vld.idx.msk [tilespmem:v61+s24+$0x0], $0xffff  }
0x33d: {  	[tilespmem:v62+s29+$0x0] =	vst.idx.msk $0xffff, v6;
	v6 =	vor.u32 v8, v34;
	v36 =	vld.idx.msk [tilespmem:v2+s24+$0x0], $0xffff;
	v60 =	vor.u32 s17, v9  }
0x33e: {  	v53 =	vld.idx.msk [tilespmem:v1+s24+$0x0], $0xffff;
	v62 =	vor.u32 v10, v35;
	[tilespmem:v58+s29+$0x0] =	vst.idx.msk $0xffff, v47  }
0x33f: {  	v40 =	vor.u32 v21, v5;
	v39 =	vor.u32 s18, v24;
	[tilespmem:v3+s29+$0x0] =	vst.idx.msk $0xffff, v38;
	v46 =	vld.idx.msk [tilespmem:v63+s24+$0x0], $0xffff  }
0x340: {  	v0 =	vor.u32 s30, v17;
	v61 =	vor.u32 v29, v41;
	[tilespmem:v55+s29+$0x0] =	vst.idx.msk $0xffff, v37;
	v63 =	vld.idx.msk [tilespmem:v56+s24+$0x0], $0xffff  }
0x341: {  	v1 =	vor.u32 s15, v9;
	v2 =	vor.u32 v18, v42;
	[tilespmem:v4+s29+$0x0] =	vst.idx.msk $0xffff, v44;
	v55 =	vld.idx.msk [tilespmem:v57+s24+$0x0], $0xffff  }
0x342: {  	v4 =	vor.u32 s16, v9;
	[tilespmem:v60+s29+$0x0] =	vst.idx.msk $0xffff, v36;
	v47 =	vld.idx.msk [tilespmem:v6+s24+$0x0], $0xffff  }
0x343: {  	v3 =	vor.u32 v10, v33;
	v6 =	vor.u32 s0, v24;
	v38 =	vld.idx.msk [tilespmem:v62+s24+$0x0], $0xffff  }
0x344: {  	v60 =	vor.u32 v29, v43;
	v62 =	vor.u32 s17, v11;
	[tilespmem:v39+s29+$0x0] =	vst.idx.msk $0xffff, v46;
	v39 =	vld.idx.msk [tilespmem:v40+s24+$0x0], $0xffff  }
0x345: {  	[tilespmem:v0+s29+$0x0] =	vst.idx.msk $0xffff, v63;
	v36 =	vld.idx.msk [tilespmem:v61+s24+$0x0], $0xffff;
	v61 =	vor.u32 s19, v24  }
0x346: {  	v63 =	vor.u32 v29, v5;
	[tilespmem:v1+s29+$0x0] =	vst.idx.msk $0xffff, v55;
	v1 =	vor.u32 s30, v20;
	v44 =	vld.idx.msk [tilespmem:v2+s24+$0x0], $0xffff  }
0x347: {  	v0 =	vor.u32 v12, v35;
	[tilespmem:v4+s29+$0x0] =	vst.idx.msk $0xffff, v47;
	v2 =	vor.u32 s14, v9  }
0x348: {  	[tilespmem:v6+s29+$0x0] =	vst.idx.msk $0xffff, v45;
	v4 =	vor.u32 v10, v32;
	v6 =	vor.u32 s15, v11;
	v52 =	vld.idx.msk [tilespmem:v3+s24+$0x0], $0xffff  }
0x349: {  	[tilespmem:v62+s29+$0x0] =	vst.idx.msk $0xffff, v38;
	v3 =	vor.u32 v22, v42;
	v46 =	vld.idx.msk [tilespmem:v60+s24+$0x0], $0xffff;
	v60 =	vor.u32 s18, v31  }
0x34a: {  	v62 =	vor.u32 v27, v41;
	[tilespmem:v61+s29+$0x0] =	vst.idx.msk $0xffff, v39  }
0x34b: {  	v39 =	vor.u32 v12, v33;
	[tilespmem:v1+s29+$0x0] =	vst.idx.msk $0xffff, v44;
	v61 =	vld.idx.msk [tilespmem:v63+s24+$0x0], $0xffff;
	v63 =	vor.u32 s19, v31  }
0x34c: {  	v50 =	vld.idx.msk [tilespmem:v0+s24+$0x0], $0xffff;
	v0 =	vor.u32 s17, v13;
	v1 =	vor.u32 v27, v5;
	[tilespmem:v2+s29+$0x0] =	vst.idx.msk $0xffff, v53  }
0x34d: {  	v2 =	vor.u32 v14, v35;
	[tilespmem:v6+s29+$0x0] =	vst.idx.msk $0xffff, v52;
	v6 =	vor.u32 s14, v11;
	v45 =	vld.idx.msk [tilespmem:v4+s24+$0x0], $0xffff  }
0x34e: {  	[tilespmem:v60+s29+$0x0] =	vst.idx.msk $0xffff, v36;
	v60 =	vor.u32 v12, v32;
	v47 =	vld.idx.msk [tilespmem:v3+s24+$0x0], $0xffff;
	v4 =	vor.u32 s0, v31  }
0x34f: {  	v3 =	vor.u32 s30, v23;
	v38 =	vld.idx.msk [tilespmem:v62+s24+$0x0], $0xffff  }
0x350: {  	v59 =	vor.u32 s15, v13;
	v57 =	vor.u32 v10, v34;
	v39 =	vld.idx.msk [tilespmem:v39+s24+$0x0], $0xffff;
	[tilespmem:v63+s29+$0x0] =	vst.idx.msk $0xffff, v61  }
0x351: {  	v62 =	vor.u32 v14, v33;
	[tilespmem:v0+s29+$0x0] =	vst.idx.msk $0xffff, v50;
	v63 =	vor.u32 s19, v19;
	v61 =	vld.idx.msk [tilespmem:v1+s24+$0x0], $0xffff  }
0x352: {  	v52 =	vor.u32 v21, v42;
	v0 =	vld.idx.msk [tilespmem:v2+s24+$0x0], $0xffff;
	[tilespmem:v6+s29+$0x0] =	vst.idx.msk $0xffff, v45;
	v1 =	vor.u32 s17, v15  }
0x353: {  	s25 =	simm.s32 $0xA0;
	v58 =	vor.u32 v27, v43;
	[tilespmem:v4+s29+$0x0] =	vst.idx.msk $0xffff, v46;
	v6 =	vor.u32 s14, v13;
	v4 =	vld.idx.msk [tilespmem:v60+s24+$0x0], $0xffff  }
0x354: {  	v51 =	vld [tilespmem:s25+$0x0];
	[tilespmem:v3+s29+$0x0] =	vst.idx.msk $0xffff, v47;
	v3 =	vor.u32 v16, v35  }
0x355: {  	v56 =	vor.u32 s18, v19;
	v55 =	vld.idx.msk [tilespmem:v57+s24+$0x0], $0xffff;
	v2 =	vor.u32 v26, v5;
	[tilespmem:v59+s29+$0x0] =	vst.idx.msk $0xffff, v39  }
0x356: {  	v40 =	vor.u32 s15, v15;
	v60 =	vor.u32 v14, v32;
	v39 =	vld.idx.msk [tilespmem:v62+s24+$0x0], $0xffff;
	[tilespmem:v63+s29+$0x0] =	vst.idx.msk $0xffff, v61  }
0x357: {  	v52 =	vld.idx.msk [tilespmem:v52+s24+$0x0], $0xffff;
	v62 =	vor.u32 v16, v33;
	[tilespmem:v1+s29+$0x0] =	vst.idx.msk $0xffff, v0;
	v61 =	vor.u32 s30, v24  }
0x358: {  	v36 =	vld.idx.msk [tilespmem:v58+s24+$0x0], $0xffff;
	[tilespmem:v6+s29+$0x0] =	vst.idx.msk $0xffff, v4;
	v4 =	vor.u32 v26, v41;
	v6 =	vor.u32 s0, v19  }
0x359: {  	v63 =	vor.u32 v29, v42;
	v49 =	vld.idx.msk [tilespmem:v3+s24+$0x0], $0xffff;
	v3 =	vor.u32 s17, v17  }
0x35a: {  	[tilespmem:v56+s29+$0x0] =	vst.idx.msk $0xffff, v38;
	v56 =	vor.u32 s19, v28;
	v59 =	vor.u32 v18, v35;
	v47 =	vld.idx.msk [tilespmem:v2+s24+$0x0], $0xffff  }
0x35b: {  	v0 =	vor.u32 v26, v43;
	[tilespmem:v40+s29+$0x0] =	vst.idx.msk $0xffff, v39;
	v39 =	vld.idx.msk [tilespmem:v60+s24+$0x0], $0xffff;
	v40 =	vor.u32 s14, v15  }
0x35c: {  	v57 =	vor.u32 v30, v5;
	v1 =	vor.u32 s15, v17;
	[tilespmem:v61+s29+$0x0] =	vst.idx.msk $0xffff, v52;
	v44 =	vld.idx.msk [tilespmem:v62+s24+$0x0], $0xffff  }
0x35d: {  	v2 =	vor.u32 v16, v32;
	v37 =	vld.idx.msk [tilespmem:v4+s24+$0x0], $0xffff;
	[tilespmem:v6+s29+$0x0] =	vst.idx.msk $0xffff, v36  }
0x35e: {  	v38 =	vor.u32 s30, v31;
	v61 =	vor.u32 v18, v33;
	v53 =	vld.idx.msk [tilespmem:v63+s24+$0x0], $0xffff;
	[tilespmem:v3+s29+$0x0] =	vst.idx.msk $0xffff, v49  }
0x35f: {  	v49 =	vor.u32 v27, v42;
	[tilespmem:v56+s29+$0x0] =	vst.idx.msk $0xffff, v47;
	v45 =	vld.idx.msk [tilespmem:v59+s24+$0x0], $0xffff;
	v59 =	vor.u32 s18, v28  }
0x360: {  	v62 =	vor.u32 v30, v41;
	v6 =	vor.u32 s17, v20;
	v46 =	vld.idx.msk [tilespmem:v0+s24+$0x0], $0xffff;
	[tilespmem:v40+s29+$0x0] =	vst.idx.msk $0xffff, v39  }
0x361: {  	v48 =	vor.u32 v22, v35;
	v56 =	vld.idx.msk [tilespmem:v57+s24+$0x0], $0xffff;
	[tilespmem:v1+s29+$0x0] =	vst.idx.msk $0xffff, v44;
	v1 =	vor.u32 s0, v28  }
0x362: {  	v3 =	vor.u32 s14, v17;
	v0 =	vld.idx.msk [tilespmem:v2+s24+$0x0], $0xffff;
	v2 =	vor.u32 v30, v43  }
0x363: {  	v61 =	vld.idx.msk [tilespmem:v61+s24+$0x0], $0xffff;
	[tilespmem:v38+s29+$0x0] =	vst.idx.msk $0xffff, v53  }
0x364: {  	v47 =	vor.u32 v18, v32;
	v53 =	vor.u32 s15, v20;
	v49 =	vld.idx.msk [tilespmem:v49+s24+$0x0], $0xffff;
	[tilespmem:v59+s29+$0x0] =	vst.idx.msk $0xffff, v37  }
0x365: {  	v36 =	vshll.u32 v51, $0x4;
	v51 =	vor.u32 v22, v33;
	v37 =	vor.u32 s16, v11;
	[tilespmem:v6+s29+$0x0] =	vst.idx.msk $0xffff, v45;
	v39 =	vld.idx.msk [tilespmem:v62+s24+$0x0], $0xffff  }
0x366: {  	v6 =	vor.u32 s30, v19;
	v48 =	vld.idx.msk [tilespmem:v48+s24+$0x0], $0xffff;
	[tilespmem:v1+s29+$0x0] =	vst.idx.msk $0xffff, v46  }
0x367: {  	v40 =	vor.u32 s18, v25;
	[tilespmem:v3+s29+$0x0] =	vst.idx.msk $0xffff, v0;
	v44 =	vld.idx.msk [tilespmem:v2+s24+$0x0], $0xffff  }
0x368: {  	v52 =	vor.u32 s17, v23;
	v1 =	vld [tilespmem:$0x1FEC0]  }
0x369: {  	v4 =	vlaneseq.u32;
	[tilespmem:v53+s29+$0x0] =	vst.idx.msk $0xffff, v61;
	v47 =	vld.idx.msk [tilespmem:v47+s24+$0x0], $0xffff;
	v2 =	vor.u32 s14, v20  }
0x36a: {  	v57 =	vor.u32 v4, v36;
	v3 =	vor.u32 s15, v23;
	v51 =	vld.idx.msk [tilespmem:v51+s24+$0x0], $0xffff;
	[tilespmem:v37+s29+$0x0] =	vst.idx.msk $0xffff, v55  }
0x36b: {  	[tilespmem:v6+s29+$0x0] =	vst.idx.msk $0xffff, v49  }
0x36c: {  	v54 =	vld [tilespmem:s25+$0xFFFFFFE0];
	v59 =	vor.u32 v12, v34;
	[tilespmem:v40+s29+$0x0] =	vst.idx.msk $0xffff, v39  }
0x36d: {  	v58 =	vld [tilespmem:s25+$0xFFFFFFF0];
	v46 =	vor.u32 v26, v42;
	[tilespmem:v52+s29+$0x0] =	vst.idx.msk $0xffff, v48  }
0x36e: {  	v60 =	vld [tilespmem:s25+$0x10];
	v0 =	vor.u32 v21, v35;
	[tilespmem:v2+s29+$0x0] =	vst.idx.msk $0xffff, v47  }
0x36f: {  	v63 =	vor.u32 v22, v32;
	v55 =	vld.idx.msk [tilespmem:v57+s24+$0x0], $0xffff;
	v6 =	vor.u32 s0, v25;
	[tilespmem:v3+s29+$0x0] =	vst.idx.msk $0xffff, v51  }
0x370: {  	s26 =	simm.s32 $0xA0;
	s9 =	simm.s32 $0x400;
	v62 =	vor.u32 v1, v41;
	v2 =	vld [tilespmem:$0x1FED0]  }
0x371: {  	s1 =	sand.u32 $0x60, s26;
	s2 =	sand.u32 $0x3C00, s9;
	v59 =	vld.idx.msk [tilespmem:v59+s24+$0x0], $0xffff;
	v39 =	vor.u32 s19, v25  }
0x372: {  	s22 =	sor.u32 s2, s1;
	v38 =	vshll.u32 v54, $0x4;
	v54 =	vor.u32 s30, v28;
	v49 =	vor.u32 v21, v33;
	v46 =	vld.idx.msk [tilespmem:v46+s24+$0x0], $0xffff  }
0x373: {  	v48 =	vor.u32 v4, v38;
	v53 =	vld.idx.msk [tilespmem:v0+s24+$0x0], $0xffff;
	v47 =	vor.u32 s22, v7  }
0x374: {  	v40 =	vor.u32 v1, v43;
	v61 =	vld.idx.msk [tilespmem:v63+s24+$0x0], $0xffff;
	[tilespmem:v6+s29+$0x0] =	vst.idx.msk $0xffff, v44;
	v6 =	vor.u32 s16, v13  }
0x375: {  	v52 =	vld.idx.msk [tilespmem:v62+s24+$0x0], $0xffff;
	v57 =	vor.u32 s18, v2  }
0x376: {  	v37 =	vshll.u32 v58, $0x4;
	v58 =	vor.u32 v30, v42;
	v0 =	vor.u32 s17, v24;
	v3 =	vld [tilespmem:$0x1FEE0];
	[tilespmem:v39+s29+$0x0] =	vst.idx.msk $0xffff, v56  }
0x377: {  	s7 =	simm.s32 $0x80;
	v51 =	vor.u32 v4, v37;
	v45 =	vld.idx.msk [tilespmem:v49+s24+$0x0], $0xffff;
	[tilespmem:v54+s29+$0x0] =	vst.idx.msk $0xffff, v46;
	v46 =	vor.u32 s15, v24  }
0x378: {  	s1 =	sand.u32 $0x40, s7;
	v48 =	vld.idx.msk [tilespmem:v48+s24+$0x0], $0xffff;
	v56 =	vor.u32 v8, v36;
	v62 =	vor.u32 s14, v23;
	[tilespmem:v47+s29+$0x0] =	vst.idx.msk $0xffff, v55  }
0x379: {  	s20 =	sor.u32 s1, s2;
	v39 =	vshll.u32 v60, $0x4;
	v50 =	vld.idx.msk [tilespmem:v40+s24+$0x0], $0xffff;
	v40 =	vor.u32 v14, v34;
	[tilespmem:v6+s29+$0x0] =	vst.idx.msk $0xffff, v59;
	v6 =	vor.u32 s0, v2  }
0x37a: {  	v47 =	vor.u32 v4, v39;
	v4 =	vor.u32 v21, v32;
	[tilespmem:v57+s29+$0x0] =	vst.idx.msk $0xffff, v52;
	v52 =	vor.u32 s20, v7  }
0x37b: {  	s11 =	simm.s32 $0x90;
	[tilespmem:v0+s29+$0x0] =	vst.idx.msk $0xffff, v53;
	v58 =	vld.idx.msk [tilespmem:v58+s24+$0x0], $0xffff  }
0x37c: {  	s1 =	sand.u32 $0x50, s11;
	v51 =	vld.idx.msk [tilespmem:v51+s24+$0x0], $0xffff;
	[tilespmem:v46+s29+$0x0] =	vst.idx.msk $0xffff, v45  }
0x37d: {  	s11 =	sor.u32 s2, s1;
	v60 =	vor.u32 s30, v25;
	v49 =	vor.u32 v3, v41;
	v56 =	vld.idx.msk [tilespmem:v56+s24+$0x0], $0xffff;
	[tilespmem:v62+s29+$0x0] =	vst.idx.msk $0xffff, v61  }
0x37e: {  	v44 =	vor.u32 v8, v38;
	v45 =	vor.u32 s11, v7;
	v46 =	vld.idx.msk [tilespmem:v40+s24+$0x0], $0xffff;
	[tilespmem:v6+s29+$0x0] =	vst.idx.msk $0xffff, v50  }
0x37f: {  	s26 =	simm.s32 $0xB0;
	v54 =	vor.u32 v1, v42;
	v0 =	vor.u32 s16, v15;
	[tilespmem:v52+s29+$0x0] =	vst.idx.msk $0xffff, v48;
	v52 =	vld.idx.msk [tilespmem:v4+s24+$0x0], $0xffff  }
0x380: {  	s21 =	sand.u32 $0x70, s26;
	v61 =	vor.u32 v3, v43;
	v4 =	vld [tilespmem:$0x1FEF0]  }
0x381: {  	s21 =	sor.u32 s2, s21;
	v53 =	vor.u32 s22, v9;
	v47 =	vld.idx.msk [tilespmem:v47+s24+$0x0], $0xffff  }
0x382: {  	v40 =	vor.u32 v8, v37;
	v49 =	vld.idx.msk [tilespmem:v49+s24+$0x0], $0xffff;
	v48 =	vor.u32 s21, v7;
	[tilespmem:v60+s29+$0x0] =	vst.idx.msk $0xffff, v58  }
0x383: {  	v57 =	vor.u32 v16, v34;
	v6 =	vor.u32 s20, v9;
	v44 =	vld.idx.msk [tilespmem:v44+s24+$0x0], $0xffff;
	[tilespmem:v45+s29+$0x0] =	vst.idx.msk $0xffff, v51  }
0x384: {  	v51 =	vor.u32 v1, v5;
	[tilespmem:v0+s29+$0x0] =	vst.idx.msk $0xffff, v46;
	v0 =	vor.u32 s30, v2;
	v54 =	vld.idx.msk [tilespmem:v54+s24+$0x0], $0xffff  }
0x385: {  	v50 =	vor.u32 v8, v39;
	v61 =	vld.idx.msk [tilespmem:v61+s24+$0x0], $0xffff;
	v25 =	vor.u32 s18, v4  }
0x386: {  	v1 =	vld [tilespmem:$0x1FF00];
	[tilespmem:v53+s29+$0x0] =	vst.idx.msk $0xffff, v56;
	v63 =	vor.u32 s0, v4  }
0x387: {  	v46 =	vld.idx.msk [tilespmem:v40+s24+$0x0], $0xffff;
	[tilespmem:v48+s29+$0x0] =	vst.idx.msk $0xffff, v47  }
0x388: {  	v48 =	vld.idx.msk [tilespmem:v57+s24+$0x0], $0xffff;
	v57 =	vor.u32 v3, v42;
	[tilespmem:v6+s29+$0x0] =	vst.idx.msk $0xffff, v44  }
0x389: {  	v7 =	vor.u32 v29, v33;
	v40 =	vor.u32 s19, v2;
	v51 =	vld.idx.msk [tilespmem:v51+s24+$0x0], $0xffff;
	[tilespmem:v0+s29+$0x0] =	vst.idx.msk $0xffff, v54  }
0x38a: {  	v47 =	vor.u32 v10, v38;
	[tilespmem:v25+s29+$0x0] =	vst.idx.msk $0xffff, v49;
	v49 =	vld.idx.msk [tilespmem:v50+s24+$0x0], $0xffff;
	v50 =	vor.u32 s16, v17  }
0x38b: {  	v43 =	vor.u32 v1, v43;
	v25 =	vor.u32 s11, v9;
	[tilespmem:v63+s29+$0x0] =	vst.idx.msk $0xffff, v61  }
0x38c: {  	v3 =	vor.u32 v3, v5;
	v2 =	vld [tilespmem:$0x1FF10]  }
0x38d: {  	v59 =	vor.u32 v18, v34;
	v56 =	vor.u32 s30, v4;
	v57 =	vld.idx.msk [tilespmem:v57+s24+$0x0], $0xffff  }
0x38e: {  	v6 =	vld.idx.msk [tilespmem:v7+s24+$0x0], $0xffff;
	v7 =	vor.u32 s21, v9;
	v42 =	vor.u32 v1, v42;
	[tilespmem:v40+s29+$0x0] =	vst.idx.msk $0xffff, v51  }
0x38f: {  	v45 =	vor.u32 v10, v37;
	v47 =	vld.idx.msk [tilespmem:v47+s24+$0x0], $0xffff;
	[tilespmem:v50+s29+$0x0] =	vst.idx.msk $0xffff, v48;
	v50 =	vor.u32 s14, v24  }
0x390: {  	v53 =	vor.u32 v10, v39;
	v43 =	vld.idx.msk [tilespmem:v43+s24+$0x0], $0xffff;
	[tilespmem:v25+s29+$0x0] =	vst.idx.msk $0xffff, v46;
	v25 =	vor.u32 s20, v11  }
0x391: {  	v60 =	vor.u32 s16, v20;
	v51 =	vor.u32 v10, v36;
	v3 =	vld.idx.msk [tilespmem:v3+s24+$0x0], $0xffff;
	v0 =	vor.u32 s0, v2  }
0x392: {  	v54 =	vor.u32 v22, v34;
	v61 =	vor.u32 v29, v32;
	[tilespmem:v56+s29+$0x0] =	vst.idx.msk $0xffff, v57;
	v59 =	vld.idx.msk [tilespmem:v59+s24+$0x0], $0xffff  }
0x393: {  	v40 =	vor.u32 s16, v23;
	v23 =	vor.u32 s19, v4;
	[tilespmem:v7+s29+$0x0] =	vst.idx.msk $0xffff, v49;
	v7 =	vor.u32 v12, v38;
	v49 =	vld.idx.msk [tilespmem:v42+s24+$0x0], $0xffff  }
0x394: {  	v22 =	vor.u32 s11, v11;
	v48 =	vor.u32 v29, v35;
	v45 =	vld.idx.msk [tilespmem:v45+s24+$0x0], $0xffff;
	[tilespmem:v50+s29+$0x0] =	vst.idx.msk $0xffff, v52  }
0x395: {  	v53 =	vld.idx.msk [tilespmem:v53+s24+$0x0], $0xffff;
	[tilespmem:v25+s29+$0x0] =	vst.idx.msk $0xffff, v47;
	v25 =	vor.u32 s15, v31  }
0x396: {  	v44 =	vor.u32 v12, v37;
	v63 =	vld.idx.msk [tilespmem:v51+s24+$0x0], $0xffff;
	[tilespmem:v0+s29+$0x0] =	vst.idx.msk $0xffff, v43;
	v43 =	vor.u32 s21, v11  }
0x397: {  	v62 =	vor.u32 v27, v33;
	v52 =	vld.idx.msk [tilespmem:v61+s24+$0x0], $0xffff;
	[tilespmem:v60+s29+$0x0] =	vst.idx.msk $0xffff, v59;
	v59 =	vor.u32 s14, v31  }
0x398: {  	v56 =	vor.u32 v27, v32;
	[tilespmem:v23+s29+$0x0] =	vst.idx.msk $0xffff, v3;
	v7 =	vld.idx.msk [tilespmem:v7+s24+$0x0], $0xffff;
	v60 =	vor.u32 s20, v13  }
0x399: {  	v57 =	vor.u32 v14, v38;
	v46 =	vld.idx.msk [tilespmem:v48+s24+$0x0], $0xffff;
	[tilespmem:v22+s29+$0x0] =	vst.idx.msk $0xffff, v45  }
0x39a: {  	v22 =	vor.u32 v1, v41;
	v0 =	vld.idx.msk [tilespmem:v54+s24+$0x0], $0xffff;
	[tilespmem:v25+s29+$0x0] =	vst.idx.msk $0xffff, v6  }
0x39b: {  	v47 =	vld.idx.msk [tilespmem:v44+s24+$0x0], $0xffff;
	v25 =	vor.u32 v21, v34;
	[tilespmem:v43+s29+$0x0] =	vst.idx.msk $0xffff, v53;
	v53 =	vor.u32 s22, v11  }
0x39c: {  	v55 =	vor.u32 v26, v32;
	v45 =	vld.idx.msk [tilespmem:v62+s24+$0x0], $0xffff;
	[tilespmem:v59+s29+$0x0] =	vst.idx.msk $0xffff, v52  }
0x39d: {  	v58 =	vor.u32 s20, v15;
	v42 =	vor.u32 s21, v24;
	v51 =	vor.u32 v1, v5;
	[tilespmem:v60+s29+$0x0] =	vst.idx.msk $0xffff, v7;
	v50 =	vld.idx.msk [tilespmem:v56+s24+$0x0], $0xffff  }
0x39e: {  	v48 =	vor.u32 v27, v35;
	v41 =	vor.u32 s16, v24;
	v43 =	vor.u32 v16, v38;
	v44 =	vld.idx.msk [tilespmem:v57+s24+$0x0], $0xffff  }
0x39f: {  	v52 =	vor.u32 s17, v31;
	v59 =	vor.u32 s11, v13;
	v60 =	vor.u32 v12, v36;
	[tilespmem:v40+s29+$0x0] =	vst.idx.msk $0xffff, v0;
	v40 =	vld.idx.msk [tilespmem:v22+s24+$0x0], $0xffff  }
0x3a0: {  	s0 =	simm.s32 $0x8;
	v56 =	vor.u32 s30, v2;
	v57 =	vor.u32 s14, v19;
	v54 =	vld.idx.msk [tilespmem:v25+s24+$0x0], $0xffff;
	[tilespmem:v53+s29+$0x0] =	vst.idx.msk $0xffff, v63;
	v53 =	vor.u32 v14, v37  }
.LBB2_7:
0x3a1: {  	_ = 	snop  }
0x3a2: {  	v62 =	vld.idx.msk [tilespmem:v51+s24+$0x0], $0xffff  }
0x3a3: {  	v7 =	vld [tilespmem:$0x1FF10]  }
0x3a4: {  	v2 =	vld.idx.msk [tilespmem:v60+s24+$0x0], $0xffff  }
0x3a5: {  	v6 =	vld [tilespmem:$0x1FF70]  }
0x3a6: {  	v26 =	vld [tilespmem:$0x1FFC0]  }
0x3a7: {  	v24 =	vld [tilespmem:$0x1FF80]  }
0x3a8: {  	v27 =	vld [tilespmem:$0x1FFB0]  }
0x3a9: {  	v20 =	vld [tilespmem:$0x1FF40]  }
0x3aa: {  	v30 =	vld [tilespmem:$0x1FFA0];
	v1 =	vor.u32 s19, v7  }
0x3ab: {  	[tilespmem:v52+s29+$0x0] =	vst.idx.msk $0xffff, v46;
	v28 =	vld [tilespmem:$0x1FEC0]  }
0x3ac: {  	v48 =	vld.idx.msk [tilespmem:v48+s24+$0x0], $0xffff;
	[tilespmem:v57+s29+$0x0] =	vst.idx.msk $0xffff, v50  }
0x3ad: {  	s25 =	sadd.s32 $0x40, s25;
	v55 =	vld.idx.msk [tilespmem:v55+s24+$0x0], $0xffff  }
0x3ae: {  	[tilespmem:v58+s29+$0x0] =	vst.idx.msk $0xffff, v44;
	v21 =	vld [tilespmem:s25+$0x0];
	v63 =	vor.u32 s18, v7;
	s19 =	smov.u32 s14;
	s14 =	smov.u32 s22;
	s18 =	smov.u32 s15  }
0x3af: {  	v9 =	vmovc v19;
	v3 =	vor.u32 s14, v13;
	v0 =	vor.u32 s18, v19;
	[tilespmem:v1+s29+$0x0] =	vst.idx.msk $0xffff, v62;
	v1 =	vor.u32 s17, v19;
	v19 =	vld [tilespmem:$0x1FF30]  }
0x3b0: {  	v22 =	vor.u32 s20, v17;
	v43 =	vld.idx.msk [tilespmem:v43+s24+$0x0], $0xffff  }
0x3b1: {  	[tilespmem:v59+s29+$0x0] =	vst.idx.msk $0xffff, v47;
	v23 =	vor.u32 v29, v34;
	v8 =	vld [tilespmem:$0x1FFD0];
	s15 =	smov.u32 s11  }
0x3b2: {  	[tilespmem:v56+s29+$0x0] =	vst.idx.msk $0xffff, v49;
	v49 =	vld.idx.msk [tilespmem:v53+s24+$0x0], $0xffff;
	v50 =	vor.u32 v14, v36;
	v44 =	vor.u32 s15, v15  }
0x3b3: {  	v52 =	vor.u32 s16, v31;
	v18 =	vmovc v31;
	v31 =	vmov v29;
	v29 =	vld [tilespmem:$0x1FF20];
	v56 =	vor.u32 v16, v37;
	[tilespmem:v63+s29+$0x0] =	vst.idx.msk $0xffff, v40  }
0x3b4: {  	v46 =	vld [tilespmem:s25+$0xFFFFFFE0];
	[tilespmem:v3+s29+$0x0] =	vst.idx.msk $0xffff, v2;
	v3 =	vor.u32 v19, v38  }
0x3b5: {  	v57 =	vor.u32 s19, v6;
	[tilespmem:v22+s29+$0x0] =	vst.idx.msk $0xffff, v43;
	v22 =	vld [tilespmem:$0x1FF50]  }
0x3b6: {  	[tilespmem:v41+s29+$0x0] =	vst.idx.msk $0xffff, v54;
	v61 =	vor.u32 v26, v35;
	v51 =	vld [tilespmem:s25+$0xFFFFFFF0]  }
0x3b7: {  	[tilespmem:v44+s29+$0x0] =	vst.idx.msk $0xffff, v49;
	v4 =	vld.idx.msk [tilespmem:v50+s24+$0x0], $0xffff  }
0x3b8: {  	v5 =	vor.u32 s14, v15;
	v2 =	vor.u32 v26, v33;
	v50 =	vld.idx.msk [tilespmem:v56+s24+$0x0], $0xffff;
	[tilespmem:v1+s29+$0x0] =	vst.idx.msk $0xffff, v48  }
0x3b9: {  	v54 =	vor.u32 v16, v36;
	[tilespmem:v0+s29+$0x0] =	vst.idx.msk $0xffff, v45;
	v0 =	vor.u32 s20, v20;
	v58 =	vld.idx.msk [tilespmem:v3+s24+$0x0], $0xffff  }
0x3ba: {  	v43 =	vor.u32 s15, v17;
	[tilespmem:v57+s29+$0x0] =	vst.idx.msk $0xffff, v55;
	v55 =	vld.idx.msk [tilespmem:v23+s24+$0x0], $0xffff;
	v1 =	vor.u32 v22, v38  }
0x3bb: {  	v40 =	vshll.u32 v21, $0x4;
	v23 =	vor.u32 s17, v6;
	v21 =	vld.idx.msk [tilespmem:v61+s24+$0x0], $0xffff  }
0x3bc: {  	v41 =	vmov v42;
	v42 =	vld [tilespmem:s25+$0x10];
	v57 =	vor.u32 v19, v37  }
0x3bd: {  	v53 =	vor.u32 v27, v34;
	v48 =	vld.idx.msk [tilespmem:v2+s24+$0x0], $0xffff;
	[tilespmem:v5+s29+$0x0] =	vst.idx.msk $0xffff, v4  }
0x3be: {  	v62 =	vor.u32 s18, v6;
	v49 =	vor.u32 v24, v32;
	v5 =	vld.idx.msk [tilespmem:v54+s24+$0x0], $0xffff;
	[tilespmem:v0+s29+$0x0] =	vst.idx.msk $0xffff, v58  }
0x3bf: {  	v25 =	vor.u32 s14, v17;
	[tilespmem:v43+s29+$0x0] =	vst.idx.msk $0xffff, v50;
	v1 =	vld.idx.msk [tilespmem:v1+s24+$0x0], $0xffff  }
0x3c0: {  	v63 =	vor.u32 v24, v33;
	[tilespmem:v23+s29+$0x0] =	vst.idx.msk $0xffff, v21;
	v23 =	vld [tilespmem:$0x1FF60]  }
0x3c1: {  	v45 =	vshll.u32 v42, $0x4;
	v60 =	vor.u32 v19, v36;
	[tilespmem:v52+s29+$0x0] =	vst.idx.msk $0xffff, v55;
	v55 =	vor.u32 s15, v20;
	v42 =	vld.idx.msk [tilespmem:v57+s24+$0x0], $0xffff  }
0x3c2: {  	v53 =	vld.idx.msk [tilespmem:v53+s24+$0x0], $0xffff  }
0x3c3: {  	v44 =	vshll.u32 v51, $0x4;
	v51 =	vor.u32 v22, v37;
	[tilespmem:v62+s29+$0x0] =	vst.idx.msk $0xffff, v48;
	v48 =	vld.idx.msk [tilespmem:v49+s24+$0x0], $0xffff  }
0x3c4: {  	v47 =	vor.u32 v24, v35;
	[tilespmem:v25+s29+$0x0] =	vst.idx.msk $0xffff, v5;
	v25 =	vld [tilespmem:$0x1FFE0]  }
0x3c5: {  	v3 =	vlaneseq.u32;
	v0 =	vld.idx.msk [tilespmem:v63+s24+$0x0], $0xffff;
	v56 =	vor.u32 s20, v23  }
0x3c6: {  	v61 =	vor.u32 v3, v40;
	v49 =	vor.u32 s16, v9;
	[tilespmem:v55+s29+$0x0] =	vst.idx.msk $0xffff, v42;
	v55 =	vld.idx.msk [tilespmem:v60+s24+$0x0], $0xffff  }
0x3c7: {  	v58 =	vor.u32 s19, v30;
	v63 =	vor.u32 v12, v39;
	v21 =	vld [tilespmem:$0x1FF90]  }
0x3c8: {  	v59 =	vor.u32 v26, v34;
	v46 =	vshll.u32 v46, $0x4;
	v54 =	vor.u32 s18, v30;
	v51 =	vld.idx.msk [tilespmem:v51+s24+$0x0], $0xffff  }
0x3c9: {  	v50 =	vor.u32 s17, v30;
	v57 =	vor.u32 v28, v33;
	v2 =	vor.u32 v3, v46;
	v47 =	vld.idx.msk [tilespmem:v47+s24+$0x0], $0xffff  }
0x3ca: {  	v52 =	vor.u32 v3, v45;
	v5 =	vor.u32 s14, v20;
	[tilespmem:v56+s29+$0x0] =	vst.idx.msk $0xffff, v1;
	v56 =	vor.u32 v24, v34;
	v24 =	vld [tilespmem:$0x1FED0]  }
0x3cb: {  	[tilespmem:v49+s29+$0x0] =	vst.idx.msk $0xffff, v53;
	v49 =	vld.idx.msk [tilespmem:v61+s24+$0x0], $0xffff;
	v61 =	vor.u32 v22, v36;
	v53 =	vor.u32 s15, v23  }
0x3cc: {  	v62 =	vor.u32 v3, v44;
	[tilespmem:v58+s29+$0x0] =	vst.idx.msk $0xffff, v48;
	v63 =	vld.idx.msk [tilespmem:v63+s24+$0x0], $0xffff;
	v4 =	vor.u32 v21, v38  }
0x3cd: {  	v3 =	vor.u32 v25, v40;
	[tilespmem:v54+s29+$0x0] =	vst.idx.msk $0xffff, v0;
	v54 =	vld.idx.msk [tilespmem:v59+s24+$0x0], $0xffff;
	v58 =	vor.u32 v21, v37  }
0x3ce: {  	s26 =	sadd.s32 $0x40, s26;
	v60 =	vor.u32 v25, v46;
	[tilespmem:v50+s29+$0x0] =	vst.idx.msk $0xffff, v47;
	v47 =	vld.idx.msk [tilespmem:v57+s24+$0x0], $0xffff;
	v50 =	vor.u32 s16, v6  }
0x3cf: {  	s9 =	sadd.s32 $0x200, s9;
	s30 =	sadd.s32 $0xFFFFFFF0, s26;
	v48 =	vor.u32 v25, v45;
	[tilespmem:v5+s29+$0x0] =	vst.idx.msk $0xffff, v55;
	v57 =	vor.u32 v25, v44;
	v25 =	vld [tilespmem:$0x1FEE0];
	v5 =	vor.u32 s18, v24  }
0x3d0: {  	s7 =	sand.u32 $0x3C00, s9;
	s22 =	sand.u32 $0x60, s30;
	[tilespmem:v53+s29+$0x0] =	vst.idx.msk $0xffff, v51;
	v51 =	vld.idx.msk [tilespmem:v61+s24+$0x0], $0xffff;
	v53 =	vor.u32 s21, v13  }
0x3d1: {  	s22 =	sor.u32 s7, s22;
	v4 =	vld.idx.msk [tilespmem:v4+s24+$0x0], $0xffff  }
0x3d2: {  	s2 =	sadd.s32 $0xFFFFFFD0, s26;
	v0 =	vor.u32 s22, v8;
	v1 =	vor.u32 v28, v35;
	v55 =	vld.idx.msk [tilespmem:v58+s24+$0x0], $0xffff  }
0x3d3: {  	s2 =	sand.u32 $0x40, s2;
	v58 =	vor.u32 s14, v23;
	v2 =	vld.idx.msk [tilespmem:v2+s24+$0x0], $0xffff;
	[tilespmem:v50+s29+$0x0] =	vst.idx.msk $0xffff, v54  }
0x3d4: {  	s2 =	sor.u32 s2, s7;
	v6 =	vor.u32 s20, v29;
	v59 =	vor.u32 v25, v33;
	[tilespmem:v5+s29+$0x0] =	vst.idx.msk $0xffff, v47;
	v5 =	vld.idx.msk [tilespmem:v56+s24+$0x0], $0xffff  }
0x3d5: {  	v50 =	vor.u32 s2, v8;
	[tilespmem:v53+s29+$0x0] =	vst.idx.msk $0xffff, v63;
	v53 =	vor.u32 s16, v30;
	v30 =	vld [tilespmem:$0x1FEF0]  }
0x3d6: {  	s11 =	sadd.s32 $0xFFFFFFE0, s26  }
0x3d7: {  	s11 =	sand.u32 $0x50, s11;
	[tilespmem:v0+s29+$0x0] =	vst.idx.msk $0xffff, v49;
	v0 =	vor.u32 s15, v29;
	v1 =	vld.idx.msk [tilespmem:v1+s24+$0x0], $0xffff  }
0x3d8: {  	s11 =	sor.u32 s7, s11;
	v49 =	vor.u32 v14, v39;
	[tilespmem:v58+s29+$0x0] =	vst.idx.msk $0xffff, v51;
	v47 =	vld.idx.msk [tilespmem:v62+s24+$0x0], $0xffff  }
0x3d9: {  	s1 =	sand.u32 $0x70, s26;
	[tilespmem:v6+s29+$0x0] =	vst.idx.msk $0xffff, v4;
	v56 =	vor.u32 v21, v36;
	v58 =	vld.idx.msk [tilespmem:v59+s24+$0x0], $0xffff;
	v59 =	vor.u32 s11, v8  }
0x3da: {  	s30 =	sor.u32 s7, s1;
	[tilespmem:v50+s29+$0x0] =	vst.idx.msk $0xffff, v2;
	v2 =	vld.idx.msk [tilespmem:v52+s24+$0x0], $0xffff;
	v62 =	vor.u32 s18, v30  }
0x3db: {  	v51 =	vor.u32 s17, v24;
	v52 =	vor.u32 s30, v8;
	v8 =	vld [tilespmem:$0x1FFF0]  }
0x3dc: {  	[tilespmem:v0+s29+$0x0] =	vst.idx.msk $0xffff, v55  }
0x3dd: {  	v0 =	vor.u32 v25, v35;
	v4 =	vld.idx.msk [tilespmem:v49+s24+$0x0], $0xffff;
	[tilespmem:v53+s29+$0x0] =	vst.idx.msk $0xffff, v5  }
0x3de: {  	v63 =	vor.u32 s21, v15;
	v49 =	vor.u32 v28, v34;
	v55 =	vld.idx.msk [tilespmem:v56+s24+$0x0], $0xffff;
	[tilespmem:v59+s29+$0x0] =	vst.idx.msk $0xffff, v47  }
0x3df: {  	[tilespmem:v62+s29+$0x0] =	vst.idx.msk $0xffff, v58;
	v62 =	vor.u32 v28, v32;
	v28 =	vld [tilespmem:$0x1FF00]  }
0x3e0: {  	v56 =	vor.u32 v16, v39;
	v5 =	vld.idx.msk [tilespmem:v60+s24+$0x0], $0xffff;
	[tilespmem:v51+s29+$0x0] =	vst.idx.msk $0xffff, v1;
	v1 =	vor.u32 s2, v8  }
0x3e1: {  	v3 =	vld.idx.msk [tilespmem:v3+s24+$0x0], $0xffff  }
0x3e2: {  	v60 =	vor.u32 v31, v37;
	v51 =	vor.u32 s17, v30;
	v0 =	vld.idx.msk [tilespmem:v0+s24+$0x0], $0xffff  }
0x3e3: {  	v43 =	vor.u32 v16, v46;
	v50 =	vor.u32 s16, v24;
	v49 =	vld.idx.msk [tilespmem:v49+s24+$0x0], $0xffff;
	[tilespmem:v63+s29+$0x0] =	vst.idx.msk $0xffff, v4  }
0x3e4: {  	[tilespmem:v52+s29+$0x0] =	vst.idx.msk $0xffff, v2;
	v53 =	vld.idx.msk [tilespmem:v57+s24+$0x0], $0xffff;
	v57 =	vor.u32 s22, v8;
	v63 =	vor.u32 v28, v35  }
0x3e5: {  	v54 =	vor.u32 v10, v46;
	v2 =	vld.idx.msk [tilespmem:v56+s24+$0x0], $0xffff;
	[tilespmem:v1+s29+$0x0] =	vst.idx.msk $0xffff, v5;
	v1 =	vor.u32 s11, v8  }
0x3e6: {  	v56 =	vor.u32 v10, v44;
	v35 =	vmovc v38;
	v38 =	vmov v46;
	v46 =	vld.idx.msk [tilespmem:v48+s24+$0x0], $0xffff;
	v48 =	vor.u32 s21, v17  }
0x3e7: {  	v52 =	vor.u32 v25, v34;
	v5 =	vld.idx.msk [tilespmem:v60+s24+$0x0], $0xffff;
	[tilespmem:v51+s29+$0x0] =	vst.idx.msk $0xffff, v0  }
0x3e8: {  	v47 =	vor.u32 v19, v39;
	v60 =	vor.u32 s30, v8;
	v62 =	vld.idx.msk [tilespmem:v62+s24+$0x0], $0xffff;
	[tilespmem:v50+s29+$0x0] =	vst.idx.msk $0xffff, v49  }
0x3e9: {  	[tilespmem:v57+s29+$0x0] =	vst.idx.msk $0xffff, v3;
	v3 =	vld.idx.msk [tilespmem:v63+s24+$0x0], $0xffff;
	v63 =	vor.u32 s19, v24  }
0x3ea: {  	v61 =	vor.u32 v10, v45;
	v51 =	vor.u32 s17, v7;
	v6 =	vld.idx.msk [tilespmem:v54+s24+$0x0], $0xffff;
	[tilespmem:v1+s29+$0x0] =	vst.idx.msk $0xffff, v53  }
0x3eb: {  	s17 =	smov.u32 s20;
	s20 =	smov.u32 s2;
	v50 =	vor.u32 s14, v29;
	v53 =	vld.idx.msk [tilespmem:v56+s24+$0x0], $0xffff;
	v24 =	vor.u32 v25, v32;
	[tilespmem:v48+s29+$0x0] =	vst.idx.msk $0xffff, v2  }
0x3ec: {  	v42 =	vor.u32 s30, v29;
	v29 =	vmovc v31;
	v49 =	vor.u32 v31, v35;
	v25 =	vor.u32 s20, v11;
	v2 =	vld.idx.msk [tilespmem:v52+s24+$0x0], $0xffff  }
0x3ed: {  	v1 =	vor.u32 v29, v36;
	v56 =	vor.u32 s21, v20;
	v47 =	vld.idx.msk [tilespmem:v47+s24+$0x0], $0xffff;
	[tilespmem:v60+s29+$0x0] =	vst.idx.msk $0xffff, v46  }
0x3ee: {  	v52 =	vor.u32 v12, v38;
	[tilespmem:v63+s29+$0x0] =	vst.idx.msk $0xffff, v62;
	v62 =	vor.u32 s16, v30  }
0x3ef: {  	v60 =	vor.u32 v10, v40;
	v58 =	vld.idx.msk [tilespmem:v61+s24+$0x0], $0xffff;
	v63 =	vor.u32 s30, v11;
	[tilespmem:v51+s29+$0x0] =	vst.idx.msk $0xffff, v3  }
0x3f0: {  	v22 =	vor.u32 v22, v39;
	v3 =	vld.idx.msk [tilespmem:v24+s24+$0x0], $0xffff;
	[tilespmem:v50+s29+$0x0] =	vst.idx.msk $0xffff, v55  }
0x3f1: {  	v24 =	vor.u32 s11, v11;
	v46 =	vld.idx.msk [tilespmem:v49+s24+$0x0], $0xffff;
	v49 =	vor.u32 v28, v34;
	[tilespmem:v25+s29+$0x0] =	vst.idx.msk $0xffff, v6  }
0x3f2: {  	v54 =	vor.u32 s14, v18;
	v6 =	vor.u32 v12, v44;
	v25 =	vor.u32 s15, v18;
	[tilespmem:v56+s29+$0x0] =	vst.idx.msk $0xffff, v47;
	v1 =	vld.idx.msk [tilespmem:v1+s24+$0x0], $0xffff  }
0x3f3: {  	v34 =	vmov v39;
	v39 =	vmov v45;
	v45 =	vor.u32 v27, v37;
	v50 =	vld.idx.msk [tilespmem:v52+s24+$0x0], $0xffff;
	[tilespmem:v62+s29+$0x0] =	vst.idx.msk $0xffff, v2  }
0x3f4: {  	v55 =	vor.u32 s20, v13;
	v56 =	vor.u32 v27, v36;
	v57 =	vld.idx.msk [tilespmem:v60+s24+$0x0], $0xffff;
	[tilespmem:v63+s29+$0x0] =	vst.idx.msk $0xffff, v58  }
0x3f5: {  	v0 =	vor.u32 v14, v38;
	v2 =	vor.u32 s22, v11;
	v4 =	vld.idx.msk [tilespmem:v22+s24+$0x0], $0xffff  }
0x3f6: {  	s0 =	sadd.s32 $0x4, s0;
	[tilespmem:v24+s29+$0x0] =	vst.idx.msk $0xffff, v53;
	v22 =	vor.u32 s21, v23;
	v23 =	vor.u32 v28, v33;
	v49 =	vld.idx.msk [tilespmem:v49+s24+$0x0], $0xffff  }
0x3f7: {  	p0 =	slt.u32 s0, $0x7C;
	v19 =	vmov v9;
	v24 =	vor.u32 s19, v30;
	v47 =	vld.idx.msk [tilespmem:v6+s24+$0x0], $0xffff;
	[tilespmem:v25+s29+$0x0] =	vst.idx.msk $0xffff, v5;
	v25 =	vor.u32 v21, v34  }
.Ltmp2:
0x3f8: {  	v59 =	vor.u32 s11, v13;
	v31 =	vmov v18;
	v48 =	vor.u32 v27, v35;
	[tilespmem:v54+s29+$0x0] =	vst.idx.msk $0xffff, v1;
	v45 =	vld.idx.msk [tilespmem:v45+s24+$0x0], $0xffff;
	(pc) =	sbr.rel @p0 .LBB2_7-.Ltmp2, $4  }
0x3f9: {  	v51 =	vor.u32 v28, v32;
	v32 =	vmov v36;
	v36 =	vmov v40;
	[tilespmem:v55+s29+$0x0] =	vst.idx.msk $0xffff, v50;
	v50 =	vld.idx.msk [tilespmem:v56+s24+$0x0], $0xffff  }
0x3fa: {  	v60 =	vor.u32 v12, v36;
	v33 =	vmov v37;
	v37 =	vmov v44;
	v44 =	vld.idx.msk [tilespmem:v0+s24+$0x0], $0xffff;
	[tilespmem:v2+s29+$0x0] =	vst.idx.msk $0xffff, v57  }
0x3fb: {  	v52 =	vor.u32 s17, v18;
	v58 =	vor.u32 s20, v15;
	v55 =	vor.u32 v26, v32;
	[tilespmem:v22+s29+$0x0] =	vst.idx.msk $0xffff, v4;
	v40 =	vld.idx.msk [tilespmem:v23+s24+$0x0], $0xffff  }
0x3fc: {  	v56 =	vor.u32 s16, v7;
	s16 =	smov.u32 s21;
	s21 =	smov.u32 s30;
	v53 =	vor.u32 v14, v37;
	v57 =	vor.u32 s14, v9;
	[tilespmem:v24+s29+$0x0] =	vst.idx.msk $0xffff, v3;
	v54 =	vld.idx.msk [tilespmem:v25+s24+$0x0], $0xffff  }
0x3fd: {  	_ =	sdelay $0x3  }
0x3fe: {  	v0 =	vor.u32 v12, v39;
	[tilespmem:v52+s29+$0x0] =	vst.idx.msk $0xffff, v46  }
0x3ff: {  	[tilespmem:v56+s29+$0x0] =	vst.idx.msk $0xffff, v49  }
0x400: {  	[tilespmem:v59+s29+$0x0] =	vst.idx.msk $0xffff, v47  }
0x401: {  	v7 =	vld [tilespmem:$0x1FF10];
	[tilespmem:v57+s29+$0x0] =	vst.idx.msk $0xffff, v50  }
0x402: {  	[tilespmem:v58+s29+$0x0] =	vst.idx.msk $0xffff, v44  }
0x403: {  	[tilespmem:v41+s29+$0x0] =	vst.idx.msk $0xffff, v54;
	v0 =	vld.idx.msk [tilespmem:v0+s24+$0x0], $0xffff  }
0x404: {  	v1 =	vor.u32 s21, v13;
	v18 =	vld [tilespmem:$0x1FF70]  }
0x405: {  	v2 =	vld.idx.msk [tilespmem:v60+s24+$0x0], $0xffff;
	v3 =	vor.u32 s22, v13;
	v4 =	vor.u32 v14, v39  }
0x406: {  	v62 =	vor.u32 v14, v36;
	v52 =	vld.idx.msk [tilespmem:v53+s24+$0x0], $0xffff;
	v53 =	vor.u32 s11, v15  }
0x407: {  	v5 =	vld.idx.msk [tilespmem:v51+s24+$0x0], $0xffff;
	v6 =	vor.u32 s19, v7  }
0x408: {  	v63 =	vor.u32 s18, v7  }
0x409: {  	v55 =	vld.idx.msk [tilespmem:v55+s24+$0x0], $0xffff;
	v56 =	vor.u32 s14, v18;
	[tilespmem:v1+s29+$0x0] =	vst.idx.msk $0xffff, v0  }
0x40a: {  	v58 =	vor.u32 s21, v15;
	[tilespmem:v3+s29+$0x0] =	vst.idx.msk $0xffff, v2;
	v1 =	vld.idx.msk [tilespmem:v4+s24+$0x0], $0xffff  }
0x40b: {  	v3 =	vld.idx.msk [tilespmem:v62+s24+$0x0], $0xffff;
	[tilespmem:v53+s29+$0x0] =	vst.idx.msk $0xffff, v52;
	v4 =	vor.u32 s22, v15  }
0x40c: {  	v59 =	vor.u32 s20, v17;
	v57 =	vor.u32 v16, v37;
	[tilespmem:v6+s29+$0x0] =	vst.idx.msk $0xffff, v5;
	v6 =	vld.idx.msk [tilespmem:v43+s24+$0x0], $0xffff  }
0x40d: {  	v61 =	vor.u32 v29, v34;
	v62 =	vor.u32 s15, v19;
	[tilespmem:v63+s29+$0x0] =	vst.idx.msk $0xffff, v40;
	v63 =	vld.idx.msk [tilespmem:v48+s24+$0x0], $0xffff  }
0x40e: {  	v52 =	vor.u32 s17, v19;
	v5 =	vor.u32 v16, v39;
	v26 =	vld [tilespmem:$0x1FFC0];
	[tilespmem:v56+s29+$0x0] =	vst.idx.msk $0xffff, v55  }
0x40f: {  	v19 =	vld [tilespmem:$0x1FF30];
	[tilespmem:v58+s29+$0x0] =	vst.idx.msk $0xffff, v1  }
0x410: {  	v60 =	vor.u32 v16, v36;
	[tilespmem:v4+s29+$0x0] =	vst.idx.msk $0xffff, v3  }
0x411: {  	v0 =	vld.idx.msk [tilespmem:v57+s24+$0x0], $0xffff;
	v55 =	vor.u32 s11, v17;
	[tilespmem:v59+s29+$0x0] =	vst.idx.msk $0xffff, v6  }
0x412: {  	v58 =	vld.idx.msk [tilespmem:v61+s24+$0x0], $0xffff;
	[tilespmem:v62+s29+$0x0] =	vst.idx.msk $0xffff, v45  }
0x413: {  	[tilespmem:v52+s29+$0x0] =	vst.idx.msk $0xffff, v63;
	v53 =	vor.u32 v26, v33;
	v2 =	vld.idx.msk [tilespmem:v5+s24+$0x0], $0xffff  }
0x414: {  	v20 =	vld [tilespmem:$0x1FF40];
	v54 =	vor.u32 v19, v38  }
0x415: {  	v57 =	vor.u32 s21, v17;
	v56 =	vor.u32 v26, v35;
	v4 =	vld.idx.msk [tilespmem:v60+s24+$0x0], $0xffff  }
0x416: {  	v5 =	vor.u32 s22, v17;
	v27 =	vld [tilespmem:$0x1FFB0];
	[tilespmem:v55+s29+$0x0] =	vst.idx.msk $0xffff, v0  }
0x417: {  	v59 =	vor.u32 s16, v31;
	v30 =	vld [tilespmem:$0x1FF80]  }
0x418: {  	v63 =	vor.u32 s15, v18;
	v6 =	vor.u32 v19, v39;
	v62 =	vld.idx.msk [tilespmem:v53+s24+$0x0], $0xffff  }
0x419: {  	v60 =	vor.u32 v19, v36;
	v53 =	vor.u32 s20, v20;
	v41 =	vld.idx.msk [tilespmem:v54+s24+$0x0], $0xffff  }
0x41a: {  	v55 =	vor.u32 s17, v18;
	v1 =	vld.idx.msk [tilespmem:v56+s24+$0x0], $0xffff;
	[tilespmem:v57+s29+$0x0] =	vst.idx.msk $0xffff, v2  }
0x41b: {  	v22 =	vld [tilespmem:$0x1FF50];
	[tilespmem:v5+s29+$0x0] =	vst.idx.msk $0xffff, v4  }
0x41c: {  	v61 =	vor.u32 v19, v37;
	[tilespmem:v59+s29+$0x0] =	vst.idx.msk $0xffff, v58  }
0x41d: {  	v52 =	vor.u32 v27, v34;
	v3 =	vld.idx.msk [tilespmem:v6+s24+$0x0], $0xffff;
	[tilespmem:v63+s29+$0x0] =	vst.idx.msk $0xffff, v62  }
0x41e: {  	v54 =	vor.u32 v30, v32;
	v5 =	vld.idx.msk [tilespmem:v60+s24+$0x0], $0xffff;
	[tilespmem:v53+s29+$0x0] =	vst.idx.msk $0xffff, v41  }
0x41f: {  	v63 =	vor.u32 v30, v33;
	v51 =	vld [tilespmem:$0x1FFA0];
	[tilespmem:v55+s29+$0x0] =	vst.idx.msk $0xffff, v1  }
0x420: {  	v4 =	vor.u32 s21, v20;
	v56 =	vor.u32 v22, v38;
	v23 =	vld [tilespmem:$0x1FF60]  }
0x421: {  	v6 =	vor.u32 s22, v20;
	v57 =	vld.idx.msk [tilespmem:v61+s24+$0x0], $0xffff  }
0x422: {  	v58 =	vor.u32 s11, v20;
	v60 =	vld.idx.msk [tilespmem:v52+s24+$0x0], $0xffff;
	v40 =	vor.u32 v22, v39  }
0x423: {  	v62 =	vor.u32 s16, v9;
	v59 =	vor.u32 v22, v36;
	v0 =	vld.idx.msk [tilespmem:v54+s24+$0x0], $0xffff  }
0x424: {  	v61 =	vor.u32 v22, v37;
	v41 =	vld.idx.msk [tilespmem:v63+s24+$0x0], $0xffff;
	v54 =	vor.u32 s14, v51  }
0x425: {  	v55 =	vor.u32 v30, v35;
	v2 =	vld.idx.msk [tilespmem:v56+s24+$0x0], $0xffff;
	[tilespmem:v4+s29+$0x0] =	vst.idx.msk $0xffff, v3;
	v56 =	vor.u32 s20, v23  }
0x426: {  	v21 =	vld [tilespmem:$0x1FF90];
	[tilespmem:v6+s29+$0x0] =	vst.idx.msk $0xffff, v5  }
0x427: {  	v4 =	vld.idx.msk [tilespmem:v40+s24+$0x0], $0xffff;
	[tilespmem:v58+s29+$0x0] =	vst.idx.msk $0xffff, v57;
	v5 =	vor.u32 s21, v23  }
0x428: {  	[tilespmem:v62+s29+$0x0] =	vst.idx.msk $0xffff, v60;
	v6 =	vld.idx.msk [tilespmem:v59+s24+$0x0], $0xffff;
	v40 =	vor.u32 s22, v23  }
0x429: {  	v57 =	vld.idx.msk [tilespmem:v61+s24+$0x0], $0xffff;
	v58 =	vor.u32 s11, v23;
	[tilespmem:v54+s29+$0x0] =	vst.idx.msk $0xffff, v0  }
0x42a: {  	v60 =	vor.u32 s15, v51;
	v1 =	vld.idx.msk [tilespmem:v55+s24+$0x0], $0xffff;
	[tilespmem:v56+s29+$0x0] =	vst.idx.msk $0xffff, v2  }
0x42b: {  	v63 =	vor.u32 s17, v51;
	v3 =	vor.u32 v21, v38;
	v53 =	vld [tilespmem:$0x1FEC0]  }
0x42c: {  	v24 =	vld [tilespmem:$0x1FF20];
	[tilespmem:v5+s29+$0x0] =	vst.idx.msk $0xffff, v4  }
0x42d: {  	v43 =	vor.u32 v21, v39;
	[tilespmem:v40+s29+$0x0] =	vst.idx.msk $0xffff, v6  }
0x42e: {  	v59 =	vor.u32 v21, v36;
	[tilespmem:v58+s29+$0x0] =	vst.idx.msk $0xffff, v57  }
0x42f: {  	v61 =	vor.u32 v21, v37;
	[tilespmem:v60+s29+$0x0] =	vst.idx.msk $0xffff, v41  }
0x430: {  	v62 =	vor.u32 v26, v34;
	v3 =	vld.idx.msk [tilespmem:v3+s24+$0x0], $0xffff;
	[tilespmem:v63+s29+$0x0] =	vst.idx.msk $0xffff, v1  }
0x431: {  	v54 =	vld [tilespmem:$0x1FED0];
	v56 =	vor.u32 v53, v33;
	v50 =	vor.u32 s20, v24  }
0x432: {  	v4 =	vor.u32 v29, v38;
	v5 =	vld.idx.msk [tilespmem:v43+s24+$0x0], $0xffff  }
0x433: {  	v57 =	vor.u32 v29, v39;
	v6 =	vld.idx.msk [tilespmem:v59+s24+$0x0], $0xffff;
	v40 =	vor.u32 s22, v24  }
0x434: {  	v0 =	vld.idx.msk [tilespmem:v61+s24+$0x0], $0xffff;
	v59 =	vor.u32 v29, v36;
	v58 =	vor.u32 s11, v24  }
0x435: {  	v60 =	vld.idx.msk [tilespmem:v62+s24+$0x0], $0xffff;
	v62 =	vor.u32 v29, v37;
	v61 =	vor.u32 s16, v18  }
0x436: {  	v63 =	vor.u32 v30, v34;
	v55 =	vor.u32 s15, v54;
	v2 =	vld.idx.msk [tilespmem:v56+s24+$0x0], $0xffff;
	[tilespmem:v50+s29+$0x0] =	vst.idx.msk $0xffff, v3  }
0x437: {  	v49 =	vor.u32 s20, v31;
	[tilespmem:v42+s29+$0x0] =	vst.idx.msk $0xffff, v5;
	v4 =	vld.idx.msk [tilespmem:v4+s24+$0x0], $0xffff  }
0x438: {  	[tilespmem:v40+s29+$0x0] =	vst.idx.msk $0xffff, v6;
	v6 =	vld.idx.msk [tilespmem:v57+s24+$0x0], $0xffff;
	v40 =	vor.u32 s21, v31  }
0x439: {  	[tilespmem:v58+s29+$0x0] =	vst.idx.msk $0xffff, v0;
	v57 =	vor.u32 s22, v31;
	v0 =	vld.idx.msk [tilespmem:v59+s24+$0x0], $0xffff  }
0x43a: {  	v5 =	vor.u32 v27, v38;
	[tilespmem:v61+s29+$0x0] =	vst.idx.msk $0xffff, v60;
	v60 =	vor.u32 s11, v31;
	v59 =	vld.idx.msk [tilespmem:v62+s24+$0x0], $0xffff  }
0x43b: {  	v56 =	vor.u32 v53, v35;
	v62 =	vld.idx.msk [tilespmem:v63+s24+$0x0], $0xffff;
	v63 =	vor.u32 s16, v51;
	[tilespmem:v55+s29+$0x0] =	vst.idx.msk $0xffff, v2  }
0x43c: {  	v28 =	vmov v18;
	v18 =	vld [tilespmem:$0x1FEE0];
	[tilespmem:v49+s29+$0x0] =	vst.idx.msk $0xffff, v4  }
0x43d: {  	v58 =	vor.u32 v27, v39;
	[tilespmem:v40+s29+$0x0] =	vst.idx.msk $0xffff, v6  }
0x43e: {  	v61 =	vor.u32 v27, v36;
	[tilespmem:v57+s29+$0x0] =	vst.idx.msk $0xffff, v0  }
0x43f: {  	v52 =	vor.u32 v27, v37;
	v49 =	vor.u32 s20, v9;
	[tilespmem:v60+s29+$0x0] =	vst.idx.msk $0xffff, v59;
	v5 =	vld.idx.msk [tilespmem:v5+s24+$0x0], $0xffff  }
0x440: {  	v3 =	vld.idx.msk [tilespmem:v56+s24+$0x0], $0xffff;
	v57 =	vor.u32 v26, v38;
	[tilespmem:v63+s29+$0x0] =	vst.idx.msk $0xffff, v62  }
0x441: {  	v56 =	vor.u32 s17, v54;
	v25 =	vld [tilespmem:$0x1FEF0];
	v55 =	vor.u32 v18, v33  }
0x442: {  	v40 =	vor.u32 s21, v9;
	v6 =	vld.idx.msk [tilespmem:v58+s24+$0x0], $0xffff;
	v4 =	vor.u32 v18, v35  }
0x443: {  	v59 =	vor.u32 v26, v39;
	v1 =	vld.idx.msk [tilespmem:v61+s24+$0x0], $0xffff;
	v58 =	vor.u32 s22, v9  }
0x444: {  	v60 =	vor.u32 v26, v36;
	v2 =	vld.idx.msk [tilespmem:v52+s24+$0x0], $0xffff;
	v61 =	vor.u32 s11, v9;
	[tilespmem:v49+s29+$0x0] =	vst.idx.msk $0xffff, v5  }
0x445: {  	v52 =	vor.u32 v26, v37;
	v0 =	vld.idx.msk [tilespmem:v57+s24+$0x0], $0xffff  }
0x446: {  	[tilespmem:v56+s29+$0x0] =	vst.idx.msk $0xffff, v3;
	v63 =	vor.u32 s15, v25;
	v5 =	vor.u32 v53, v32;
	v62 =	vld.idx.msk [tilespmem:v55+s24+$0x0], $0xffff  }
0x447: {  	v56 =	vor.u32 s17, v25;
	[tilespmem:v40+s29+$0x0] =	vst.idx.msk $0xffff, v6;
	v55 =	vor.u32 v53, v34;
	v4 =	vld.idx.msk [tilespmem:v4+s24+$0x0], $0xffff  }
0x448: {  	[tilespmem:v58+s29+$0x0] =	vst.idx.msk $0xffff, v1;
	v57 =	vor.u32 s20, v28;
	v6 =	vld.idx.msk [tilespmem:v59+s24+$0x0], $0xffff  }
0x449: {  	v58 =	vor.u32 v30, v38;
	v40 =	vor.u32 s21, v28;
	[tilespmem:v61+s29+$0x0] =	vst.idx.msk $0xffff, v2;
	v41 =	vld.idx.msk [tilespmem:v60+s24+$0x0], $0xffff  }
0x44a: {  	v59 =	vor.u32 s22, v28;
	v60 =	vor.u32 v30, v39;
	v3 =	vld.idx.msk [tilespmem:v52+s24+$0x0], $0xffff  }
0x44b: {  	v61 =	vor.u32 v30, v36;
	v5 =	vld.idx.msk [tilespmem:v5+s24+$0x0], $0xffff;
	[tilespmem:v63+s29+$0x0] =	vst.idx.msk $0xffff, v62  }
0x44c: {  	v62 =	vor.u32 s11, v28;
	v63 =	vld.idx.msk [tilespmem:v55+s24+$0x0], $0xffff;
	[tilespmem:v56+s29+$0x0] =	vst.idx.msk $0xffff, v4  }
0x44d: {  	v52 =	vor.u32 s16, v54;
	v50 =	vld [tilespmem:$0x1FF00];
	[tilespmem:v57+s29+$0x0] =	vst.idx.msk $0xffff, v0  }
0x44e: {  	v4 =	vor.u32 v30, v37;
	v56 =	vor.u32 s14, v54;
	[tilespmem:v40+s29+$0x0] =	vst.idx.msk $0xffff, v6;
	v1 =	vld.idx.msk [tilespmem:v58+s24+$0x0], $0xffff  }
0x44f: {  	v57 =	vor.u32 v18, v34;
	[tilespmem:v59+s29+$0x0] =	vst.idx.msk $0xffff, v41;
	v58 =	vor.u32 s20, v51;
	v2 =	vld.idx.msk [tilespmem:v60+s24+$0x0], $0xffff  }
0x450: {  	v6 =	vor.u32 v53, v38;
	v60 =	vld.idx.msk [tilespmem:v61+s24+$0x0], $0xffff;
	v61 =	vor.u32 s22, v51  }
0x451: {  	v49 =	vor.u32 v53, v36;
	v59 =	vor.u32 s21, v51;
	[tilespmem:v62+s29+$0x0] =	vst.idx.msk $0xffff, v3  }
0x452: {  	v62 =	vor.u32 v53, v39;
	[tilespmem:v52+s29+$0x0] =	vst.idx.msk $0xffff, v63  }
0x453: {  	[tilespmem:v56+s29+$0x0] =	vst.idx.msk $0xffff, v5;
	v55 =	vor.u32 v50, v35;
	v4 =	vld.idx.msk [tilespmem:v4+s24+$0x0], $0xffff  }
0x454: {  	v63 =	vor.u32 s11, v51;
	v0 =	vld.idx.msk [tilespmem:v57+s24+$0x0], $0xffff;
	[tilespmem:v58+s29+$0x0] =	vst.idx.msk $0xffff, v1  }
0x455: {  	v5 =	vor.u32 v53, v37;
	v58 =	vor.u32 s20, v54;
	[tilespmem:v61+s29+$0x0] =	vst.idx.msk $0xffff, v60;
	v6 =	vld.idx.msk [tilespmem:v6+s24+$0x0], $0xffff  }
0x456: {  	v56 =	vor.u32 s16, v25;
	[tilespmem:v59+s29+$0x0] =	vst.idx.msk $0xffff, v2;
	v59 =	vor.u32 v18, v38;
	v41 =	vld.idx.msk [tilespmem:v49+s24+$0x0], $0xffff  }
0x457: {  	v57 =	vor.u32 v50, v34;
	v61 =	vor.u32 s21, v54;
	v60 =	vld.idx.msk [tilespmem:v62+s24+$0x0], $0xffff  }
0x458: {  	v62 =	vor.u32 s22, v54;
	v35 =	vld.idx.msk [tilespmem:v55+s24+$0x0], $0xffff;
	v55 =	vor.u32 v18, v32  }
0x459: {  	v52 =	vor.u32 s17, v7;
	[tilespmem:v63+s29+$0x0] =	vst.idx.msk $0xffff, v4  }
0x45a: {  	v4 =	vor.u32 v18, v39;
	v63 =	vor.u32 s11, v54;
	v5 =	vld.idx.msk [tilespmem:v5+s24+$0x0], $0xffff;
	[tilespmem:v58+s29+$0x0] =	vst.idx.msk $0xffff, v6  }
0x45b: {  	v48 =	vor.u32 v18, v36;
	[tilespmem:v56+s29+$0x0] =	vst.idx.msk $0xffff, v0;
	v58 =	vor.u32 s20, v25;
	v2 =	vld.idx.msk [tilespmem:v59+s24+$0x0], $0xffff  }
0x45c: {  	v1 =	vld.idx.msk [tilespmem:v57+s24+$0x0], $0xffff;
	v59 =	vor.u32 v50, v38;
	[tilespmem:v61+s29+$0x0] =	vst.idx.msk $0xffff, v60  }
0x45d: {  	v57 =	vor.u32 s16, v7;
	[tilespmem:v62+s29+$0x0] =	vst.idx.msk $0xffff, v41;
	v49 =	vld.idx.msk [tilespmem:v55+s24+$0x0], $0xffff;
	v55 =	vor.u32 v18, v37  }
0x45e: {  	v6 =	vor.u32 v50, v33;
	[tilespmem:v52+s29+$0x0] =	vst.idx.msk $0xffff, v35;
	v52 =	vor.u32 s14, v25  }
0x45f: {  	v56 =	vor.u32 v50, v32;
	v60 =	vor.u32 s21, v25;
	v4 =	vld.idx.msk [tilespmem:v4+s24+$0x0], $0xffff;
	[tilespmem:v63+s29+$0x0] =	vst.idx.msk $0xffff, v5  }
0x460: {  	v61 =	vor.u32 v50, v39;
	v62 =	vor.u32 s22, v25;
	v5 =	vld.idx.msk [tilespmem:v48+s24+$0x0], $0xffff;
	[tilespmem:v58+s29+$0x0] =	vst.idx.msk $0xffff, v2  }
0x461: {  	v45 =	vor.u32 v50, v36;
	v48 =	vor.u32 v50, v37;
	v50 =	vor.u32 s20, v7;
	v2 =	vld.idx.msk [tilespmem:v59+s24+$0x0], $0xffff  }
0x462: {  	v44 =	vor.u32 s11, v25;
	[tilespmem:v57+s29+$0x0] =	vst.idx.msk $0xffff, v1;
	v63 =	vld.idx.msk [tilespmem:v55+s24+$0x0], $0xffff  }
0x463: {  	v6 =	vld.idx.msk [tilespmem:v6+s24+$0x0], $0xffff;
	[tilespmem:v52+s29+$0x0] =	vst.idx.msk $0xffff, v49;
	v49 =	vor.u32 s15, v7  }
0x464: {  	v47 =	vor.u32 s14, v7;
	[tilespmem:v60+s29+$0x0] =	vst.idx.msk $0xffff, v4;
	v32 =	vld.idx.msk [tilespmem:v56+s24+$0x0], $0xffff  }
0x465: {  	v52 =	vor.u32 s21, v7;
	v4 =	vld.idx.msk [tilespmem:v61+s24+$0x0], $0xffff;
	[tilespmem:v62+s29+$0x0] =	vst.idx.msk $0xffff, v5  }
0x466: {  	[tilespmem:v50+s29+$0x0] =	vst.idx.msk $0xffff, v2  }
0x467: {  	[tilespmem:v44+s29+$0x0] =	vst.idx.msk $0xffff, v63  }
0x468: {  	v5 =	vor.u32 s22, v7;
	v55 =	vld.idx.msk [tilespmem:v45+s24+$0x0], $0xffff;
	[tilespmem:v49+s29+$0x0] =	vst.idx.msk $0xffff, v6  }
0x469: {  	v56 =	vor.u32 s11, v7;
	[tilespmem:v47+s29+$0x0] =	vst.idx.msk $0xffff, v32;
	v1 =	vld.idx.msk [tilespmem:v48+s24+$0x0], $0xffff  }
0x46a: {  	[tilespmem:v52+s29+$0x0] =	vst.idx.msk $0xffff, v4  }
0x46b: {  	s0 =	sshll.u32 s13, $0xF;
	s1 =	rddreg [dreg:$0x7]  }
0x46c: {  	s0 =	sadd.s32 s1, s0  }
0x46d: {  	[tilespmem:v5+s29+$0x0] =	vst.idx.msk $0xffff, v55;
	s0 =	sshrl.u32 s0, $0x3  }
0x46e: {  	s17 =	simm.s32 $0x0;
	s14 =	sshll.u32 s13, $0xC;
	s0 =	sadd.s32 s4, s0;
	[tilespmem:v56+s29+$0x0] =	vst.idx.msk $0xffff, v1  }
0x46f: {  	[hbm4b:s0+s17] =	stream.linear.scatter [tilespmem:s29], [sflag:$0x3], $0x4000, $0x38;
	[tilespmem:$0x11CD0] =	vst v63  }
0x470: {  	s2 =	simm.s32 $0x5000;
	s18 =	sadd.s32 s14, s23;
	s0 =	sadd.s32 $0x320000, s0  }
0x471: {  	[hbm4b:s0+s17] =	stream.linear.scatter [tilespmem:s2], [sflag:$0x3], $0x4000, $0x38;
	[tilespmem:$0x11CD0] =	vst v63  }
0x472: {  	s0 =	sshrl.u32 s18, $0x3  }
0x473: {  	s0 =	sadd.s32 s5, s0  }
0x474: {  	[tilespmem:s17], [sflag:$0x1] =	stream.linear.gather [hbm4b:s0+s17], $0x800, $0x38;
	[tilespmem:$0x11CD0] =	vst v63  }
0x475: {  	_ =	swait.ge [sflag:s31], $0x800  }
0x476: {  	[sflag:s31] =	ssyncset.done $0x0  }
0x477: {  	[sflag:s31] =	ssyncadd.s32 $0xFFFFF800  }
0x478: {  	_ =	swait.ge [sflag:s8], $0x4000  }
0x479: {  	[sflag:s8] =	ssyncset.done $0x0  }
0x47a: {  	[sflag:s8] =	ssyncadd.s32 $0xFFFFC000  }
0x47b: {  	_ =	swait.ge [sflag:s8], $0x4000  }
0x47c: {  	[sflag:s8] =	ssyncset.done $0x0  }
0x47d: {  	s19 =	simm.s32 $0x830;
	[sflag:s8] =	ssyncadd.s32 $0xFFFFC000  }
0x47e: {  	v57 =	vld [tilespmem:s19+$0xFFFFFFD0];
	_ =	sdelay $0x4  }
0x47f: {  	v18 =	vlaneseq.u32;
	v33 =	vshll.u32 v57, $0x4  }
0x480: {  	v7 =	vld [tilespmem:$0x1FFD0];
	v0 =	vor.u32 v18, v33  }
0x481: {  	s20 =	simm.s32 $0x0  }
0x482: {  	s1 =	sand.u32 $0x3C00, s17;
	s2 =	sand.u32 $0x40, s20;
	v60 =	vld [tilespmem:s19+$0xFFFFFFE0]  }
0x483: {  	s21 =	sor.u32 s2, s1;
	v58 =	vld [tilespmem:s19+$0x0]  }
0x484: {  	s17 =	sor.u32 $0x8000, s21;
	v59 =	vld [tilespmem:s19+$0xFFFFFFF0]  }
0x485: {  	v4 =	vor.u32 s17, v7;
	v0 =	vld.idx.msk [tilespmem:v0+s24+$0x0], $0xffff  }
0x486: {  	v8 =	vld [tilespmem:$0x1FFE0]  }
0x487: {  	v35 =	vshll.u32 v60, $0x4  }
0x488: {  	s22 =	simm.s32 $0x30;
	v34 =	vshll.u32 v58, $0x4;
	v3 =	vor.u32 v18, v35  }
0x489: {  	s25 =	simm.s32 $0x20;
	s30 =	simm.s32 $0x10;
	s0 =	sand.u32 $0x70, s22;
	v32 =	vshll.u32 v59, $0x4;
	v1 =	vor.u32 v18, v34  }
0x48a: {  	s26 =	sand.u32 $0x60, s25;
	s2 =	sand.u32 $0x50, s30;
	s0 =	sor.u32 s0, s1;
	v2 =	vor.u32 v18, v32;
	[tilespmem:v4+s29+$0x0] =	vst.idx.msk $0xffff, v0  }
0x48b: {  	s15 =	sor.u32 $0x8000, s0;
	s0 =	sor.u32 s26, s1;
	s1 =	sor.u32 s2, s1;
	v5 =	vor.u32 v8, v33;
	v57 =	vld [tilespmem:$0x1FFF0]  }
0x48c: {  	s18 =	sor.u32 $0x8000, s1  }
0x48d: {  	v44 =	vor.u32 s18, v7;
	v3 =	vld.idx.msk [tilespmem:v3+s24+$0x0], $0xffff  }
0x48e: {  	s16 =	sor.u32 $0x8000, s0;
	v6 =	vor.u32 s15, v7;
	v46 =	vor.u32 v8, v35;
	v1 =	vld.idx.msk [tilespmem:v1+s24+$0x0], $0xffff  }
0x48f: {  	v63 =	vor.u32 s16, v7;
	v61 =	vor.u32 v8, v34;
	v2 =	vld.idx.msk [tilespmem:v2+s24+$0x0], $0xffff  }
0x490: {  	v45 =	vor.u32 v8, v32;
	v4 =	vld.idx.msk [tilespmem:v5+s24+$0x0], $0xffff;
	v5 =	vor.u32 s17, v57  }
0x491: {  	v62 =	vor.u32 v10, v33  }
0x492: {  	[tilespmem:v44+s29+$0x0] =	vst.idx.msk $0xffff, v3  }
0x493: {  	[tilespmem:v6+s29+$0x0] =	vst.idx.msk $0xffff, v1;
	v52 =	vld.idx.msk [tilespmem:v46+s24+$0x0], $0xffff;
	v55 =	vor.u32 s18, v57  }
0x494: {  	v58 =	vor.u32 v10, v35;
	[tilespmem:v63+s29+$0x0] =	vst.idx.msk $0xffff, v2;
	v0 =	vld.idx.msk [tilespmem:v61+s24+$0x0], $0xffff;
	v47 =	vor.u32 s15, v57  }
0x495: {  	v49 =	vld.idx.msk [tilespmem:v45+s24+$0x0], $0xffff;
	v50 =	vor.u32 s16, v57;
	[tilespmem:v5+s29+$0x0] =	vst.idx.msk $0xffff, v4;
	v4 =	vor.u32 v10, v34  }
0x496: {  	v56 =	vor.u32 v10, v32;
	v6 =	vor.u32 s17, v11;
	v5 =	vld.idx.msk [tilespmem:v62+s24+$0x0], $0xffff  }
0x497: {  	v48 =	vor.u32 v12, v33  }
0x498: {  	[tilespmem:v55+s29+$0x0] =	vst.idx.msk $0xffff, v52  }
0x499: {  	[tilespmem:v47+s29+$0x0] =	vst.idx.msk $0xffff, v0;
	v37 =	vld.idx.msk [tilespmem:v58+s24+$0x0], $0xffff;
	v62 =	vor.u32 s18, v11  }
0x49a: {  	v59 =	vor.u32 s15, v11;
	v44 =	vor.u32 v12, v35;
	[tilespmem:v50+s29+$0x0] =	vst.idx.msk $0xffff, v49;
	v0 =	vld.idx.msk [tilespmem:v4+s24+$0x0], $0xffff  }
0x49b: {  	v61 =	vor.u32 s16, v11;
	v4 =	vor.u32 v12, v34;
	[tilespmem:v6+s29+$0x0] =	vst.idx.msk $0xffff, v5;
	v6 =	vld.idx.msk [tilespmem:v56+s24+$0x0], $0xffff  }
0x49c: {  	v63 =	vor.u32 v12, v32;
	v5 =	vor.u32 s17, v13;
	v2 =	vld.idx.msk [tilespmem:v48+s24+$0x0], $0xffff  }
0x49d: {  	v60 =	vor.u32 v14, v33  }
0x49e: {  	[tilespmem:v62+s29+$0x0] =	vst.idx.msk $0xffff, v37  }
0x49f: {  	v37 =	vld.idx.msk [tilespmem:v44+s24+$0x0], $0xffff;
	v48 =	vor.u32 s18, v13;
	[tilespmem:v59+s29+$0x0] =	vst.idx.msk $0xffff, v0  }
0x4a0: {  	v45 =	vor.u32 s15, v13;
	v50 =	vor.u32 v14, v35;
	v0 =	vld.idx.msk [tilespmem:v4+s24+$0x0], $0xffff;
	[tilespmem:v61+s29+$0x0] =	vst.idx.msk $0xffff, v6  }
0x4a1: {  	v46 =	vor.u32 v14, v34;
	v47 =	vor.u32 s16, v13;
	[tilespmem:v5+s29+$0x0] =	vst.idx.msk $0xffff, v2;
	v6 =	vld.idx.msk [tilespmem:v63+s24+$0x0], $0xffff  }
0x4a2: {  	v49 =	vor.u32 v14, v32;
	v4 =	vor.u32 s17, v15;
	v3 =	vld.idx.msk [tilespmem:v60+s24+$0x0], $0xffff  }
0x4a3: {  	v5 =	vor.u32 v16, v33  }
0x4a4: {  	[tilespmem:v48+s29+$0x0] =	vst.idx.msk $0xffff, v37  }
0x4a5: {  	v58 =	vor.u32 s18, v15;
	v37 =	vld.idx.msk [tilespmem:v50+s24+$0x0], $0xffff;
	[tilespmem:v45+s29+$0x0] =	vst.idx.msk $0xffff, v0  }
0x4a6: {  	v52 =	vor.u32 s15, v15;
	v60 =	vor.u32 v16, v35;
	v0 =	vld.idx.msk [tilespmem:v46+s24+$0x0], $0xffff;
	[tilespmem:v47+s29+$0x0] =	vst.idx.msk $0xffff, v6  }
0x4a7: {  	v55 =	vor.u32 v16, v34;
	v56 =	vor.u32 s16, v15;
	[tilespmem:v4+s29+$0x0] =	vst.idx.msk $0xffff, v3;
	v6 =	vld.idx.msk [tilespmem:v49+s24+$0x0], $0xffff  }
0x4a8: {  	v59 =	vor.u32 v16, v32;
	v4 =	vor.u32 s17, v17;
	v3 =	vld.idx.msk [tilespmem:v5+s24+$0x0], $0xffff  }
0x4a9: {  	v5 =	vor.u32 v19, v33  }
0x4aa: {  	[tilespmem:v58+s29+$0x0] =	vst.idx.msk $0xffff, v37  }
0x4ab: {  	v43 =	vor.u32 s18, v17;
	v38 =	vld.idx.msk [tilespmem:v60+s24+$0x0], $0xffff;
	[tilespmem:v52+s29+$0x0] =	vst.idx.msk $0xffff, v0  }
0x4ac: {  	v61 =	vor.u32 s15, v17;
	v0 =	vld.idx.msk [tilespmem:v55+s24+$0x0], $0xffff;
	[tilespmem:v56+s29+$0x0] =	vst.idx.msk $0xffff, v6  }
0x4ad: {  	v44 =	vor.u32 v19, v35;
	v63 =	vor.u32 s16, v17;
	[tilespmem:v4+s29+$0x0] =	vst.idx.msk $0xffff, v3;
	v6 =	vld.idx.msk [tilespmem:v59+s24+$0x0], $0xffff  }
0x4ae: {  	v42 =	vor.u32 v19, v32;
	v4 =	vor.u32 s17, v20;
	v3 =	vld.idx.msk [tilespmem:v5+s24+$0x0], $0xffff  }
0x4af: {  	v5 =	vor.u32 v22, v33  }
0x4b0: {  	s11 =	simm.s32 $0x870;
	v62 =	vor.u32 v19, v34;
	[tilespmem:v43+s29+$0x0] =	vst.idx.msk $0xffff, v38  }
0x4b1: {  	v52 =	vld [tilespmem:s11+$0xFFFFFFD0];
	[tilespmem:v61+s29+$0x0] =	vst.idx.msk $0xffff, v0  }
0x4b2: {  	v50 =	vor.u32 s18, v20;
	v0 =	vld.idx.msk [tilespmem:v44+s24+$0x0], $0xffff;
	[tilespmem:v63+s29+$0x0] =	vst.idx.msk $0xffff, v6  }
0x4b3: {  	v48 =	vor.u32 s16, v20;
	[tilespmem:v4+s29+$0x0] =	vst.idx.msk $0xffff, v3;
	v36 =	vld.idx.msk [tilespmem:v42+s24+$0x0], $0xffff  }
0x4b4: {  	v46 =	vor.u32 s17, v23;
	v56 =	vor.u32 v22, v35;
	v45 =	vld.idx.msk [tilespmem:v5+s24+$0x0], $0xffff  }
0x4b5: {  	v1 =	vld.idx.msk [tilespmem:v62+s24+$0x0], $0xffff;
	v6 =	vor.u32 v21, v33;
	v5 =	vor.u32 s15, v20  }
0x4b6: {  	v47 =	vor.u32 v22, v34  }
0x4b7: {  	[tilespmem:v50+s29+$0x0] =	vst.idx.msk $0xffff, v0  }
0x4b8: {  	v55 =	vld [tilespmem:s11+$0x0];
	[tilespmem:v48+s29+$0x0] =	vst.idx.msk $0xffff, v36  }
0x4b9: {  	v49 =	vor.u32 v22, v32;
	v2 =	vld.idx.msk [tilespmem:v56+s24+$0x0], $0xffff;
	v48 =	vor.u32 s18, v23;
	[tilespmem:v46+s29+$0x0] =	vst.idx.msk $0xffff, v45  }
0x4ba: {  	v59 =	vor.u32 s17, v24;
	v39 =	vshll.u32 v52, $0x4;
	[tilespmem:v5+s29+$0x0] =	vst.idx.msk $0xffff, v1;
	v58 =	vld.idx.msk [tilespmem:v6+s24+$0x0], $0xffff  }
0x4bb: {  	v41 =	vor.u32 v18, v39;
	v5 =	vld.idx.msk [tilespmem:v47+s24+$0x0], $0xffff;
	v6 =	vor.u32 s15, v23  }
0x4bc: {  	v60 =	vor.u32 v29, v33;
	v4 =	vld [tilespmem:s11+$0xFFFFFFE0]  }
0x4bd: {  	v61 =	vor.u32 v21, v34  }
0x4be: {  	v62 =	vor.u32 s16, v23;
	v50 =	vor.u32 v21, v35;
	v38 =	vld.idx.msk [tilespmem:v49+s24+$0x0], $0xffff;
	[tilespmem:v48+s29+$0x0] =	vst.idx.msk $0xffff, v2  }
0x4bf: {  	s25 =	simm.s32 $0x200;
	s2 =	simm.s32 $0x40;
	v63 =	vor.u32 v21, v32;
	v36 =	vshll.u32 v55, $0x4;
	v49 =	vld [tilespmem:s11+$0xFFFFFFF0];
	[tilespmem:v59+s29+$0x0] =	vst.idx.msk $0xffff, v58  }
0x4c0: {  	s1 =	sand.u32 $0x3C00, s25;
	s0 =	sand.u32 $0x40, s2;
	v2 =	vld.idx.msk [tilespmem:v41+s24+$0x0], $0xffff;
	[tilespmem:v6+s29+$0x0] =	vst.idx.msk $0xffff, v5;
	v6 =	vor.u32 v18, v36  }
0x4c1: {  	s0 =	sor.u32 s0, s1;
	v37 =	vshll.u32 v4, $0x4;
	v5 =	vor.u32 s17, v31;
	v3 =	vld.idx.msk [tilespmem:v60+s24+$0x0], $0xffff  }
0x4c2: {  	s9 =	simm.s32 $0x70;
	s22 =	sor.u32 $0x8000, s0;
	v4 =	vor.u32 s15, v24;
	v55 =	vor.u32 v18, v37;
	v43 =	vld.idx.msk [tilespmem:v61+s24+$0x0], $0xffff  }
0x4c3: {  	s7 =	sand.u32 $0x70, s9;
	s20 =	simm.s32 $0x50;
	v52 =	vor.u32 v27, v33;
	v56 =	vor.u32 s22, v7;
	[tilespmem:v62+s29+$0x0] =	vst.idx.msk $0xffff, v38;
	v1 =	vld.idx.msk [tilespmem:v50+s24+$0x0], $0xffff  }
0x4c4: {  	s21 =	sand.u32 $0x50, s20;
	s19 =	sor.u32 s7, s1;
	v0 =	vld.idx.msk [tilespmem:v63+s24+$0x0], $0xffff;
	v58 =	vor.u32 v29, v34;
	v59 =	vor.u32 s16, v24  }
0x4c5: {  	s0 =	sor.u32 s21, s1;
	s19 =	sor.u32 $0x8000, s19;
	v38 =	vshll.u32 v49, $0x4;
	v60 =	vor.u32 v8, v39;
	v62 =	vld.idx.msk [tilespmem:v6+s24+$0x0], $0xffff;
	v6 =	vor.u32 s18, v24  }
0x4c6: {  	s21 =	sor.u32 $0x8000, s0;
	v61 =	vor.u32 v18, v38;
	[tilespmem:v5+s29+$0x0] =	vst.idx.msk $0xffff, v3;
	v5 =	vor.u32 s19, v7  }
0x4c7: {  	v63 =	vor.u32 v8, v36;
	[tilespmem:v4+s29+$0x0] =	vst.idx.msk $0xffff, v43;
	v43 =	vld.idx.msk [tilespmem:v55+s24+$0x0], $0xffff;
	v55 =	vor.u32 s21, v7  }
0x4c8: {  	s26 =	simm.s32 $0x60;
	[tilespmem:v56+s29+$0x0] =	vst.idx.msk $0xffff, v2;
	v4 =	vor.u32 s17, v9;
	v42 =	vld.idx.msk [tilespmem:v52+s24+$0x0], $0xffff;
	v52 =	vor.u32 v29, v32  }
0x4c9: {  	s30 =	sand.u32 $0x60, s26;
	[tilespmem:v59+s29+$0x0] =	vst.idx.msk $0xffff, v0;
	v59 =	vor.u32 s15, v31;
	v40 =	vld.idx.msk [tilespmem:v58+s24+$0x0], $0xffff;
	v58 =	vor.u32 v8, v37  }
0x4ca: {  	s0 =	sor.u32 s30, s1;
	v56 =	vor.u32 v26, v33;
	v0 =	vld.idx.msk [tilespmem:v60+s24+$0x0], $0xffff;
	[tilespmem:v6+s29+$0x0] =	vst.idx.msk $0xffff, v1  }
0x4cb: {  	s20 =	sor.u32 $0x8000, s0;
	v60 =	vor.u32 s22, v57;
	v47 =	vld.idx.msk [tilespmem:v61+s24+$0x0], $0xffff;
	v61 =	vor.u32 v27, v34;
	[tilespmem:v5+s29+$0x0] =	vst.idx.msk $0xffff, v62  }
0x4cc: {  	v62 =	vor.u32 v10, v39;
	v5 =	vor.u32 s20, v7;
	[tilespmem:v55+s29+$0x0] =	vst.idx.msk $0xffff, v43;
	v6 =	vld.idx.msk [tilespmem:v63+s24+$0x0], $0xffff  }
0x4cd: {  	[tilespmem:v4+s29+$0x0] =	vst.idx.msk $0xffff, v42;
	v4 =	vor.u32 v8, v38;
	v63 =	vor.u32 s19, v57;
	v44 =	vld.idx.msk [tilespmem:v52+s24+$0x0], $0xffff  }
0x4ce: {  	v55 =	vor.u32 s16, v31;
	v41 =	vld.idx.msk [tilespmem:v58+s24+$0x0], $0xffff;
	[tilespmem:v59+s29+$0x0] =	vst.idx.msk $0xffff, v40;
	v59 =	vor.u32 v29, v35  }
0x4cf: {  	v52 =	vor.u32 v10, v36;
	v58 =	vor.u32 s21, v57;
	v2 =	vld.idx.msk [tilespmem:v56+s24+$0x0], $0xffff  }
0x4d0: {  	v49 =	vor.u32 s17, v28;
	[tilespmem:v60+s29+$0x0] =	vst.idx.msk $0xffff, v0;
	v56 =	vor.u32 v27, v32;
	v3 =	vld.idx.msk [tilespmem:v61+s24+$0x0], $0xffff  }
0x4d1: {  	v60 =	vor.u32 s15, v9;
	v1 =	vld.idx.msk [tilespmem:v62+s24+$0x0], $0xffff;
	[tilespmem:v5+s29+$0x0] =	vst.idx.msk $0xffff, v47;
	v5 =	vor.u32 v30, v33  }
0x4d2: {  	v61 =	vor.u32 s22, v11;
	v62 =	vor.u32 v10, v37;
	v4 =	vld.idx.msk [tilespmem:v4+s24+$0x0], $0xffff;
	[tilespmem:v63+s29+$0x0] =	vst.idx.msk $0xffff, v6  }
0x4d3: {  	v6 =	vor.u32 v12, v39;
	v63 =	vor.u32 s20, v57;
	[tilespmem:v55+s29+$0x0] =	vst.idx.msk $0xffff, v44;
	v40 =	vld.idx.msk [tilespmem:v59+s24+$0x0], $0xffff  }
0x4d4: {  	v55 =	vor.u32 s19, v11;
	[tilespmem:v58+s29+$0x0] =	vst.idx.msk $0xffff, v41;
	v43 =	vld.idx.msk [tilespmem:v52+s24+$0x0], $0xffff;
	v52 =	vor.u32 v10, v38  }
0x4d5: {  	v58 =	vor.u32 s16, v9;
	[tilespmem:v49+s29+$0x0] =	vst.idx.msk $0xffff, v2;
	v2 =	vld.idx.msk [tilespmem:v56+s24+$0x0], $0xffff;
	v56 =	vor.u32 v12, v36  }
0x4d6: {  	v59 =	vor.u32 v26, v32;
	v49 =	vor.u32 s18, v31;
	[tilespmem:v60+s29+$0x0] =	vst.idx.msk $0xffff, v3;
	v5 =	vld.idx.msk [tilespmem:v5+s24+$0x0], $0xffff  }
0x4d7: {  	v45 =	vor.u32 v26, v34;
	v60 =	vor.u32 s17, v51;
	[tilespmem:v61+s29+$0x0] =	vst.idx.msk $0xffff, v1;
	v1 =	vld.idx.msk [tilespmem:v62+s24+$0x0], $0xffff  }
0x4d8: {  	v61 =	vor.u32 s21, v11;
	v6 =	vld.idx.msk [tilespmem:v6+s24+$0x0], $0xffff;
	[tilespmem:v63+s29+$0x0] =	vst.idx.msk $0xffff, v4;
	v4 =	vor.u32 v27, v35  }
0x4d9: {  	v62 =	vor.u32 s22, v13;
	v63 =	vor.u32 v12, v37;
	v44 =	vld.idx.msk [tilespmem:v52+s24+$0x0], $0xffff;
	[tilespmem:v55+s29+$0x0] =	vst.idx.msk $0xffff, v43  }
0x4da: {  	v52 =	vor.u32 v14, v39;
	v55 =	vor.u32 s20, v11;
	[tilespmem:v58+s29+$0x0] =	vst.idx.msk $0xffff, v2;
	v0 =	vld.idx.msk [tilespmem:v56+s24+$0x0], $0xffff  }
0x4db: {  	v58 =	vor.u32 s19, v13;
	[tilespmem:v49+s29+$0x0] =	vst.idx.msk $0xffff, v40;
	v56 =	vor.u32 v12, v38;
	v40 =	vld.idx.msk [tilespmem:v59+s24+$0x0], $0xffff  }
0x4dc: {  	v59 =	vor.u32 v14, v36;
	[tilespmem:v60+s29+$0x0] =	vst.idx.msk $0xffff, v5;
	v60 =	vor.u32 s16, v28;
	v5 =	vld.idx.msk [tilespmem:v45+s24+$0x0], $0xffff  }
0x4dd: {  	[tilespmem:v61+s29+$0x0] =	vst.idx.msk $0xffff, v1;
	v45 =	vor.u32 s15, v28;
	v1 =	vld.idx.msk [tilespmem:v4+s24+$0x0], $0xffff;
	v4 =	vor.u32 v30, v32  }
0x4de: {  	v46 =	vor.u32 v30, v34;
	v61 =	vor.u32 s18, v9;
	[tilespmem:v62+s29+$0x0] =	vst.idx.msk $0xffff, v6;
	v6 =	vld.idx.msk [tilespmem:v63+s24+$0x0], $0xffff  }
0x4df: {  	v62 =	vor.u32 s21, v13;
	v63 =	vor.u32 v26, v35;
	v43 =	vld.idx.msk [tilespmem:v52+s24+$0x0], $0xffff;
	[tilespmem:v55+s29+$0x0] =	vst.idx.msk $0xffff, v44  }
0x4e0: {  	v52 =	vor.u32 s22, v15;
	v55 =	vor.u32 v14, v37;
	v2 =	vld.idx.msk [tilespmem:v56+s24+$0x0], $0xffff;
	[tilespmem:v58+s29+$0x0] =	vst.idx.msk $0xffff, v0  }
0x4e1: {  	v56 =	vor.u32 v16, v39;
	v58 =	vor.u32 s20, v13;
	v49 =	vld.idx.msk [tilespmem:v59+s24+$0x0], $0xffff;
	[tilespmem:v60+s29+$0x0] =	vst.idx.msk $0xffff, v40  }
0x4e2: {  	v59 =	vor.u32 v14, v38;
	v60 =	vor.u32 s19, v15;
	[tilespmem:v45+s29+$0x0] =	vst.idx.msk $0xffff, v5;
	v4 =	vld.idx.msk [tilespmem:v4+s24+$0x0], $0xffff  }
0x4e3: {  	v5 =	vor.u32 v16, v36;
	[tilespmem:v61+s29+$0x0] =	vst.idx.msk $0xffff, v1;
	v61 =	vor.u32 s16, v51;
	v42 =	vld.idx.msk [tilespmem:v46+s24+$0x0], $0xffff  }
0x4e4: {  	[tilespmem:v62+s29+$0x0] =	vst.idx.msk $0xffff, v6;
	v62 =	vor.u32 v53, v32;
	v6 =	vld.idx.msk [tilespmem:v63+s24+$0x0], $0xffff;
	v63 =	vor.u32 s15, v51  }
0x4e5: {  	v47 =	vor.u32 v53, v34;
	[tilespmem:v52+s29+$0x0] =	vst.idx.msk $0xffff, v43;
	v46 =	vld.idx.msk [tilespmem:v55+s24+$0x0], $0xffff;
	v43 =	vor.u32 s18, v28  }
0x4e6: {  	v48 =	vor.u32 s21, v15;
	v0 =	vld.idx.msk [tilespmem:v56+s24+$0x0], $0xffff;
	[tilespmem:v58+s29+$0x0] =	vst.idx.msk $0xffff, v2;
	v2 =	vor.u32 v30, v35  }
0x4e7: {  	v50 =	vor.u32 v16, v37;
	v18 =	vmov v19;
	v41 =	vor.u32 s22, v17;
	v3 =	vld.idx.msk [tilespmem:v59+s24+$0x0], $0xffff;
	[tilespmem:v60+s29+$0x0] =	vst.idx.msk $0xffff, v49  }
0x4e8: {  	v25 =	vmov v51;
	v51 =	vor.u32 v18, v39;
	v60 =	vor.u32 s20, v15;
	v5 =	vld.idx.msk [tilespmem:v5+s24+$0x0], $0xffff;
	[tilespmem:v61+s29+$0x0] =	vst.idx.msk $0xffff, v4  }
0x4e9: {  	v61 =	vor.u32 v16, v38;
	v4 =	vor.u32 s19, v17;
	v62 =	vld.idx.msk [tilespmem:v62+s24+$0x0], $0xffff;
	[tilespmem:v63+s29+$0x0] =	vst.idx.msk $0xffff, v42  }
0x4ea: {  	v63 =	vor.u32 v53, v33;
	[tilespmem:v43+s29+$0x0] =	vst.idx.msk $0xffff, v6;
	v6 =	vor.u32 s16, v54;
	v43 =	vld.idx.msk [tilespmem:v47+s24+$0x0], $0xffff  }
0x4eb: {  	[tilespmem:v48+s29+$0x0] =	vst.idx.msk $0xffff, v46;
	v44 =	vld.idx.msk [tilespmem:v2+s24+$0x0], $0xffff  }
0x4ec: {  	v40 =	vor.u32 s17, v54;
	v52 =	vor.u32 v22, v39;
	v55 =	vor.u32 s20, v17;
	[tilespmem:v41+s29+$0x0] =	vst.idx.msk $0xffff, v0;
	v49 =	vld.idx.msk [tilespmem:v50+s24+$0x0], $0xffff  }
0x4ed: {  	v42 =	vor.u32 v18, v38;
	v46 =	vor.u32 v53, v35;
	v48 =	vld.idx.msk [tilespmem:v51+s24+$0x0], $0xffff;
	[tilespmem:v60+s29+$0x0] =	vst.idx.msk $0xffff, v3  }
0x4ee: {  	v41 =	vor.u32 s22, v54;
	v50 =	vor.u32 v18, v36;
	v47 =	vor.u32 s18, v25;
	v53 =	vld.idx.msk [tilespmem:v61+s24+$0x0], $0xffff;
	[tilespmem:v4+s29+$0x0] =	vst.idx.msk $0xffff, v5  }
0x4ef: {  	s0 =	simm.s32 $0x4;
	v19 =	vmovc v9;
	v9 =	vmovc v57;
	v54 =	vor.u32 s21, v17;
	v51 =	vor.u32 s22, v20;
	v45 =	vld.idx.msk [tilespmem:v63+s24+$0x0], $0xffff;
	[tilespmem:v6+s29+$0x0] =	vst.idx.msk $0xffff, v62;
	v62 =	vlaneseq.u32  }
.LBB2_9:
0x4f0: {  	_ =	sdelay $0x2  }
0x4f1: {  	v1 =	vld.idx.msk [tilespmem:v50+s24+$0x0], $0xffff  }
0x4f2: {  	v61 =	vld [tilespmem:$0x1FED0]  }
0x4f3: {  	v56 =	vld [tilespmem:$0x1FEF0];
	[tilespmem:v47+s29+$0x0] =	vst.idx.msk $0xffff, v44  }
0x4f4: {  	[tilespmem:v54+s29+$0x0] =	vst.idx.msk $0xffff, v49;
	v54 =	vld [tilespmem:$0x1FEE0]  }
0x4f5: {  	v57 =	vld [tilespmem:$0x1FF00]  }
0x4f6: {  	s11 =	sadd.s32 $0x40, s11;
	v58 =	vld [tilespmem:$0x1FF10]  }
0x4f7: {  	v0 =	vor.u32 v18, v37;
	v60 =	vor.u32 s19, v20;
	[tilespmem:v51+s29+$0x0] =	vst.idx.msk $0xffff, v48;
	v51 =	vld [tilespmem:s11+$0x0]  }
0x4f8: {  	v48 =	vor.u32 v22, v36;
	v5 =	vor.u32 s18, v61;
	v3 =	vld.idx.msk [tilespmem:v46+s24+$0x0], $0xffff  }
0x4f9: {  	[tilespmem:v55+s29+$0x0] =	vst.idx.msk $0xffff, v53;
	v6 =	vld.idx.msk [tilespmem:v52+s24+$0x0], $0xffff;
	v2 =	vor.u32 v54, v33  }
0x4fa: {  	v47 =	vor.u32 s22, v23;
	v42 =	vld.idx.msk [tilespmem:v42+s24+$0x0], $0xffff;
	v46 =	vor.u32 v54, v35  }
0x4fb: {  	v63 =	vor.u32 s20, v20;
	[tilespmem:v40+s29+$0x0] =	vst.idx.msk $0xffff, v45;
	v40 =	vmov v41;
	v41 =	vor.u32 v21, v39;
	v4 =	vld [tilespmem:s11+$0xFFFFFFE0]  }
0x4fc: {  	v50 =	vor.u32 v22, v38;
	v49 =	vor.u32 s21, v20;
	[tilespmem:v60+s29+$0x0] =	vst.idx.msk $0xffff, v1;
	v0 =	vld.idx.msk [tilespmem:v0+s24+$0x0], $0xffff  }
0x4fd: {  	[tilespmem:v5+s29+$0x0] =	vst.idx.msk $0xffff, v3;
	v5 =	vld.idx.msk [tilespmem:v48+s24+$0x0], $0xffff  }
0x4fe: {  	v52 =	vor.u32 s17, v56;
	v2 =	vld.idx.msk [tilespmem:v2+s24+$0x0], $0xffff  }
0x4ff: {  	v60 =	vor.u32 v57, v33;
	v3 =	vld.idx.msk [tilespmem:v46+s24+$0x0], $0xffff;
	[tilespmem:v47+s29+$0x0] =	vst.idx.msk $0xffff, v6;
	v6 =	vor.u32 s18, v56  }
0x500: {  	v33 =	vmov v39;
	[tilespmem:v63+s29+$0x0] =	vst.idx.msk $0xffff, v42;
	v63 =	vor.u32 s19, v23;
	v39 =	vld.idx.msk [tilespmem:v41+s24+$0x0], $0xffff;
	v41 =	vor.u32 v22, v37  }
0x501: {  	v44 =	vor.u32 s22, v24;
	v45 =	vor.u32 v21, v36;
	[tilespmem:v49+s29+$0x0] =	vst.idx.msk $0xffff, v0;
	v0 =	vld.idx.msk [tilespmem:v50+s24+$0x0], $0xffff  }
0x502: {  	v48 =	vor.u32 s20, v23;
	v47 =	vor.u32 v29, v33;
	v46 =	vld [tilespmem:s11+$0xFFFFFFD0]  }
0x503: {  	v49 =	vor.u32 s15, v61;
	v50 =	vld [tilespmem:s11+$0xFFFFFFF0];
	[tilespmem:v52+s29+$0x0] =	vst.idx.msk $0xffff, v2;
	v2 =	vor.u32 v21, v38  }
0x504: {  	v52 =	vor.u32 s17, v58;
	[tilespmem:v6+s29+$0x0] =	vst.idx.msk $0xffff, v3;
	v1 =	vld.idx.msk [tilespmem:v60+s24+$0x0], $0xffff;
	v60 =	vor.u32 v54, v34  }
0x505: {  	v59 =	vor.u32 s21, v23;
	[tilespmem:v63+s29+$0x0] =	vst.idx.msk $0xffff, v5;
	v63 =	vor.u32 v54, v32;
	v41 =	vld.idx.msk [tilespmem:v41+s24+$0x0], $0xffff  }
0x506: {  	v53 =	vor.u32 s15, v56;
	v51 =	vshll.u32 v51, $0x4;
	v5 =	vor.u32 v57, v35;
	v45 =	vld.idx.msk [tilespmem:v45+s24+$0x0], $0xffff;
	[tilespmem:v44+s29+$0x0] =	vst.idx.msk $0xffff, v39  }
0x507: {  	s17 =	smov.u32 s22;
	[tilespmem:v48+s29+$0x0] =	vst.idx.msk $0xffff, v0;
	v0 =	vor.u32 s19, v24;
	v39 =	vshll.u32 v46, $0x4;
	v46 =	vld.idx.msk [tilespmem:v47+s24+$0x0], $0xffff;
	v47 =	vor.u32 v21, v37  }
0x508: {  	s9 =	sadd.s32 $0x40, s9;
	v56 =	vor.u32 s16, v56;
	[tilespmem:v49+s29+$0x0] =	vst.idx.msk $0xffff, v43;
	v54 =	vor.u32 s17, v31;
	v48 =	vor.u32 v62, v39;
	v2 =	vld.idx.msk [tilespmem:v2+s24+$0x0], $0xffff  }
0x509: {  	s25 =	sadd.s32 $0x200, s25;
	s1 =	sadd.s32 $0xFFFFFFD0, s9;
	v43 =	vshll.u32 v50, $0x4;
	v49 =	vor.u32 v62, v51;
	v50 =	vor.u32 s20, v24;
	[tilespmem:v52+s29+$0x0] =	vst.idx.msk $0xffff, v1;
	v1 =	vld.idx.msk [tilespmem:v60+s24+$0x0], $0xffff  }
0x50a: {  	s7 =	sand.u32 $0x3C00, s25;
	s1 =	sand.u32 $0x40, s1;
	v6 =	vor.u32 v57, v34;
	v44 =	vor.u32 v27, v33;
	v60 =	vld.idx.msk [tilespmem:v63+s24+$0x0], $0xffff;
	[tilespmem:v59+s29+$0x0] =	vst.idx.msk $0xffff, v41  }
0x50b: {  	s1 =	sor.u32 s1, s7;
	v3 =	vshll.u32 v4, $0x4;
	v4 =	vor.u32 v62, v43;
	v42 =	vor.u32 v18, v43;
	v5 =	vld.idx.msk [tilespmem:v5+s24+$0x0], $0xffff  }
0x50c: {  	s22 =	sor.u32 $0x8000, s1;
	v63 =	vor.u32 v62, v3;
	[tilespmem:v0+s29+$0x0] =	vst.idx.msk $0xffff, v45;
	v0 =	vor.u32 s18, v58;
	v47 =	vld.idx.msk [tilespmem:v47+s24+$0x0], $0xffff  }
0x50d: {  	s26 =	sand.u32 $0x70, s9;
	v35 =	vmovc v37;
	v34 =	vmov v36;
	v37 =	vmov v3;
	s18 =	sadd.s32 $0xFFFFFFE0, s9;
	v3 =	vor.u32 s22, v7;
	v48 =	vld.idx.msk [tilespmem:v48+s24+$0x0], $0xffff;
	[tilespmem:v54+s29+$0x0] =	vst.idx.msk $0xffff, v46  }
0x50e: {  	s26 =	sor.u32 s26, s7;
	v45 =	vor.u32 v57, v32;
	v32 =	vmov v38;
	v46 =	vor.u32 s21, v24;
	s1 =	sand.u32 $0x50, s18;
	v49 =	vld.idx.msk [tilespmem:v49+s24+$0x0], $0xffff;
	[tilespmem:v50+s29+$0x0] =	vst.idx.msk $0xffff, v2  }
0x50f: {  	s30 =	sor.u32 $0x8000, s26;
	v38 =	vmov v43;
	v57 =	vor.u32 s17, v19;
	v43 =	vld.idx.msk [tilespmem:v44+s24+$0x0], $0xffff;
	v44 =	vor.u32 v8, v39;
	s1 =	sor.u32 s1, s7;
	[tilespmem:v53+s29+$0x0] =	vst.idx.msk $0xffff, v1  }
0x510: {  	v59 =	vor.u32 s30, v7;
	s18 =	smov.u32 s21;
	s21 =	sor.u32 $0x8000, s1;
	v2 =	vor.u32 v29, v34;
	[tilespmem:v56+s29+$0x0] =	vst.idx.msk $0xffff, v60  }
0x511: {  	s2 =	sadd.s32 $0xFFFFFFF0, s9;
	v36 =	vmov v51;
	v1 =	vld.idx.msk [tilespmem:v63+s24+$0x0], $0xffff;
	v60 =	vor.u32 s21, v7;
	[tilespmem:v0+s29+$0x0] =	vst.idx.msk $0xffff, v5  }
0x512: {  	s2 =	sand.u32 $0x60, s2;
	v63 =	vor.u32 v8, v36;
	v0 =	vld.idx.msk [tilespmem:v6+s24+$0x0], $0xffff;
	v5 =	vor.u32 s15, v58;
	[tilespmem:v3+s29+$0x0] =	vst.idx.msk $0xffff, v48  }
0x513: {  	s2 =	sor.u32 s2, s7;
	v6 =	vor.u32 v29, v32;
	v45 =	vld.idx.msk [tilespmem:v45+s24+$0x0], $0xffff;
	[tilespmem:v46+s29+$0x0] =	vst.idx.msk $0xffff, v47;
	v46 =	vor.u32 s16, v58  }
0x514: {  	s2 =	sor.u32 $0x8000, s2;
	v56 =	vor.u32 s22, v9;
	s15 =	smov.u32 s19;
	v3 =	vor.u32 v26, v33;
	v44 =	vld.idx.msk [tilespmem:v44+s24+$0x0], $0xffff;
	[tilespmem:v57+s29+$0x0] =	vst.idx.msk $0xffff, v43  }
0x515: {  	s16 =	smov.u32 s20;
	s20 =	smov.u32 s2;
	v47 =	vor.u32 v8, v37;
	v43 =	vor.u32 s15, v31;
	v2 =	vld.idx.msk [tilespmem:v2+s24+$0x0], $0xffff;
	[tilespmem:v59+s29+$0x0] =	vst.idx.msk $0xffff, v49  }
0x516: {  	s19 =	smov.u32 s30;
	v4 =	vld.idx.msk [tilespmem:v4+s24+$0x0], $0xffff;
	v58 =	vor.u32 v10, v39;
	v59 =	vor.u32 s20, v7;
	[tilespmem:v60+s29+$0x0] =	vst.idx.msk $0xffff, v1  }
0x517: {  	v57 =	vor.u32 v27, v34;
	v51 =	vld.idx.msk [tilespmem:v63+s24+$0x0], $0xffff;
	v63 =	vor.u32 s19, v9;
	[tilespmem:v5+s29+$0x0] =	vst.idx.msk $0xffff, v0  }
0x518: {  	v60 =	vor.u32 v8, v38;
	v6 =	vld.idx.msk [tilespmem:v6+s24+$0x0], $0xffff;
	v5 =	vor.u32 s16, v31;
	[tilespmem:v46+s29+$0x0] =	vst.idx.msk $0xffff, v45  }
0x519: {  	v0 =	vor.u32 v10, v36;
	v3 =	vld.idx.msk [tilespmem:v3+s24+$0x0], $0xffff;
	v46 =	vor.u32 s17, v28;
	[tilespmem:v56+s29+$0x0] =	vst.idx.msk $0xffff, v44  }
0x51a: {  	v45 =	vld.idx.msk [tilespmem:v47+s24+$0x0], $0xffff;
	v47 =	vor.u32 v27, v32;
	[tilespmem:v43+s29+$0x0] =	vst.idx.msk $0xffff, v2;
	v2 =	vor.u32 s21, v9  }
0x51b: {  	v56 =	vor.u32 v29, v35;
	v48 =	vld.idx.msk [tilespmem:v58+s24+$0x0], $0xffff;
	[tilespmem:v59+s29+$0x0] =	vst.idx.msk $0xffff, v4  }
0x51c: {  	v58 =	vor.u32 s22, v11;
	v44 =	vld.idx.msk [tilespmem:v57+s24+$0x0], $0xffff;
	v57 =	vor.u32 v30, v33;
	[tilespmem:v63+s29+$0x0] =	vst.idx.msk $0xffff, v51  }
0x51d: {  	v4 =	vor.u32 s15, v19;
	v59 =	vor.u32 v10, v37;
	v52 =	vld.idx.msk [tilespmem:v60+s24+$0x0], $0xffff;
	[tilespmem:v5+s29+$0x0] =	vst.idx.msk $0xffff, v6  }
0x51e: {  	v60 =	vor.u32 v12, v39;
	v63 =	vor.u32 s20, v9;
	v0 =	vld.idx.msk [tilespmem:v0+s24+$0x0], $0xffff;
	[tilespmem:v46+s29+$0x0] =	vst.idx.msk $0xffff, v3  }
0x51f: {  	v5 =	vor.u32 v10, v38;
	v6 =	vor.u32 s19, v11;
	v3 =	vld.idx.msk [tilespmem:v47+s24+$0x0], $0xffff;
	[tilespmem:v2+s29+$0x0] =	vst.idx.msk $0xffff, v45  }
0x520: {  	v2 =	vor.u32 v12, v36;
	v43 =	vld.idx.msk [tilespmem:v56+s24+$0x0], $0xffff;
	v56 =	vor.u32 s16, v19  }
0x521: {  	v46 =	vor.u32 s18, v31;
	v1 =	vld.idx.msk [tilespmem:v57+s24+$0x0], $0xffff;
	[tilespmem:v58+s29+$0x0] =	vst.idx.msk $0xffff, v48;
	v48 =	vor.u32 v26, v34  }
0x522: {  	v50 =	vor.u32 s21, v11;
	v57 =	vor.u32 v26, v32;
	[tilespmem:v4+s29+$0x0] =	vst.idx.msk $0xffff, v44;
	v4 =	vld.idx.msk [tilespmem:v59+s24+$0x0], $0xffff  }
0x523: {  	v58 =	vor.u32 s17, v25;
	[tilespmem:v63+s29+$0x0] =	vst.idx.msk $0xffff, v52;
	v59 =	vor.u32 v27, v35;
	v49 =	vld.idx.msk [tilespmem:v60+s24+$0x0], $0xffff  }
0x524: {  	v60 =	vor.u32 s22, v13;
	v5 =	vld.idx.msk [tilespmem:v5+s24+$0x0], $0xffff;
	[tilespmem:v6+s29+$0x0] =	vst.idx.msk $0xffff, v0  }
0x525: {  	v63 =	vor.u32 v12, v37;
	v2 =	vld.idx.msk [tilespmem:v2+s24+$0x0], $0xffff;
	[tilespmem:v56+s29+$0x0] =	vst.idx.msk $0xffff, v3  }
0x526: {  	v55 =	vor.u32 v14, v39;
	v6 =	vor.u32 s20, v11;
	[tilespmem:v46+s29+$0x0] =	vst.idx.msk $0xffff, v43;
	v44 =	vld.idx.msk [tilespmem:v48+s24+$0x0], $0xffff  }
0x527: {  	v3 =	vor.u32 v12, v38;
	v56 =	vor.u32 s19, v13;
	v43 =	vld.idx.msk [tilespmem:v57+s24+$0x0], $0xffff;
	[tilespmem:v50+s29+$0x0] =	vst.idx.msk $0xffff, v4  }
0x528: {  	[tilespmem:v58+s29+$0x0] =	vst.idx.msk $0xffff, v1;
	v57 =	vor.u32 v14, v36;
	v4 =	vld.idx.msk [tilespmem:v59+s24+$0x0], $0xffff;
	v59 =	vor.u32 s15, v28  }
0x529: {  	v58 =	vor.u32 s16, v28;
	[tilespmem:v60+s29+$0x0] =	vst.idx.msk $0xffff, v49;
	v60 =	vor.u32 v30, v34  }
0x52a: {  	v50 =	vor.u32 s18, v19;
	v49 =	vld.idx.msk [tilespmem:v63+s24+$0x0], $0xffff  }
0x52b: {  	[tilespmem:v6+s29+$0x0] =	vst.idx.msk $0xffff, v5;
	v0 =	vld.idx.msk [tilespmem:v55+s24+$0x0], $0xffff;
	v63 =	vor.u32 s21, v13  }
0x52c: {  	v5 =	vor.u32 v26, v35;
	v6 =	vor.u32 s22, v15;
	v3 =	vld.idx.msk [tilespmem:v3+s24+$0x0], $0xffff;
	[tilespmem:v56+s29+$0x0] =	vst.idx.msk $0xffff, v2  }
0x52d: {  	v53 =	vor.u32 v14, v37;
	v46 =	vld.idx.msk [tilespmem:v57+s24+$0x0], $0xffff;
	[tilespmem:v59+s29+$0x0] =	vst.idx.msk $0xffff, v44  }
0x52e: {  	v47 =	vor.u32 v30, v32;
	v56 =	vor.u32 s20, v13;
	[tilespmem:v58+s29+$0x0] =	vst.idx.msk $0xffff, v43;
	v48 =	vld.idx.msk [tilespmem:v60+s24+$0x0], $0xffff  }
0x52f: {  	[tilespmem:v50+s29+$0x0] =	vst.idx.msk $0xffff, v4;
	v60 =	vld [tilespmem:$0x1FEC0]  }
0x530: {  	v55 =	vor.u32 v16, v39;
	v58 =	vor.u32 s19, v15;
	[tilespmem:v63+s29+$0x0] =	vst.idx.msk $0xffff, v49  }
0x531: {  	v57 =	vor.u32 v14, v38;
	[tilespmem:v6+s29+$0x0] =	vst.idx.msk $0xffff, v0;
	v6 =	vor.u32 s18, v28;
	v5 =	vld.idx.msk [tilespmem:v5+s24+$0x0], $0xffff  }
0x532: {  	v52 =	vor.u32 s21, v15;
	v59 =	vor.u32 v16, v36;
	v0 =	vld.idx.msk [tilespmem:v53+s24+$0x0], $0xffff  }
0x533: {  	v47 =	vld.idx.msk [tilespmem:v47+s24+$0x0], $0xffff;
	v4 =	vor.u32 s16, v25;
	[tilespmem:v56+s29+$0x0] =	vst.idx.msk $0xffff, v3;
	v3 =	vor.u32 v30, v35  }
0x534: {  	v63 =	vor.u32 v60, v32  }
0x535: {  	v45 =	vor.u32 s22, v17;
	v2 =	vld.idx.msk [tilespmem:v55+s24+$0x0], $0xffff;
	v53 =	vor.u32 v16, v37;
	[tilespmem:v58+s29+$0x0] =	vst.idx.msk $0xffff, v46  }
0x536: {  	v50 =	vor.u32 s15, v25;
	v1 =	vld.idx.msk [tilespmem:v57+s24+$0x0], $0xffff;
	v46 =	vor.u32 v18, v39;
	[tilespmem:v6+s29+$0x0] =	vst.idx.msk $0xffff, v5  }
0x537: {  	v55 =	vor.u32 s20, v15;
	v56 =	vld.idx.msk [tilespmem:v59+s24+$0x0], $0xffff;
	v51 =	vor.u32 v60, v34;
	[tilespmem:v52+s29+$0x0] =	vst.idx.msk $0xffff, v0  }
0x538: {  	s0 =	sadd.s32 $0x4, s0;
	v57 =	vor.u32 s19, v17;
	[tilespmem:v4+s29+$0x0] =	vst.idx.msk $0xffff, v47;
	v59 =	vor.u32 v60, v33;
	v44 =	vld.idx.msk [tilespmem:v3+s24+$0x0], $0xffff  }
0x539: {  	p0 =	slt.u32 s0, $0x7C;
	v4 =	vor.u32 v16, v38;
	v5 =	vor.u32 s16, v61;
	v63 =	vld.idx.msk [tilespmem:v63+s24+$0x0], $0xffff  }
.Ltmp3:
0x53a: {  	[tilespmem:v45+s29+$0x0] =	vst.idx.msk $0xffff, v2;
	v49 =	vld.idx.msk [tilespmem:v53+s24+$0x0], $0xffff;
	(pc) =	sbr.rel @p0 .LBB2_9-.Ltmp3, $4  }
0x53b: {  	v41 =	vor.u32 s22, v61;
	[tilespmem:v50+s29+$0x0] =	vst.idx.msk $0xffff, v48;
	v48 =	vld.idx.msk [tilespmem:v46+s24+$0x0], $0xffff  }
0x53c: {  	v54 =	vor.u32 s21, v17;
	v47 =	vor.u32 s18, v25;
	v43 =	vld.idx.msk [tilespmem:v51+s24+$0x0], $0xffff;
	[tilespmem:v55+s29+$0x0] =	vst.idx.msk $0xffff, v1  }
0x53d: {  	v50 =	vor.u32 v18, v36;
	v52 =	vor.u32 v22, v39;
	[tilespmem:v57+s29+$0x0] =	vst.idx.msk $0xffff, v56;
	v45 =	vld.idx.msk [tilespmem:v59+s24+$0x0], $0xffff  }
0x53e: {  	v46 =	vor.u32 v60, v35;
	v51 =	vor.u32 s22, v20;
	v55 =	vor.u32 s20, v17;
	v53 =	vld.idx.msk [tilespmem:v4+s24+$0x0], $0xffff;
	[tilespmem:v5+s29+$0x0] =	vst.idx.msk $0xffff, v63  }
0x53f: {  	v0 =	vor.u32 v18, v37;
	_ =	sdelay $0x3  }
0x540: {  	[tilespmem:v54+s29+$0x0] =	vst.idx.msk $0xffff, v49  }
0x541: {  	v1 =	vor.u32 s21, v20;
	v0 =	vld.idx.msk [tilespmem:v0+s24+$0x0], $0xffff  }
0x542: {  	v2 =	vld.idx.msk [tilespmem:v50+s24+$0x0], $0xffff;
	v3 =	vor.u32 s19, v20;
	v4 =	vor.u32 v22, v37;
	[tilespmem:v55+s29+$0x0] =	vst.idx.msk $0xffff, v53  }
0x543: {  	v6 =	vor.u32 v22, v36;
	v58 =	vor.u32 s20, v20;
	[tilespmem:v51+s29+$0x0] =	vst.idx.msk $0xffff, v48;
	v5 =	vld.idx.msk [tilespmem:v42+s24+$0x0], $0xffff  }
0x544: {  	v59 =	vor.u32 v22, v38;
	v60 =	vor.u32 s22, v23;
	v48 =	vld.idx.msk [tilespmem:v52+s24+$0x0], $0xffff  }
0x545: {  	v61 =	vor.u32 v21, v39  }
0x546: {  	[tilespmem:v1+s29+$0x0] =	vst.idx.msk $0xffff, v0  }
0x547: {  	v63 =	vor.u32 s21, v23;
	[tilespmem:v3+s29+$0x0] =	vst.idx.msk $0xffff, v2;
	v1 =	vld.idx.msk [tilespmem:v4+s24+$0x0], $0xffff  }
0x548: {  	v3 =	vld.idx.msk [tilespmem:v6+s24+$0x0], $0xffff;
	[tilespmem:v58+s29+$0x0] =	vst.idx.msk $0xffff, v5;
	v5 =	vor.u32 v21, v37;
	v4 =	vor.u32 s19, v23  }
0x549: {  	v54 =	vor.u32 v21, v36;
	v55 =	vor.u32 s20, v23;
	[tilespmem:v60+s29+$0x0] =	vst.idx.msk $0xffff, v48;
	v6 =	vld.idx.msk [tilespmem:v59+s24+$0x0], $0xffff  }
0x54a: {  	v56 =	vor.u32 v21, v38;
	v57 =	vor.u32 s22, v24;
	v0 =	vld.idx.msk [tilespmem:v61+s24+$0x0], $0xffff  }
0x54b: {  	v58 =	vor.u32 v29, v39  }
0x54c: {  	[tilespmem:v63+s29+$0x0] =	vst.idx.msk $0xffff, v1  }
0x54d: {  	v59 =	vor.u32 s21, v24;
	[tilespmem:v4+s29+$0x0] =	vst.idx.msk $0xffff, v3;
	v2 =	vld.idx.msk [tilespmem:v5+s24+$0x0], $0xffff  }
0x54e: {  	[tilespmem:v55+s29+$0x0] =	vst.idx.msk $0xffff, v6;
	v6 =	vor.u32 v29, v37;
	v4 =	vld.idx.msk [tilespmem:v54+s24+$0x0], $0xffff;
	v5 =	vor.u32 s19, v24  }
0x54f: {  	v61 =	vor.u32 s20, v24;
	[tilespmem:v57+s29+$0x0] =	vst.idx.msk $0xffff, v0;
	v63 =	vor.u32 v29, v36;
	v60 =	vld.idx.msk [tilespmem:v56+s24+$0x0], $0xffff  }
0x550: {  	v0 =	vld.idx.msk [tilespmem:v58+s24+$0x0], $0xffff;
	v55 =	vor.u32 s22, v31;
	v54 =	vor.u32 v29, v38  }
0x551: {  	v56 =	vor.u32 v27, v39  }
0x552: {  	[tilespmem:v59+s29+$0x0] =	vst.idx.msk $0xffff, v2  }
0x553: {  	[tilespmem:v5+s29+$0x0] =	vst.idx.msk $0xffff, v4;
	v4 =	vor.u32 s21, v31;
	v3 =	vld.idx.msk [tilespmem:v6+s24+$0x0], $0xffff  }
0x554: {  	[tilespmem:v61+s29+$0x0] =	vst.idx.msk $0xffff, v60;
	v5 =	vld.idx.msk [tilespmem:v63+s24+$0x0], $0xffff;
	v6 =	vor.u32 s19, v31  }
0x555: {  	[tilespmem:v55+s29+$0x0] =	vst.idx.msk $0xffff, v0;
	v59 =	vor.u32 s20, v31;
	v49 =	vld.idx.msk [tilespmem:v54+s24+$0x0], $0xffff  }
0x556: {  	v1 =	vld.idx.msk [tilespmem:v56+s24+$0x0], $0xffff  }
0x557: {  	v61 =	vor.u32 s22, v19;
	v52 =	vld [tilespmem:$0x1FEE0];
	[tilespmem:v47+s29+$0x0] =	vst.idx.msk $0xffff, v44  }
0x558: {  	[tilespmem:v4+s29+$0x0] =	vst.idx.msk $0xffff, v3  }
0x559: {  	v57 =	vor.u32 v27, v37;
	[tilespmem:v6+s29+$0x0] =	vst.idx.msk $0xffff, v5  }
0x55a: {  	v58 =	vor.u32 v27, v36;
	[tilespmem:v59+s29+$0x0] =	vst.idx.msk $0xffff, v49  }
0x55b: {  	v60 =	vor.u32 v27, v38;
	v51 =	vld [tilespmem:$0x1FED0];
	[tilespmem:v40+s29+$0x0] =	vst.idx.msk $0xffff, v45  }
0x55c: {  	[tilespmem:v61+s29+$0x0] =	vst.idx.msk $0xffff, v1  }
0x55d: {  	v55 =	vor.u32 v52, v33;
	v53 =	vld [tilespmem:$0x1FEF0]  }
0x55e: {  	v63 =	vor.u32 v26, v39;
	v5 =	vor.u32 s21, v19;
	v4 =	vld.idx.msk [tilespmem:v57+s24+$0x0], $0xffff  }
0x55f: {  	v42 =	vor.u32 s19, v19;
	v48 =	vor.u32 v26, v37;
	v6 =	vld.idx.msk [tilespmem:v58+s24+$0x0], $0xffff  }
0x560: {  	v56 =	vor.u32 s20, v19;
	v44 =	vld.idx.msk [tilespmem:v60+s24+$0x0], $0xffff;
	v57 =	vor.u32 v26, v36  }
0x561: {  	v46 =	vld.idx.msk [tilespmem:v46+s24+$0x0], $0xffff;
	v58 =	vor.u32 s18, v51  }
0x562: {  	v59 =	vor.u32 v26, v38;
	v0 =	vld.idx.msk [tilespmem:v55+s24+$0x0], $0xffff;
	v61 =	vor.u32 s17, v53  }
0x563: {  	v2 =	vld.idx.msk [tilespmem:v63+s24+$0x0], $0xffff;
	v63 =	vor.u32 s22, v28;
	[tilespmem:v5+s29+$0x0] =	vst.idx.msk $0xffff, v4  }
0x564: {  	v60 =	vor.u32 v52, v35;
	[tilespmem:v42+s29+$0x0] =	vst.idx.msk $0xffff, v6;
	v6 =	vor.u32 s21, v28;
	v5 =	vld.idx.msk [tilespmem:v48+s24+$0x0], $0xffff  }
0x565: {  	[tilespmem:v56+s29+$0x0] =	vst.idx.msk $0xffff, v44;
	v44 =	vor.u32 s19, v28;
	v42 =	vld.idx.msk [tilespmem:v57+s24+$0x0], $0xffff  }
0x566: {  	[tilespmem:v58+s29+$0x0] =	vst.idx.msk $0xffff, v46  }
0x567: {  	v40 =	vld.idx.msk [tilespmem:v59+s24+$0x0], $0xffff;
	[tilespmem:v61+s29+$0x0] =	vst.idx.msk $0xffff, v0  }
0x568: {  	v46 =	vor.u32 s20, v28;
	v54 =	vld [tilespmem:$0x1FF00];
	[tilespmem:v63+s29+$0x0] =	vst.idx.msk $0xffff, v2  }
0x569: {  	v4 =	vor.u32 v30, v39;
	v58 =	vor.u32 s18, v53;
	v45 =	vld.idx.msk [tilespmem:v60+s24+$0x0], $0xffff;
	[tilespmem:v6+s29+$0x0] =	vst.idx.msk $0xffff, v5  }
0x56a: {  	[tilespmem:v44+s29+$0x0] =	vst.idx.msk $0xffff, v42  }
0x56b: {  	v47 =	vor.u32 v30, v37;
	v50 =	vld [tilespmem:$0x1FEC0]  }
0x56c: {  	v57 =	vor.u32 v30, v36  }
0x56d: {  	v59 =	vor.u32 v30, v38;
	v61 =	vor.u32 s15, v51;
	[tilespmem:v46+s29+$0x0] =	vst.idx.msk $0xffff, v40  }
0x56e: {  	v63 =	vor.u32 v52, v34;
	v3 =	vld.idx.msk [tilespmem:v4+s24+$0x0], $0xffff;
	[tilespmem:v58+s29+$0x0] =	vst.idx.msk $0xffff, v45  }
0x56f: {  	v4 =	vor.u32 s22, v25;
	v60 =	vor.u32 v54, v33;
	v55 =	vld [tilespmem:$0x1FF10]  }
0x570: {  	v42 =	vor.u32 s21, v25;
	v6 =	vld.idx.msk [tilespmem:v47+s24+$0x0], $0xffff;
	v5 =	vor.u32 v50, v39  }
0x571: {  	v44 =	vor.u32 s19, v25;
	v40 =	vld.idx.msk [tilespmem:v57+s24+$0x0], $0xffff;
	v46 =	vor.u32 v50, v37  }
0x572: {  	v0 =	vld.idx.msk [tilespmem:v59+s24+$0x0], $0xffff;
	v45 =	vor.u32 s20, v25;
	[tilespmem:v61+s29+$0x0] =	vst.idx.msk $0xffff, v43;
	v57 =	vor.u32 v50, v36  }
0x573: {  	v61 =	vor.u32 s15, v53;
	v59 =	vor.u32 v50, v38;
	v2 =	vld.idx.msk [tilespmem:v63+s24+$0x0], $0xffff  }
0x574: {  	[tilespmem:v4+s29+$0x0] =	vst.idx.msk $0xffff, v3;
	v63 =	vor.u32 v54, v35;
	v1 =	vld.idx.msk [tilespmem:v60+s24+$0x0], $0xffff;
	v58 =	vor.u32 s17, v55  }
0x575: {  	[tilespmem:v42+s29+$0x0] =	vst.idx.msk $0xffff, v6;
	v60 =	vor.u32 v52, v32;
	v4 =	vld.idx.msk [tilespmem:v5+s24+$0x0], $0xffff  }
0x576: {  	v35 =	vor.u32 s21, v51;
	[tilespmem:v44+s29+$0x0] =	vst.idx.msk $0xffff, v40;
	v5 =	vor.u32 v52, v39;
	v6 =	vld.idx.msk [tilespmem:v46+s24+$0x0], $0xffff  }
0x577: {  	v42 =	vor.u32 s19, v51;
	v40 =	vor.u32 v52, v37;
	[tilespmem:v45+s29+$0x0] =	vst.idx.msk $0xffff, v0;
	v0 =	vld.idx.msk [tilespmem:v57+s24+$0x0], $0xffff  }
0x578: {  	v56 =	vor.u32 s20, v51;
	v50 =	vld.idx.msk [tilespmem:v59+s24+$0x0], $0xffff;
	v57 =	vor.u32 v52, v36;
	[tilespmem:v61+s29+$0x0] =	vst.idx.msk $0xffff, v2  }
0x579: {  	v59 =	vor.u32 v52, v38;
	v3 =	vld.idx.msk [tilespmem:v63+s24+$0x0], $0xffff;
	v61 =	vor.u32 s18, v55;
	[tilespmem:v58+s29+$0x0] =	vst.idx.msk $0xffff, v1  }
0x57a: {  	v43 =	vld.idx.msk [tilespmem:v60+s24+$0x0], $0xffff;
	v58 =	vor.u32 s16, v53;
	v60 =	vor.u32 v54, v34;
	[tilespmem:v41+s29+$0x0] =	vst.idx.msk $0xffff, v4  }
0x57b: {  	v63 =	vor.u32 s22, v53;
	v4 =	vor.u32 v54, v32;
	[tilespmem:v35+s29+$0x0] =	vst.idx.msk $0xffff, v6;
	v5 =	vld.idx.msk [tilespmem:v5+s24+$0x0], $0xffff  }
0x57c: {  	v47 =	vor.u32 s21, v53;
	v6 =	vor.u32 v54, v39;
	[tilespmem:v42+s29+$0x0] =	vst.idx.msk $0xffff, v0;
	v35 =	vld.idx.msk [tilespmem:v40+s24+$0x0], $0xffff  }
0x57d: {  	v49 =	vor.u32 s19, v53;
	v48 =	vor.u32 v54, v37;
	[tilespmem:v56+s29+$0x0] =	vst.idx.msk $0xffff, v50;
	v50 =	vld.idx.msk [tilespmem:v57+s24+$0x0], $0xffff  }
0x57e: {  	v51 =	vor.u32 v54, v36;
	v52 =	vor.u32 s20, v53;
	[tilespmem:v61+s29+$0x0] =	vst.idx.msk $0xffff, v3;
	v2 =	vld.idx.msk [tilespmem:v59+s24+$0x0], $0xffff  }
0x57f: {  	v56 =	vor.u32 s15, v55;
	v57 =	vor.u32 v54, v38;
	[tilespmem:v58+s29+$0x0] =	vst.idx.msk $0xffff, v43;
	v53 =	vld.idx.msk [tilespmem:v60+s24+$0x0], $0xffff  }
0x580: {  	v58 =	vor.u32 s16, v55;
	v4 =	vld.idx.msk [tilespmem:v4+s24+$0x0], $0xffff;
	[tilespmem:v63+s29+$0x0] =	vst.idx.msk $0xffff, v5  }
0x581: {  	[tilespmem:v47+s29+$0x0] =	vst.idx.msk $0xffff, v35;
	v5 =	vld.idx.msk [tilespmem:v6+s24+$0x0], $0xffff;
	v6 =	vor.u32 s22, v55  }
0x582: {  	v59 =	vor.u32 s21, v55;
	[tilespmem:v49+s29+$0x0] =	vst.idx.msk $0xffff, v50;
	v0 =	vld.idx.msk [tilespmem:v48+s24+$0x0], $0xffff  }
0x583: {  	v60 =	vor.u32 s19, v55;
	[tilespmem:v52+s29+$0x0] =	vst.idx.msk $0xffff, v2;
	v1 =	vld.idx.msk [tilespmem:v51+s24+$0x0], $0xffff  }
0x584: {  	v63 =	vor.u32 s20, v55;
	v61 =	vld.idx.msk [tilespmem:v57+s24+$0x0], $0xffff;
	[tilespmem:v56+s29+$0x0] =	vst.idx.msk $0xffff, v53  }
0x585: {  	[tilespmem:v58+s29+$0x0] =	vst.idx.msk $0xffff, v4  }
0x586: {  	[tilespmem:v6+s29+$0x0] =	vst.idx.msk $0xffff, v5  }
0x587: {  	s0 =	sadd.s32 s14, s10;
	[tilespmem:v59+s29+$0x0] =	vst.idx.msk $0xffff, v0  }
0x588: {  	s0 =	sadd.s32 $0x800, s0;
	[tilespmem:v60+s29+$0x0] =	vst.idx.msk $0xffff, v1  }
0x589: {  	s2 =	simm.s32 $0x9000;
	s13 =	sadd.s32 $0x1, s13;
	s1 =	sadd.s32 s4, s0;
	[tilespmem:v63+s29+$0x0] =	vst.idx.msk $0xffff, v61  }
0x58a: {  	[hbm4b:s1+s3] =	stream.linear.scatter [tilespmem:s2], [sflag:$0x4], $0x4000, $0x38;
	[tilespmem:$0x11CD0] =	vst v63  }
0x58b: {  	s25 =	simm.s32 $0xD000;
	p0 =	sne.s32 s13, $0x18;
	s22 =	rddreg [dreg:$0x12]  }
.Ltmp4:
0x58c: {  	s26 =	sadd.s32 s14, s12;
	s0 =	sadd.s32 s22, s0;
	(pc) =	sbr.rel @p0 .LBB2_6-.Ltmp4, $4  }
0x58d: {  	[hbm4b:s0+s3] =	stream.linear.scatter [tilespmem:s25], [sflag:$0x4], $0x4000, $0x38;
	[tilespmem:$0x11CD0] =	vst v63  }
0x58e: {  	s0 =	sshrl.u32 s26, $0x3  }
0x58f: {  	s30 =	simm.s32 $0x800;
	s0 =	sadd.s32 s5, s0  }
0x590: {  	[tilespmem:s30], [sflag:$0x2] =	stream.linear.gather [hbm4b:s0+s3], $0x800, $0x38;
	[tilespmem:$0x11CD0] =	vst v63  }
0x591: {  	_ =	swait.ge [sflag:s28], $0x800  }
0x592: {  	[sflag:s28] =	ssyncset.done $0x0  }
0x593: {  	[sflag:s28] =	ssyncadd.s32 $0xFFFFF800  }
0x594: {  	_ =	swait.ge [sflag:s6], $0x4000  }
0x595: {  	[sflag:s6] =	ssyncset.done $0x0  }
0x596: {  	[sflag:s6] =	ssyncadd.s32 $0xFFFFC000  }
0x597: {  	_ =	swait.ge [sflag:s6], $0x4000  }
0x598: {  	[sflag:s6] =	ssyncset.done $0x0  }
0x599: {  	s1 =	simm.s32 $0x20;
	[sflag:s6] =	ssyncadd.s32 $0xFFFFC000  }
0x59a: {  	v0 =	vld [tilespmem:s1+$0xFFFFFFE0];
	_ =	sdelay $0x3  }
0x59b: {  	v1 =	vld [tilespmem:s1+$0xFFFFFFF0]  }
0x59c: {  	v43 =	vshll.u32 v0, $0x4  }
0x59d: {  	v0 =	vor.u32 v62, v43  }
0x59e: {  	v2 =	vld [tilespmem:s1+$0x0]  }
0x59f: {  	s0 =	simm.s32 $0x0;
	s2 =	simm.s32 $0x0  }
0x5a0: {  	s7 =	sand.u32 $0x3C00, s0;
	s13 =	sand.u32 $0x40, s2;
	v61 =	vshll.u32 v1, $0x4  }
0x5a1: {  	s0 =	sor.u32 s13, s7;
	v1 =	vor.u32 v62, v61  }
0x5a2: {  	v3 =	vor.u32 s0, v7;
	v0 =	vld.idx.msk [tilespmem:v0+s24+$0x0], $0xffff  }
0x5a3: {  	s14 =	simm.s32 $0x10;
	v40 =	vshll.u32 v2, $0x4;
	v52 =	vor.u32 v8, v43  }
0x5a4: {  	s2 =	sand.u32 $0x50, s14;
	v4 =	vor.u32 v62, v40  }
0x5a5: {  	s17 =	sor.u32 s7, s2  }
0x5a6: {  	s15 =	simm.s32 $0x20;
	v5 =	vor.u32 s17, v7;
	v1 =	vld.idx.msk [tilespmem:v1+s24+$0x0], $0xffff  }
0x5a7: {  	s2 =	sand.u32 $0x60, s15;
	v6 =	vor.u32 v8, v61;
	[tilespmem:v3+s29+$0x0] =	vst.idx.msk $0xffff, v0  }
0x5a8: {  	s18 =	sor.u32 s7, s2;
	v53 =	vor.u32 s0, v9;
	v0 =	vld.idx.msk [tilespmem:v52+s24+$0x0], $0xffff  }
0x5a9: {  	v32 =	vor.u32 v10, v43;
	v54 =	vld.idx.msk [tilespmem:v4+s24+$0x0], $0xffff;
	v4 =	vor.u32 s18, v7  }
0x5aa: {  	v33 =	vor.u32 v8, v40  }
0x5ab: {  	[tilespmem:v5+s29+$0x0] =	vst.idx.msk $0xffff, v1  }
0x5ac: {  	v5 =	vor.u32 s17, v9;
	v1 =	vld.idx.msk [tilespmem:v6+s24+$0x0], $0xffff  }
0x5ad: {  	v55 =	vor.u32 v10, v61;
	[tilespmem:v53+s29+$0x0] =	vst.idx.msk $0xffff, v0  }
0x5ae: {  	v56 =	vor.u32 s0, v11;
	[tilespmem:v4+s29+$0x0] =	vst.idx.msk $0xffff, v54;
	v2 =	vld.idx.msk [tilespmem:v32+s24+$0x0], $0xffff  }
0x5af: {  	v57 =	vor.u32 v12, v43;
	v4 =	vld.idx.msk [tilespmem:v33+s24+$0x0], $0xffff;
	v6 =	vor.u32 s18, v9  }
0x5b0: {  	v58 =	vor.u32 v10, v40  }
0x5b1: {  	v34 =	vld [tilespmem:s1+$0x10];
	[tilespmem:v5+s29+$0x0] =	vst.idx.msk $0xffff, v1  }
0x5b2: {  	v5 =	vor.u32 s17, v11;
	v0 =	vld.idx.msk [tilespmem:v55+s24+$0x0], $0xffff  }
0x5b3: {  	v60 =	vor.u32 v12, v61;
	[tilespmem:v56+s29+$0x0] =	vst.idx.msk $0xffff, v2  }
0x5b4: {  	[tilespmem:v6+s29+$0x0] =	vst.idx.msk $0xffff, v4;
	v4 =	vor.u32 s0, v13;
	v3 =	vld.idx.msk [tilespmem:v57+s24+$0x0], $0xffff  }
0x5b5: {  	v36 =	vor.u32 s18, v11;
	v63 =	vor.u32 v14, v43;
	v6 =	vld.idx.msk [tilespmem:v58+s24+$0x0], $0xffff  }
0x5b6: {  	v42 =	vshll.u32 v34, $0x4;
	v37 =	vor.u32 v12, v40  }
0x5b7: {  	v59 =	vor.u32 v62, v42;
	[tilespmem:v5+s29+$0x0] =	vst.idx.msk $0xffff, v0  }
0x5b8: {  	v5 =	vor.u32 s17, v13;
	v2 =	vld.idx.msk [tilespmem:v60+s24+$0x0], $0xffff  }
0x5b9: {  	s16 =	simm.s32 $0x30;
	v39 =	vor.u32 v14, v61;
	[tilespmem:v4+s29+$0x0] =	vst.idx.msk $0xffff, v3  }
0x5ba: {  	s1 =	sand.u32 $0x70, s16;
	[tilespmem:v36+s29+$0x0] =	vst.idx.msk $0xffff, v6;
	v6 =	vor.u32 s0, v15;
	v4 =	vld.idx.msk [tilespmem:v63+s24+$0x0], $0xffff  }
0x5bb: {  	v44 =	vor.u32 s18, v13;
	s26 =	sor.u32 s7, s1;
	v41 =	vor.u32 v16, v43;
	v33 =	vld.idx.msk [tilespmem:v37+s24+$0x0], $0xffff  }
0x5bc: {  	v35 =	vor.u32 s26, v7;
	v45 =	vor.u32 v14, v40;
	v1 =	vld.idx.msk [tilespmem:v59+s24+$0x0], $0xffff  }
0x5bd: {  	v38 =	vor.u32 v8, v42;
	[tilespmem:v5+s29+$0x0] =	vst.idx.msk $0xffff, v2  }
0x5be: {  	v5 =	vor.u32 s17, v15;
	v3 =	vld.idx.msk [tilespmem:v39+s24+$0x0], $0xffff  }
0x5bf: {  	[tilespmem:v6+s29+$0x0] =	vst.idx.msk $0xffff, v4;
	v4 =	vor.u32 v16, v61  }
0x5c0: {  	v48 =	vor.u32 s0, v17;
	[tilespmem:v44+s29+$0x0] =	vst.idx.msk $0xffff, v33;
	v6 =	vld.idx.msk [tilespmem:v41+s24+$0x0], $0xffff  }
0x5c1: {  	v50 =	vor.u32 s18, v15;
	[tilespmem:v35+s29+$0x0] =	vst.idx.msk $0xffff, v1;
	v1 =	vld.idx.msk [tilespmem:v45+s24+$0x0], $0xffff  }
0x5c2: {  	v46 =	vor.u32 s26, v9;
	v51 =	vor.u32 v16, v40;
	v0 =	vld.idx.msk [tilespmem:v38+s24+$0x0], $0xffff  }
0x5c3: {  	v49 =	vor.u32 v18, v43;
	[tilespmem:v5+s29+$0x0] =	vst.idx.msk $0xffff, v3  }
0x5c4: {  	s19 =	simm.s32 $0x60;
	v47 =	vor.u32 v10, v42;
	v3 =	vld.idx.msk [tilespmem:v4+s24+$0x0], $0xffff;
	v4 =	vor.u32 s17, v17  }
0x5c5: {  	v36 =	vld [tilespmem:s19+$0xFFFFFFE0];
	[tilespmem:v48+s29+$0x0] =	vst.idx.msk $0xffff, v6;
	v6 =	vor.u32 v18, v61  }
0x5c6: {  	v5 =	vld [tilespmem:s19+$0x0];
	[tilespmem:v50+s29+$0x0] =	vst.idx.msk $0xffff, v1  }
0x5c7: {  	v54 =	vor.u32 s18, v17;
	[tilespmem:v46+s29+$0x0] =	vst.idx.msk $0xffff, v0;
	v0 =	vld.idx.msk [tilespmem:v51+s24+$0x0], $0xffff  }
0x5c8: {  	v52 =	vor.u32 s0, v20;
	v37 =	vor.u32 v18, v40;
	v33 =	vld.idx.msk [tilespmem:v49+s24+$0x0], $0xffff  }
0x5c9: {  	v53 =	vor.u32 v22, v43;
	v38 =	vor.u32 s26, v11;
	v2 =	vld.idx.msk [tilespmem:v47+s24+$0x0], $0xffff;
	[tilespmem:v4+s29+$0x0] =	vst.idx.msk $0xffff, v3  }
0x5ca: {  	v35 =	vshll.u32 v36, $0x4;
	v4 =	vor.u32 s17, v20;
	v3 =	vld.idx.msk [tilespmem:v6+s24+$0x0], $0xffff;
	v6 =	vor.u32 v12, v42  }
0x5cb: {  	v36 =	vor.u32 v62, v35;
	v39 =	vld [tilespmem:s19+$0xFFFFFFF0];
	v57 =	vshll.u32 v5, $0x4  }
0x5cc: {  	v5 =	vld [tilespmem:s19+$0x10];
	v45 =	vor.u32 v62, v57;
	[tilespmem:v54+s29+$0x0] =	vst.idx.msk $0xffff, v0  }
0x5cd: {  	v44 =	vor.u32 v22, v61;
	v47 =	vor.u32 s18, v20;
	v37 =	vld.idx.msk [tilespmem:v37+s24+$0x0], $0xffff;
	[tilespmem:v52+s29+$0x0] =	vst.idx.msk $0xffff, v33  }
0x5ce: {  	s20 =	simm.s32 $0x200;
	s21 =	simm.s32 $0x60;
	v56 =	vor.u32 v22, v40;
	v46 =	vor.u32 s0, v23;
	[tilespmem:v38+s29+$0x0] =	vst.idx.msk $0xffff, v2;
	v1 =	vld.idx.msk [tilespmem:v53+s24+$0x0], $0xffff  }
0x5cf: {  	s2 =	sand.u32 $0x60, s21;
	s1 =	sand.u32 $0x3C00, s20;
	v55 =	vor.u32 v21, v43;
	[tilespmem:v4+s29+$0x0] =	vst.idx.msk $0xffff, v3;
	v58 =	vld.idx.msk [tilespmem:v6+s24+$0x0], $0xffff;
	v4 =	vor.u32 s26, v13  }
0x5d0: {  	s13 =	sor.u32 s1, s2;
	v59 =	vor.u32 v14, v42;
	v36 =	vld.idx.msk [tilespmem:v36+s24+$0x0], $0xffff;
	v63 =	vshll.u32 v39, $0x4  }
0x5d1: {  	s22 =	simm.s32 $0x40;
	v41 =	vor.u32 s13, v7;
	v34 =	vshll.u32 v5, $0x4;
	v5 =	vor.u32 v62, v63;
	v39 =	vld.idx.msk [tilespmem:v45+s24+$0x0], $0xffff  }
0x5d2: {  	s7 =	sand.u32 $0x40, s22;
	v32 =	vor.u32 s17, v23;
	v60 =	vor.u32 v62, v34;
	[tilespmem:v47+s29+$0x0] =	vst.idx.msk $0xffff, v37;
	v6 =	vld.idx.msk [tilespmem:v44+s24+$0x0], $0xffff  }
0x5d3: {  	s25 =	simm.s32 $0x50;
	s16 =	sor.u32 s7, s1;
	v54 =	vor.u32 v8, v57;
	v2 =	vld.idx.msk [tilespmem:v56+s24+$0x0], $0xffff;
	[tilespmem:v46+s29+$0x0] =	vst.idx.msk $0xffff, v1  }
0x5d4: {  	s30 =	simm.s32 $0x70;
	s2 =	sand.u32 $0x50, s25;
	v33 =	vor.u32 v21, v61;
	v0 =	vld.idx.msk [tilespmem:v55+s24+$0x0], $0xffff;
	v55 =	vor.u32 s16, v7;
	[tilespmem:v4+s29+$0x0] =	vst.idx.msk $0xffff, v58  }
0x5d5: {  	s7 =	sand.u32 $0x70, s30;
	s14 =	sor.u32 s1, s2;
	v56 =	vor.u32 v8, v35;
	v58 =	vor.u32 s26, v15;
	v4 =	vld.idx.msk [tilespmem:v59+s24+$0x0], $0xffff  }
0x5d6: {  	s15 =	sor.u32 s1, s7;
	v48 =	vor.u32 s14, v7;
	v49 =	vor.u32 v16, v42;
	v5 =	vld.idx.msk [tilespmem:v5+s24+$0x0], $0xffff;
	[tilespmem:v41+s29+$0x0] =	vst.idx.msk $0xffff, v39  }
0x5d7: {  	v50 =	vor.u32 v8, v63;
	v1 =	vld.idx.msk [tilespmem:v60+s24+$0x0], $0xffff;
	[tilespmem:v32+s29+$0x0] =	vst.idx.msk $0xffff, v6;
	v6 =	vor.u32 s15, v7  }
0x5d8: {  	v51 =	vor.u32 s18, v23;
	v46 =	vld.idx.msk [tilespmem:v54+s24+$0x0], $0xffff;
	v59 =	vor.u32 v8, v34  }
0x5d9: {  	v60 =	vor.u32 s17, v24;
	v37 =	vld.idx.msk [tilespmem:v33+s24+$0x0], $0xffff;
	[tilespmem:v55+s29+$0x0] =	vst.idx.msk $0xffff, v36  }
0x5da: {  	v32 =	vor.u32 v21, v40;
	v33 =	vor.u32 s16, v9;
	v3 =	vld.idx.msk [tilespmem:v56+s24+$0x0], $0xffff;
	[tilespmem:v58+s29+$0x0] =	vst.idx.msk $0xffff, v4  }
0x5db: {  	v54 =	vor.u32 s26, v17;
	[tilespmem:v48+s29+$0x0] =	vst.idx.msk $0xffff, v5;
	v4 =	vor.u32 v10, v35;
	v5 =	vld.idx.msk [tilespmem:v49+s24+$0x0], $0xffff  }
0x5dc: {  	v48 =	vld.idx.msk [tilespmem:v50+s24+$0x0], $0xffff;
	v55 =	vor.u32 s14, v9;
	[tilespmem:v6+s29+$0x0] =	vst.idx.msk $0xffff, v1;
	v6 =	vor.u32 v18, v42  }
0x5dd: {  	[tilespmem:v51+s29+$0x0] =	vst.idx.msk $0xffff, v2;
	v58 =	vor.u32 s15, v9;
	v2 =	vld.idx.msk [tilespmem:v59+s24+$0x0], $0xffff  }
0x5de: {  	v56 =	vor.u32 v10, v63;
	v59 =	vor.u32 s0, v24;
	[tilespmem:v60+s29+$0x0] =	vst.idx.msk $0xffff, v37  }
0x5df: {  	v41 =	vor.u32 v29, v61;
	v60 =	vld.idx.msk [tilespmem:v32+s24+$0x0], $0xffff;
	[tilespmem:v33+s29+$0x0] =	vst.idx.msk $0xffff, v3;
	v33 =	vor.u32 s18, v24  }
0x5e0: {  	v52 =	vor.u32 v29, v40;
	v4 =	vld.idx.msk [tilespmem:v4+s24+$0x0], $0xffff;
	[tilespmem:v54+s29+$0x0] =	vst.idx.msk $0xffff, v5;
	v5 =	vor.u32 s16, v11  }
0x5e1: {  	[tilespmem:v55+s29+$0x0] =	vst.idx.msk $0xffff, v48;
	v53 =	vld.idx.msk [tilespmem:v6+s24+$0x0], $0xffff;
	v6 =	vor.u32 v12, v35  }
0x5e2: {  	v32 =	vor.u32 v29, v43;
	v54 =	vor.u32 s26, v20;
	[tilespmem:v58+s29+$0x0] =	vst.idx.msk $0xffff, v2  }
0x5e3: {  	v55 =	vor.u32 s13, v9;
	v44 =	vld.idx.msk [tilespmem:v56+s24+$0x0], $0xffff;
	v56 =	vor.u32 v22, v42;
	[tilespmem:v59+s29+$0x0] =	vst.idx.msk $0xffff, v0  }
0x5e4: {  	v3 =	vld.idx.msk [tilespmem:v41+s24+$0x0], $0xffff;
	v58 =	vor.u32 v10, v57;
	v59 =	vor.u32 s14, v11;
	[tilespmem:v33+s29+$0x0] =	vst.idx.msk $0xffff, v60  }
0x5e5: {  	v60 =	vor.u32 v12, v63;
	v33 =	vor.u32 s18, v31;
	[tilespmem:v5+s29+$0x0] =	vst.idx.msk $0xffff, v4;
	v4 =	vld.idx.msk [tilespmem:v52+s24+$0x0], $0xffff  }
0x5e6: {  	v41 =	vor.u32 s16, v13;
	v6 =	vld.idx.msk [tilespmem:v6+s24+$0x0], $0xffff  }
0x5e7: {  	v36 =	vld.idx.msk [tilespmem:v32+s24+$0x0], $0xffff;
	v32 =	vor.u32 s17, v31;
	v52 =	vor.u32 v27, v40;
	[tilespmem:v54+s29+$0x0] =	vst.idx.msk $0xffff, v53  }
0x5e8: {  	[tilespmem:v55+s29+$0x0] =	vst.idx.msk $0xffff, v46;
	v53 =	vor.u32 v14, v35;
	v54 =	vor.u32 s26, v23;
	v2 =	vld.idx.msk [tilespmem:v56+s24+$0x0], $0xffff  }
0x5e9: {  	v55 =	vor.u32 v21, v42;
	v0 =	vld.idx.msk [tilespmem:v58+s24+$0x0], $0xffff;
	[tilespmem:v59+s29+$0x0] =	vst.idx.msk $0xffff, v44;
	v58 =	vor.u32 s13, v11  }
0x5ea: {  	v37 =	vld.idx.msk [tilespmem:v60+s24+$0x0], $0xffff;
	v60 =	vor.u32 v12, v57;
	[tilespmem:v33+s29+$0x0] =	vst.idx.msk $0xffff, v4;
	v4 =	vor.u32 s14, v13  }
0x5eb: {  	[tilespmem:v41+s29+$0x0] =	vst.idx.msk $0xffff, v6;
	v6 =	vor.u32 v14, v63  }
0x5ec: {  	v5 =	vor.u32 v27, v61;
	[tilespmem:v32+s29+$0x0] =	vst.idx.msk $0xffff, v3;
	v56 =	vor.u32 s0, v31;
	v32 =	vld.idx.msk [tilespmem:v52+s24+$0x0], $0xffff  }
0x5ed: {  	v59 =	vor.u32 v27, v43;
	v33 =	vor.u32 s18, v19;
	v51 =	vld.idx.msk [tilespmem:v53+s24+$0x0], $0xffff;
	[tilespmem:v54+s29+$0x0] =	vst.idx.msk $0xffff, v2  }
0x5ee: {  	[tilespmem:v58+s29+$0x0] =	vst.idx.msk $0xffff, v0;
	v52 =	vor.u32 s16, v15;
	v44 =	vld.idx.msk [tilespmem:v55+s24+$0x0], $0xffff  }
0x5ef: {  	v58 =	vor.u32 s26, v24;
	v54 =	vor.u32 v16, v35;
	v55 =	vld.idx.msk [tilespmem:v60+s24+$0x0], $0xffff;
	[tilespmem:v4+s29+$0x0] =	vst.idx.msk $0xffff, v37  }
0x5f0: {  	v50 =	vor.u32 v10, v34;
	v4 =	vld.idx.msk [tilespmem:v6+s24+$0x0], $0xffff;
	v6 =	vor.u32 s13, v13  }
0x5f1: {  	v1 =	vor.u32 s14, v15;
	v5 =	vld.idx.msk [tilespmem:v5+s24+$0x0], $0xffff;
	[tilespmem:v56+s29+$0x0] =	vst.idx.msk $0xffff, v36;
	v2 =	vor.u32 v14, v57  }
0x5f2: {  	s22 =	simm.s32 $0xA0;
	v56 =	vor.u32 v29, v42;
	v0 =	vld.idx.msk [tilespmem:v59+s24+$0x0], $0xffff;
	v59 =	vor.u32 s17, v19;
	[tilespmem:v33+s29+$0x0] =	vst.idx.msk $0xffff, v32  }
0x5f3: {  	v45 =	vld [tilespmem:s22+$0x0];
	v60 =	vor.u32 v16, v63;
	[tilespmem:v52+s29+$0x0] =	vst.idx.msk $0xffff, v51  }
0x5f4: {  	v53 =	vor.u32 v26, v40;
	v32 =	vor.u32 s16, v17;
	v38 =	vld.idx.msk [tilespmem:v54+s24+$0x0], $0xffff;
	[tilespmem:v58+s29+$0x0] =	vst.idx.msk $0xffff, v44  }
0x5f5: {  	v48 =	vld.idx.msk [tilespmem:v50+s24+$0x0], $0xffff;
	v33 =	vor.u32 v26, v61;
	[tilespmem:v6+s29+$0x0] =	vst.idx.msk $0xffff, v55;
	v6 =	vor.u32 s0, v19  }
0x5f6: {  	v52 =	vor.u32 v18, v35;
	[tilespmem:v1+s29+$0x0] =	vst.idx.msk $0xffff, v4;
	v4 =	vor.u32 s13, v15;
	v1 =	vld.idx.msk [tilespmem:v2+s24+$0x0], $0xffff  }
0x5f7: {  	v37 =	vor.u32 v26, v43;
	[tilespmem:v59+s29+$0x0] =	vst.idx.msk $0xffff, v5;
	v5 =	vor.u32 s26, v31;
	v46 =	vld.idx.msk [tilespmem:v56+s24+$0x0], $0xffff  }
0x5f8: {  	v58 =	vor.u32 v16, v57;
	v2 =	vld.idx.msk [tilespmem:v60+s24+$0x0], $0xffff;
	v60 =	vor.u32 s14, v17  }
0x5f9: {  	v36 =	vld.idx.msk [tilespmem:v53+s24+$0x0], $0xffff;
	v54 =	vor.u32 v18, v63;
	v59 =	vor.u32 s18, v28;
	[tilespmem:v32+s29+$0x0] =	vst.idx.msk $0xffff, v38  }
0x5fa: {  	v3 =	vld.idx.msk [tilespmem:v33+s24+$0x0], $0xffff;
	v32 =	vor.u32 v27, v42;
	[tilespmem:v6+s29+$0x0] =	vst.idx.msk $0xffff, v0;
	v6 =	vor.u32 s17, v28  }
0x5fb: {  	v33 =	vor.u32 v30, v40;
	v0 =	vld.idx.msk [tilespmem:v52+s24+$0x0], $0xffff;
	[tilespmem:v4+s29+$0x0] =	vst.idx.msk $0xffff, v1;
	v1 =	vor.u32 s16, v20  }
0x5fc: {  	v39 =	vor.u32 s0, v28;
	[tilespmem:v5+s29+$0x0] =	vst.idx.msk $0xffff, v46;
	v52 =	vor.u32 v30, v61;
	v4 =	vld.idx.msk [tilespmem:v37+s24+$0x0], $0xffff  }
0x5fd: {  	v5 =	vor.u32 s13, v17;
	v37 =	vor.u32 v22, v35;
	[tilespmem:v60+s29+$0x0] =	vst.idx.msk $0xffff, v2;
	v2 =	vld.idx.msk [tilespmem:v58+s24+$0x0], $0xffff  }
0x5fe: {  	[tilespmem:v59+s29+$0x0] =	vst.idx.msk $0xffff, v36;
	v54 =	vld.idx.msk [tilespmem:v54+s24+$0x0], $0xffff  }
0x5ff: {  	v49 =	vor.u32 s14, v20;
	v46 =	vor.u32 v18, v57;
	v38 =	vld.idx.msk [tilespmem:v32+s24+$0x0], $0xffff;
	[tilespmem:v6+s29+$0x0] =	vst.idx.msk $0xffff, v3  }
0x600: {  	v58 =	vmov v20;
	v20 =	vshll.u32 v45, $0x4;
	v32 =	vor.u32 v22, v63;
	v3 =	vld.idx.msk [tilespmem:v33+s24+$0x0], $0xffff;
	[tilespmem:v1+s29+$0x0] =	vst.idx.msk $0xffff, v0  }
0x601: {  	v6 =	vor.u32 s15, v11;
	v33 =	vor.u32 v62, v20;
	v0 =	vld.idx.msk [tilespmem:v52+s24+$0x0], $0xffff;
	[tilespmem:v39+s29+$0x0] =	vst.idx.msk $0xffff, v4  }
0x602: {  	v1 =	vor.u32 s26, v19;
	v37 =	vld.idx.msk [tilespmem:v37+s24+$0x0], $0xffff;
	[tilespmem:v5+s29+$0x0] =	vst.idx.msk $0xffff, v2  }
0x603: {  	v39 =	vor.u32 s17, v25;
	v56 =	vld [tilespmem:$0x1FEC0]  }
0x604: {  	v5 =	vor.u32 s16, v23;
	[tilespmem:v49+s29+$0x0] =	vst.idx.msk $0xffff, v54;
	v46 =	vld.idx.msk [tilespmem:v46+s24+$0x0], $0xffff  }
0x605: {  	v60 =	vor.u32 v30, v43;
	v45 =	vld.idx.msk [tilespmem:v32+s24+$0x0], $0xffff;
	v32 =	vor.u32 s13, v58  }
0x606: {  	v52 =	vor.u32 v12, v34;
	[tilespmem:v6+s29+$0x0] =	vst.idx.msk $0xffff, v48;
	v6 =	vld.idx.msk [tilespmem:v33+s24+$0x0], $0xffff;
	v33 =	vor.u32 s14, v23  }
0x607: {  	v47 =	vld [tilespmem:s22+$0xFFFFFFE0];
	[tilespmem:v1+s29+$0x0] =	vst.idx.msk $0xffff, v38  }
0x608: {  	v51 =	vld [tilespmem:s22+$0xFFFFFFF0];
	v4 =	vor.u32 v26, v42;
	[tilespmem:v39+s29+$0x0] =	vst.idx.msk $0xffff, v0  }
0x609: {  	v53 =	vld [tilespmem:s22+$0x10];
	v49 =	vor.u32 v21, v35;
	[tilespmem:v5+s29+$0x0] =	vst.idx.msk $0xffff, v37  }
0x60a: {  	v50 =	vor.u32 v22, v57;
	v59 =	vor.u32 s0, v25;
	v2 =	vld.idx.msk [tilespmem:v60+s24+$0x0], $0xffff;
	[tilespmem:v32+s29+$0x0] =	vst.idx.msk $0xffff, v46  }
0x60b: {  	s9 =	simm.s32 $0x400;
	s2 =	simm.s32 $0xA0;
	v52 =	vld.idx.msk [tilespmem:v52+s24+$0x0], $0xffff;
	v60 =	vor.u32 v56, v61;
	[tilespmem:v33+s29+$0x0] =	vst.idx.msk $0xffff, v45  }
0x60c: {  	s7 =	sand.u32 $0x3C00, s9;
	s1 =	sand.u32 $0x60, s2;
	v55 =	vor.u32 v21, v63;
	v32 =	vld [tilespmem:$0x1FED0]  }
0x60d: {  	s21 =	sor.u32 s7, s1;
	v0 =	vor.u32 s18, v25;
	v4 =	vld.idx.msk [tilespmem:v4+s24+$0x0], $0xffff  }
0x60e: {  	v39 =	vor.u32 v56, v43;
	v49 =	vld.idx.msk [tilespmem:v49+s24+$0x0], $0xffff;
	v46 =	vor.u32 s21, v7  }
0x60f: {  	v41 =	vshll.u32 v47, $0x4;
	v50 =	vld.idx.msk [tilespmem:v50+s24+$0x0], $0xffff;
	[tilespmem:v59+s29+$0x0] =	vst.idx.msk $0xffff, v2;
	v59 =	vor.u32 s15, v13  }
0x610: {  	v36 =	vshll.u32 v51, $0x4;
	v5 =	vor.u32 v62, v41;
	v44 =	vld.idx.msk [tilespmem:v60+s24+$0x0], $0xffff;
	v60 =	vor.u32 s26, v28  }
0x611: {  	v45 =	vor.u32 v62, v36;
	v2 =	vld.idx.msk [tilespmem:v55+s24+$0x0], $0xffff;
	v48 =	vor.u32 s17, v32  }
0x612: {  	v33 =	vld [tilespmem:$0x1FEE0];
	[tilespmem:v0+s29+$0x0] =	vst.idx.msk $0xffff, v3;
	v0 =	vor.u32 v8, v20;
	v3 =	vor.u32 s13, v23  }
0x613: {  	s20 =	simm.s32 $0x80;
	v51 =	vor.u32 v30, v42;
	v38 =	vshll.u32 v53, $0x4;
	v55 =	vld.idx.msk [tilespmem:v39+s24+$0x0], $0xffff;
	v39 =	vor.u32 s16, v24;
	[tilespmem:v46+s29+$0x0] =	vst.idx.msk $0xffff, v6  }
0x614: {  	s1 =	sand.u32 $0x40, s20;
	v6 =	vor.u32 v62, v38;
	[tilespmem:v59+s29+$0x0] =	vst.idx.msk $0xffff, v52;
	v59 =	vor.u32 s0, v32  }
0x615: {  	s19 =	sor.u32 s1, s7;
	v5 =	vld.idx.msk [tilespmem:v5+s24+$0x0], $0xffff;
	[tilespmem:v60+s29+$0x0] =	vst.idx.msk $0xffff, v4;
	v4 =	vor.u32 s14, v24;
	v60 =	vor.u32 v14, v34  }
0x616: {  	s25 =	simm.s32 $0x90;
	v45 =	vld.idx.msk [tilespmem:v45+s24+$0x0], $0xffff;
	[tilespmem:v48+s29+$0x0] =	vst.idx.msk $0xffff, v44;
	v44 =	vor.u32 s19, v7;
	v48 =	vor.u32 v21, v57  }
0x617: {  	s1 =	sand.u32 $0x50, s25;
	[tilespmem:v3+s29+$0x0] =	vst.idx.msk $0xffff, v50;
	v0 =	vld.idx.msk [tilespmem:v0+s24+$0x0], $0xffff  }
0x618: {  	s11 =	sor.u32 s7, s1;
	v1 =	vor.u32 v8, v41;
	v3 =	vor.u32 s26, v25;
	[tilespmem:v39+s29+$0x0] =	vst.idx.msk $0xffff, v49;
	v51 =	vld.idx.msk [tilespmem:v51+s24+$0x0], $0xffff  }
0x619: {  	s25 =	simm.s32 $0xB0;
	v37 =	vor.u32 s11, v7;
	v47 =	vor.u32 v56, v42;
	v6 =	vld.idx.msk [tilespmem:v6+s24+$0x0], $0xffff;
	[tilespmem:v59+s29+$0x0] =	vst.idx.msk $0xffff, v55  }
0x61a: {  	s30 =	sand.u32 $0x70, s25;
	v39 =	vor.u32 v8, v36;
	[tilespmem:v4+s29+$0x0] =	vst.idx.msk $0xffff, v2;
	v4 =	vld.idx.msk [tilespmem:v60+s24+$0x0], $0xffff;
	v60 =	vor.u32 s15, v15  }
0x61b: {  	s20 =	sor.u32 s7, s30;
	[tilespmem:v44+s29+$0x0] =	vst.idx.msk $0xffff, v5;
	v44 =	vld.idx.msk [tilespmem:v48+s24+$0x0], $0xffff  }
0x61c: {  	v5 =	vor.u32 s20, v7;
	v48 =	vor.u32 v16, v34;
	v59 =	vld [tilespmem:$0x1FEF0]  }
0x61d: {  	v54 =	vor.u32 v33, v61;
	v1 =	vld.idx.msk [tilespmem:v1+s24+$0x0], $0xffff;
	[tilespmem:v3+s29+$0x0] =	vst.idx.msk $0xffff, v51  }
0x61e: {  	v50 =	vor.u32 v33, v43;
	[tilespmem:v37+s29+$0x0] =	vst.idx.msk $0xffff, v45;
	v47 =	vld.idx.msk [tilespmem:v47+s24+$0x0], $0xffff  }
0x61f: {  	v3 =	vor.u32 s19, v9;
	[tilespmem:v60+s29+$0x0] =	vst.idx.msk $0xffff, v4;
	v4 =	vld.idx.msk [tilespmem:v39+s24+$0x0], $0xffff  }
0x620: {  	v39 =	vor.u32 s21, v9;
	v60 =	vld [tilespmem:$0x1FF00]  }
0x621: {  	v52 =	vor.u32 v8, v38;
	[tilespmem:v5+s29+$0x0] =	vst.idx.msk $0xffff, v6;
	v6 =	vld.idx.msk [tilespmem:v48+s24+$0x0], $0xffff;
	v48 =	vor.u32 s26, v32  }
0x622: {  	v53 =	vld.idx.msk [tilespmem:v54+s24+$0x0], $0xffff;
	v51 =	vor.u32 v29, v63;
	v54 =	vor.u32 s17, v59  }
0x623: {  	v50 =	vld.idx.msk [tilespmem:v50+s24+$0x0], $0xffff;
	v37 =	vor.u32 v56, v40;
	v2 =	vor.u32 s0, v59  }
0x624: {  	[tilespmem:v3+s29+$0x0] =	vst.idx.msk $0xffff, v1  }
0x625: {  	[tilespmem:v39+s29+$0x0] =	vst.idx.msk $0xffff, v0  }
0x626: {  	v5 =	vor.u32 v10, v41;
	v49 =	vld.idx.msk [tilespmem:v52+s24+$0x0], $0xffff;
	[tilespmem:v48+s29+$0x0] =	vst.idx.msk $0xffff, v47  }
0x627: {  	v52 =	vor.u32 s15, v17;
	v3 =	vld.idx.msk [tilespmem:v51+s24+$0x0], $0xffff;
	v43 =	vor.u32 v60, v43;
	[tilespmem:v54+s29+$0x0] =	vst.idx.msk $0xffff, v53  }
0x628: {  	v56 =	vor.u32 s18, v32;
	v51 =	vor.u32 v18, v34;
	v45 =	vld.idx.msk [tilespmem:v37+s24+$0x0], $0xffff;
	[tilespmem:v2+s29+$0x0] =	vst.idx.msk $0xffff, v50  }
0x629: {  	v1 =	vor.u32 s11, v9;
	v48 =	vor.u32 v33, v40;
	v32 =	vld [tilespmem:$0x1FF10]  }
0x62a: {  	v53 =	vor.u32 v33, v42  }
0x62b: {  	v5 =	vld.idx.msk [tilespmem:v5+s24+$0x0], $0xffff;
	v2 =	vor.u32 v10, v36;
	v50 =	vor.u32 s20, v9  }
0x62c: {  	v37 =	vmov v38;
	v0 =	vor.u32 v10, v38;
	v38 =	vor.u32 s19, v11;
	[tilespmem:v52+s29+$0x0] =	vst.idx.msk $0xffff, v6;
	v43 =	vld.idx.msk [tilespmem:v43+s24+$0x0], $0xffff  }
0x62d: {  	v39 =	vmov v35;
	v6 =	vor.u32 v29, v35;
	v35 =	vor.u32 s13, v24;
	[tilespmem:v56+s29+$0x0] =	vst.idx.msk $0xffff, v45;
	v51 =	vld.idx.msk [tilespmem:v51+s24+$0x0], $0xffff  }
0x62e: {  	[tilespmem:v1+s29+$0x0] =	vst.idx.msk $0xffff, v4;
	v4 =	vor.u32 v29, v57;
	v55 =	vld.idx.msk [tilespmem:v48+s24+$0x0], $0xffff;
	v47 =	vor.u32 s0, v32  }
0x62f: {  	v58 =	vor.u32 s15, v58;
	v33 =	vmov v57;
	v57 =	vor.u32 v12, v41;
	v53 =	vld.idx.msk [tilespmem:v53+s24+$0x0], $0xffff  }
0x630: {  	v54 =	vor.u32 s26, v59;
	v45 =	vor.u32 v10, v20;
	[tilespmem:v50+s29+$0x0] =	vst.idx.msk $0xffff, v49;
	v2 =	vld.idx.msk [tilespmem:v2+s24+$0x0], $0xffff  }
0x631: {  	v61 =	vor.u32 v60, v61;
	[tilespmem:v38+s29+$0x0] =	vst.idx.msk $0xffff, v5;
	v5 =	vor.u32 s14, v31;
	v0 =	vld.idx.msk [tilespmem:v0+s24+$0x0], $0xffff  }
0x632: {  	[tilespmem:v35+s29+$0x0] =	vst.idx.msk $0xffff, v44;
	v35 =	vor.u32 s11, v11;
	v46 =	vld.idx.msk [tilespmem:v6+s24+$0x0], $0xffff;
	v6 =	vor.u32 v60, v42  }
0x633: {  	v50 =	vor.u32 s13, v31;
	v4 =	vld.idx.msk [tilespmem:v4+s24+$0x0], $0xffff;
	[tilespmem:v47+s29+$0x0] =	vst.idx.msk $0xffff, v43;
	v47 =	vor.u32 v22, v34  }
0x634: {  	v48 =	vld.idx.msk [tilespmem:v57+s24+$0x0], $0xffff;
	v42 =	vor.u32 v27, v63;
	[tilespmem:v58+s29+$0x0] =	vst.idx.msk $0xffff, v51;
	v43 =	vor.u32 s20, v11  }
0x635: {  	v56 =	vor.u32 s19, v13;
	v57 =	vld.idx.msk [tilespmem:v45+s24+$0x0], $0xffff;
	[tilespmem:v54+s29+$0x0] =	vst.idx.msk $0xffff, v53;
	v53 =	vor.u32 v27, v33  }
0x636: {  	v51 =	vor.u32 v60, v40;
	v40 =	vld.idx.msk [tilespmem:v61+s24+$0x0], $0xffff;
	[tilespmem:v5+s29+$0x0] =	vst.idx.msk $0xffff, v3;
	v54 =	vor.u32 v14, v41  }
0x637: {  	v38 =	vor.u32 v12, v36;
	[tilespmem:v35+s29+$0x0] =	vst.idx.msk $0xffff, v2;
	v49 =	vld.idx.msk [tilespmem:v6+s24+$0x0], $0xffff;
	v6 =	vor.u32 s18, v59  }
0x638: {  	v2 =	vor.u32 s15, v23;
	[tilespmem:v50+s29+$0x0] =	vst.idx.msk $0xffff, v4;
	v58 =	vld.idx.msk [tilespmem:v47+s24+$0x0], $0xffff  }
0x639: {  	v1 =	vor.u32 v21, v34;
	v45 =	vld.idx.msk [tilespmem:v42+s24+$0x0], $0xffff;
	[tilespmem:v43+s29+$0x0] =	vst.idx.msk $0xffff, v0;
	v0 =	vor.u32 s21, v11  }
0x63a: {  	v52 =	vor.u32 s16, v31;
	v60 =	vor.u32 v12, v20;
	[tilespmem:v56+s29+$0x0] =	vst.idx.msk $0xffff, v48;
	v50 =	vld.idx.msk [tilespmem:v53+s24+$0x0], $0xffff  }
0x63b: {  	v35 =	vmovc v41;
	v42 =	vor.u32 s20, v24;
	v48 =	vor.u32 v27, v39;
	v56 =	vor.u32 s26, v32;
	v44 =	vld.idx.msk [tilespmem:v54+s24+$0x0], $0xffff  }
0x63c: {  	v32 =	vmov v63;
	v59 =	vor.u32 s11, v13;
	v53 =	vor.u32 v14, v36;
	v47 =	vld.idx.msk [tilespmem:v38+s24+$0x0], $0xffff;
	[tilespmem:v6+s29+$0x0] =	vst.idx.msk $0xffff, v55  }
0x63d: {  	v38 =	vmovc v34;
	v34 =	vor.u32 s15, v24;
	v43 =	vor.u32 v16, v41;
	v41 =	vmov v39;
	[tilespmem:v2+s29+$0x0] =	vst.idx.msk $0xffff, v58  }
0x63e: {  	s0 =	simm.s32 $0x8;
	v55 =	vor.u32 v26, v33;
	[tilespmem:v0+s29+$0x0] =	vst.idx.msk $0xffff, v57;
	v57 =	vor.u32 s13, v19;
	v58 =	vor.u32 s19, v15;
	v54 =	vld.idx.msk [tilespmem:v1+s24+$0x0], $0xffff  }
.LBB2_12:
0x63f: {  	v3 =	vld [tilespmem:$0x1FF10];
	_ =	sdelay $0x2  }
0x640: {  	[tilespmem:v52+s29+$0x0] =	vst.idx.msk $0xffff, v46;
	v0 =	vld.idx.msk [tilespmem:v51+s24+$0x0], $0xffff  }
0x641: {  	[tilespmem:v56+s29+$0x0] =	vst.idx.msk $0xffff, v49;
	v4 =	vld.idx.msk [tilespmem:v60+s24+$0x0], $0xffff  }
0x642: {  	[tilespmem:v59+s29+$0x0] =	vst.idx.msk $0xffff, v47;
	v39 =	vmovc v35;
	v59 =	vor.u32 v18, v35;
	v35 =	vld [tilespmem:$0x1FF40];
	v2 =	vor.u32 s17, v3;
	v3 =	vor.u32 s18, v3  }
0x643: {  	v1 =	vld.idx.msk [tilespmem:v48+s24+$0x0], $0xffff;
	[tilespmem:v57+s29+$0x0] =	vst.idx.msk $0xffff, v50;
	s18 =	smov.u32 s13;
	s13 =	smov.u32 s21  }
0x644: {  	v5 =	vld.idx.msk [tilespmem:v53+s24+$0x0], $0xffff;
	[tilespmem:v58+s29+$0x0] =	vst.idx.msk $0xffff, v44;
	v6 =	vor.u32 s13, v13  }
0x645: {  	v63 =	vor.u32 s19, v17;
	[tilespmem:v34+s29+$0x0] =	vst.idx.msk $0xffff, v54;
	v60 =	vmov v42;
	s17 =	smov.u32 s14;
	s14 =	smov.u32 s11;
	v43 =	vld.idx.msk [tilespmem:v43+s24+$0x0], $0xffff  }
0x646: {  	s22 =	sadd.s32 $0x40, s22;
	v56 =	vor.u32 v14, v20;
	v47 =	vld.idx.msk [tilespmem:v55+s24+$0x0], $0xffff;
	[tilespmem:$0x1FE60] =	vst v60;
	v44 =	vor.u32 s14, v15  }
0x647: {  	v48 =	vor.u32 v16, v36;
	v61 =	vld [tilespmem:s22+$0x0];
	v49 =	vor.u32 s18, v28;
	[tilespmem:v3+s29+$0x0] =	vst.idx.msk $0xffff, v0  }
0x648: {  	v57 =	vor.u32 v29, v38;
	v42 =	vld [tilespmem:s22+$0x10];
	v58 =	vor.u32 s17, v19;
	[tilespmem:v2+s29+$0x0] =	vst.idx.msk $0xffff, v40  }
0x649: {  	v0 =	vld [tilespmem:s22+$0xFFFFFFE0];
	[tilespmem:v6+s29+$0x0] =	vst.idx.msk $0xffff, v4;
	v4 =	vor.u32 s16, v19;
	v6 =	vor.u32 v26, v32  }
0x64a: {  	[tilespmem:v63+s29+$0x0] =	vst.idx.msk $0xffff, v43;
	v2 =	vld [tilespmem:s22+$0xFFFFFFF0]  }
0x64b: {  	[tilespmem:v44+s29+$0x0] =	vst.idx.msk $0xffff, v5;
	v5 =	vld.idx.msk [tilespmem:v56+s24+$0x0], $0xffff  }
0x64c: {  	v46 =	vor.u32 s13, v15;
	v44 =	vld.idx.msk [tilespmem:v48+s24+$0x0], $0xffff;
	v48 =	vor.u32 v26, v41;
	[tilespmem:v49+s29+$0x0] =	vst.idx.msk $0xffff, v47  }
0x64d: {  	v43 =	vor.u32 s14, v17;
	v49 =	vld.idx.msk [tilespmem:v57+s24+$0x0], $0xffff;
	[tilespmem:v58+s29+$0x0] =	vst.idx.msk $0xffff, v45  }
0x64e: {  	v60 =	vor.u32 v18, v36;
	v63 =	vor.u32 v16, v20;
	[tilespmem:v4+s29+$0x0] =	vst.idx.msk $0xffff, v1;
	v4 =	vld.idx.msk [tilespmem:v6+s24+$0x0], $0xffff  }
0x64f: {  	v34 =	vmovc v41;
	v40 =	vshll.u32 v61, $0x4;
	v61 =	vor.u32 s15, v31;
	v1 =	vor.u32 v30, v41;
	v41 =	vld [tilespmem:$0x1FEE0]  }
0x650: {  	v6 =	vor.u32 v27, v38;
	v51 =	vld.idx.msk [tilespmem:v59+s24+$0x0], $0xffff  }
0x651: {  	v54 =	vor.u32 v30, v33;
	v55 =	vor.u32 s17, v28;
	[tilespmem:v46+s29+$0x0] =	vst.idx.msk $0xffff, v5;
	v5 =	vld.idx.msk [tilespmem:v48+s24+$0x0], $0xffff  }
0x652: {  	v56 =	vor.u32 v30, v32;
	v57 =	vor.u32 s19, v35;
	[tilespmem:v43+s29+$0x0] =	vst.idx.msk $0xffff, v44;
	v43 =	vmov v32;
	v32 =	vld [tilespmem:$0x1FEC0]  }
0x653: {  	v58 =	vor.u32 v22, v39;
	v46 =	vshll.u32 v0, $0x4;
	v47 =	vld.idx.msk [tilespmem:v63+s24+$0x0], $0xffff;
	v63 =	vor.u32 s16, v28  }
0x654: {  	v45 =	vshll.u32 v42, $0x4;
	[tilespmem:v61+s29+$0x0] =	vst.idx.msk $0xffff, v49;
	v49 =	vor.u32 s14, v35;
	v42 =	vld.idx.msk [tilespmem:v60+s24+$0x0], $0xffff;
	v61 =	vor.u32 v16, v46  }
0x655: {  	v52 =	vor.u32 v26, v38;
	v53 =	vor.u32 v18, v20;
	v60 =	vor.u32 s13, v17;
	[tilespmem:$0x1FE40] =	vst v61;
	v6 =	vld.idx.msk [tilespmem:v6+s24+$0x0], $0xffff  }
0x656: {  	v3 =	vor.u32 v62, v45;
	[tilespmem:v55+s29+$0x0] =	vst.idx.msk $0xffff, v4;
	v4 =	vld.idx.msk [tilespmem:v54+s24+$0x0], $0xffff;
	v54 =	vor.u32 s15, v19  }
0x657: {  	v0 =	vor.u32 v62, v40;
	[tilespmem:v57+s29+$0x0] =	vst.idx.msk $0xffff, v51;
	v51 =	vld.idx.msk [tilespmem:v56+s24+$0x0], $0xffff;
	v56 =	vor.u32 s18, v25  }
0x658: {  	v44 =	vshll.u32 v2, $0x4;
	v2 =	vor.u32 v22, v36;
	v57 =	vld.idx.msk [tilespmem:v58+s24+$0x0], $0xffff;
	[tilespmem:v63+s29+$0x0] =	vst.idx.msk $0xffff, v5;
	v5 =	vor.u32 s17, v25  }
0x659: {  	v48 =	vor.u32 s19, v23;
	v58 =	vor.u32 v12, v37;
	[tilespmem:v49+s29+$0x0] =	vst.idx.msk $0xffff, v42;
	v42 =	vmov v33;
	v33 =	vld [tilespmem:$0x1FED0]  }
0x65a: {  	v59 =	vor.u32 v62, v46;
	v61 =	vor.u32 v21, v39;
	[tilespmem:v60+s29+$0x0] =	vst.idx.msk $0xffff, v47;
	v1 =	vld.idx.msk [tilespmem:v1+s24+$0x0], $0xffff  }
0x65b: {  	s25 =	sadd.s32 $0x40, s25;
	s9 =	sadd.s32 $0x200, s9;
	v50 =	vor.u32 v32, v43;
	v47 =	vor.u32 s16, v25;
	v49 =	vld.idx.msk [tilespmem:v53+s24+$0x0], $0xffff;
	[tilespmem:v54+s29+$0x0] =	vst.idx.msk $0xffff, v6  }
0x65c: {  	s1 =	sand.u32 $0x70, s25;
	s26 =	sadd.s32 $0xFFFFFFF0, s25;
	s30 =	sand.u32 $0x3C00, s9;
	v55 =	vor.u32 v62, v44;
	v62 =	vor.u32 s13, v35;
	v0 =	vld.idx.msk [tilespmem:v0+s24+$0x0], $0xffff;
	[tilespmem:v56+s29+$0x0] =	vst.idx.msk $0xffff, v4  }
0x65d: {  	s11 =	sand.u32 $0x60, s26;
	s26 =	sor.u32 s30, s1;
	v2 =	vld.idx.msk [tilespmem:v2+s24+$0x0], $0xffff;
	v6 =	vor.u32 s14, v23;
	[tilespmem:v5+s29+$0x0] =	vst.idx.msk $0xffff, v51  }
0x65e: {  	s21 =	sor.u32 s30, s11;
	v54 =	vor.u32 v22, v20;
	v58 =	vld.idx.msk [tilespmem:v58+s24+$0x0], $0xffff;
	v51 =	vor.u32 s26, v24;
	[tilespmem:v48+s29+$0x0] =	vst.idx.msk $0xffff, v57  }
0x65f: {  	v63 =	vor.u32 v21, v36;
	v5 =	vor.u32 s21, v7;
	[tilespmem:$0x1FE50] =	vst v51;
	v51 =	vld.idx.msk [tilespmem:v52+s24+$0x0], $0xffff  }
0x660: {  	v48 =	vor.u32 v32, v34;
	[tilespmem:v47+s29+$0x0] =	vst.idx.msk $0xffff, v1;
	v1 =	vld.idx.msk [tilespmem:v50+s24+$0x0], $0xffff;
	v47 =	vor.u32 s15, v28  }
0x661: {  	v50 =	vor.u32 v30, v38;
	[tilespmem:v62+s29+$0x0] =	vst.idx.msk $0xffff, v49;
	v49 =	vor.u32 s17, v33;
	v57 =	vld.idx.msk [tilespmem:v61+s24+$0x0], $0xffff  }
0x662: {  	v59 =	vld.idx.msk [tilespmem:v59+s24+$0x0], $0xffff;
	[tilespmem:v6+s29+$0x0] =	vst.idx.msk $0xffff, v2;
	v6 =	vor.u32 s20, v13  }
0x663: {  	s2 =	sadd.s32 $0xFFFFFFD0, s25;
	v56 =	vor.u32 s13, v23;
	v61 =	vor.u32 v41, v43;
	v2 =	vld.idx.msk [tilespmem:v54+s24+$0x0], $0xffff  }
0x664: {  	s2 =	sand.u32 $0x40, s2;
	v60 =	vor.u32 v8, v40;
	v54 =	vld.idx.msk [tilespmem:v63+s24+$0x0], $0xffff;
	[tilespmem:v5+s29+$0x0] =	vst.idx.msk $0xffff, v0  }
0x665: {  	s2 =	sor.u32 s2, s30;
	v63 =	vor.u32 s19, v24;
	v48 =	vld.idx.msk [tilespmem:v48+s24+$0x0], $0xffff;
	[tilespmem:v47+s29+$0x0] =	vst.idx.msk $0xffff, v51  }
0x666: {  	v5 =	vor.u32 v14, v37;
	v47 =	vor.u32 s2, v7;
	[tilespmem:v49+s29+$0x0] =	vst.idx.msk $0xffff, v1;
	v1 =	vld.idx.msk [tilespmem:v50+s24+$0x0], $0xffff  }
0x667: {  	s7 =	sadd.s32 $0xFFFFFFE0, s25;
	v0 =	vor.u32 s14, v24;
	v49 =	vld.idx.msk [tilespmem:v55+s24+$0x0], $0xffff;
	[tilespmem:v6+s29+$0x0] =	vst.idx.msk $0xffff, v58  }
0x668: {  	s7 =	sand.u32 $0x50, s7;
	v50 =	vor.u32 v21, v20;
	v55 =	vld.idx.msk [tilespmem:v61+s24+$0x0], $0xffff;
	v6 =	vor.u32 s15, v25;
	[tilespmem:v56+s29+$0x0] =	vst.idx.msk $0xffff, v2  }
0x669: {  	s11 =	sor.u32 s30, s7;
	v53 =	vor.u32 v8, v46;
	v2 =	vor.u32 s16, v33;
	v58 =	vld.idx.msk [tilespmem:v60+s24+$0x0], $0xffff  }
0x66a: {  	v56 =	vor.u32 s11, v7;
	[tilespmem:v63+s29+$0x0] =	vst.idx.msk $0xffff, v57;
	v63 =	vld [tilespmem:$0x1FEF0]  }
0x66b: {  	v57 =	vor.u32 v32, v38;
	v5 =	vld.idx.msk [tilespmem:v5+s24+$0x0], $0xffff;
	[tilespmem:v47+s29+$0x0] =	vst.idx.msk $0xffff, v59;
	v47 =	vor.u32 s20, v15  }
0x66c: {  	v3 =	vld.idx.msk [tilespmem:v3+s24+$0x0], $0xffff;
	[tilespmem:v0+s29+$0x0] =	vst.idx.msk $0xffff, v54;
	v0 =	vor.u32 v41, v34;
	v59 =	vor.u32 s26, v7  }
0x66d: {  	v60 =	vor.u32 v16, v37;
	v50 =	vld.idx.msk [tilespmem:v50+s24+$0x0], $0xffff;
	[tilespmem:v6+s29+$0x0] =	vst.idx.msk $0xffff, v1  }
0x66e: {  	v4 =	vor.u32 v8, v45;
	v1 =	vld.idx.msk [tilespmem:v53+s24+$0x0], $0xffff;
	[tilespmem:v2+s29+$0x0] =	vst.idx.msk $0xffff, v48  }
0x66f: {  	[tilespmem:v56+s29+$0x0] =	vst.idx.msk $0xffff, v49;
	v49 =	vor.u32 v32, v42;
	v32 =	vld [tilespmem:$0x1FF00];
	v54 =	vor.u32 s17, v63  }
0x670: {  	v52 =	vor.u32 v8, v44;
	v53 =	vld.idx.msk [tilespmem:v57+s24+$0x0], $0xffff;
	[tilespmem:v47+s29+$0x0] =	vst.idx.msk $0xffff, v5  }
0x671: {  	v2 =	vor.u32 s2, v9;
	v6 =	vor.u32 v29, v36;
	v0 =	vld.idx.msk [tilespmem:v0+s24+$0x0], $0xffff;
	[tilespmem:v59+s29+$0x0] =	vst.idx.msk $0xffff, v3  }
0x672: {  	v48 =	vor.u32 s16, v63;
	v3 =	vld.idx.msk [tilespmem:v60+s24+$0x0], $0xffff  }
0x673: {  	v51 =	vor.u32 v10, v46;
	v47 =	vor.u32 s15, v33;
	v4 =	vld.idx.msk [tilespmem:v4+s24+$0x0], $0xffff  }
0x674: {  	v5 =	vor.u32 v32, v34;
	v34 =	vmovc v39;
	v60 =	vmov v46;
	v46 =	vor.u32 s20, v17;
	v39 =	vld [tilespmem:$0x1FF10];
	[tilespmem:v54+s29+$0x0] =	vst.idx.msk $0xffff, v55  }
0x675: {  	v54 =	vor.u32 s21, v9;
	v55 =	vor.u32 v41, v38;
	v52 =	vld.idx.msk [tilespmem:v52+s24+$0x0], $0xffff  }
0x676: {  	[tilespmem:v2+s29+$0x0] =	vst.idx.msk $0xffff, v1;
	v1 =	vor.u32 s11, v9;
	v2 =	vld.idx.msk [tilespmem:v6+s24+$0x0], $0xffff;
	v6 =	vor.u32 v18, v37  }
0x677: {  	v56 =	vor.u32 v10, v44;
	v57 =	vor.u32 s26, v9;
	[tilespmem:v48+s29+$0x0] =	vst.idx.msk $0xffff, v0;
	v0 =	vld.idx.msk [tilespmem:v49+s24+$0x0], $0xffff  }
0x678: {  	v62 =	vor.u32 v10, v45;
	v61 =	vor.u32 s18, v33;
	v49 =	vld.idx.msk [tilespmem:v51+s24+$0x0], $0xffff;
	[tilespmem:v47+s29+$0x0] =	vst.idx.msk $0xffff, v53  }
0x679: {  	v5 =	vld.idx.msk [tilespmem:v5+s24+$0x0], $0xffff;
	v51 =	vor.u32 s16, v39;
	[tilespmem:v46+s29+$0x0] =	vst.idx.msk $0xffff, v3  }
0x67a: {  	[tilespmem:v54+s29+$0x0] =	vst.idx.msk $0xffff, v58;
	v54 =	vor.u32 v41, v42;
	v3 =	vld.idx.msk [tilespmem:v55+s24+$0x0], $0xffff  }
0x67b: {  	v33 =	vor.u32 s13, v24;
	v47 =	vor.u32 v29, v34;
	s16 =	smov.u32 s19;
	s19 =	smov.u32 s2;
	[tilespmem:v1+s29+$0x0] =	vst.idx.msk $0xffff, v52;
	v6 =	vld.idx.msk [tilespmem:v6+s24+$0x0], $0xffff  }
0x67c: {  	v55 =	vor.u32 s19, v11;
	v1 =	vor.u32 v29, v20;
	[tilespmem:v57+s29+$0x0] =	vst.idx.msk $0xffff, v4;
	v56 =	vld.idx.msk [tilespmem:v56+s24+$0x0], $0xffff  }
0x67d: {  	v52 =	vor.u32 v12, v60;
	v4 =	vor.u32 s20, v35;
	[tilespmem:v61+s29+$0x0] =	vst.idx.msk $0xffff, v0;
	v58 =	vld.idx.msk [tilespmem:v62+s24+$0x0], $0xffff  }
0x67e: {  	v57 =	vor.u32 v10, v40;
	v0 =	vor.u32 s15, v63;
	[tilespmem:v51+s29+$0x0] =	vst.idx.msk $0xffff, v5;
	v51 =	vor.u32 v32, v42;
	v42 =	vld [tilespmem:$0x1FE50]  }
0x67f: {  	v62 =	vor.u32 s11, v11;
	v5 =	vld.idx.msk [tilespmem:v54+s24+$0x0], $0xffff  }
0x680: {  	v41 =	vor.u32 s26, v11;
	v46 =	vld.idx.msk [tilespmem:v47+s24+$0x0], $0xffff;
	[tilespmem:v33+s29+$0x0] =	vst.idx.msk $0xffff, v50  }
0x681: {  	v48 =	vor.u32 v27, v34;
	v61 =	vor.u32 v22, v37;
	[tilespmem:v55+s29+$0x0] =	vst.idx.msk $0xffff, v49;
	v1 =	vld.idx.msk [tilespmem:v1+s24+$0x0], $0xffff  }
0x682: {  	v53 =	vor.u32 s14, v31;
	v47 =	vor.u32 v32, v38;
	v54 =	vld.idx.msk [tilespmem:v52+s24+$0x0], $0xffff;
	[tilespmem:v4+s29+$0x0] =	vst.idx.msk $0xffff, v6  }
0x683: {  	v33 =	vmov v37;
	v50 =	vor.u32 v12, v44;
	v37 =	vmov v45;
	v6 =	vld.idx.msk [tilespmem:v57+s24+$0x0], $0xffff;
	[tilespmem:v0+s29+$0x0] =	vst.idx.msk $0xffff, v3  }
0x684: {  	v45 =	vor.u32 v27, v36;
	v55 =	vor.u32 s13, v31;
	[tilespmem:v62+s29+$0x0] =	vst.idx.msk $0xffff, v56;
	v62 =	vor.u32 v32, v43;
	v43 =	vld [tilespmem:$0x1FE40]  }
0x685: {  	v4 =	vor.u32 s19, v13;
	v57 =	vor.u32 v27, v20;
	[tilespmem:v41+s29+$0x0] =	vst.idx.msk $0xffff, v58;
	v41 =	vmov v34;
	v34 =	vld [tilespmem:$0x1FE60]  }
0x686: {  	v0 =	vor.u32 v14, v60;
	v3 =	vor.u32 s21, v11;
	v58 =	vld.idx.msk [tilespmem:v61+s24+$0x0], $0xffff  }
0x687: {  	s0 =	sadd.s32 $0x4, s0;
	v61 =	vor.u32 s20, v23;
	v49 =	vld.idx.msk [tilespmem:v47+s24+$0x0], $0xffff  }
0x688: {  	p0 =	slt.u32 s0, $0x7C;
	v63 =	vor.u32 s18, v63;
	v47 =	vld.idx.msk [tilespmem:v50+s24+$0x0], $0xffff;
	[tilespmem:v53+s29+$0x0] =	vst.idx.msk $0xffff, v2;
	v2 =	vor.u32 v21, v33  }
.Ltmp5:
0x689: {  	v59 =	vor.u32 s11, v13;
	v35 =	vmov v60;
	v38 =	vmov v33;
	v45 =	vld.idx.msk [tilespmem:v45+s24+$0x0], $0xffff;
	[tilespmem:v55+s29+$0x0] =	vst.idx.msk $0xffff, v1;
	(pc) =	sbr.rel @p0 .LBB2_12-.Ltmp5, $4  }
0x68a: {  	v52 =	vor.u32 s16, v31;
	v32 =	vmovc v36;
	v56 =	vor.u32 s15, v39;
	v36 =	vmov v44;
	[tilespmem:v4+s29+$0x0] =	vst.idx.msk $0xffff, v54;
	v50 =	vld.idx.msk [tilespmem:v57+s24+$0x0], $0xffff  }
0x68b: {  	v33 =	vmov v20;
	v20 =	vmov v40;
	v53 =	vor.u32 v14, v36;
	v44 =	vld.idx.msk [tilespmem:v0+s24+$0x0], $0xffff;
	[tilespmem:v3+s29+$0x0] =	vst.idx.msk $0xffff, v6  }
0x68c: {  	v60 =	vor.u32 v12, v20;
	v55 =	vor.u32 v26, v33;
	v40 =	vld.idx.msk [tilespmem:v62+s24+$0x0], $0xffff;
	[tilespmem:v61+s29+$0x0] =	vst.idx.msk $0xffff, v58  }
0x68d: {  	s15 =	smov.u32 s20;
	s20 =	smov.u32 s26;
	v57 =	vor.u32 s13, v19;
	v62 =	vlaneseq.u32;
	[tilespmem:v63+s29+$0x0] =	vst.idx.msk $0xffff, v5;
	v58 =	vor.u32 s19, v15;
	v54 =	vld.idx.msk [tilespmem:v2+s24+$0x0], $0xffff  }
0x68e: {  	_ =	sdelay $0x3  }
0x68f: {  	v0 =	vor.u32 v12, v37;
	[tilespmem:v52+s29+$0x0] =	vst.idx.msk $0xffff, v46  }
0x690: {  	[tilespmem:v56+s29+$0x0] =	vst.idx.msk $0xffff, v49  }
0x691: {  	[tilespmem:v59+s29+$0x0] =	vst.idx.msk $0xffff, v47;
	v2 =	vld.idx.msk [tilespmem:v60+s24+$0x0], $0xffff  }
0x692: {  	v3 =	vor.u32 s21, v13;
	v52 =	vld [tilespmem:$0x1FF10]  }
0x693: {  	v47 =	vor.u32 s14, v19  }
0x694: {  	v1 =	vor.u32 s20, v13;
	[tilespmem:v57+s29+$0x0] =	vst.idx.msk $0xffff, v50;
	v0 =	vld.idx.msk [tilespmem:v0+s24+$0x0], $0xffff  }
0x695: {  	v4 =	vor.u32 v14, v37;
	v56 =	vld.idx.msk [tilespmem:v53+s24+$0x0], $0xffff;
	v57 =	vor.u32 s11, v15;
	[tilespmem:v58+s29+$0x0] =	vst.idx.msk $0xffff, v44  }
0x696: {  	v63 =	vor.u32 v14, v20;
	v59 =	vor.u32 s13, v28;
	v58 =	vld.idx.msk [tilespmem:v55+s24+$0x0], $0xffff;
	[tilespmem:v34+s29+$0x0] =	vst.idx.msk $0xffff, v54  }
0x697: {  	v5 =	vld.idx.msk [tilespmem:v51+s24+$0x0], $0xffff;
	[tilespmem:v3+s29+$0x0] =	vst.idx.msk $0xffff, v2;
	v6 =	vor.u32 s18, v52  }
0x698: {  	v60 =	vor.u32 s16, v19;
	v44 =	vld.idx.msk [tilespmem:v48+s24+$0x0], $0xffff;
	[tilespmem:v47+s29+$0x0] =	vst.idx.msk $0xffff, v45  }
0x699: {  	v39 =	vor.u32 s17, v52;
	[tilespmem:v1+s29+$0x0] =	vst.idx.msk $0xffff, v0  }
0x69a: {  	v2 =	vor.u32 s20, v15;
	[tilespmem:v57+s29+$0x0] =	vst.idx.msk $0xffff, v56;
	v1 =	vld.idx.msk [tilespmem:v4+s24+$0x0], $0xffff  }
0x69b: {  	v3 =	vld.idx.msk [tilespmem:v63+s24+$0x0], $0xffff;
	[tilespmem:v59+s29+$0x0] =	vst.idx.msk $0xffff, v58;
	v0 =	vor.u32 v16, v36;
	v4 =	vor.u32 s21, v15  }
0x69c: {  	[tilespmem:v6+s29+$0x0] =	vst.idx.msk $0xffff, v5;
	v5 =	vor.u32 v16, v37;
	v6 =	vld.idx.msk [tilespmem:v43+s24+$0x0], $0xffff;
	v43 =	vor.u32 s19, v17  }
0x69d: {  	[tilespmem:v60+s29+$0x0] =	vst.idx.msk $0xffff, v44  }
0x69e: {  	[tilespmem:v39+s29+$0x0] =	vst.idx.msk $0xffff, v40;
	v40 =	vor.u32 v16, v20  }
0x69f: {  	v39 =	vor.u32 v29, v38;
	[tilespmem:v2+s29+$0x0] =	vst.idx.msk $0xffff, v1  }
0x6a0: {  	v63 =	vor.u32 v26, v32;
	v0 =	vld.idx.msk [tilespmem:v0+s24+$0x0], $0xffff;
	[tilespmem:v4+s29+$0x0] =	vst.idx.msk $0xffff, v3  }
0x6a1: {  	v55 =	vor.u32 v26, v41;
	v54 =	vor.u32 s11, v17;
	[tilespmem:v43+s29+$0x0] =	vst.idx.msk $0xffff, v6;
	v2 =	vld.idx.msk [tilespmem:v5+s24+$0x0], $0xffff  }
0x6a2: {  	v53 =	vor.u32 v18, v35;
	v3 =	vor.u32 s20, v17;
	v57 =	vld [tilespmem:$0x1FF40]  }
0x6a3: {  	v6 =	vor.u32 v18, v37;
	v4 =	vld.idx.msk [tilespmem:v40+s24+$0x0], $0xffff;
	v5 =	vor.u32 s21, v17  }
0x6a4: {  	v45 =	vor.u32 v18, v20;
	v43 =	vor.u32 s15, v31;
	v40 =	vld.idx.msk [tilespmem:v39+s24+$0x0], $0xffff  }
0x6a5: {  	v46 =	vor.u32 v18, v36;
	v60 =	vor.u32 s14, v28;
	v44 =	vld.idx.msk [tilespmem:v63+s24+$0x0], $0xffff  }
0x6a6: {  	v63 =	vor.u32 v27, v38;
	v1 =	vld.idx.msk [tilespmem:v55+s24+$0x0], $0xffff;
	v55 =	vor.u32 s16, v28;
	[tilespmem:v54+s29+$0x0] =	vst.idx.msk $0xffff, v0  }
0x6a7: {  	v56 =	vmov v35;
	v35 =	vld.idx.msk [tilespmem:v53+s24+$0x0], $0xffff;
	v54 =	vor.u32 v30, v33;
	v53 =	vor.u32 s19, v57;
	[tilespmem:v3+s29+$0x0] =	vst.idx.msk $0xffff, v2  }
0x6a8: {  	v58 =	vor.u32 v22, v56;
	[tilespmem:v5+s29+$0x0] =	vst.idx.msk $0xffff, v4;
	v4 =	vor.u32 s20, v57;
	v3 =	vld.idx.msk [tilespmem:v6+s24+$0x0], $0xffff  }
0x6a9: {  	[tilespmem:v43+s29+$0x0] =	vst.idx.msk $0xffff, v40;
	v40 =	vor.u32 v22, v37;
	v5 =	vld.idx.msk [tilespmem:v45+s24+$0x0], $0xffff;
	v6 =	vor.u32 s21, v57  }
0x6aa: {  	[tilespmem:v60+s29+$0x0] =	vst.idx.msk $0xffff, v44;
	v44 =	vor.u32 v22, v20;
	v43 =	vld.idx.msk [tilespmem:v46+s24+$0x0], $0xffff;
	v45 =	vor.u32 s11, v57  }
0x6ab: {  	v60 =	vor.u32 v22, v36;
	[tilespmem:v55+s29+$0x0] =	vst.idx.msk $0xffff, v1;
	v59 =	vld.idx.msk [tilespmem:v63+s24+$0x0], $0xffff;
	v63 =	vor.u32 s15, v19  }
0x6ac: {  	v34 =	vmov v41;
	v0 =	vld.idx.msk [tilespmem:v54+s24+$0x0], $0xffff;
	[tilespmem:v53+s29+$0x0] =	vst.idx.msk $0xffff, v35;
	v35 =	vor.u32 v30, v32;
	v53 =	vor.u32 s13, v25  }
0x6ad: {  	v55 =	vor.u32 s19, v23;
	v54 =	vor.u32 v30, v34;
	v2 =	vld.idx.msk [tilespmem:v58+s24+$0x0], $0xffff;
	[tilespmem:v4+s29+$0x0] =	vst.idx.msk $0xffff, v3  }
0x6ae: {  	[tilespmem:v6+s29+$0x0] =	vst.idx.msk $0xffff, v5;
	v5 =	vor.u32 s20, v23;
	v4 =	vld.idx.msk [tilespmem:v40+s24+$0x0], $0xffff  }
0x6af: {  	[tilespmem:v45+s29+$0x0] =	vst.idx.msk $0xffff, v43;
	v6 =	vld.idx.msk [tilespmem:v44+s24+$0x0], $0xffff;
	v40 =	vor.u32 s21, v23  }
0x6b0: {  	[tilespmem:v63+s29+$0x0] =	vst.idx.msk $0xffff, v59;
	v45 =	vor.u32 s11, v23;
	v44 =	vld.idx.msk [tilespmem:v60+s24+$0x0], $0xffff  }
0x6b1: {  	v59 =	vor.u32 s14, v25;
	v41 =	vld.idx.msk [tilespmem:v35+s24+$0x0], $0xffff;
	[tilespmem:v53+s29+$0x0] =	vst.idx.msk $0xffff, v0  }
0x6b2: {  	v58 =	vor.u32 v21, v56;
	v1 =	vld.idx.msk [tilespmem:v54+s24+$0x0], $0xffff;
	v35 =	vor.u32 s16, v25;
	[tilespmem:v55+s29+$0x0] =	vst.idx.msk $0xffff, v2  }
0x6b3: {  	v53 =	vld [tilespmem:$0x1FEC0];
	[tilespmem:v5+s29+$0x0] =	vst.idx.msk $0xffff, v4  }
0x6b4: {  	v43 =	vor.u32 v21, v37;
	[tilespmem:v40+s29+$0x0] =	vst.idx.msk $0xffff, v6  }
0x6b5: {  	v46 =	vor.u32 v21, v20;
	[tilespmem:v45+s29+$0x0] =	vst.idx.msk $0xffff, v44  }
0x6b6: {  	v60 =	vor.u32 v21, v36;
	[tilespmem:v59+s29+$0x0] =	vst.idx.msk $0xffff, v41  }
0x6b7: {  	v63 =	vor.u32 v26, v38;
	v3 =	vld.idx.msk [tilespmem:v58+s24+$0x0], $0xffff;
	[tilespmem:v35+s29+$0x0] =	vst.idx.msk $0xffff, v1  }
0x6b8: {  	v58 =	vor.u32 s19, v24;
	v54 =	vld [tilespmem:$0x1FED0];
	v55 =	vor.u32 v53, v32  }
0x6b9: {  	v4 =	vor.u32 v29, v56;
	v5 =	vld.idx.msk [tilespmem:v43+s24+$0x0], $0xffff  }
0x6ba: {  	v40 =	vor.u32 s21, v24;
	v6 =	vld.idx.msk [tilespmem:v46+s24+$0x0], $0xffff;
	v43 =	vor.u32 v29, v37  }
0x6bb: {  	v61 =	vmov v37;
	v0 =	vld.idx.msk [tilespmem:v60+s24+$0x0], $0xffff;
	v37 =	vor.u32 s11, v24;
	v59 =	vor.u32 v29, v20  }
0x6bc: {  	v45 =	vld.idx.msk [tilespmem:v63+s24+$0x0], $0xffff;
	v63 =	vor.u32 v29, v36;
	v60 =	vor.u32 s15, v28  }
0x6bd: {  	v35 =	vor.u32 v30, v38;
	[tilespmem:v58+s29+$0x0] =	vst.idx.msk $0xffff, v3;
	v2 =	vld.idx.msk [tilespmem:v55+s24+$0x0], $0xffff;
	v55 =	vor.u32 s14, v54  }
0x6be: {  	v49 =	vor.u32 s19, v31;
	v4 =	vld.idx.msk [tilespmem:v4+s24+$0x0], $0xffff;
	[tilespmem:v42+s29+$0x0] =	vst.idx.msk $0xffff, v5  }
0x6bf: {  	[tilespmem:v40+s29+$0x0] =	vst.idx.msk $0xffff, v6;
	v40 =	vor.u32 s20, v31;
	v6 =	vld.idx.msk [tilespmem:v43+s24+$0x0], $0xffff  }
0x6c0: {  	[tilespmem:v37+s29+$0x0] =	vst.idx.msk $0xffff, v0;
	v0 =	vld.idx.msk [tilespmem:v59+s24+$0x0], $0xffff;
	v59 =	vor.u32 s21, v31  }
0x6c1: {  	[tilespmem:v60+s29+$0x0] =	vst.idx.msk $0xffff, v45;
	v1 =	vld.idx.msk [tilespmem:v63+s24+$0x0], $0xffff;
	v43 =	vor.u32 s11, v31  }
0x6c2: {  	v58 =	vor.u32 v53, v34;
	v45 =	vor.u32 s15, v25;
	[tilespmem:v55+s29+$0x0] =	vst.idx.msk $0xffff, v2;
	v2 =	vld.idx.msk [tilespmem:v35+s24+$0x0], $0xffff  }
0x6c3: {  	v55 =	vmov v32;
	v32 =	vld [tilespmem:$0x1FEE0];
	[tilespmem:v49+s29+$0x0] =	vst.idx.msk $0xffff, v4  }
0x6c4: {  	v5 =	vor.u32 v27, v56;
	[tilespmem:v40+s29+$0x0] =	vst.idx.msk $0xffff, v6  }
0x6c5: {  	v39 =	vor.u32 v27, v61;
	[tilespmem:v59+s29+$0x0] =	vst.idx.msk $0xffff, v0  }
0x6c6: {  	v60 =	vor.u32 v27, v20;
	[tilespmem:v43+s29+$0x0] =	vst.idx.msk $0xffff, v1  }
0x6c7: {  	v63 =	vor.u32 v27, v36;
	v3 =	vld.idx.msk [tilespmem:v58+s24+$0x0], $0xffff;
	[tilespmem:v45+s29+$0x0] =	vst.idx.msk $0xffff, v2  }
0x6c8: {  	v58 =	vor.u32 s16, v54;
	v35 =	vor.u32 v32, v55;
	v50 =	vld [tilespmem:$0x1FEF0]  }
0x6c9: {  	v49 =	vor.u32 s19, v19;
	v5 =	vld.idx.msk [tilespmem:v5+s24+$0x0], $0xffff;
	v4 =	vor.u32 v32, v34  }
0x6ca: {  	v59 =	vor.u32 v26, v56;
	v40 =	vor.u32 s20, v19;
	v6 =	vld.idx.msk [tilespmem:v39+s24+$0x0], $0xffff  }
0x6cb: {  	v1 =	vld.idx.msk [tilespmem:v60+s24+$0x0], $0xffff;
	v60 =	vor.u32 s21, v19;
	v39 =	vor.u32 v26, v61  }
0x6cc: {  	v44 =	vor.u32 s11, v19;
	v43 =	vor.u32 v26, v20;
	v2 =	vld.idx.msk [tilespmem:v63+s24+$0x0], $0xffff  }
0x6cd: {  	v63 =	vor.u32 v26, v36;
	[tilespmem:v58+s29+$0x0] =	vst.idx.msk $0xffff, v3;
	v45 =	vld.idx.msk [tilespmem:v35+s24+$0x0], $0xffff;
	v46 =	vor.u32 s14, v50  }
0x6ce: {  	[tilespmem:v49+s29+$0x0] =	vst.idx.msk $0xffff, v5;
	v35 =	vor.u32 v53, v38;
	v4 =	vld.idx.msk [tilespmem:v4+s24+$0x0], $0xffff;
	v58 =	vor.u32 s16, v50  }
0x6cf: {  	[tilespmem:v40+s29+$0x0] =	vst.idx.msk $0xffff, v6;
	v0 =	vld.idx.msk [tilespmem:v59+s24+$0x0], $0xffff  }
0x6d0: {  	v5 =	vor.u32 v53, v33;
	[tilespmem:v60+s29+$0x0] =	vst.idx.msk $0xffff, v1;
	v59 =	vor.u32 s19, v28;
	v6 =	vld.idx.msk [tilespmem:v39+s24+$0x0], $0xffff  }
0x6d1: {  	v60 =	vor.u32 v30, v56;
	v40 =	vor.u32 s20, v28;
	v41 =	vld.idx.msk [tilespmem:v43+s24+$0x0], $0xffff;
	[tilespmem:v44+s29+$0x0] =	vst.idx.msk $0xffff, v2  }
0x6d2: {  	v42 =	vor.u32 s21, v28;
	v39 =	vor.u32 v30, v61;
	v3 =	vld.idx.msk [tilespmem:v63+s24+$0x0], $0xffff;
	[tilespmem:v46+s29+$0x0] =	vst.idx.msk $0xffff, v45  }
0x6d3: {  	v43 =	vor.u32 v30, v20;
	v63 =	vor.u32 s11, v28;
	v45 =	vld.idx.msk [tilespmem:v35+s24+$0x0], $0xffff;
	[tilespmem:v58+s29+$0x0] =	vst.idx.msk $0xffff, v4  }
0x6d4: {  	v46 =	vor.u32 s15, v54;
	v51 =	vld [tilespmem:$0x1FF00]  }
0x6d5: {  	v5 =	vld.idx.msk [tilespmem:v5+s24+$0x0], $0xffff;
	v4 =	vor.u32 v30, v36;
	v58 =	vor.u32 s13, v54;
	[tilespmem:v59+s29+$0x0] =	vst.idx.msk $0xffff, v0  }
0x6d6: {  	v59 =	vor.u32 v32, v38;
	[tilespmem:v40+s29+$0x0] =	vst.idx.msk $0xffff, v6;
	v1 =	vld.idx.msk [tilespmem:v60+s24+$0x0], $0xffff;
	v60 =	vor.u32 s19, v25  }
0x6d7: {  	[tilespmem:v42+s29+$0x0] =	vst.idx.msk $0xffff, v41;
	v6 =	vor.u32 v53, v56;
	v40 =	vor.u32 s20, v25;
	v2 =	vld.idx.msk [tilespmem:v39+s24+$0x0], $0xffff  }
0x6d8: {  	[tilespmem:v63+s29+$0x0] =	vst.idx.msk $0xffff, v3;
	v63 =	vor.u32 s21, v25;
	v3 =	vld.idx.msk [tilespmem:v43+s24+$0x0], $0xffff;
	v39 =	vor.u32 v53, v61  }
0x6d9: {  	[tilespmem:v46+s29+$0x0] =	vst.idx.msk $0xffff, v45;
	v35 =	vor.u32 v51, v34  }
0x6da: {  	v44 =	vor.u32 v53, v20;
	v43 =	vor.u32 s11, v25;
	v4 =	vld.idx.msk [tilespmem:v4+s24+$0x0], $0xffff;
	[tilespmem:v58+s29+$0x0] =	vst.idx.msk $0xffff, v5  }
0x6db: {  	v5 =	vor.u32 v53, v36;
	v0 =	vld.idx.msk [tilespmem:v59+s24+$0x0], $0xffff;
	[tilespmem:v60+s29+$0x0] =	vst.idx.msk $0xffff, v1  }
0x6dc: {  	v58 =	vor.u32 v32, v33;
	v59 =	vor.u32 s15, v50;
	[tilespmem:v40+s29+$0x0] =	vst.idx.msk $0xffff, v2;
	v6 =	vld.idx.msk [tilespmem:v6+s24+$0x0], $0xffff  }
0x6dd: {  	v34 =	vor.u32 s19, v54;
	[tilespmem:v63+s29+$0x0] =	vst.idx.msk $0xffff, v3;
	v63 =	vld.idx.msk [tilespmem:v39+s24+$0x0], $0xffff  }
0x6de: {  	v49 =	vor.u32 s16, v52;
	v60 =	vor.u32 v51, v38;
	v35 =	vld.idx.msk [tilespmem:v35+s24+$0x0], $0xffff  }
0x6df: {  	v2 =	vor.u32 v32, v56;
	v38 =	vor.u32 s20, v54;
	v41 =	vld.idx.msk [tilespmem:v44+s24+$0x0], $0xffff;
	[tilespmem:v43+s29+$0x0] =	vst.idx.msk $0xffff, v4  }
0x6e0: {  	v48 =	vor.u32 s11, v54;
	v4 =	vor.u32 v32, v61;
	v5 =	vld.idx.msk [tilespmem:v5+s24+$0x0], $0xffff  }
0x6e1: {  	v44 =	vld.idx.msk [tilespmem:v58+s24+$0x0], $0xffff;
	v58 =	vor.u32 v32, v36;
	[tilespmem:v59+s29+$0x0] =	vst.idx.msk $0xffff, v0;
	v0 =	vor.u32 s13, v50  }
0x6e2: {  	v39 =	vor.u32 s21, v54;
	v59 =	vor.u32 v51, v33;
	[tilespmem:v34+s29+$0x0] =	vst.idx.msk $0xffff, v6  }
0x6e3: {  	v1 =	vld.idx.msk [tilespmem:v60+s24+$0x0], $0xffff;
	[tilespmem:v49+s29+$0x0] =	vst.idx.msk $0xffff, v35;
	v49 =	vor.u32 v32, v20  }
0x6e4: {  	v60 =	vor.u32 s15, v52;
	[tilespmem:v38+s29+$0x0] =	vst.idx.msk $0xffff, v63;
	v2 =	vld.idx.msk [tilespmem:v2+s24+$0x0], $0xffff  }
0x6e5: {  	v33 =	vor.u32 s19, v50;
	v6 =	vor.u32 v51, v55;
	v4 =	vld.idx.msk [tilespmem:v4+s24+$0x0], $0xffff;
	[tilespmem:v48+s29+$0x0] =	vst.idx.msk $0xffff, v5  }
0x6e6: {  	v47 =	vor.u32 s20, v50;
	v63 =	vor.u32 v51, v56;
	[tilespmem:v0+s29+$0x0] =	vst.idx.msk $0xffff, v44;
	v55 =	vld.idx.msk [tilespmem:v58+s24+$0x0], $0xffff  }
0x6e7: {  	v37 =	vmov v36;
	[tilespmem:v39+s29+$0x0] =	vst.idx.msk $0xffff, v41;
	v39 =	vor.u32 s11, v50;
	v48 =	vor.u32 v51, v61;
	v32 =	vld.idx.msk [tilespmem:v59+s24+$0x0], $0xffff  }
0x6e8: {  	v59 =	vor.u32 v51, v37;
	v5 =	vld.idx.msk [tilespmem:v49+s24+$0x0], $0xffff;
	v49 =	vor.u32 s21, v50  }
0x6e9: {  	v56 =	vor.u32 v51, v20;
	v58 =	vor.u32 s13, v52;
	[tilespmem:v60+s29+$0x0] =	vst.idx.msk $0xffff, v1  }
0x6ea: {  	v60 =	vor.u32 s14, v52;
	v6 =	vld.idx.msk [tilespmem:v6+s24+$0x0], $0xffff;
	[tilespmem:v33+s29+$0x0] =	vst.idx.msk $0xffff, v2  }
0x6eb: {  	v61 =	vor.u32 s19, v52;
	v2 =	vld.idx.msk [tilespmem:v63+s24+$0x0], $0xffff;
	[tilespmem:v47+s29+$0x0] =	vst.idx.msk $0xffff, v4  }
0x6ec: {  	v63 =	vor.u32 s20, v52;
	v4 =	vld.idx.msk [tilespmem:v48+s24+$0x0], $0xffff;
	[tilespmem:v39+s29+$0x0] =	vst.idx.msk $0xffff, v55  }
0x6ed: {  	v41 =	vor.u32 s11, v52;
	v1 =	vld.idx.msk [tilespmem:v59+s24+$0x0], $0xffff;
	[tilespmem:v49+s29+$0x0] =	vst.idx.msk $0xffff, v5  }
0x6ee: {  	[tilespmem:v58+s29+$0x0] =	vst.idx.msk $0xffff, v32;
	v5 =	vor.u32 s21, v52;
	v39 =	vld.idx.msk [tilespmem:v56+s24+$0x0], $0xffff  }
0x6ef: {  	[tilespmem:v60+s29+$0x0] =	vst.idx.msk $0xffff, v6  }
0x6f0: {  	[tilespmem:v61+s29+$0x0] =	vst.idx.msk $0xffff, v2  }
0x6f1: {  	[tilespmem:v63+s29+$0x0] =	vst.idx.msk $0xffff, v4  }
0x6f2: {  	[tilespmem:v41+s29+$0x0] =	vst.idx.msk $0xffff, v1  }
0x6f3: {  	[tilespmem:v5+s29+$0x0] =	vst.idx.msk $0xffff, v39  }
0x6f4: {  	s0 =	simm.s32 $0x0;
	s1 =	rddreg [dreg:$0xd]  }
0x6f5: {  	[hbm4b:s1+s0] =	stream.linear.scatter [tilespmem:s29], [sflag:$0x3], $0x4000, $0x38;
	[tilespmem:$0x11CD0] =	vst v63  }
0x6f6: {  	s2 =	simm.s32 $0x5000;
	s18 =	rddreg [dreg:$0xe]  }
0x6f7: {  	[hbm4b:s18+s0] =	stream.linear.scatter [tilespmem:s2], [sflag:$0x3], $0x4000, $0x38;
	[tilespmem:$0x11CD0] =	vst v63  }
0x6f8: {  	_ =	swait.ge [sflag:s31], $0x800  }
0x6f9: {  	[sflag:s31] =	ssyncset.done $0x0  }
0x6fa: {  	[sflag:s31] =	ssyncadd.s32 $0xFFFFF800  }
0x6fb: {  	_ =	swait.ge [sflag:s8], $0x4000  }
0x6fc: {  	[sflag:s8] =	ssyncset.done $0x0  }
0x6fd: {  	[sflag:s8] =	ssyncadd.s32 $0xFFFFC000  }
0x6fe: {  	_ =	swait.ge [sflag:s8], $0x4000  }
0x6ff: {  	[sflag:s8] =	ssyncset.done $0x0  }
0x700: {  	s19 =	simm.s32 $0x830;
	[sflag:s8] =	ssyncadd.s32 $0xFFFFC000  }
0x701: {  	v42 =	vld [tilespmem:s19+$0xFFFFFFD0];
	_ =	sdelay $0x2  }
0x702: {  	v45 =	vld [tilespmem:s19+$0xFFFFFFE0]  }
0x703: {  	v43 =	vld [tilespmem:s19+$0x0]  }
0x704: {  	v44 =	vld [tilespmem:s19+$0xFFFFFFF0];
	v33 =	vshll.u32 v42, $0x4  }
0x705: {  	v0 =	vor.u32 v62, v33  }
0x706: {  	s20 =	simm.s32 $0x0  }
0x707: {  	s0 =	sand.u32 $0x3C00, s0;
	s2 =	sand.u32 $0x40, s20;
	v35 =	vshll.u32 v45, $0x4  }
0x708: {  	s22 =	simm.s32 $0x30;
	s25 =	simm.s32 $0x20;
	s21 =	sor.u32 s2, s0;
	v34 =	vshll.u32 v43, $0x4;
	v3 =	vor.u32 v62, v35  }
0x709: {  	s30 =	simm.s32 $0x10;
	s1 =	sand.u32 $0x70, s22;
	s15 =	sor.u32 $0x8000, s21;
	v32 =	vshll.u32 v44, $0x4;
	v1 =	vor.u32 v62, v34  }
0x70a: {  	s26 =	sand.u32 $0x60, s25;
	s1 =	sor.u32 s1, s0;
	s2 =	sand.u32 $0x50, s30;
	v4 =	vor.u32 s15, v7;
	v2 =	vor.u32 v62, v32;
	v0 =	vld.idx.msk [tilespmem:v0+s24+$0x0], $0xffff  }
0x70b: {  	s13 =	sor.u32 $0x8000, s1;
	s1 =	sor.u32 s26, s0;
	s0 =	sor.u32 s2, s0;
	v5 =	vor.u32 v8, v33  }
0x70c: {  	s16 =	sor.u32 $0x8000, s0  }
0x70d: {  	v49 =	vor.u32 s16, v7;
	v3 =	vld.idx.msk [tilespmem:v3+s24+$0x0], $0xffff  }
0x70e: {  	v6 =	vor.u32 s13, v7;
	s14 =	sor.u32 $0x8000, s1;
	v51 =	vor.u32 v8, v35;
	v1 =	vld.idx.msk [tilespmem:v1+s24+$0x0], $0xffff  }
0x70f: {  	v48 =	vor.u32 s14, v7;
	v46 =	vor.u32 v8, v34;
	v2 =	vld.idx.msk [tilespmem:v2+s24+$0x0], $0xffff;
	[tilespmem:v4+s29+$0x0] =	vst.idx.msk $0xffff, v0  }
0x710: {  	v50 =	vor.u32 v8, v32;
	v4 =	vld.idx.msk [tilespmem:v5+s24+$0x0], $0xffff;
	v5 =	vor.u32 s15, v9  }
0x711: {  	v47 =	vor.u32 v10, v33  }
0x712: {  	[tilespmem:v49+s29+$0x0] =	vst.idx.msk $0xffff, v3  }
0x713: {  	v60 =	vor.u32 s16, v9;
	[tilespmem:v6+s29+$0x0] =	vst.idx.msk $0xffff, v1;
	v59 =	vld.idx.msk [tilespmem:v51+s24+$0x0], $0xffff  }
0x714: {  	v52 =	vor.u32 s13, v9;
	v63 =	vor.u32 v10, v35;
	[tilespmem:v48+s29+$0x0] =	vst.idx.msk $0xffff, v2;
	v0 =	vld.idx.msk [tilespmem:v46+s24+$0x0], $0xffff  }
0x715: {  	v58 =	vor.u32 s14, v9;
	v56 =	vld.idx.msk [tilespmem:v50+s24+$0x0], $0xffff;
	[tilespmem:v5+s29+$0x0] =	vst.idx.msk $0xffff, v4;
	v4 =	vor.u32 v10, v34  }
0x716: {  	v61 =	vor.u32 v10, v32;
	v6 =	vor.u32 s15, v11;
	v5 =	vld.idx.msk [tilespmem:v47+s24+$0x0], $0xffff  }
0x717: {  	v55 =	vor.u32 v12, v33  }
0x718: {  	[tilespmem:v60+s29+$0x0] =	vst.idx.msk $0xffff, v59  }
0x719: {  	[tilespmem:v52+s29+$0x0] =	vst.idx.msk $0xffff, v0;
	v37 =	vld.idx.msk [tilespmem:v63+s24+$0x0], $0xffff;
	v47 =	vor.u32 s16, v11  }
0x71a: {  	v44 =	vor.u32 s13, v11;
	v49 =	vor.u32 v12, v35;
	[tilespmem:v58+s29+$0x0] =	vst.idx.msk $0xffff, v56;
	v0 =	vld.idx.msk [tilespmem:v4+s24+$0x0], $0xffff  }
0x71b: {  	v46 =	vor.u32 s14, v11;
	v4 =	vor.u32 v12, v34;
	[tilespmem:v6+s29+$0x0] =	vst.idx.msk $0xffff, v5;
	v6 =	vld.idx.msk [tilespmem:v61+s24+$0x0], $0xffff  }
0x71c: {  	v48 =	vor.u32 v12, v32;
	v5 =	vor.u32 s15, v13;
	v2 =	vld.idx.msk [tilespmem:v55+s24+$0x0], $0xffff  }
0x71d: {  	v45 =	vor.u32 v14, v33  }
0x71e: {  	[tilespmem:v47+s29+$0x0] =	vst.idx.msk $0xffff, v37  }
0x71f: {  	v37 =	vld.idx.msk [tilespmem:v49+s24+$0x0], $0xffff;
	v55 =	vor.u32 s16, v13;
	[tilespmem:v44+s29+$0x0] =	vst.idx.msk $0xffff, v0  }
0x720: {  	v50 =	vor.u32 s13, v13;
	v58 =	vor.u32 v14, v35;
	v0 =	vld.idx.msk [tilespmem:v4+s24+$0x0], $0xffff;
	[tilespmem:v46+s29+$0x0] =	vst.idx.msk $0xffff, v6  }
0x721: {  	v51 =	vor.u32 v14, v34;
	v52 =	vor.u32 s14, v13;
	[tilespmem:v5+s29+$0x0] =	vst.idx.msk $0xffff, v2;
	v6 =	vld.idx.msk [tilespmem:v48+s24+$0x0], $0xffff  }
0x722: {  	v56 =	vor.u32 v14, v32;
	v4 =	vor.u32 s15, v15;
	v3 =	vld.idx.msk [tilespmem:v45+s24+$0x0], $0xffff  }
0x723: {  	v5 =	vor.u32 v16, v33  }
0x724: {  	[tilespmem:v55+s29+$0x0] =	vst.idx.msk $0xffff, v37  }
0x725: {  	v63 =	vor.u32 s16, v15;
	v37 =	vld.idx.msk [tilespmem:v58+s24+$0x0], $0xffff;
	[tilespmem:v50+s29+$0x0] =	vst.idx.msk $0xffff, v0  }
0x726: {  	v59 =	vor.u32 s13, v15;
	v45 =	vor.u32 v16, v35;
	v0 =	vld.idx.msk [tilespmem:v51+s24+$0x0], $0xffff;
	[tilespmem:v52+s29+$0x0] =	vst.idx.msk $0xffff, v6  }
0x727: {  	v60 =	vor.u32 v16, v34;
	v61 =	vor.u32 s14, v15;
	[tilespmem:v4+s29+$0x0] =	vst.idx.msk $0xffff, v3;
	v6 =	vld.idx.msk [tilespmem:v56+s24+$0x0], $0xffff  }
0x728: {  	v44 =	vor.u32 v16, v32;
	v4 =	vor.u32 s15, v17;
	v3 =	vld.idx.msk [tilespmem:v5+s24+$0x0], $0xffff  }
0x729: {  	v5 =	vor.u32 v18, v33  }
0x72a: {  	[tilespmem:v63+s29+$0x0] =	vst.idx.msk $0xffff, v37  }
0x72b: {  	v50 =	vor.u32 s16, v17;
	v38 =	vld.idx.msk [tilespmem:v45+s24+$0x0], $0xffff;
	[tilespmem:v59+s29+$0x0] =	vst.idx.msk $0xffff, v0  }
0x72c: {  	v46 =	vor.u32 s13, v17;
	v0 =	vld.idx.msk [tilespmem:v60+s24+$0x0], $0xffff;
	[tilespmem:v61+s29+$0x0] =	vst.idx.msk $0xffff, v6  }
0x72d: {  	v48 =	vor.u32 s14, v17;
	v51 =	vor.u32 v18, v35;
	[tilespmem:v4+s29+$0x0] =	vst.idx.msk $0xffff, v3;
	v6 =	vld.idx.msk [tilespmem:v44+s24+$0x0], $0xffff  }
0x72e: {  	v49 =	vor.u32 v18, v32;
	v4 =	vor.u32 s15, v57;
	v3 =	vld.idx.msk [tilespmem:v5+s24+$0x0], $0xffff  }
0x72f: {  	v5 =	vor.u32 v22, v33  }
0x730: {  	s11 =	simm.s32 $0x870;
	v47 =	vor.u32 v18, v34;
	[tilespmem:v50+s29+$0x0] =	vst.idx.msk $0xffff, v38  }
0x731: {  	v61 =	vld [tilespmem:s11+$0xFFFFFFD0];
	[tilespmem:v46+s29+$0x0] =	vst.idx.msk $0xffff, v0  }
0x732: {  	v60 =	vor.u32 s16, v57;
	v0 =	vld.idx.msk [tilespmem:v51+s24+$0x0], $0xffff;
	[tilespmem:v48+s29+$0x0] =	vst.idx.msk $0xffff, v6  }
0x733: {  	v58 =	vor.u32 s14, v57;
	[tilespmem:v4+s29+$0x0] =	vst.idx.msk $0xffff, v3;
	v36 =	vld.idx.msk [tilespmem:v49+s24+$0x0], $0xffff  }
0x734: {  	v55 =	vor.u32 s15, v23;
	v48 =	vor.u32 v22, v35;
	v52 =	vld.idx.msk [tilespmem:v5+s24+$0x0], $0xffff  }
0x735: {  	v1 =	vld.idx.msk [tilespmem:v47+s24+$0x0], $0xffff;
	v6 =	vor.u32 v21, v33;
	v5 =	vor.u32 s13, v57  }
0x736: {  	v56 =	vor.u32 v22, v34  }
0x737: {  	[tilespmem:v60+s29+$0x0] =	vst.idx.msk $0xffff, v0  }
0x738: {  	v63 =	vld [tilespmem:s11+$0x0];
	v59 =	vor.u32 v22, v32;
	[tilespmem:v58+s29+$0x0] =	vst.idx.msk $0xffff, v36  }
0x739: {  	v2 =	vld.idx.msk [tilespmem:v48+s24+$0x0], $0xffff;
	v58 =	vor.u32 s16, v23;
	[tilespmem:v55+s29+$0x0] =	vst.idx.msk $0xffff, v52  }
0x73a: {  	v50 =	vor.u32 s15, v24;
	v39 =	vshll.u32 v61, $0x4;
	[tilespmem:v5+s29+$0x0] =	vst.idx.msk $0xffff, v1;
	v49 =	vld.idx.msk [tilespmem:v6+s24+$0x0], $0xffff  }
0x73b: {  	v41 =	vor.u32 v62, v39;
	v5 =	vld.idx.msk [tilespmem:v56+s24+$0x0], $0xffff;
	v6 =	vor.u32 s13, v23  }
0x73c: {  	v51 =	vor.u32 v29, v33;
	v4 =	vld [tilespmem:s11+$0xFFFFFFE0]  }
0x73d: {  	v38 =	vld.idx.msk [tilespmem:v59+s24+$0x0], $0xffff;
	v52 =	vor.u32 v21, v34;
	v55 =	vor.u32 s14, v23  }
0x73e: {  	v56 =	vor.u32 v21, v32;
	[tilespmem:v58+s29+$0x0] =	vst.idx.msk $0xffff, v2  }
0x73f: {  	v60 =	vor.u32 v21, v35;
	v36 =	vshll.u32 v63, $0x4;
	v59 =	vld [tilespmem:s11+$0xFFFFFFF0];
	[tilespmem:v50+s29+$0x0] =	vst.idx.msk $0xffff, v49  }
0x740: {  	s2 =	simm.s32 $0x40;
	s21 =	simm.s32 $0x200;
	v2 =	vld.idx.msk [tilespmem:v41+s24+$0x0], $0xffff;
	[tilespmem:v6+s29+$0x0] =	vst.idx.msk $0xffff, v5;
	v6 =	vor.u32 v62, v36  }
0x741: {  	s7 =	sand.u32 $0x3C00, s21;
	s0 =	sand.u32 $0x40, s2;
	v37 =	vshll.u32 v4, $0x4;
	v5 =	vor.u32 s15, v31;
	v3 =	vld.idx.msk [tilespmem:v51+s24+$0x0], $0xffff  }
0x742: {  	s9 =	simm.s32 $0x70;
	s0 =	sor.u32 s0, s7;
	v4 =	vor.u32 s13, v24;
	v63 =	vor.u32 v62, v37;
	[tilespmem:v55+s29+$0x0] =	vst.idx.msk $0xffff, v38;
	v43 =	vld.idx.msk [tilespmem:v52+s24+$0x0], $0xffff  }
0x743: {  	s22 =	simm.s32 $0x50;
	s18 =	sand.u32 $0x70, s9;
	s20 =	sor.u32 $0x8000, s0;
	v61 =	vor.u32 v27, v33;
	v0 =	vld.idx.msk [tilespmem:v56+s24+$0x0], $0xffff;
	v56 =	vor.u32 s14, v24  }
0x744: {  	s25 =	sand.u32 $0x50, s22;
	s19 =	sor.u32 s18, s7;
	v55 =	vor.u32 v29, v34;
	v1 =	vld.idx.msk [tilespmem:v60+s24+$0x0], $0xffff;
	v52 =	vor.u32 s20, v7  }
0x745: {  	s0 =	sor.u32 s25, s7;
	s17 =	sor.u32 $0x8000, s19;
	v58 =	vor.u32 v8, v39;
	v60 =	vld.idx.msk [tilespmem:v6+s24+$0x0], $0xffff;
	v6 =	vor.u32 s16, v24  }
0x746: {  	s19 =	sor.u32 $0x8000, s0;
	v38 =	vshll.u32 v59, $0x4;
	[tilespmem:v5+s29+$0x0] =	vst.idx.msk $0xffff, v3;
	v5 =	vor.u32 s17, v7  }
0x747: {  	v59 =	vor.u32 v62, v38;
	[tilespmem:v4+s29+$0x0] =	vst.idx.msk $0xffff, v43;
	v43 =	vld.idx.msk [tilespmem:v63+s24+$0x0], $0xffff;
	v63 =	vor.u32 s19, v7  }
0x748: {  	v44 =	vor.u32 v29, v32;
	[tilespmem:v56+s29+$0x0] =	vst.idx.msk $0xffff, v0;
	v4 =	vor.u32 s15, v19;
	v42 =	vld.idx.msk [tilespmem:v61+s24+$0x0], $0xffff  }
0x749: {  	s26 =	simm.s32 $0x60;
	v56 =	vor.u32 s13, v31;
	[tilespmem:v52+s29+$0x0] =	vst.idx.msk $0xffff, v2;
	v61 =	vor.u32 v8, v36;
	v40 =	vld.idx.msk [tilespmem:v55+s24+$0x0], $0xffff  }
0x74a: {  	s30 =	sand.u32 $0x60, s26;
	v0 =	vld.idx.msk [tilespmem:v58+s24+$0x0], $0xffff;
	v55 =	vor.u32 v8, v37;
	v58 =	vor.u32 s20, v9;
	[tilespmem:v6+s29+$0x0] =	vst.idx.msk $0xffff, v1  }
0x74b: {  	s0 =	sor.u32 s30, s7;
	v52 =	vor.u32 v26, v33;
	[tilespmem:v5+s29+$0x0] =	vst.idx.msk $0xffff, v60  }
0x74c: {  	s18 =	sor.u32 $0x8000, s0;
	v47 =	vld.idx.msk [tilespmem:v59+s24+$0x0], $0xffff;
	v59 =	vor.u32 v27, v34;
	[tilespmem:v63+s29+$0x0] =	vst.idx.msk $0xffff, v43  }
0x74d: {  	v44 =	vld.idx.msk [tilespmem:v44+s24+$0x0], $0xffff;
	v60 =	vor.u32 v10, v39;
	v5 =	vor.u32 s18, v7;
	[tilespmem:v4+s29+$0x0] =	vst.idx.msk $0xffff, v42  }
0x74e: {  	v6 =	vld.idx.msk [tilespmem:v61+s24+$0x0], $0xffff;
	v4 =	vor.u32 v8, v38;
	v61 =	vor.u32 s17, v9;
	[tilespmem:v56+s29+$0x0] =	vst.idx.msk $0xffff, v40  }
0x74f: {  	v41 =	vld.idx.msk [tilespmem:v55+s24+$0x0], $0xffff;
	[tilespmem:v58+s29+$0x0] =	vst.idx.msk $0xffff, v0;
	v56 =	vor.u32 s19, v9;
	v58 =	vor.u32 v29, v35  }
0x750: {  	v63 =	vor.u32 v10, v36;
	v2 =	vld.idx.msk [tilespmem:v52+s24+$0x0], $0xffff;
	v52 =	vor.u32 s14, v31  }
0x751: {  	v49 =	vor.u32 s15, v28;
	v55 =	vor.u32 v27, v32;
	v3 =	vld.idx.msk [tilespmem:v59+s24+$0x0], $0xffff  }
0x752: {  	v45 =	vor.u32 s13, v19;
	v1 =	vld.idx.msk [tilespmem:v60+s24+$0x0], $0xffff;
	[tilespmem:v5+s29+$0x0] =	vst.idx.msk $0xffff, v47;
	v5 =	vor.u32 v30, v33  }
0x753: {  	v59 =	vor.u32 s20, v11;
	v60 =	vor.u32 v10, v37;
	v4 =	vld.idx.msk [tilespmem:v4+s24+$0x0], $0xffff;
	[tilespmem:v61+s29+$0x0] =	vst.idx.msk $0xffff, v6  }
0x754: {  	v6 =	vor.u32 v12, v39;
	v61 =	vor.u32 s18, v9;
	[tilespmem:v56+s29+$0x0] =	vst.idx.msk $0xffff, v41;
	v40 =	vld.idx.msk [tilespmem:v58+s24+$0x0], $0xffff  }
0x755: {  	v43 =	vld.idx.msk [tilespmem:v63+s24+$0x0], $0xffff;
	[tilespmem:v52+s29+$0x0] =	vst.idx.msk $0xffff, v44;
	v63 =	vor.u32 v10, v38;
	v52 =	vor.u32 s17, v11  }
0x756: {  	v56 =	vor.u32 s14, v19;
	[tilespmem:v49+s29+$0x0] =	vst.idx.msk $0xffff, v2;
	v2 =	vld.idx.msk [tilespmem:v55+s24+$0x0], $0xffff;
	v55 =	vor.u32 v12, v36  }
0x757: {  	v58 =	vor.u32 v26, v32;
	v49 =	vor.u32 s16, v31;
	[tilespmem:v45+s29+$0x0] =	vst.idx.msk $0xffff, v3;
	v5 =	vld.idx.msk [tilespmem:v5+s24+$0x0], $0xffff  }
0x758: {  	v45 =	vor.u32 v26, v34;
	[tilespmem:v59+s29+$0x0] =	vst.idx.msk $0xffff, v1;
	v1 =	vld.idx.msk [tilespmem:v60+s24+$0x0], $0xffff;
	v59 =	vor.u32 s15, v25  }
0x759: {  	v46 =	vor.u32 s19, v11;
	v6 =	vld.idx.msk [tilespmem:v6+s24+$0x0], $0xffff;
	[tilespmem:v61+s29+$0x0] =	vst.idx.msk $0xffff, v4;
	v4 =	vor.u32 v27, v35  }
0x75a: {  	v60 =	vor.u32 s20, v13;
	v61 =	vor.u32 v12, v37;
	v44 =	vld.idx.msk [tilespmem:v63+s24+$0x0], $0xffff;
	[tilespmem:v52+s29+$0x0] =	vst.idx.msk $0xffff, v43  }
0x75b: {  	v63 =	vor.u32 v14, v39;
	v52 =	vor.u32 s18, v11;
	v0 =	vld.idx.msk [tilespmem:v55+s24+$0x0], $0xffff;
	[tilespmem:v56+s29+$0x0] =	vst.idx.msk $0xffff, v2  }
0x75c: {  	[tilespmem:v49+s29+$0x0] =	vst.idx.msk $0xffff, v40;
	v55 =	vor.u32 v12, v38;
	v56 =	vor.u32 s17, v13;
	v40 =	vld.idx.msk [tilespmem:v58+s24+$0x0], $0xffff  }
0x75d: {  	v58 =	vor.u32 v14, v36;
	[tilespmem:v59+s29+$0x0] =	vst.idx.msk $0xffff, v5;
	v59 =	vor.u32 s14, v28;
	v5 =	vld.idx.msk [tilespmem:v45+s24+$0x0], $0xffff  }
0x75e: {  	[tilespmem:v46+s29+$0x0] =	vst.idx.msk $0xffff, v1;
	v45 =	vor.u32 s13, v28;
	v1 =	vld.idx.msk [tilespmem:v4+s24+$0x0], $0xffff;
	v4 =	vor.u32 v30, v32  }
0x75f: {  	v46 =	vor.u32 v30, v34;
	[tilespmem:v60+s29+$0x0] =	vst.idx.msk $0xffff, v6;
	v6 =	vld.idx.msk [tilespmem:v61+s24+$0x0], $0xffff;
	v60 =	vor.u32 s16, v19  }
0x760: {  	v61 =	vor.u32 s19, v13;
	v43 =	vld.idx.msk [tilespmem:v63+s24+$0x0], $0xffff;
	[tilespmem:v52+s29+$0x0] =	vst.idx.msk $0xffff, v44;
	v63 =	vor.u32 v26, v35  }
0x761: {  	v48 =	vor.u32 s20, v15;
	v52 =	vor.u32 v14, v37;
	v2 =	vld.idx.msk [tilespmem:v55+s24+$0x0], $0xffff;
	[tilespmem:v56+s29+$0x0] =	vst.idx.msk $0xffff, v0  }
0x762: {  	v55 =	vor.u32 v16, v39;
	v56 =	vor.u32 s18, v13;
	v49 =	vld.idx.msk [tilespmem:v58+s24+$0x0], $0xffff;
	[tilespmem:v59+s29+$0x0] =	vst.idx.msk $0xffff, v40  }
0x763: {  	v58 =	vor.u32 v14, v38;
	v59 =	vor.u32 s17, v15;
	[tilespmem:v45+s29+$0x0] =	vst.idx.msk $0xffff, v5;
	v4 =	vld.idx.msk [tilespmem:v4+s24+$0x0], $0xffff  }
0x764: {  	v5 =	vor.u32 v16, v36;
	[tilespmem:v60+s29+$0x0] =	vst.idx.msk $0xffff, v1;
	v60 =	vor.u32 s14, v25;
	v42 =	vld.idx.msk [tilespmem:v46+s24+$0x0], $0xffff  }
0x765: {  	[tilespmem:v61+s29+$0x0] =	vst.idx.msk $0xffff, v6;
	v61 =	vor.u32 v53, v32;
	v6 =	vld.idx.msk [tilespmem:v63+s24+$0x0], $0xffff;
	v63 =	vor.u32 s13, v25  }
0x766: {  	v47 =	vor.u32 v53, v34;
	[tilespmem:v48+s29+$0x0] =	vst.idx.msk $0xffff, v43;
	v46 =	vld.idx.msk [tilespmem:v52+s24+$0x0], $0xffff;
	v43 =	vor.u32 s16, v28  }
0x767: {  	v48 =	vor.u32 s19, v15;
	v0 =	vld.idx.msk [tilespmem:v55+s24+$0x0], $0xffff;
	[tilespmem:v56+s29+$0x0] =	vst.idx.msk $0xffff, v2;
	v2 =	vor.u32 v30, v35  }
0x768: {  	v50 =	vor.u32 v16, v37;
	v41 =	vor.u32 s20, v17;
	v3 =	vld.idx.msk [tilespmem:v58+s24+$0x0], $0xffff;
	[tilespmem:v59+s29+$0x0] =	vst.idx.msk $0xffff, v49  }
0x769: {  	v51 =	vor.u32 v18, v39;
	v52 =	vor.u32 s18, v15;
	v5 =	vld.idx.msk [tilespmem:v5+s24+$0x0], $0xffff;
	[tilespmem:v60+s29+$0x0] =	vst.idx.msk $0xffff, v4  }
0x76a: {  	v60 =	vor.u32 v16, v38;
	v4 =	vor.u32 s17, v17;
	v61 =	vld.idx.msk [tilespmem:v61+s24+$0x0], $0xffff;
	[tilespmem:v63+s29+$0x0] =	vst.idx.msk $0xffff, v42  }
0x76b: {  	v63 =	vor.u32 v53, v33;
	[tilespmem:v43+s29+$0x0] =	vst.idx.msk $0xffff, v6;
	v6 =	vor.u32 s14, v54;
	v43 =	vld.idx.msk [tilespmem:v47+s24+$0x0], $0xffff  }
0x76c: {  	[tilespmem:v48+s29+$0x0] =	vst.idx.msk $0xffff, v46;
	v44 =	vld.idx.msk [tilespmem:v2+s24+$0x0], $0xffff  }
0x76d: {  	v20 =	vmov v57;
	v40 =	vor.u32 s15, v54;
	v55 =	vor.u32 s18, v17;
	[tilespmem:v41+s29+$0x0] =	vst.idx.msk $0xffff, v0;
	v49 =	vld.idx.msk [tilespmem:v50+s24+$0x0], $0xffff  }
0x76e: {  	v42 =	vor.u32 v18, v38;
	v46 =	vor.u32 v53, v35;
	v48 =	vld.idx.msk [tilespmem:v51+s24+$0x0], $0xffff;
	[tilespmem:v52+s29+$0x0] =	vst.idx.msk $0xffff, v3  }
0x76f: {  	v41 =	vor.u32 s20, v54;
	v50 =	vor.u32 v18, v36;
	v47 =	vor.u32 s16, v25;
	v53 =	vld.idx.msk [tilespmem:v60+s24+$0x0], $0xffff;
	[tilespmem:v4+s29+$0x0] =	vst.idx.msk $0xffff, v5  }
0x770: {  	s0 =	simm.s32 $0x4;
	v54 =	vor.u32 s19, v17;
	v51 =	vor.u32 s20, v57;
	v52 =	vor.u32 v22, v39;
	v45 =	vld.idx.msk [tilespmem:v63+s24+$0x0], $0xffff;
	[tilespmem:v6+s29+$0x0] =	vst.idx.msk $0xffff, v61  }
.LBB2_14:
0x771: {  	_ =	sdelay $0x2  }
0x772: {  	v1 =	vld.idx.msk [tilespmem:v50+s24+$0x0], $0xffff  }
0x773: {  	v61 =	vld [tilespmem:$0x1FED0]  }
0x774: {  	v56 =	vld [tilespmem:$0x1FEF0];
	[tilespmem:v47+s29+$0x0] =	vst.idx.msk $0xffff, v44  }
0x775: {  	[tilespmem:v54+s29+$0x0] =	vst.idx.msk $0xffff, v49;
	v54 =	vld [tilespmem:$0x1FEE0]  }
0x776: {  	v57 =	vld [tilespmem:$0x1FF00]  }
0x777: {  	s11 =	sadd.s32 $0x40, s11;
	v58 =	vld [tilespmem:$0x1FF10]  }
0x778: {  	v0 =	vor.u32 v18, v37;
	v60 =	vor.u32 s17, v20;
	[tilespmem:v51+s29+$0x0] =	vst.idx.msk $0xffff, v48;
	v51 =	vld [tilespmem:s11+$0x0]  }
0x779: {  	v48 =	vor.u32 v22, v36;
	v5 =	vor.u32 s16, v61;
	v3 =	vld.idx.msk [tilespmem:v46+s24+$0x0], $0xffff  }
0x77a: {  	[tilespmem:v55+s29+$0x0] =	vst.idx.msk $0xffff, v53;
	v6 =	vld.idx.msk [tilespmem:v52+s24+$0x0], $0xffff;
	v2 =	vor.u32 v54, v33  }
0x77b: {  	v47 =	vor.u32 s20, v23;
	v42 =	vld.idx.msk [tilespmem:v42+s24+$0x0], $0xffff;
	v46 =	vor.u32 v54, v35  }
0x77c: {  	v63 =	vor.u32 s18, v20;
	[tilespmem:v40+s29+$0x0] =	vst.idx.msk $0xffff, v45;
	v40 =	vmov v41;
	v41 =	vor.u32 v21, v39;
	v4 =	vld [tilespmem:s11+$0xFFFFFFE0]  }
0x77d: {  	v50 =	vor.u32 v22, v38;
	v49 =	vor.u32 s19, v20;
	[tilespmem:v60+s29+$0x0] =	vst.idx.msk $0xffff, v1;
	v0 =	vld.idx.msk [tilespmem:v0+s24+$0x0], $0xffff  }
0x77e: {  	[tilespmem:v5+s29+$0x0] =	vst.idx.msk $0xffff, v3;
	v5 =	vld.idx.msk [tilespmem:v48+s24+$0x0], $0xffff  }
0x77f: {  	v52 =	vor.u32 s15, v56;
	v2 =	vld.idx.msk [tilespmem:v2+s24+$0x0], $0xffff  }
0x780: {  	v60 =	vor.u32 v57, v33;
	v3 =	vld.idx.msk [tilespmem:v46+s24+$0x0], $0xffff;
	[tilespmem:v47+s29+$0x0] =	vst.idx.msk $0xffff, v6;
	v6 =	vor.u32 s16, v56  }
0x781: {  	v33 =	vmov v39;
	[tilespmem:v63+s29+$0x0] =	vst.idx.msk $0xffff, v42;
	v63 =	vor.u32 s17, v23;
	v39 =	vld.idx.msk [tilespmem:v41+s24+$0x0], $0xffff;
	v41 =	vor.u32 v22, v37  }
0x782: {  	v44 =	vor.u32 s20, v24;
	v45 =	vor.u32 v21, v36;
	[tilespmem:v49+s29+$0x0] =	vst.idx.msk $0xffff, v0;
	v0 =	vld.idx.msk [tilespmem:v50+s24+$0x0], $0xffff  }
0x783: {  	v48 =	vor.u32 s18, v23;
	v47 =	vor.u32 v29, v33;
	v46 =	vld [tilespmem:s11+$0xFFFFFFD0]  }
0x784: {  	v49 =	vor.u32 s13, v61;
	v50 =	vld [tilespmem:s11+$0xFFFFFFF0];
	[tilespmem:v52+s29+$0x0] =	vst.idx.msk $0xffff, v2;
	v2 =	vor.u32 v21, v38  }
0x785: {  	v52 =	vor.u32 s15, v58;
	[tilespmem:v6+s29+$0x0] =	vst.idx.msk $0xffff, v3;
	v1 =	vld.idx.msk [tilespmem:v60+s24+$0x0], $0xffff;
	v60 =	vor.u32 v54, v34  }
0x786: {  	v59 =	vor.u32 s19, v23;
	[tilespmem:v63+s29+$0x0] =	vst.idx.msk $0xffff, v5;
	v63 =	vor.u32 v54, v32;
	v41 =	vld.idx.msk [tilespmem:v41+s24+$0x0], $0xffff  }
0x787: {  	v53 =	vor.u32 s13, v56;
	v51 =	vshll.u32 v51, $0x4;
	v5 =	vor.u32 v57, v35;
	v45 =	vld.idx.msk [tilespmem:v45+s24+$0x0], $0xffff;
	[tilespmem:v44+s29+$0x0] =	vst.idx.msk $0xffff, v39  }
0x788: {  	s15 =	smov.u32 s20;
	[tilespmem:v48+s29+$0x0] =	vst.idx.msk $0xffff, v0;
	v0 =	vor.u32 s17, v24;
	v39 =	vshll.u32 v46, $0x4;
	v46 =	vld.idx.msk [tilespmem:v47+s24+$0x0], $0xffff;
	v47 =	vor.u32 v21, v37  }
0x789: {  	s9 =	sadd.s32 $0x40, s9;
	v56 =	vor.u32 s14, v56;
	[tilespmem:v49+s29+$0x0] =	vst.idx.msk $0xffff, v43;
	v54 =	vor.u32 s15, v31;
	v48 =	vor.u32 v62, v39;
	v2 =	vld.idx.msk [tilespmem:v2+s24+$0x0], $0xffff  }
0x78a: {  	s21 =	sadd.s32 $0x200, s21;
	s1 =	sadd.s32 $0xFFFFFFD0, s9;
	v43 =	vshll.u32 v50, $0x4;
	v49 =	vor.u32 v62, v51;
	v50 =	vor.u32 s18, v24;
	[tilespmem:v52+s29+$0x0] =	vst.idx.msk $0xffff, v1;
	v1 =	vld.idx.msk [tilespmem:v60+s24+$0x0], $0xffff  }
0x78b: {  	s7 =	sand.u32 $0x3C00, s21;
	s1 =	sand.u32 $0x40, s1;
	v6 =	vor.u32 v57, v34;
	v44 =	vor.u32 v27, v33;
	v60 =	vld.idx.msk [tilespmem:v63+s24+$0x0], $0xffff;
	[tilespmem:v59+s29+$0x0] =	vst.idx.msk $0xffff, v41  }
0x78c: {  	s1 =	sor.u32 s1, s7;
	v3 =	vshll.u32 v4, $0x4;
	v4 =	vor.u32 v62, v43;
	v42 =	vor.u32 v18, v43;
	v5 =	vld.idx.msk [tilespmem:v5+s24+$0x0], $0xffff  }
0x78d: {  	s20 =	sor.u32 $0x8000, s1;
	v63 =	vor.u32 v62, v3;
	[tilespmem:v0+s29+$0x0] =	vst.idx.msk $0xffff, v45;
	v0 =	vor.u32 s16, v58;
	v47 =	vld.idx.msk [tilespmem:v47+s24+$0x0], $0xffff  }
0x78e: {  	s22 =	sand.u32 $0x70, s9;
	s26 =	sadd.s32 $0xFFFFFFE0, s9;
	v35 =	vmovc v37;
	v34 =	vmov v36;
	v37 =	vmov v3;
	v3 =	vor.u32 s20, v7;
	v48 =	vld.idx.msk [tilespmem:v48+s24+$0x0], $0xffff;
	[tilespmem:v54+s29+$0x0] =	vst.idx.msk $0xffff, v46  }
0x78f: {  	s22 =	sor.u32 s22, s7;
	s1 =	sand.u32 $0x50, s26;
	v45 =	vor.u32 v57, v32;
	v32 =	vmov v38;
	v46 =	vor.u32 s19, v24;
	v49 =	vld.idx.msk [tilespmem:v49+s24+$0x0], $0xffff;
	[tilespmem:v50+s29+$0x0] =	vst.idx.msk $0xffff, v2  }
0x790: {  	s30 =	sor.u32 $0x8000, s22;
	s1 =	sor.u32 s1, s7;
	v38 =	vmov v43;
	v57 =	vor.u32 s15, v19;
	v43 =	vld.idx.msk [tilespmem:v44+s24+$0x0], $0xffff;
	v44 =	vor.u32 v8, v39;
	[tilespmem:v53+s29+$0x0] =	vst.idx.msk $0xffff, v1  }
0x791: {  	s16 =	smov.u32 s19;
	v59 =	vor.u32 s30, v7;
	s19 =	sor.u32 $0x8000, s1;
	v2 =	vor.u32 v29, v34;
	[tilespmem:v56+s29+$0x0] =	vst.idx.msk $0xffff, v60  }
0x792: {  	s2 =	sadd.s32 $0xFFFFFFF0, s9;
	v36 =	vmov v51;
	v1 =	vld.idx.msk [tilespmem:v63+s24+$0x0], $0xffff;
	v60 =	vor.u32 s19, v7;
	[tilespmem:v0+s29+$0x0] =	vst.idx.msk $0xffff, v5  }
0x793: {  	s2 =	sand.u32 $0x60, s2;
	v63 =	vor.u32 v8, v36;
	v0 =	vld.idx.msk [tilespmem:v6+s24+$0x0], $0xffff;
	v5 =	vor.u32 s13, v58;
	[tilespmem:v3+s29+$0x0] =	vst.idx.msk $0xffff, v48  }
0x794: {  	s2 =	sor.u32 s2, s7;
	v6 =	vor.u32 v29, v32;
	v45 =	vld.idx.msk [tilespmem:v45+s24+$0x0], $0xffff;
	[tilespmem:v46+s29+$0x0] =	vst.idx.msk $0xffff, v47;
	v46 =	vor.u32 s14, v58  }
0x795: {  	s2 =	sor.u32 $0x8000, s2;
	v56 =	vor.u32 s20, v9;
	s13 =	smov.u32 s17;
	v3 =	vor.u32 v26, v33;
	v44 =	vld.idx.msk [tilespmem:v44+s24+$0x0], $0xffff;
	[tilespmem:v57+s29+$0x0] =	vst.idx.msk $0xffff, v43  }
0x796: {  	s14 =	smov.u32 s18;
	s18 =	smov.u32 s2;
	v47 =	vor.u32 v8, v37;
	v43 =	vor.u32 s13, v31;
	v2 =	vld.idx.msk [tilespmem:v2+s24+$0x0], $0xffff;
	[tilespmem:v59+s29+$0x0] =	vst.idx.msk $0xffff, v49  }
0x797: {  	s17 =	smov.u32 s30;
	v4 =	vld.idx.msk [tilespmem:v4+s24+$0x0], $0xffff;
	v58 =	vor.u32 v10, v39;
	v59 =	vor.u32 s18, v7;
	[tilespmem:v60+s29+$0x0] =	vst.idx.msk $0xffff, v1  }
0x798: {  	v57 =	vor.u32 v27, v34;
	v51 =	vld.idx.msk [tilespmem:v63+s24+$0x0], $0xffff;
	v63 =	vor.u32 s17, v9;
	[tilespmem:v5+s29+$0x0] =	vst.idx.msk $0xffff, v0  }
0x799: {  	v60 =	vor.u32 v8, v38;
	v6 =	vld.idx.msk [tilespmem:v6+s24+$0x0], $0xffff;
	v5 =	vor.u32 s14, v31;
	[tilespmem:v46+s29+$0x0] =	vst.idx.msk $0xffff, v45  }
0x79a: {  	v0 =	vor.u32 v10, v36;
	v3 =	vld.idx.msk [tilespmem:v3+s24+$0x0], $0xffff;
	v46 =	vor.u32 s15, v28;
	[tilespmem:v56+s29+$0x0] =	vst.idx.msk $0xffff, v44  }
0x79b: {  	v45 =	vld.idx.msk [tilespmem:v47+s24+$0x0], $0xffff;
	v47 =	vor.u32 v27, v32;
	[tilespmem:v43+s29+$0x0] =	vst.idx.msk $0xffff, v2;
	v2 =	vor.u32 s19, v9  }
0x79c: {  	v56 =	vor.u32 v29, v35;
	v48 =	vld.idx.msk [tilespmem:v58+s24+$0x0], $0xffff;
	[tilespmem:v59+s29+$0x0] =	vst.idx.msk $0xffff, v4  }
0x79d: {  	v58 =	vor.u32 s20, v11;
	v44 =	vld.idx.msk [tilespmem:v57+s24+$0x0], $0xffff;
	v57 =	vor.u32 v30, v33;
	[tilespmem:v63+s29+$0x0] =	vst.idx.msk $0xffff, v51  }
0x79e: {  	v4 =	vor.u32 s13, v19;
	v59 =	vor.u32 v10, v37;
	v52 =	vld.idx.msk [tilespmem:v60+s24+$0x0], $0xffff;
	[tilespmem:v5+s29+$0x0] =	vst.idx.msk $0xffff, v6  }
0x79f: {  	v60 =	vor.u32 v12, v39;
	v63 =	vor.u32 s18, v9;
	v0 =	vld.idx.msk [tilespmem:v0+s24+$0x0], $0xffff;
	[tilespmem:v46+s29+$0x0] =	vst.idx.msk $0xffff, v3  }
0x7a0: {  	v5 =	vor.u32 v10, v38;
	v6 =	vor.u32 s17, v11;
	v3 =	vld.idx.msk [tilespmem:v47+s24+$0x0], $0xffff;
	[tilespmem:v2+s29+$0x0] =	vst.idx.msk $0xffff, v45  }
0x7a1: {  	v2 =	vor.u32 v12, v36;
	v43 =	vld.idx.msk [tilespmem:v56+s24+$0x0], $0xffff;
	v56 =	vor.u32 s14, v19  }
0x7a2: {  	v46 =	vor.u32 s16, v31;
	v1 =	vld.idx.msk [tilespmem:v57+s24+$0x0], $0xffff;
	[tilespmem:v58+s29+$0x0] =	vst.idx.msk $0xffff, v48;
	v48 =	vor.u32 v26, v34  }
0x7a3: {  	v50 =	vor.u32 s19, v11;
	v57 =	vor.u32 v26, v32;
	[tilespmem:v4+s29+$0x0] =	vst.idx.msk $0xffff, v44;
	v4 =	vld.idx.msk [tilespmem:v59+s24+$0x0], $0xffff  }
0x7a4: {  	v58 =	vor.u32 s15, v25;
	[tilespmem:v63+s29+$0x0] =	vst.idx.msk $0xffff, v52;
	v59 =	vor.u32 v27, v35;
	v49 =	vld.idx.msk [tilespmem:v60+s24+$0x0], $0xffff  }
0x7a5: {  	v60 =	vor.u32 s20, v13;
	v5 =	vld.idx.msk [tilespmem:v5+s24+$0x0], $0xffff;
	[tilespmem:v6+s29+$0x0] =	vst.idx.msk $0xffff, v0  }
0x7a6: {  	v63 =	vor.u32 v12, v37;
	v2 =	vld.idx.msk [tilespmem:v2+s24+$0x0], $0xffff;
	[tilespmem:v56+s29+$0x0] =	vst.idx.msk $0xffff, v3  }
0x7a7: {  	v55 =	vor.u32 v14, v39;
	v6 =	vor.u32 s18, v11;
	[tilespmem:v46+s29+$0x0] =	vst.idx.msk $0xffff, v43;
	v44 =	vld.idx.msk [tilespmem:v48+s24+$0x0], $0xffff  }
0x7a8: {  	v3 =	vor.u32 v12, v38;
	v56 =	vor.u32 s17, v13;
	v43 =	vld.idx.msk [tilespmem:v57+s24+$0x0], $0xffff;
	[tilespmem:v50+s29+$0x0] =	vst.idx.msk $0xffff, v4  }
0x7a9: {  	[tilespmem:v58+s29+$0x0] =	vst.idx.msk $0xffff, v1;
	v57 =	vor.u32 v14, v36;
	v4 =	vld.idx.msk [tilespmem:v59+s24+$0x0], $0xffff;
	v59 =	vor.u32 s13, v28  }
0x7aa: {  	v58 =	vor.u32 s14, v28;
	[tilespmem:v60+s29+$0x0] =	vst.idx.msk $0xffff, v49;
	v60 =	vor.u32 v30, v34  }
0x7ab: {  	v50 =	vor.u32 s16, v19;
	v49 =	vld.idx.msk [tilespmem:v63+s24+$0x0], $0xffff  }
0x7ac: {  	[tilespmem:v6+s29+$0x0] =	vst.idx.msk $0xffff, v5;
	v0 =	vld.idx.msk [tilespmem:v55+s24+$0x0], $0xffff;
	v63 =	vor.u32 s19, v13  }
0x7ad: {  	v5 =	vor.u32 v26, v35;
	v6 =	vor.u32 s20, v15;
	v3 =	vld.idx.msk [tilespmem:v3+s24+$0x0], $0xffff;
	[tilespmem:v56+s29+$0x0] =	vst.idx.msk $0xffff, v2  }
0x7ae: {  	v53 =	vor.u32 v14, v37;
	v46 =	vld.idx.msk [tilespmem:v57+s24+$0x0], $0xffff;
	[tilespmem:v59+s29+$0x0] =	vst.idx.msk $0xffff, v44  }
0x7af: {  	v47 =	vor.u32 v30, v32;
	v56 =	vor.u32 s18, v13;
	[tilespmem:v58+s29+$0x0] =	vst.idx.msk $0xffff, v43;
	v48 =	vld.idx.msk [tilespmem:v60+s24+$0x0], $0xffff  }
0x7b0: {  	[tilespmem:v50+s29+$0x0] =	vst.idx.msk $0xffff, v4;
	v60 =	vld [tilespmem:$0x1FEC0]  }
0x7b1: {  	v55 =	vor.u32 v16, v39;
	v58 =	vor.u32 s17, v15;
	[tilespmem:v63+s29+$0x0] =	vst.idx.msk $0xffff, v49  }
0x7b2: {  	v57 =	vor.u32 v14, v38;
	[tilespmem:v6+s29+$0x0] =	vst.idx.msk $0xffff, v0;
	v6 =	vor.u32 s16, v28;
	v5 =	vld.idx.msk [tilespmem:v5+s24+$0x0], $0xffff  }
0x7b3: {  	v52 =	vor.u32 s19, v15;
	v59 =	vor.u32 v16, v36;
	v0 =	vld.idx.msk [tilespmem:v53+s24+$0x0], $0xffff  }
0x7b4: {  	v47 =	vld.idx.msk [tilespmem:v47+s24+$0x0], $0xffff;
	v4 =	vor.u32 s14, v25;
	[tilespmem:v56+s29+$0x0] =	vst.idx.msk $0xffff, v3;
	v3 =	vor.u32 v30, v35  }
0x7b5: {  	v63 =	vor.u32 v60, v32  }
0x7b6: {  	v45 =	vor.u32 s20, v17;
	v2 =	vld.idx.msk [tilespmem:v55+s24+$0x0], $0xffff;
	v53 =	vor.u32 v16, v37;
	[tilespmem:v58+s29+$0x0] =	vst.idx.msk $0xffff, v46  }
0x7b7: {  	v50 =	vor.u32 s13, v25;
	v1 =	vld.idx.msk [tilespmem:v57+s24+$0x0], $0xffff;
	v46 =	vor.u32 v18, v39;
	[tilespmem:v6+s29+$0x0] =	vst.idx.msk $0xffff, v5  }
0x7b8: {  	v55 =	vor.u32 s18, v15;
	v56 =	vld.idx.msk [tilespmem:v59+s24+$0x0], $0xffff;
	v51 =	vor.u32 v60, v34;
	[tilespmem:v52+s29+$0x0] =	vst.idx.msk $0xffff, v0  }
0x7b9: {  	s0 =	sadd.s32 $0x4, s0;
	v57 =	vor.u32 s17, v17;
	[tilespmem:v4+s29+$0x0] =	vst.idx.msk $0xffff, v47;
	v59 =	vor.u32 v60, v33;
	v44 =	vld.idx.msk [tilespmem:v3+s24+$0x0], $0xffff  }
0x7ba: {  	p0 =	slt.u32 s0, $0x7C;
	v4 =	vor.u32 v16, v38;
	v5 =	vor.u32 s14, v61;
	v63 =	vld.idx.msk [tilespmem:v63+s24+$0x0], $0xffff  }
.Ltmp6:
0x7bb: {  	[tilespmem:v45+s29+$0x0] =	vst.idx.msk $0xffff, v2;
	v49 =	vld.idx.msk [tilespmem:v53+s24+$0x0], $0xffff;
	(pc) =	sbr.rel @p0 .LBB2_14-.Ltmp6, $4  }
0x7bc: {  	v41 =	vor.u32 s20, v61;
	[tilespmem:v50+s29+$0x0] =	vst.idx.msk $0xffff, v48;
	v48 =	vld.idx.msk [tilespmem:v46+s24+$0x0], $0xffff  }
0x7bd: {  	v54 =	vor.u32 s19, v17;
	v47 =	vor.u32 s16, v25;
	v43 =	vld.idx.msk [tilespmem:v51+s24+$0x0], $0xffff;
	[tilespmem:v55+s29+$0x0] =	vst.idx.msk $0xffff, v1  }
0x7be: {  	v50 =	vor.u32 v18, v36;
	v52 =	vor.u32 v22, v39;
	[tilespmem:v57+s29+$0x0] =	vst.idx.msk $0xffff, v56;
	v45 =	vld.idx.msk [tilespmem:v59+s24+$0x0], $0xffff  }
0x7bf: {  	v46 =	vor.u32 v60, v35;
	v51 =	vor.u32 s20, v20;
	v55 =	vor.u32 s18, v17;
	v53 =	vld.idx.msk [tilespmem:v4+s24+$0x0], $0xffff;
	[tilespmem:v5+s29+$0x0] =	vst.idx.msk $0xffff, v63  }
0x7c0: {  	v0 =	vor.u32 v18, v37;
	_ =	sdelay $0x3  }
0x7c1: {  	[tilespmem:v54+s29+$0x0] =	vst.idx.msk $0xffff, v49  }
0x7c2: {  	v1 =	vor.u32 s19, v20;
	v0 =	vld.idx.msk [tilespmem:v0+s24+$0x0], $0xffff  }
0x7c3: {  	v2 =	vld.idx.msk [tilespmem:v50+s24+$0x0], $0xffff;
	v3 =	vor.u32 s17, v20;
	v4 =	vor.u32 v22, v37;
	[tilespmem:v55+s29+$0x0] =	vst.idx.msk $0xffff, v53  }
0x7c4: {  	v6 =	vor.u32 v22, v36;
	v58 =	vor.u32 s18, v20;
	[tilespmem:v51+s29+$0x0] =	vst.idx.msk $0xffff, v48;
	v5 =	vld.idx.msk [tilespmem:v42+s24+$0x0], $0xffff  }
0x7c5: {  	v59 =	vor.u32 v22, v38;
	v60 =	vor.u32 s20, v23;
	v48 =	vld.idx.msk [tilespmem:v52+s24+$0x0], $0xffff  }
0x7c6: {  	v61 =	vor.u32 v21, v39  }
0x7c7: {  	[tilespmem:v1+s29+$0x0] =	vst.idx.msk $0xffff, v0  }
0x7c8: {  	v63 =	vor.u32 s19, v23;
	[tilespmem:v3+s29+$0x0] =	vst.idx.msk $0xffff, v2;
	v1 =	vld.idx.msk [tilespmem:v4+s24+$0x0], $0xffff  }
0x7c9: {  	v3 =	vld.idx.msk [tilespmem:v6+s24+$0x0], $0xffff;
	[tilespmem:v58+s29+$0x0] =	vst.idx.msk $0xffff, v5;
	v5 =	vor.u32 v21, v37;
	v4 =	vor.u32 s17, v23  }
0x7ca: {  	v54 =	vor.u32 v21, v36;
	v55 =	vor.u32 s18, v23;
	[tilespmem:v60+s29+$0x0] =	vst.idx.msk $0xffff, v48;
	v6 =	vld.idx.msk [tilespmem:v59+s24+$0x0], $0xffff  }
0x7cb: {  	v56 =	vor.u32 v21, v38;
	v57 =	vor.u32 s20, v24;
	v0 =	vld.idx.msk [tilespmem:v61+s24+$0x0], $0xffff  }
0x7cc: {  	v58 =	vor.u32 v29, v39  }
0x7cd: {  	[tilespmem:v63+s29+$0x0] =	vst.idx.msk $0xffff, v1  }
0x7ce: {  	v59 =	vor.u32 s19, v24;
	[tilespmem:v4+s29+$0x0] =	vst.idx.msk $0xffff, v3;
	v2 =	vld.idx.msk [tilespmem:v5+s24+$0x0], $0xffff  }
0x7cf: {  	[tilespmem:v55+s29+$0x0] =	vst.idx.msk $0xffff, v6;
	v6 =	vor.u32 v29, v37;
	v4 =	vld.idx.msk [tilespmem:v54+s24+$0x0], $0xffff;
	v5 =	vor.u32 s17, v24  }
0x7d0: {  	v61 =	vor.u32 s18, v24;
	[tilespmem:v57+s29+$0x0] =	vst.idx.msk $0xffff, v0;
	v63 =	vor.u32 v29, v36;
	v60 =	vld.idx.msk [tilespmem:v56+s24+$0x0], $0xffff  }
0x7d1: {  	v0 =	vld.idx.msk [tilespmem:v58+s24+$0x0], $0xffff;
	v55 =	vor.u32 s20, v31;
	v54 =	vor.u32 v29, v38  }
0x7d2: {  	v56 =	vor.u32 v27, v39  }
0x7d3: {  	[tilespmem:v59+s29+$0x0] =	vst.idx.msk $0xffff, v2  }
0x7d4: {  	[tilespmem:v5+s29+$0x0] =	vst.idx.msk $0xffff, v4;
	v4 =	vor.u32 s19, v31;
	v3 =	vld.idx.msk [tilespmem:v6+s24+$0x0], $0xffff  }
0x7d5: {  	[tilespmem:v61+s29+$0x0] =	vst.idx.msk $0xffff, v60;
	v5 =	vld.idx.msk [tilespmem:v63+s24+$0x0], $0xffff;
	v6 =	vor.u32 s17, v31  }
0x7d6: {  	[tilespmem:v55+s29+$0x0] =	vst.idx.msk $0xffff, v0;
	v59 =	vor.u32 s18, v31;
	v49 =	vld.idx.msk [tilespmem:v54+s24+$0x0], $0xffff  }
0x7d7: {  	v1 =	vld.idx.msk [tilespmem:v56+s24+$0x0], $0xffff  }
0x7d8: {  	v61 =	vor.u32 s20, v19;
	v52 =	vld [tilespmem:$0x1FEE0];
	[tilespmem:v47+s29+$0x0] =	vst.idx.msk $0xffff, v44  }
0x7d9: {  	[tilespmem:v4+s29+$0x0] =	vst.idx.msk $0xffff, v3  }
0x7da: {  	v57 =	vor.u32 v27, v37;
	[tilespmem:v6+s29+$0x0] =	vst.idx.msk $0xffff, v5  }
0x7db: {  	v58 =	vor.u32 v27, v36;
	[tilespmem:v59+s29+$0x0] =	vst.idx.msk $0xffff, v49  }
0x7dc: {  	v60 =	vor.u32 v27, v38;
	v51 =	vld [tilespmem:$0x1FED0];
	[tilespmem:v40+s29+$0x0] =	vst.idx.msk $0xffff, v45  }
0x7dd: {  	[tilespmem:v61+s29+$0x0] =	vst.idx.msk $0xffff, v1  }
0x7de: {  	v55 =	vor.u32 v52, v33;
	v53 =	vld [tilespmem:$0x1FEF0]  }
0x7df: {  	v63 =	vor.u32 v26, v39;
	v5 =	vor.u32 s19, v19;
	v4 =	vld.idx.msk [tilespmem:v57+s24+$0x0], $0xffff  }
0x7e0: {  	v42 =	vor.u32 s17, v19;
	v48 =	vor.u32 v26, v37;
	v6 =	vld.idx.msk [tilespmem:v58+s24+$0x0], $0xffff  }
0x7e1: {  	v56 =	vor.u32 s18, v19;
	v44 =	vld.idx.msk [tilespmem:v60+s24+$0x0], $0xffff;
	v57 =	vor.u32 v26, v36  }
0x7e2: {  	v46 =	vld.idx.msk [tilespmem:v46+s24+$0x0], $0xffff;
	v58 =	vor.u32 s16, v51  }
0x7e3: {  	v59 =	vor.u32 v26, v38;
	v0 =	vld.idx.msk [tilespmem:v55+s24+$0x0], $0xffff;
	v61 =	vor.u32 s15, v53  }
0x7e4: {  	v2 =	vld.idx.msk [tilespmem:v63+s24+$0x0], $0xffff;
	v63 =	vor.u32 s20, v28;
	[tilespmem:v5+s29+$0x0] =	vst.idx.msk $0xffff, v4  }
0x7e5: {  	v60 =	vor.u32 v52, v35;
	[tilespmem:v42+s29+$0x0] =	vst.idx.msk $0xffff, v6;
	v6 =	vor.u32 s19, v28;
	v5 =	vld.idx.msk [tilespmem:v48+s24+$0x0], $0xffff  }
0x7e6: {  	[tilespmem:v56+s29+$0x0] =	vst.idx.msk $0xffff, v44;
	v44 =	vor.u32 s17, v28;
	v42 =	vld.idx.msk [tilespmem:v57+s24+$0x0], $0xffff  }
0x7e7: {  	[tilespmem:v58+s29+$0x0] =	vst.idx.msk $0xffff, v46  }
0x7e8: {  	v40 =	vld.idx.msk [tilespmem:v59+s24+$0x0], $0xffff;
	[tilespmem:v61+s29+$0x0] =	vst.idx.msk $0xffff, v0  }
0x7e9: {  	v46 =	vor.u32 s18, v28;
	v54 =	vld [tilespmem:$0x1FF00];
	[tilespmem:v63+s29+$0x0] =	vst.idx.msk $0xffff, v2  }
0x7ea: {  	v4 =	vor.u32 v30, v39;
	v58 =	vor.u32 s16, v53;
	v45 =	vld.idx.msk [tilespmem:v60+s24+$0x0], $0xffff;
	[tilespmem:v6+s29+$0x0] =	vst.idx.msk $0xffff, v5  }
0x7eb: {  	[tilespmem:v44+s29+$0x0] =	vst.idx.msk $0xffff, v42  }
0x7ec: {  	v47 =	vor.u32 v30, v37;
	v50 =	vld [tilespmem:$0x1FEC0]  }
0x7ed: {  	v57 =	vor.u32 v30, v36  }
0x7ee: {  	v59 =	vor.u32 v30, v38;
	v61 =	vor.u32 s13, v51;
	[tilespmem:v46+s29+$0x0] =	vst.idx.msk $0xffff, v40  }
0x7ef: {  	v63 =	vor.u32 v52, v34;
	v3 =	vld.idx.msk [tilespmem:v4+s24+$0x0], $0xffff;
	[tilespmem:v58+s29+$0x0] =	vst.idx.msk $0xffff, v45  }
0x7f0: {  	v4 =	vor.u32 s20, v25;
	v60 =	vor.u32 v54, v33;
	v55 =	vld [tilespmem:$0x1FF10]  }
0x7f1: {  	v42 =	vor.u32 s19, v25;
	v6 =	vld.idx.msk [tilespmem:v47+s24+$0x0], $0xffff;
	v5 =	vor.u32 v50, v39  }
0x7f2: {  	v44 =	vor.u32 s17, v25;
	v40 =	vld.idx.msk [tilespmem:v57+s24+$0x0], $0xffff;
	v46 =	vor.u32 v50, v37  }
0x7f3: {  	v0 =	vld.idx.msk [tilespmem:v59+s24+$0x0], $0xffff;
	v45 =	vor.u32 s18, v25;
	[tilespmem:v61+s29+$0x0] =	vst.idx.msk $0xffff, v43;
	v57 =	vor.u32 v50, v36  }
0x7f4: {  	v61 =	vor.u32 s13, v53;
	v59 =	vor.u32 v50, v38;
	v2 =	vld.idx.msk [tilespmem:v63+s24+$0x0], $0xffff  }
0x7f5: {  	[tilespmem:v4+s29+$0x0] =	vst.idx.msk $0xffff, v3;
	v63 =	vor.u32 v54, v35;
	v1 =	vld.idx.msk [tilespmem:v60+s24+$0x0], $0xffff;
	v58 =	vor.u32 s15, v55  }
0x7f6: {  	[tilespmem:v42+s29+$0x0] =	vst.idx.msk $0xffff, v6;
	v60 =	vor.u32 v52, v32;
	v4 =	vld.idx.msk [tilespmem:v5+s24+$0x0], $0xffff  }
0x7f7: {  	v35 =	vor.u32 s19, v51;
	[tilespmem:v44+s29+$0x0] =	vst.idx.msk $0xffff, v40;
	v5 =	vor.u32 v52, v39;
	v6 =	vld.idx.msk [tilespmem:v46+s24+$0x0], $0xffff  }
0x7f8: {  	v42 =	vor.u32 s17, v51;
	v40 =	vor.u32 v52, v37;
	[tilespmem:v45+s29+$0x0] =	vst.idx.msk $0xffff, v0;
	v0 =	vld.idx.msk [tilespmem:v57+s24+$0x0], $0xffff  }
0x7f9: {  	v56 =	vor.u32 s18, v51;
	v50 =	vld.idx.msk [tilespmem:v59+s24+$0x0], $0xffff;
	v57 =	vor.u32 v52, v36;
	[tilespmem:v61+s29+$0x0] =	vst.idx.msk $0xffff, v2  }
0x7fa: {  	v59 =	vor.u32 v52, v38;
	v3 =	vld.idx.msk [tilespmem:v63+s24+$0x0], $0xffff;
	v61 =	vor.u32 s16, v55;
	[tilespmem:v58+s29+$0x0] =	vst.idx.msk $0xffff, v1  }
0x7fb: {  	v43 =	vld.idx.msk [tilespmem:v60+s24+$0x0], $0xffff;
	v58 =	vor.u32 s14, v53;
	v60 =	vor.u32 v54, v34;
	[tilespmem:v41+s29+$0x0] =	vst.idx.msk $0xffff, v4  }
0x7fc: {  	v63 =	vor.u32 s20, v53;
	v4 =	vor.u32 v54, v32;
	[tilespmem:v35+s29+$0x0] =	vst.idx.msk $0xffff, v6;
	v5 =	vld.idx.msk [tilespmem:v5+s24+$0x0], $0xffff  }
0x7fd: {  	v47 =	vor.u32 s19, v53;
	v6 =	vor.u32 v54, v39;
	[tilespmem:v42+s29+$0x0] =	vst.idx.msk $0xffff, v0;
	v35 =	vld.idx.msk [tilespmem:v40+s24+$0x0], $0xffff  }
0x7fe: {  	v49 =	vor.u32 s17, v53;
	v48 =	vor.u32 v54, v37;
	[tilespmem:v56+s29+$0x0] =	vst.idx.msk $0xffff, v50;
	v50 =	vld.idx.msk [tilespmem:v57+s24+$0x0], $0xffff  }
0x7ff: {  	v51 =	vor.u32 v54, v36;
	v52 =	vor.u32 s18, v53;
	[tilespmem:v61+s29+$0x0] =	vst.idx.msk $0xffff, v3;
	v2 =	vld.idx.msk [tilespmem:v59+s24+$0x0], $0xffff  }
0x800: {  	v56 =	vor.u32 s13, v55;
	v57 =	vor.u32 v54, v38;
	[tilespmem:v58+s29+$0x0] =	vst.idx.msk $0xffff, v43;
	v53 =	vld.idx.msk [tilespmem:v60+s24+$0x0], $0xffff  }
0x801: {  	v58 =	vor.u32 s14, v55;
	v4 =	vld.idx.msk [tilespmem:v4+s24+$0x0], $0xffff;
	[tilespmem:v63+s29+$0x0] =	vst.idx.msk $0xffff, v5  }
0x802: {  	[tilespmem:v47+s29+$0x0] =	vst.idx.msk $0xffff, v35;
	v5 =	vld.idx.msk [tilespmem:v6+s24+$0x0], $0xffff;
	v6 =	vor.u32 s20, v55  }
0x803: {  	v59 =	vor.u32 s19, v55;
	[tilespmem:v49+s29+$0x0] =	vst.idx.msk $0xffff, v50;
	v0 =	vld.idx.msk [tilespmem:v48+s24+$0x0], $0xffff  }
0x804: {  	v60 =	vor.u32 s17, v55;
	[tilespmem:v52+s29+$0x0] =	vst.idx.msk $0xffff, v2;
	v1 =	vld.idx.msk [tilespmem:v51+s24+$0x0], $0xffff  }
0x805: {  	v63 =	vor.u32 s18, v55;
	v61 =	vld.idx.msk [tilespmem:v57+s24+$0x0], $0xffff;
	[tilespmem:v56+s29+$0x0] =	vst.idx.msk $0xffff, v53  }
0x806: {  	[tilespmem:v58+s29+$0x0] =	vst.idx.msk $0xffff, v4  }
0x807: {  	[tilespmem:v6+s29+$0x0] =	vst.idx.msk $0xffff, v5  }
0x808: {  	[tilespmem:v59+s29+$0x0] =	vst.idx.msk $0xffff, v0  }
0x809: {  	[tilespmem:v60+s29+$0x0] =	vst.idx.msk $0xffff, v1  }
0x80a: {  	[tilespmem:v63+s29+$0x0] =	vst.idx.msk $0xffff, v61  }
0x80b: {  	s1 =	simm.s32 $0x9000;
	s0 =	rddreg [dreg:$0xf]  }
0x80c: {  	[hbm4b:s0+s3] =	stream.linear.scatter [tilespmem:s1], [sflag:$0x4], $0x4000, $0x38;
	[tilespmem:$0x11CD0] =	vst v63  }
0x80d: {  	s25 =	simm.s32 $0xD000;
	s22 =	rddreg [dreg:$0x10]  }
0x80e: {  	[hbm4b:s22+s3] =	stream.linear.scatter [tilespmem:s25], [sflag:$0x4], $0x4000, $0x38;
	[tilespmem:$0x11CD0] =	vst v63  }
0x80f: {  	_ =	swait.ge [sflag:s6], $0x4000  }
0x810: {  	[sflag:s6] =	ssyncset.done $0x0  }
0x811: {  	[sflag:s6] =	ssyncadd.s32 $0xFFFFC000  }
0x812: {  	_ =	swait.ge [sflag:s6], $0x4000  }
0x813: {  	[sflag:s6] =	ssyncset.done $0x0  }
0x814: {  	[sflag:s6] =	ssyncadd.s32 $0xFFFFC000  }
0x815: {  	_ =	swait.ge [sflag:s8], $0x4000  }
0x816: {  	[sflag:s8] =	ssyncset.done $0x0  }
0x817: {  	[sflag:s8] =	ssyncadd.s32 $0xFFFFC000  }
0x818: {  	_ =	swait.ge [sflag:s8], $0x4000  }
0x819: {  	s26 =	rddreg [dreg:$0x13]  }
0x81a: {  	s30 =	rddreg [dreg:$0x11];
	s1 =	sadd.s32 $0x1, s26  }
0x81b: {  	p0 =	sne.s32 s1, s30  }
.Ltmp7:
0x81c: {  	_ = 	snop;
	(pc) =	sbr.rel @p0 .LBB2_1-.Ltmp7, $3  }
0x81d: {  	_ =	sdelay $0x1  }
0x81e: {  	[sflag:s8] =	ssyncset.done $0x0  }
0x81f: {  	[sflag:s8] =	ssyncadd.s32 $0xFFFFC000  }
0x820: {  	_ =	sfence.sel $0x180000  }
0x821: {  	[bflag:$0x0] =	sbarrier.arrive $0xFFFF  }
0x822: {  	_ =	strace $0x90000047  }
0x823: {  	s0 =	stileid.u32;
	[bflag:$0x2] =	sbarrier.arrive $0xFFFF  }
0x824: {  	p0 =	sne.s32 s0, $0x0;
	s0 =	rddreg [dreg:$0x2]  }
0x825: {  	s0 =	sadd.s32 @!p0 $0x100000, s0  }
0x826: {  	[sflag:s0] =	ssyncadd.tile.s32 @!p0 $0x1;
	_ =	shalt  }
.Lfunc_end2:
_tile_overlayer_lowered:
.L_overlay_start_2:
0x827: {  	(tag) =	ssettag $0x2  }
0x828: {  	s0 =	rddreg [dreg:$0x0];
	s2 =	stileid.u32  }
0x829: {  	s1 =	rddreg [dreg:$0x1];
	p0 =	sne.s32 s2, $0x0  }
0x82a: {  	s3 =	rddreg [dreg:$0x2];
	[bflag:$0x3] =	sbarrier.arrive $0xFFFF;
	s2 =	simm.s32 @!p0 $0x1C05  }
0x82b: {  	[timem:s3], [sflag:s2] =	dma.local @!p0 [hbm:s0], s1  }
0x82c: {  	s0 =	simm.s32 @!p0 $0x5  }
0x82d: {  	_ =	swait.ge @!p0 [sflag:s0], s1  }
0x82e: {  	s1 =	ssub.s32 @!p0 $0x0, s1;
	[sflag:s0] =	ssyncset.done @!p0 $0x0  }
0x82f: {  	[sflag:s0] =	ssyncadd.s32 @!p0 s1  }
0x830: {  	[bflag:$0x3] =	sbarrier.arrive $0xFFFF  }
0x831: {  	_ =	shalt  }

</sc_bundles>
